<compile_context>
chip_gen: v7x
topology: tpu7x:2x2x1
jax: 0.10.2.dev20260603
libtpu: 0.0.44.dev20260713+nightly
codegen_flags: <defaults>
</compile_context>

<pallas_src>
import functools
import jax
import jax.numpy as jnp
from jax import lax
from jax.experimental import pallas as pl
from jax.experimental.pallas import tpu as pltpu
from jax.experimental.pallas import tpu_sc as plsc

_CHUNK = 16
_NBUF = 4


def _sc_kernel(x, pos_table):
    B, S, D = x.shape
    NC, NS = 2, 16
    NW = NC * NS
    rows_per_w = S // NW
    n_chunks = rows_per_w // _CHUNK
    n_iters = n_chunks * B
    cd = _CHUNK * D
    n_vec = cd // 16
    x1 = x.reshape(B * S * D)
    t1 = pos_table.reshape(pos_table.shape[0] * D)
    mesh = plsc.VectorSubcoreMesh(
        core_axis_name="c", subcore_axis_name="s", num_cores=NC
    )

    @functools.partial(
        pl.kernel,
        mesh=mesh,
        out_type=jax.ShapeDtypeStruct((B * S * D,), jnp.float32),
        scratch_types=[
            pltpu.VMEM((_NBUF, cd), jnp.float32),
            pltpu.VMEM((cd,), jnp.float32),
            pltpu.SemaphoreType.DMA,
            pltpu.SemaphoreType.DMA,
            pltpu.SemaphoreType.DMA,
            pltpu.SemaphoreType.DMA,
            pltpu.SemaphoreType.DMA,
            pltpu.SemaphoreType.DMA,
            pltpu.SemaphoreType.DMA,
            pltpu.SemaphoreType.DMA,
        ],
    )
    def k(x_hbm, tbl_hbm, out_hbm, acc_v, tbl_v, *sems):
        sem_ld = sems[:_NBUF]
        sem_st = sems[_NBUF:]
        wid = lax.axis_index("s") * NC + lax.axis_index("c")
        base0 = wid * rows_per_w * D

        def x_off(i):
            c, b = divmod(i, B)
            return b * S * D + base0 + c * cd

        def t_off(c):
            return base0 + c * cd

        loads = [None] * _NBUF
        stores = [None] * _NBUF
        for j in range(_NBUF - 1):
            loads[j] = pltpu.async_copy(
                x_hbm.at[pl.ds(x_off(j), cd)], acc_v.at[j], sem_ld[j]
            )
        for i in range(n_iters):
            cur = i % _NBUF
            pre = (i + _NBUF - 1) % _NBUF
            if i + _NBUF - 1 < n_iters:
                if stores[pre] is not None:
                    stores[pre].wait()
                loads[pre] = pltpu.async_copy(
                    x_hbm.at[pl.ds(x_off(i + _NBUF - 1), cd)],
                    acc_v.at[pre],
                    sem_ld[pre],
                )
            c = i // B
            if i % B == 0:
                pltpu.sync_copy(tbl_hbm.at[pl.ds(t_off(c), cd)], tbl_v)
            loads[cur].wait()
            acc = acc_v.at[cur]

            @plsc.parallel_loop(0, n_vec, unroll=8)
            def body(j):
                sl = pl.ds(j * 16, 16)
                acc[sl] = acc[sl] + tbl_v[sl]

            stores[cur] = pltpu.async_copy(
                acc_v.at[cur], out_hbm.at[pl.ds(x_off(i), cd)], sem_st[cur]
            )
        for j in range(_NBUF):
            if stores[j] is not None:
                stores[j].wait()

    out1 = k(x1, t1)
    return out1.reshape(B, S, D)


def kernel(x, pos_table):
    return _sc_kernel(x, pos_table)

# --- scband reference (transcript-rebuilt; emitter-appended) ---
"""Pipeline reference for scband-learned-positional-encoding-65352222376764 (READ-ONLY COPY).

The authoritative reference and input builder live on the scoring server;
editing this copy changes nothing except your own understanding.
"""

import jax, jax.numpy as jnp
import numpy as np

D_MODEL = 1024
MAX_LEN = 4096
BATCH = 4
SEQ_LEN = 4096


def setup_inputs(seed: int = 0) -> dict:
    key = jax.random.key(seed)
    k_x, k_tab = jax.random.split(key)
    x = jax.random.normal(k_x, (BATCH, SEQ_LEN, D_MODEL), dtype=jnp.float32)
    pos_table = jax.random.normal(k_tab, (MAX_LEN, D_MODEL), dtype=jnp.float32) * 0.02
    return {"x": x, "pos_table": pos_table}


def reference(x, pos_table):
    seq_len = x.shape[1]
    positions = jnp.arange(seq_len)
    pos_emb = jnp.take(pos_table, positions, axis=0)
    # dropout p=0.0 (inference) -> identity
    return x + pos_emb[None, :, :]

if __name__ == "__main__":
    import jax
    _d = setup_inputs()
    print(jax.jit(kernel)(*tuple(_d.values())))

</pallas_src>

<mosaic_0001>
#map = affine_map<(d0, d1) -> (0)>
module attributes {stable_mosaic.version = 14 : i64} {
  func.func @k(%arg0: i32, %arg1: i32, %arg2: memref<16777216xf32, #tpu.memory_space<hbm>>, %arg3: memref<4194304xf32, #tpu.memory_space<hbm>>, %arg4: memref<16777216xf32, #tpu.memory_space<hbm>>, %arg5: memref<4x16384xf32, #tpu.memory_space<vmem>>, %arg6: memref<16384xf32, #tpu.memory_space<vmem>>, %arg7: memref<!tpu.dma_semaphore, #tpu.memory_space<semaphore_mem>>, %arg8: memref<!tpu.dma_semaphore, #tpu.memory_space<semaphore_mem>>, %arg9: memref<!tpu.dma_semaphore, #tpu.memory_space<semaphore_mem>>, %arg10: memref<!tpu.dma_semaphore, #tpu.memory_space<semaphore_mem>>, %arg11: memref<!tpu.dma_semaphore, #tpu.memory_space<semaphore_mem>>, %arg12: memref<!tpu.dma_semaphore, #tpu.memory_space<semaphore_mem>>, %arg13: memref<!tpu.dma_semaphore, #tpu.memory_space<semaphore_mem>>, %arg14: memref<!tpu.dma_semaphore, #tpu.memory_space<semaphore_mem>>) attributes {dimension_semantics = [#tpu.dimension_semantics<core_parallel>, #tpu.dimension_semantics<subcore_parallel>], iteration_bounds = array<i64: 2, 16>, scalar_prefetch = 0 : i64, scratch_operands = 10 : i64, tpu.core_type = #tpu.core_type<sc_vector_subcore>, window_params = [{transform_indices = #map}, {transform_indices = #map}, {transform_indices = #map}]} {
    %mul3A = arith.constant 2 : i32
    %mul3A_0 = arith.muli %arg1, %mul3A : i32
    %add3A = arith.addi %mul3A_0, %arg0 : i32
    %mul3A_1 = arith.constant 128 : i32
    %mul3A_2 = arith.muli %add3A, %mul3A_1 : i32
    %mul3A_3 = arith.constant 1024 : i32
    %mul3A_4 = arith.muli %mul3A_2, %mul3A_3 : i32
    %add3A_5 = arith.constant 0 : i32
    %add3A_6 = arith.addi %add3A_5, %mul3A_4 : i32
    %add3A_7 = arith.constant 0 : i32
    %add3A_8 = arith.addi %add3A_6, %add3A_7 : i32
    %dma_start3A = arith.constant 0 : i32
    %dma_start3A_9 = arith.constant 0 : i32
    %dma_start3A_10 = tpu.memref_slice %arg5[%dma_start3A, %dma_start3A_9] : memref<4x16384xf32, #tpu.memory_space<vmem>> -> memref<1x16384xf32, #tpu.memory_space<vmem>>
    %dma_start3A_11 = tpu.memref_squeeze %dma_start3A_10 : memref<1x16384xf32, #tpu.memory_space<vmem>> -> memref<16384xf32, #tpu.memory_space<vmem>>
    %dma_start3A_12 = tpu.memref_slice %arg2[%add3A_8] : memref<16777216xf32, #tpu.memory_space<hbm>> -> memref<16384xf32, #tpu.memory_space<hbm>>
    %dma_start3A_13 = arith.constant 0 : i32
    %dma_start3A_14 = tpu.memref_slice %arg5[%dma_start3A, %dma_start3A_13] : memref<4x16384xf32, #tpu.memory_space<vmem>> -> memref<1x16384xf32, #tpu.memory_space<vmem>>
    %dma_start3A_15 = tpu.memref_squeeze %dma_start3A_14 : memref<1x16384xf32, #tpu.memory_space<vmem>> -> memref<16384xf32, #tpu.memory_space<vmem>>
    %dma_start3A_16 = tpu.memref_slice %arg2[%add3A_8] : memref<16777216xf32, #tpu.memory_space<hbm>> -> memref<16384xf32, #tpu.memory_space<hbm>>
    tpu.enqueue_dma source(%dma_start3A_16 : memref<16384xf32, #tpu.memory_space<hbm>>) target(%dma_start3A_15 : memref<16384xf32, #tpu.memory_space<vmem>>) target_semaphore(%arg7 : memref<!tpu.dma_semaphore, #tpu.memory_space<semaphore_mem>>)
    %add3A_17 = arith.constant 4194304 : i32
    %add3A_18 = arith.addi %add3A_17, %mul3A_4 : i32
    %add3A_19 = arith.constant 0 : i32
    %add3A_20 = arith.addi %add3A_18, %add3A_19 : i32
    %dma_start3A_21 = arith.constant 1 : i32
    %dma_start3A_22 = arith.constant 0 : i32
    %dma_start3A_23 = tpu.memref_slice %arg5[%dma_start3A_21, %dma_start3A_22] : memref<4x16384xf32, #tpu.memory_space<vmem>> -> memref<1x16384xf32, #tpu.memory_space<vmem>>
    %dma_start3A_24 = tpu.memref_squeeze %dma_start3A_23 : memref<1x16384xf32, #tpu.memory_space<vmem>> -> memref<16384xf32, #tpu.memory_space<vmem>>
    %dma_start3A_25 = tpu.memref_slice %arg2[%add3A_20] : memref<16777216xf32, #tpu.memory_space<hbm>> -> memref<16384xf32, #tpu.memory_space<hbm>>
    %dma_start3A_26 = arith.constant 0 : i32
    %dma_start3A_27 = tpu.memref_slice %arg5[%dma_start3A_21, %dma_start3A_26] : memref<4x16384xf32, #tpu.memory_space<vmem>> -> memref<1x16384xf32, #tpu.memory_space<vmem>>
    %dma_start3A_28 = tpu.memref_squeeze %dma_start3A_27 : memref<1x16384xf32, #tpu.memory_space<vmem>> -> memref<16384xf32, #tpu.memory_space<vmem>>
    %dma_start3A_29 = tpu.memref_slice %arg2[%add3A_20] : memref<16777216xf32, #tpu.memory_space<hbm>> -> memref<16384xf32, #tpu.memory_space<hbm>>
    tpu.enqueue_dma source(%dma_start3A_29 : memref<16384xf32, #tpu.memory_space<hbm>>) target(%dma_start3A_28 : memref<16384xf32, #tpu.memory_space<vmem>>) target_semaphore(%arg8 : memref<!tpu.dma_semaphore, #tpu.memory_space<semaphore_mem>>)
    %add3A_30 = arith.constant 8388608 : i32
    %add3A_31 = arith.addi %add3A_30, %mul3A_4 : i32
    %add3A_32 = arith.constant 0 : i32
    %add3A_33 = arith.addi %add3A_31, %add3A_32 : i32
    %dma_start3A_34 = arith.constant 2 : i32
    %dma_start3A_35 = arith.constant 0 : i32
    %dma_start3A_36 = tpu.memref_slice %arg5[%dma_start3A_34, %dma_start3A_35] : memref<4x16384xf32, #tpu.memory_space<vmem>> -> memref<1x16384xf32, #tpu.memory_space<vmem>>
    %dma_start3A_37 = tpu.memref_squeeze %dma_start3A_36 : memref<1x16384xf32, #tpu.memory_space<vmem>> -> memref<16384xf32, #tpu.memory_space<vmem>>
    %dma_start3A_38 = tpu.memref_slice %arg2[%add3A_33] : memref<16777216xf32, #tpu.memory_space<hbm>> -> memref<16384xf32, #tpu.memory_space<hbm>>
    %dma_start3A_39 = arith.constant 0 : i32
    %dma_start3A_40 = tpu.memref_slice %arg5[%dma_start3A_34, %dma_start3A_39] : memref<4x16384xf32, #tpu.memory_space<vmem>> -> memref<1x16384xf32, #tpu.memory_space<vmem>>
    %dma_start3A_41 = tpu.memref_squeeze %dma_start3A_40 : memref<1x16384xf32, #tpu.memory_space<vmem>> -> memref<16384xf32, #tpu.memory_space<vmem>>
    %dma_start3A_42 = tpu.memref_slice %arg2[%add3A_33] : memref<16777216xf32, #tpu.memory_space<hbm>> -> memref<16384xf32, #tpu.memory_space<hbm>>
    tpu.enqueue_dma source(%dma_start3A_42 : memref<16384xf32, #tpu.memory_space<hbm>>) target(%dma_start3A_41 : memref<16384xf32, #tpu.memory_space<vmem>>) target_semaphore(%arg9 : memref<!tpu.dma_semaphore, #tpu.memory_space<semaphore_mem>>)
    %add3A_43 = arith.constant 12582912 : i32
    %add3A_44 = arith.addi %add3A_43, %mul3A_4 : i32
    %add3A_45 = arith.constant 0 : i32
    %add3A_46 = arith.addi %add3A_44, %add3A_45 : i32
    %dma_start3A_47 = arith.constant 3 : i32
    %dma_start3A_48 = arith.constant 0 : i32
    %dma_start3A_49 = tpu.memref_slice %arg5[%dma_start3A_47, %dma_start3A_48] : memref<4x16384xf32, #tpu.memory_space<vmem>> -> memref<1x16384xf32, #tpu.memory_space<vmem>>
    %dma_start3A_50 = tpu.memref_squeeze %dma_start3A_49 : memref<1x16384xf32, #tpu.memory_space<vmem>> -> memref<16384xf32, #tpu.memory_space<vmem>>
    %dma_start3A_51 = tpu.memref_slice %arg2[%add3A_46] : memref<16777216xf32, #tpu.memory_space<hbm>> -> memref<16384xf32, #tpu.memory_space<hbm>>
    %dma_start3A_52 = arith.constant 0 : i32
    %dma_start3A_53 = tpu.memref_slice %arg5[%dma_start3A_47, %dma_start3A_52] : memref<4x16384xf32, #tpu.memory_space<vmem>> -> memref<1x16384xf32, #tpu.memory_space<vmem>>
    %dma_start3A_54 = tpu.memref_squeeze %dma_start3A_53 : memref<1x16384xf32, #tpu.memory_space<vmem>> -> memref<16384xf32, #tpu.memory_space<vmem>>
    %dma_start3A_55 = tpu.memref_slice %arg2[%add3A_46] : memref<16777216xf32, #tpu.memory_space<hbm>> -> memref<16384xf32, #tpu.memory_space<hbm>>
    tpu.enqueue_dma source(%dma_start3A_55 : memref<16384xf32, #tpu.memory_space<hbm>>) target(%dma_start3A_54 : memref<16384xf32, #tpu.memory_space<vmem>>) target_semaphore(%arg10 : memref<!tpu.dma_semaphore, #tpu.memory_space<semaphore_mem>>)
    %add3A_56 = arith.constant 0 : i32
    %add3A_57 = arith.addi %mul3A_4, %add3A_56 : i32
    "tpu.region"() ({
      %run_scoped3A = tpu.sem_alloc : memref<!tpu.dma_semaphore, #tpu.memory_space<semaphore_mem>>
      %dma_start3A_1554 = tpu.memref_slice %arg3[%add3A_57] : memref<4194304xf32, #tpu.memory_space<hbm>> -> memref<16384xf32, #tpu.memory_space<hbm>>
      %dma_start3A_1555 = tpu.memref_slice %arg3[%add3A_57] : memref<4194304xf32, #tpu.memory_space<hbm>> -> memref<16384xf32, #tpu.memory_space<hbm>>
      tpu.enqueue_dma source(%dma_start3A_1555 : memref<16384xf32, #tpu.memory_space<hbm>>) target(%arg6 : memref<16384xf32, #tpu.memory_space<vmem>>) target_semaphore(%run_scoped3A : memref<!tpu.dma_semaphore, #tpu.memory_space<semaphore_mem>>)
      %dma_wait3A_1556 = tpu.memref_slice %arg3[%add3A_57] : memref<4194304xf32, #tpu.memory_space<hbm>> -> memref<16384xf32, #tpu.memory_space<hbm>>
      %dma_wait3A_1557 = tpu.memref_slice %arg3[%add3A_57] : memref<4194304xf32, #tpu.memory_space<hbm>> -> memref<16384xf32, #tpu.memory_space<hbm>>
      tpu.wait_dma2 semaphore(%run_scoped3A : memref<!tpu.dma_semaphore, #tpu.memory_space<semaphore_mem>>) src(%dma_wait3A_1557 : memref<16384xf32, #tpu.memory_space<hbm>>) dst(%arg6 : memref<16384xf32, #tpu.memory_space<vmem>>)
      tpu.yield
    }) : () -> ()
    %dma_wait3A = arith.constant 0 : i32
    %dma_wait3A_58 = arith.constant 0 : i32
    %dma_wait3A_59 = tpu.memref_slice %arg5[%dma_wait3A, %dma_wait3A_58] : memref<4x16384xf32, #tpu.memory_space<vmem>> -> memref<1x16384xf32, #tpu.memory_space<vmem>>
    %dma_wait3A_60 = tpu.memref_squeeze %dma_wait3A_59 : memref<1x16384xf32, #tpu.memory_space<vmem>> -> memref<16384xf32, #tpu.memory_space<vmem>>
    %dma_wait3A_61 = tpu.memref_slice %arg2[%add3A_8] : memref<16777216xf32, #tpu.memory_space<hbm>> -> memref<16384xf32, #tpu.memory_space<hbm>>
    %dma_wait3A_62 = arith.constant 0 : i32
    %dma_wait3A_63 = tpu.memref_slice %arg5[%dma_wait3A, %dma_wait3A_62] : memref<4x16384xf32, #tpu.memory_space<vmem>> -> memref<1x16384xf32, #tpu.memory_space<vmem>>
    %dma_wait3A_64 = tpu.memref_squeeze %dma_wait3A_63 : memref<1x16384xf32, #tpu.memory_space<vmem>> -> memref<16384xf32, #tpu.memory_space<vmem>>
    %dma_wait3A_65 = tpu.memref_slice %arg2[%add3A_8] : memref<16777216xf32, #tpu.memory_space<hbm>> -> memref<16384xf32, #tpu.memory_space<hbm>>
    tpu.wait_dma2 semaphore(%arg7 : memref<!tpu.dma_semaphore, #tpu.memory_space<semaphore_mem>>) src(%dma_wait3A_65 : memref<16384xf32, #tpu.memory_space<hbm>>) dst(%dma_wait3A_64 : memref<16384xf32, #tpu.memory_space<vmem>>)
    %parallel_loop3A = arith.constant 0 : i32
    %parallel_loop3A_66 = arith.constant 1024 : i32
    %parallel_loop3A_67 = arith.constant 1 : i32
    %parallel_loop3A_68 = arith.constant 0 : i32
    scf.for %parallel_loop3A_1554 = %parallel_loop3A to %parallel_loop3A_66 step %parallel_loop3A_67  : i32 {
      %parallel_loop3A_1555 = arith.constant 16 : i32
      %parallel_loop3A_1556 = arith.muli %parallel_loop3A_1554, %parallel_loop3A_1555 : i32
      %parallel_loop3A_1557 = arith.constant 0 : i32
      %parallel_loop3A_1558 = tpu.memref_slice %arg5[%parallel_loop3A_68, %parallel_loop3A_1557] : memref<4x16384xf32, #tpu.memory_space<vmem>> -> memref<1x16384xf32, #tpu.memory_space<vmem>>
      %parallel_loop3A_1559 = tpu.memref_squeeze %parallel_loop3A_1558 : memref<1x16384xf32, #tpu.memory_space<vmem>> -> memref<16384xf32, #tpu.memory_space<vmem>>
      %parallel_loop3A_1560 = arith.index_cast %parallel_loop3A_1556 : i32 to index
      %parallel_loop3A_1561 = tpu.vector_load %parallel_loop3A_1559[%parallel_loop3A_1560] {strides = array<i32>} : memref<16384xf32, #tpu.memory_space<vmem>>, vector<16xf32>,
      %parallel_loop3A_1562 = vector.shape_cast %parallel_loop3A_1561 : vector<16xf32> to vector<16xf32>
      %parallel_loop3A_1563 = arith.index_cast %parallel_loop3A_1556 : i32 to index
      %parallel_loop3A_1564 = tpu.vector_load %arg6[%parallel_loop3A_1563] {strides = array<i32>} : memref<16384xf32, #tpu.memory_space<vmem>>, vector<16xf32>,
      %parallel_loop3A_1565 = vector.shape_cast %parallel_loop3A_1564 : vector<16xf32> to vector<16xf32>
      %parallel_loop3A_1566 = arith.addf %parallel_loop3A_1562, %parallel_loop3A_1565 : vector<16xf32>
      %parallel_loop3A_1567 = arith.constant 0 : i32
      %parallel_loop3A_1568 = tpu.memref_slice %arg5[%parallel_loop3A_68, %parallel_loop3A_1567] : memref<4x16384xf32, #tpu.memory_space<vmem>> -> memref<1x16384xf32, #tpu.memory_space<vmem>>
      %parallel_loop3A_1569 = tpu.memref_squeeze %parallel_loop3A_1568 : memref<1x16384xf32, #tpu.memory_space<vmem>> -> memref<16384xf32, #tpu.memory_space<vmem>>
      %parallel_loop3A_1570 = arith.index_cast %parallel_loop3A_1556 : i32 to index
      %parallel_loop3A_1571 = tpu.vector_load %parallel_loop3A_1569[%parallel_loop3A_1570] {strides = array<i32>} : memref<16384xf32, #tpu.memory_space<vmem>>, vector<16xf32>,
      %parallel_loop3A_1572 = vector.shape_cast %parallel_loop3A_1571 : vector<16xf32> to vector<16xf32>
      %parallel_loop3A_1573 = vector.shape_cast %parallel_loop3A_1566 : vector<16xf32> to vector<16xf32>
      tpu.vector_store %parallel_loop3A_1569[%parallel_loop3A_1570], %parallel_loop3A_1573 {strides = array<i32>} : memref<16384xf32, #tpu.memory_space<vmem>>, vector<16xf32>,
    } {sc.loop_unroll_factor = 8 : i64, sc.parallel_access}
    %add3A_69 = arith.constant 0 : i32
    %add3A_70 = arith.addi %add3A_69, %mul3A_4 : i32
    %add3A_71 = arith.constant 0 : i32
    %add3A_72 = arith.addi %add3A_70, %add3A_71 : i32
    %dma_start3A_73 = arith.constant 0 : i32
    %dma_start3A_74 = arith.constant 0 : i32
    %dma_start3A_75 = tpu.memref_slice %arg5[%dma_start3A_73, %dma_start3A_74] : memref<4x16384xf32, #tpu.memory_space<vmem>> -> memref<1x16384xf32, #tpu.memory_space<vmem>>
    %dma_start3A_76 = tpu.memref_squeeze %dma_start3A_75 : memref<1x16384xf32, #tpu.memory_space<vmem>> -> memref<16384xf32, #tpu.memory_space<vmem>>
    %dma_start3A_77 = tpu.memref_slice %arg4[%add3A_72] : memref<16777216xf32, #tpu.memory_space<hbm>> -> memref<16384xf32, #tpu.memory_space<hbm>>
    %dma_start3A_78 = tpu.memref_slice %arg4[%add3A_72] : memref<16777216xf32, #tpu.memory_space<hbm>> -> memref<16384xf32, #tpu.memory_space<hbm>>
    %dma_start3A_79 = arith.constant 0 : i32
    %dma_start3A_80 = tpu.memref_slice %arg5[%dma_start3A_73, %dma_start3A_79] : memref<4x16384xf32, #tpu.memory_space<vmem>> -> memref<1x16384xf32, #tpu.memory_space<vmem>>
    %dma_start3A_81 = tpu.memref_squeeze %dma_start3A_80 : memref<1x16384xf32, #tpu.memory_space<vmem>> -> memref<16384xf32, #tpu.memory_space<vmem>>
    tpu.enqueue_dma source(%dma_start3A_81 : memref<16384xf32, #tpu.memory_space<vmem>>) target(%dma_start3A_78 : memref<16384xf32, #tpu.memory_space<hbm>>) target_semaphore(%arg11 : memref<!tpu.dma_semaphore, #tpu.memory_space<semaphore_mem>>)
    %dma_wait3A_82 = arith.constant 0 : i32
    %dma_wait3A_83 = arith.constant 0 : i32
    %dma_wait3A_84 = tpu.memref_slice %arg5[%dma_wait3A_82, %dma_wait3A_83] : memref<4x16384xf32, #tpu.memory_space<vmem>> -> memref<1x16384xf32, #tpu.memory_space<vmem>>
    %dma_wait3A_85 = tpu.memref_squeeze %dma_wait3A_84 : memref<1x16384xf32, #tpu.memory_space<vmem>> -> memref<16384xf32, #tpu.memory_space<vmem>>
    %dma_wait3A_86 = tpu.memref_slice %arg4[%add3A_72] : memref<16777216xf32, #tpu.memory_space<hbm>> -> memref<16384xf32, #tpu.memory_space<hbm>>
    %dma_wait3A_87 = tpu.memref_slice %arg4[%add3A_72] : memref<16777216xf32, #tpu.memory_space<hbm>> -> memref<16384xf32, #tpu.memory_space<hbm>>
    %dma_wait3A_88 = arith.constant 0 : i32
    %dma_wait3A_89 = tpu.memref_slice %arg5[%dma_wait3A_82, %dma_wait3A_88] : memref<4x16384xf32, #tpu.memory_space<vmem>> -> memref<1x16384xf32, #tpu.memory_space<vmem>>
    %dma_wait3A_90 = tpu.memref_squeeze %dma_wait3A_89 : memref<1x16384xf32, #tpu.memory_space<vmem>> -> memref<16384xf32, #tpu.memory_space<vmem>>
    tpu.wait_dma2 semaphore(%arg11 : memref<!tpu.dma_semaphore, #tpu.memory_space<semaphore_mem>>) src(%dma_wait3A_90 : memref<16384xf32, #tpu.memory_space<vmem>>) dst(%dma_wait3A_87 : memref<16384xf32, #tpu.memory_space<hbm>>)
    %add3A_91 = arith.constant 0 : i32
    %add3A_92 = arith.addi %add3A_91, %mul3A_4 : i32
    %add3A_93 = arith.constant 16384 : i32
    %add3A_94 = arith.addi %add3A_92, %add3A_93 : i32
    %dma_start3A_95 = arith.constant 0 : i32
    %dma_start3A_96 = arith.constant 0 : i32
    %dma_start3A_97 = tpu.memref_slice %arg5[%dma_start3A_95, %dma_start3A_96] : memref<4x16384xf32, #tpu.memory_space<vmem>> -> memref<1x16384xf32, #tpu.memory_space<vmem>>
    %dma_start3A_98 = tpu.memref_squeeze %dma_start3A_97 : memref<1x16384xf32, #tpu.memory_space<vmem>> -> memref<16384xf32, #tpu.memory_space<vmem>>
    %dma_start3A_99 = tpu.memref_slice %arg2[%add3A_94] : memref<16777216xf32, #tpu.memory_space<hbm>> -> memref<16384xf32, #tpu.memory_space<hbm>>
    %dma_start3A_100 = arith.constant 0 : i32
    %dma_start3A_101 = tpu.memref_slice %arg5[%dma_start3A_95, %dma_start3A_100] : memref<4x16384xf32, #tpu.memory_space<vmem>> -> memref<1x16384xf32, #tpu.memory_space<vmem>>
    %dma_start3A_102 = tpu.memref_squeeze %dma_start3A_101 : memref<1x16384xf32, #tpu.memory_space<vmem>> -> memref<16384xf32, #tpu.memory_space<vmem>>
    %dma_start3A_103 = tpu.memref_slice %arg2[%add3A_94] : memref<16777216xf32, #tpu.memory_space<hbm>> -> memref<16384xf32, #tpu.memory_space<hbm>>
    tpu.enqueue_dma source(%dma_start3A_103 : memref<16384xf32, #tpu.memory_space<hbm>>) target(%dma_start3A_102 : memref<16384xf32, #tpu.memory_space<vmem>>) target_semaphore(%arg7 : memref<!tpu.dma_semaphore, #tpu.memory_space<semaphore_mem>>)
    %dma_wait3A_104 = arith.constant 1 : i32
    %dma_wait3A_105 = arith.constant 0 : i32
    %dma_wait3A_106 = tpu.memref_slice %arg5[%dma_wait3A_104, %dma_wait3A_105] : memref<4x16384xf32, #tpu.memory_space<vmem>> -> memref<1x16384xf32, #tpu.memory_space<vmem>>
    %dma_wait3A_107 = tpu.memref_squeeze %dma_wait3A_106 : memref<1x16384xf32, #tpu.memory_space<vmem>> -> memref<16384xf32, #tpu.memory_space<vmem>>
    %dma_wait3A_108 = tpu.memref_slice %arg2[%add3A_20] : memref<16777216xf32, #tpu.memory_space<hbm>> -> memref<16384xf32, #tpu.memory_space<hbm>>
    %dma_wait3A_109 = arith.constant 0 : i32
    %dma_wait3A_110 = tpu.memref_slice %arg5[%dma_wait3A_104, %dma_wait3A_109] : memref<4x16384xf32, #tpu.memory_space<vmem>> -> memref<1x16384xf32, #tpu.memory_space<vmem>>
    %dma_wait3A_111 = tpu.memref_squeeze %dma_wait3A_110 : memref<1x16384xf32, #tpu.memory_space<vmem>> -> memref<16384xf32, #tpu.memory_space<vmem>>
    %dma_wait3A_112 = tpu.memref_slice %arg2[%add3A_20] : memref<16777216xf32, #tpu.memory_space<hbm>> -> memref<16384xf32, #tpu.memory_space<hbm>>
    tpu.wait_dma2 semaphore(%arg8 : memref<!tpu.dma_semaphore, #tpu.memory_space<semaphore_mem>>) src(%dma_wait3A_112 : memref<16384xf32, #tpu.memory_space<hbm>>) dst(%dma_wait3A_111 : memref<16384xf32, #tpu.memory_space<vmem>>)
    %parallel_loop3A_113 = arith.constant 0 : i32
    %parallel_loop3A_114 = arith.constant 1024 : i32
    %parallel_loop3A_115 = arith.constant 1 : i32
    %parallel_loop3A_116 = arith.constant 1 : i32
    scf.for %parallel_loop3A_1554 = %parallel_loop3A_113 to %parallel_loop3A_114 step %parallel_loop3A_115  : i32 {
      %parallel_loop3A_1555 = arith.constant 16 : i32
      %parallel_loop3A_1556 = arith.muli %parallel_loop3A_1554, %parallel_loop3A_1555 : i32
      %parallel_loop3A_1557 = arith.constant 0 : i32
      %parallel_loop3A_1558 = tpu.memref_slice %arg5[%parallel_loop3A_116, %parallel_loop3A_1557] : memref<4x16384xf32, #tpu.memory_space<vmem>> -> memref<1x16384xf32, #tpu.memory_space<vmem>>
      %parallel_loop3A_1559 = tpu.memref_squeeze %parallel_loop3A_1558 : memref<1x16384xf32, #tpu.memory_space<vmem>> -> memref<16384xf32, #tpu.memory_space<vmem>>
      %parallel_loop3A_1560 = arith.index_cast %parallel_loop3A_1556 : i32 to index
      %parallel_loop3A_1561 = tpu.vector_load %parallel_loop3A_1559[%parallel_loop3A_1560] {strides = array<i32>} : memref<16384xf32, #tpu.memory_space<vmem>>, vector<16xf32>,
      %parallel_loop3A_1562 = vector.shape_cast %parallel_loop3A_1561 : vector<16xf32> to vector<16xf32>
      %parallel_loop3A_1563 = arith.index_cast %parallel_loop3A_1556 : i32 to index
      %parallel_loop3A_1564 = tpu.vector_load %arg6[%parallel_loop3A_1563] {strides = array<i32>} : memref<16384xf32, #tpu.memory_space<vmem>>, vector<16xf32>,
      %parallel_loop3A_1565 = vector.shape_cast %parallel_loop3A_1564 : vector<16xf32> to vector<16xf32>
      %parallel_loop3A_1566 = arith.addf %parallel_loop3A_1562, %parallel_loop3A_1565 : vector<16xf32>
      %parallel_loop3A_1567 = arith.constant 0 : i32
      %parallel_loop3A_1568 = tpu.memref_slice %arg5[%parallel_loop3A_116, %parallel_loop3A_1567] : memref<4x16384xf32, #tpu.memory_space<vmem>> -> memref<1x16384xf32, #tpu.memory_space<vmem>>
      %parallel_loop3A_1569 = tpu.memref_squeeze %parallel_loop3A_1568 : memref<1x16384xf32, #tpu.memory_space<vmem>> -> memref<16384xf32, #tpu.memory_space<vmem>>
      %parallel_loop3A_1570 = arith.index_cast %parallel_loop3A_1556 : i32 to index
      %parallel_loop3A_1571 = tpu.vector_load %parallel_loop3A_1569[%parallel_loop3A_1570] {strides = array<i32>} : memref<16384xf32, #tpu.memory_space<vmem>>, vector<16xf32>,
      %parallel_loop3A_1572 = vector.shape_cast %parallel_loop3A_1571 : vector<16xf32> to vector<16xf32>
      %parallel_loop3A_1573 = vector.shape_cast %parallel_loop3A_1566 : vector<16xf32> to vector<16xf32>
      tpu.vector_store %parallel_loop3A_1569[%parallel_loop3A_1570], %parallel_loop3A_1573 {strides = array<i32>} : memref<16384xf32, #tpu.memory_space<vmem>>, vector<16xf32>,
    } {sc.loop_unroll_factor = 8 : i64, sc.parallel_access}
    %add3A_117 = arith.constant 4194304 : i32
    %add3A_118 = arith.addi %add3A_117, %mul3A_4 : i32
    %add3A_119 = arith.constant 0 : i32
    %add3A_120 = arith.addi %add3A_118, %add3A_119 : i32
    %dma_start3A_121 = arith.constant 1 : i32
    %dma_start3A_122 = arith.constant 0 : i32
    %dma_start3A_123 = tpu.memref_slice %arg5[%dma_start3A_121, %dma_start3A_122] : memref<4x16384xf32, #tpu.memory_space<vmem>> -> memref<1x16384xf32, #tpu.memory_space<vmem>>
    %dma_start3A_124 = tpu.memref_squeeze %dma_start3A_123 : memref<1x16384xf32, #tpu.memory_space<vmem>> -> memref<16384xf32, #tpu.memory_space<vmem>>
    %dma_start3A_125 = tpu.memref_slice %arg4[%add3A_120] : memref<16777216xf32, #tpu.memory_space<hbm>> -> memref<16384xf32, #tpu.memory_space<hbm>>
    %dma_start3A_126 = tpu.memref_slice %arg4[%add3A_120] : memref<16777216xf32, #tpu.memory_space<hbm>> -> memref<16384xf32, #tpu.memory_space<hbm>>
    %dma_start3A_127 = arith.constant 0 : i32
    %dma_start3A_128 = tpu.memref_slice %arg5[%dma_start3A_121, %dma_start3A_127] : memref<4x16384xf32, #tpu.memory_space<vmem>> -> memref<1x16384xf32, #tpu.memory_space<vmem>>
    %dma_start3A_129 = tpu.memref_squeeze %dma_start3A_128 : memref<1x16384xf32, #tpu.memory_space<vmem>> -> memref<16384xf32, #tpu.memory_space<vmem>>
    tpu.enqueue_dma source(%dma_start3A_129 : memref<16384xf32, #tpu.memory_space<vmem>>) target(%dma_start3A_126 : memref<16384xf32, #tpu.memory_space<hbm>>) target_semaphore(%arg12 : memref<!tpu.dma_semaphore, #tpu.memory_space<semaphore_mem>>)
    %dma_wait3A_130 = arith.constant 1 : i32
    %dma_wait3A_131 = arith.constant 0 : i32
    %dma_wait3A_132 = tpu.memref_slice %arg5[%dma_wait3A_130, %dma_wait3A_131] : memref<4x16384xf32, #tpu.memory_space<vmem>> -> memref<1x16384xf32, #tpu.memory_space<vmem>>
    %dma_wait3A_133 = tpu.memref_squeeze %dma_wait3A_132 : memref<1x16384xf32, #tpu.memory_space<vmem>> -> memref<16384xf32, #tpu.memory_space<vmem>>
    %dma_wait3A_134 = tpu.memref_slice %arg4[%add3A_120] : memref<16777216xf32, #tpu.memory_space<hbm>> -> memref<16384xf32, #tpu.memory_space<hbm>>
    %dma_wait3A_135 = tpu.memref_slice %arg4[%add3A_120] : memref<16777216xf32, #tpu.memory_space<hbm>> -> memref<16384xf32, #tpu.memory_space<hbm>>
    %dma_wait3A_136 = arith.constant 0 : i32
    %dma_wait3A_137 = tpu.memref_slice %arg5[%dma_wait3A_130, %dma_wait3A_136] : memref<4x16384xf32, #tpu.memory_space<vmem>> -> memref<1x16384xf32, #tpu.memory_space<vmem>>
    %dma_wait3A_138 = tpu.memref_squeeze %dma_wait3A_137 : memref<1x16384xf32, #tpu.memory_space<vmem>> -> memref<16384xf32, #tpu.memory_space<vmem>>
    tpu.wait_dma2 semaphore(%arg12 : memref<!tpu.dma_semaphore, #tpu.memory_space<semaphore_mem>>) src(%dma_wait3A_138 : memref<16384xf32, #tpu.memory_space<vmem>>) dst(%dma_wait3A_135 : memref<16384xf32, #tpu.memory_space<hbm>>)
    %add3A_139 = arith.constant 4194304 : i32
    %add3A_140 = arith.addi %add3A_139, %mul3A_4 : i32
    %add3A_141 = arith.constant 16384 : i32
    %add3A_142 = arith.addi %add3A_140, %add3A_141 : i32
    %dma_start3A_143 = arith.constant 1 : i32
    %dma_start3A_144 = arith.constant 0 : i32
    %dma_start3A_145 = tpu.memref_slice %arg5[%dma_start3A_143, %dma_start3A_144] : memref<4x16384xf32, #tpu.memory_space<vmem>> -> memref<1x16384xf32, #tpu.memory_space<vmem>>
    %dma_start3A_146 = tpu.memref_squeeze %dma_start3A_145 : memref<1x16384xf32, #tpu.memory_space<vmem>> -> memref<16384xf32, #tpu.memory_space<vmem>>
    %dma_start3A_147 = tpu.memref_slice %arg2[%add3A_142] : memref<16777216xf32, #tpu.memory_space<hbm>> -> memref<16384xf32, #tpu.memory_space<hbm>>
    %dma_start3A_148 = arith.constant 0 : i32
    %dma_start3A_149 = tpu.memref_slice %arg5[%dma_start3A_143, %dma_start3A_148] : memref<4x16384xf32, #tpu.memory_space<vmem>> -> memref<1x16384xf32, #tpu.memory_space<vmem>>
    %dma_start3A_150 = tpu.memref_squeeze %dma_start3A_149 : memref<1x16384xf32, #tpu.memory_space<vmem>> -> memref<16384xf32, #tpu.memory_space<vmem>>
    %dma_start3A_151 = tpu.memref_slice %arg2[%add3A_142] : memref<16777216xf32, #tpu.memory_space<hbm>> -> memref<16384xf32, #tpu.memory_space<hbm>>
    tpu.enqueue_dma source(%dma_start3A_151 : memref<16384xf32, #tpu.memory_space<hbm>>) target(%dma_start3A_150 : memref<16384xf32, #tpu.memory_space<vmem>>) target_semaphore(%arg8 : memref<!tpu.dma_semaphore, #tpu.memory_space<semaphore_mem>>)
    %dma_wait3A_152 = arith.constant 2 : i32
    %dma_wait3A_153 = arith.constant 0 : i32
    %dma_wait3A_154 = tpu.memref_slice %arg5[%dma_wait3A_152, %dma_wait3A_153] : memref<4x16384xf32, #tpu.memory_space<vmem>> -> memref<1x16384xf32, #tpu.memory_space<vmem>>
    %dma_wait3A_155 = tpu.memref_squeeze %dma_wait3A_154 : memref<1x16384xf32, #tpu.memory_space<vmem>> -> memref<16384xf32, #tpu.memory_space<vmem>>
    %dma_wait3A_156 = tpu.memref_slice %arg2[%add3A_33] : memref<16777216xf32, #tpu.memory_space<hbm>> -> memref<16384xf32, #tpu.memory_space<hbm>>
    %dma_wait3A_157 = arith.constant 0 : i32
    %dma_wait3A_158 = tpu.memref_slice %arg5[%dma_wait3A_152, %dma_wait3A_157] : memref<4x16384xf32, #tpu.memory_space<vmem>> -> memref<1x16384xf32, #tpu.memory_space<vmem>>
    %dma_wait3A_159 = tpu.memref_squeeze %dma_wait3A_158 : memref<1x16384xf32, #tpu.memory_space<vmem>> -> memref<16384xf32, #tpu.memory_space<vmem>>
    %dma_wait3A_160 = tpu.memref_slice %arg2[%add3A_33] : memref<16777216xf32, #tpu.memory_space<hbm>> -> memref<16384xf32, #tpu.memory_space<hbm>>
    tpu.wait_dma2 semaphore(%arg9 : memref<!tpu.dma_semaphore, #tpu.memory_space<semaphore_mem>>) src(%dma_wait3A_160 : memref<16384xf32, #tpu.memory_space<hbm>>) dst(%dma_wait3A_159 : memref<16384xf32, #tpu.memory_space<vmem>>)
    %parallel_loop3A_161 = arith.constant 0 : i32
    %parallel_loop3A_162 = arith.constant 1024 : i32
    %parallel_loop3A_163 = arith.constant 1 : i32
    %parallel_loop3A_164 = arith.constant 2 : i32
    scf.for %parallel_loop3A_1554 = %parallel_loop3A_161 to %parallel_loop3A_162 step %parallel_loop3A_163  : i32 {
      %parallel_loop3A_1555 = arith.constant 16 : i32
      %parallel_loop3A_1556 = arith.muli %parallel_loop3A_1554, %parallel_loop3A_1555 : i32
      %parallel_loop3A_1557 = arith.constant 0 : i32
      %parallel_loop3A_1558 = tpu.memref_slice %arg5[%parallel_loop3A_164, %parallel_loop3A_1557] : memref<4x16384xf32, #tpu.memory_space<vmem>> -> memref<1x16384xf32, #tpu.memory_space<vmem>>
      %parallel_loop3A_1559 = tpu.memref_squeeze %parallel_loop3A_1558 : memref<1x16384xf32, #tpu.memory_space<vmem>> -> memref<16384xf32, #tpu.memory_space<vmem>>
      %parallel_loop3A_1560 = arith.index_cast %parallel_loop3A_1556 : i32 to index
      %parallel_loop3A_1561 = tpu.vector_load %parallel_loop3A_1559[%parallel_loop3A_1560] {strides = array<i32>} : memref<16384xf32, #tpu.memory_space<vmem>>, vector<16xf32>,
      %parallel_loop3A_1562 = vector.shape_cast %parallel_loop3A_1561 : vector<16xf32> to vector<16xf32>
      %parallel_loop3A_1563 = arith.index_cast %parallel_loop3A_1556 : i32 to index
      %parallel_loop3A_1564 = tpu.vector_load %arg6[%parallel_loop3A_1563] {strides = array<i32>} : memref<16384xf32, #tpu.memory_space<vmem>>, vector<16xf32>,
      %parallel_loop3A_1565 = vector.shape_cast %parallel_loop3A_1564 : vector<16xf32> to vector<16xf32>
      %parallel_loop3A_1566 = arith.addf %parallel_loop3A_1562, %parallel_loop3A_1565 : vector<16xf32>
      %parallel_loop3A_1567 = arith.constant 0 : i32
      %parallel_loop3A_1568 = tpu.memref_slice %arg5[%parallel_loop3A_164, %parallel_loop3A_1567] : memref<4x16384xf32, #tpu.memory_space<vmem>> -> memref<1x16384xf32, #tpu.memory_space<vmem>>
      %parallel_loop3A_1569 = tpu.memref_squeeze %parallel_loop3A_1568 : memref<1x16384xf32, #tpu.memory_space<vmem>> -> memref<16384xf32, #tpu.memory_space<vmem>>
      %parallel_loop3A_1570 = arith.index_cast %parallel_loop3A_1556 : i32 to index
      %parallel_loop3A_1571 = tpu.vector_load %parallel_loop3A_1569[%parallel_loop3A_1570] {strides = array<i32>} : memref<16384xf32, #tpu.memory_space<vmem>>, vector<16xf32>,
      %parallel_loop3A_1572 = vector.shape_cast %parallel_loop3A_1571 : vector<16xf32> to vector<16xf32>
      %parallel_loop3A_1573 = vector.shape_cast %parallel_loop3A_1566 : vector<16xf32> to vector<16xf32>
      tpu.vector_store %parallel_loop3A_1569[%parallel_loop3A_1570], %parallel_loop3A_1573 {strides = array<i32>} : memref<16384xf32, #tpu.memory_space<vmem>>, vector<16xf32>,
    } {sc.loop_unroll_factor = 8 : i64, sc.parallel_access}
    %add3A_165 = arith.constant 8388608 : i32
    %add3A_166 = arith.addi %add3A_165, %mul3A_4 : i32
    %add3A_167 = arith.constant 0 : i32
    %add3A_168 = arith.addi %add3A_166, %add3A_167 : i32
    %dma_start3A_169 = arith.constant 2 : i32
    %dma_start3A_170 = arith.constant 0 : i32
    %dma_start3A_171 = tpu.memref_slice %arg5[%dma_start3A_169, %dma_start3A_170] : memref<4x16384xf32, #tpu.memory_space<vmem>> -> memref<1x16384xf32, #tpu.memory_space<vmem>>
    %dma_start3A_172 = tpu.memref_squeeze %dma_start3A_171 : memref<1x16384xf32, #tpu.memory_space<vmem>> -> memref<16384xf32, #tpu.memory_space<vmem>>
    %dma_start3A_173 = tpu.memref_slice %arg4[%add3A_168] : memref<16777216xf32, #tpu.memory_space<hbm>> -> memref<16384xf32, #tpu.memory_space<hbm>>
    %dma_start3A_174 = tpu.memref_slice %arg4[%add3A_168] : memref<16777216xf32, #tpu.memory_space<hbm>> -> memref<16384xf32, #tpu.memory_space<hbm>>
    %dma_start3A_175 = arith.constant 0 : i32
    %dma_start3A_176 = tpu.memref_slice %arg5[%dma_start3A_169, %dma_start3A_175] : memref<4x16384xf32, #tpu.memory_space<vmem>> -> memref<1x16384xf32, #tpu.memory_space<vmem>>
    %dma_start3A_177 = tpu.memref_squeeze %dma_start3A_176 : memref<1x16384xf32, #tpu.memory_space<vmem>> -> memref<16384xf32, #tpu.memory_space<vmem>>
    tpu.enqueue_dma source(%dma_start3A_177 : memref<16384xf32, #tpu.memory_space<vmem>>) target(%dma_start3A_174 : memref<16384xf32, #tpu.memory_space<hbm>>) target_semaphore(%arg13 : memref<!tpu.dma_semaphore, #tpu.memory_space<semaphore_mem>>)
    %dma_wait3A_178 = arith.constant 2 : i32
    %dma_wait3A_179 = arith.constant 0 : i32
    %dma_wait3A_180 = tpu.memref_slice %arg5[%dma_wait3A_178, %dma_wait3A_179] : memref<4x16384xf32, #tpu.memory_space<vmem>> -> memref<1x16384xf32, #tpu.memory_space<vmem>>
    %dma_wait3A_181 = tpu.memref_squeeze %dma_wait3A_180 : memref<1x16384xf32, #tpu.memory_space<vmem>> -> memref<16384xf32, #tpu.memory_space<vmem>>
    %dma_wait3A_182 = tpu.memref_slice %arg4[%add3A_168] : memref<16777216xf32, #tpu.memory_space<hbm>> -> memref<16384xf32, #tpu.memory_space<hbm>>
    %dma_wait3A_183 = tpu.memref_slice %arg4[%add3A_168] : memref<16777216xf32, #tpu.memory_space<hbm>> -> memref<16384xf32, #tpu.memory_space<hbm>>
    %dma_wait3A_184 = arith.constant 0 : i32
    %dma_wait3A_185 = tpu.memref_slice %arg5[%dma_wait3A_178, %dma_wait3A_184] : memref<4x16384xf32, #tpu.memory_space<vmem>> -> memref<1x16384xf32, #tpu.memory_space<vmem>>
    %dma_wait3A_186 = tpu.memref_squeeze %dma_wait3A_185 : memref<1x16384xf32, #tpu.memory_space<vmem>> -> memref<16384xf32, #tpu.memory_space<vmem>>
    tpu.wait_dma2 semaphore(%arg13 : memref<!tpu.dma_semaphore, #tpu.memory_space<semaphore_mem>>) src(%dma_wait3A_186 : memref<16384xf32, #tpu.memory_space<vmem>>) dst(%dma_wait3A_183 : memref<16384xf32, #tpu.memory_space<hbm>>)
    %add3A_187 = arith.constant 8388608 : i32
    %add3A_188 = arith.addi %add3A_187, %mul3A_4 : i32
    %add3A_189 = arith.constant 16384 : i32
    %add3A_190 = arith.addi %add3A_188, %add3A_189 : i32
    %dma_start3A_191 = arith.constant 2 : i32
    %dma_start3A_192 = arith.constant 0 : i32
    %dma_start3A_193 = tpu.memref_slice %arg5[%dma_start3A_191, %dma_start3A_192] : memref<4x16384xf32, #tpu.memory_space<vmem>> -> memref<1x16384xf32, #tpu.memory_space<vmem>>
    %dma_start3A_194 = tpu.memref_squeeze %dma_start3A_193 : memref<1x16384xf32, #tpu.memory_space<vmem>> -> memref<16384xf32, #tpu.memory_space<vmem>>
    %dma_start3A_195 = tpu.memref_slice %arg2[%add3A_190] : memref<16777216xf32, #tpu.memory_space<hbm>> -> memref<16384xf32, #tpu.memory_space<hbm>>
    %dma_start3A_196 = arith.constant 0 : i32
    %dma_start3A_197 = tpu.memref_slice %arg5[%dma_start3A_191, %dma_start3A_196] : memref<4x16384xf32, #tpu.memory_space<vmem>> -> memref<1x16384xf32, #tpu.memory_space<vmem>>
    %dma_start3A_198 = tpu.memref_squeeze %dma_start3A_197 : memref<1x16384xf32, #tpu.memory_space<vmem>> -> memref<16384xf32, #tpu.memory_space<vmem>>
    %dma_start3A_199 = tpu.memref_slice %arg2[%add3A_190] : memref<16777216xf32, #tpu.memory_space<hbm>> -> memref<16384xf32, #tpu.memory_space<hbm>>
    tpu.enqueue_dma source(%dma_start3A_199 : memref<16384xf32, #tpu.memory_space<hbm>>) target(%dma_start3A_198 : memref<16384xf32, #tpu.memory_space<vmem>>) target_semaphore(%arg9 : memref<!tpu.dma_semaphore, #tpu.memory_space<semaphore_mem>>)
    %dma_wait3A_200 = arith.constant 3 : i32
    %dma_wait3A_201 = arith.constant 0 : i32
    %dma_wait3A_202 = tpu.memref_slice %arg5[%dma_wait3A_200, %dma_wait3A_201] : memref<4x16384xf32, #tpu.memory_space<vmem>> -> memref<1x16384xf32, #tpu.memory_space<vmem>>
    %dma_wait3A_203 = tpu.memref_squeeze %dma_wait3A_202 : memref<1x16384xf32, #tpu.memory_space<vmem>> -> memref<16384xf32, #tpu.memory_space<vmem>>
    %dma_wait3A_204 = tpu.memref_slice %arg2[%add3A_46] : memref<16777216xf32, #tpu.memory_space<hbm>> -> memref<16384xf32, #tpu.memory_space<hbm>>
    %dma_wait3A_205 = arith.constant 0 : i32
    %dma_wait3A_206 = tpu.memref_slice %arg5[%dma_wait3A_200, %dma_wait3A_205] : memref<4x16384xf32, #tpu.memory_space<vmem>> -> memref<1x16384xf32, #tpu.memory_space<vmem>>
    %dma_wait3A_207 = tpu.memref_squeeze %dma_wait3A_206 : memref<1x16384xf32, #tpu.memory_space<vmem>> -> memref<16384xf32, #tpu.memory_space<vmem>>
    %dma_wait3A_208 = tpu.memref_slice %arg2[%add3A_46] : memref<16777216xf32, #tpu.memory_space<hbm>> -> memref<16384xf32, #tpu.memory_space<hbm>>
    tpu.wait_dma2 semaphore(%arg10 : memref<!tpu.dma_semaphore, #tpu.memory_space<semaphore_mem>>) src(%dma_wait3A_208 : memref<16384xf32, #tpu.memory_space<hbm>>) dst(%dma_wait3A_207 : memref<16384xf32, #tpu.memory_space<vmem>>)
    %parallel_loop3A_209 = arith.constant 0 : i32
    %parallel_loop3A_210 = arith.constant 1024 : i32
    %parallel_loop3A_211 = arith.constant 1 : i32
    %parallel_loop3A_212 = arith.constant 3 : i32
    scf.for %parallel_loop3A_1554 = %parallel_loop3A_209 to %parallel_loop3A_210 step %parallel_loop3A_211  : i32 {
      %parallel_loop3A_1555 = arith.constant 16 : i32
      %parallel_loop3A_1556 = arith.muli %parallel_loop3A_1554, %parallel_loop3A_1555 : i32
      %parallel_loop3A_1557 = arith.constant 0 : i32
      %parallel_loop3A_1558 = tpu.memref_slice %arg5[%parallel_loop3A_212, %parallel_loop3A_1557] : memref<4x16384xf32, #tpu.memory_space<vmem>> -> memref<1x16384xf32, #tpu.memory_space<vmem>>
      %parallel_loop3A_1559 = tpu.memref_squeeze %parallel_loop3A_1558 : memref<1x16384xf32, #tpu.memory_space<vmem>> -> memref<16384xf32, #tpu.memory_space<vmem>>
      %parallel_loop3A_1560 = arith.index_cast %parallel_loop3A_1556 : i32 to index
      %parallel_loop3A_1561 = tpu.vector_load %parallel_loop3A_1559[%parallel_loop3A_1560] {strides = array<i32>} : memref<16384xf32, #tpu.memory_space<vmem>>, vector<16xf32>,
      %parallel_loop3A_1562 = vector.shape_cast %parallel_loop3A_1561 : vector<16xf32> to vector<16xf32>
      %parallel_loop3A_1563 = arith.index_cast %parallel_loop3A_1556 : i32 to index
      %parallel_loop3A_1564 = tpu.vector_load %arg6[%parallel_loop3A_1563] {strides = array<i32>} : memref<16384xf32, #tpu.memory_space<vmem>>, vector<16xf32>,
      %parallel_loop3A_1565 = vector.shape_cast %parallel_loop3A_1564 : vector<16xf32> to vector<16xf32>
      %parallel_loop3A_1566 = arith.addf %parallel_loop3A_1562, %parallel_loop3A_1565 : vector<16xf32>
      %parallel_loop3A_1567 = arith.constant 0 : i32
      %parallel_loop3A_1568 = tpu.memref_slice %arg5[%parallel_loop3A_212, %parallel_loop3A_1567] : memref<4x16384xf32, #tpu.memory_space<vmem>> -> memref<1x16384xf32, #tpu.memory_space<vmem>>
      %parallel_loop3A_1569 = tpu.memref_squeeze %parallel_loop3A_1568 : memref<1x16384xf32, #tpu.memory_space<vmem>> -> memref<16384xf32, #tpu.memory_space<vmem>>
      %parallel_loop3A_1570 = arith.index_cast %parallel_loop3A_1556 : i32 to index
      %parallel_loop3A_1571 = tpu.vector_load %parallel_loop3A_1569[%parallel_loop3A_1570] {strides = array<i32>} : memref<16384xf32, #tpu.memory_space<vmem>>, vector<16xf32>,
      %parallel_loop3A_1572 = vector.shape_cast %parallel_loop3A_1571 : vector<16xf32> to vector<16xf32>
      %parallel_loop3A_1573 = vector.shape_cast %parallel_loop3A_1566 : vector<16xf32> to vector<16xf32>
      tpu.vector_store %parallel_loop3A_1569[%parallel_loop3A_1570], %parallel_loop3A_1573 {strides = array<i32>} : memref<16384xf32, #tpu.memory_space<vmem>>, vector<16xf32>,
    } {sc.loop_unroll_factor = 8 : i64, sc.parallel_access}
    %add3A_213 = arith.constant 12582912 : i32
    %add3A_214 = arith.addi %add3A_213, %mul3A_4 : i32
    %add3A_215 = arith.constant 0 : i32
    %add3A_216 = arith.addi %add3A_214, %add3A_215 : i32
    %dma_start3A_217 = arith.constant 3 : i32
    %dma_start3A_218 = arith.constant 0 : i32
    %dma_start3A_219 = tpu.memref_slice %arg5[%dma_start3A_217, %dma_start3A_218] : memref<4x16384xf32, #tpu.memory_space<vmem>> -> memref<1x16384xf32, #tpu.memory_space<vmem>>
    %dma_start3A_220 = tpu.memref_squeeze %dma_start3A_219 : memref<1x16384xf32, #tpu.memory_space<vmem>> -> memref<16384xf32, #tpu.memory_space<vmem>>
    %dma_start3A_221 = tpu.memref_slice %arg4[%add3A_216] : memref<16777216xf32, #tpu.memory_space<hbm>> -> memref<16384xf32, #tpu.memory_space<hbm>>
    %dma_start3A_222 = tpu.memref_slice %arg4[%add3A_216] : memref<16777216xf32, #tpu.memory_space<hbm>> -> memref<16384xf32, #tpu.memory_space<hbm>>
    %dma_start3A_223 = arith.constant 0 : i32
    %dma_start3A_224 = tpu.memref_slice %arg5[%dma_start3A_217, %dma_start3A_223] : memref<4x16384xf32, #tpu.memory_space<vmem>> -> memref<1x16384xf32, #tpu.memory_space<vmem>>
    %dma_start3A_225 = tpu.memref_squeeze %dma_start3A_224 : memref<1x16384xf32, #tpu.memory_space<vmem>> -> memref<16384xf32, #tpu.memory_space<vmem>>
    tpu.enqueue_dma source(%dma_start3A_225 : memref<16384xf32, #tpu.memory_space<vmem>>) target(%dma_start3A_222 : memref<16384xf32, #tpu.memory_space<hbm>>) target_semaphore(%arg14 : memref<!tpu.dma_semaphore, #tpu.memory_space<semaphore_mem>>)
    %dma_wait3A_226 = arith.constant 3 : i32
    %dma_wait3A_227 = arith.constant 0 : i32
    %dma_wait3A_228 = tpu.memref_slice %arg5[%dma_wait3A_226, %dma_wait3A_227] : memref<4x16384xf32, #tpu.memory_space<vmem>> -> memref<1x16384xf32, #tpu.memory_space<vmem>>
    %dma_wait3A_229 = tpu.memref_squeeze %dma_wait3A_228 : memref<1x16384xf32, #tpu.memory_space<vmem>> -> memref<16384xf32, #tpu.memory_space<vmem>>
    %dma_wait3A_230 = tpu.memref_slice %arg4[%add3A_216] : memref<16777216xf32, #tpu.memory_space<hbm>> -> memref<16384xf32, #tpu.memory_space<hbm>>
    %dma_wait3A_231 = tpu.memref_slice %arg4[%add3A_216] : memref<16777216xf32, #tpu.memory_space<hbm>> -> memref<16384xf32, #tpu.memory_space<hbm>>
    %dma_wait3A_232 = arith.constant 0 : i32
    %dma_wait3A_233 = tpu.memref_slice %arg5[%dma_wait3A_226, %dma_wait3A_232] : memref<4x16384xf32, #tpu.memory_space<vmem>> -> memref<1x16384xf32, #tpu.memory_space<vmem>>
    %dma_wait3A_234 = tpu.memref_squeeze %dma_wait3A_233 : memref<1x16384xf32, #tpu.memory_space<vmem>> -> memref<16384xf32, #tpu.memory_space<vmem>>
    tpu.wait_dma2 semaphore(%arg14 : memref<!tpu.dma_semaphore, #tpu.memory_space<semaphore_mem>>) src(%dma_wait3A_234 : memref<16384xf32, #tpu.memory_space<vmem>>) dst(%dma_wait3A_231 : memref<16384xf32, #tpu.memory_space<hbm>>)
    %add3A_235 = arith.constant 12582912 : i32
    %add3A_236 = arith.addi %add3A_235, %mul3A_4 : i32
    %add3A_237 = arith.constant 16384 : i32
    %add3A_238 = arith.addi %add3A_236, %add3A_237 : i32
    %dma_start3A_239 = arith.constant 3 : i32
    %dma_start3A_240 = arith.constant 0 : i32
    %dma_start3A_241 = tpu.memref_slice %arg5[%dma_start3A_239, %dma_start3A_240] : memref<4x16384xf32, #tpu.memory_space<vmem>> -> memref<1x16384xf32, #tpu.memory_space<vmem>>
    %dma_start3A_242 = tpu.memref_squeeze %dma_start3A_241 : memref<1x16384xf32, #tpu.memory_space<vmem>> -> memref<16384xf32, #tpu.memory_space<vmem>>
    %dma_start3A_243 = tpu.memref_slice %arg2[%add3A_238] : memref<16777216xf32, #tpu.memory_space<hbm>> -> memref<16384xf32, #tpu.memory_space<hbm>>
    %dma_start3A_244 = arith.constant 0 : i32
    %dma_start3A_245 = tpu.memref_slice %arg5[%dma_start3A_239, %dma_start3A_244] : memref<4x16384xf32, #tpu.memory_space<vmem>> -> memref<1x16384xf32, #tpu.memory_space<vmem>>
    %dma_start3A_246 = tpu.memref_squeeze %dma_start3A_245 : memref<1x16384xf32, #tpu.memory_space<vmem>> -> memref<16384xf32, #tpu.memory_space<vmem>>
    %dma_start3A_247 = tpu.memref_slice %arg2[%add3A_238] : memref<16777216xf32, #tpu.memory_space<hbm>> -> memref<16384xf32, #tpu.memory_space<hbm>>
    tpu.enqueue_dma source(%dma_start3A_247 : memref<16384xf32, #tpu.memory_space<hbm>>) target(%dma_start3A_246 : memref<16384xf32, #tpu.memory_space<vmem>>) target_semaphore(%arg10 : memref<!tpu.dma_semaphore, #tpu.memory_space<semaphore_mem>>)
    %add3A_248 = arith.constant 16384 : i32
    %add3A_249 = arith.addi %mul3A_4, %add3A_248 : i32
    "tpu.region"() ({
      %run_scoped3A = tpu.sem_alloc : memref<!tpu.dma_semaphore, #tpu.memory_space<semaphore_mem>>
      %dma_start3A_1554 = tpu.memref_slice %arg3[%add3A_249] : memref<4194304xf32, #tpu.memory_space<hbm>> -> memref<16384xf32, #tpu.memory_space<hbm>>
      %dma_start3A_1555 = tpu.memref_slice %arg3[%add3A_249] : memref<4194304xf32, #tpu.memory_space<hbm>> -> memref<16384xf32, #tpu.memory_space<hbm>>
      tpu.enqueue_dma source(%dma_start3A_1555 : memref<16384xf32, #tpu.memory_space<hbm>>) target(%arg6 : memref<16384xf32, #tpu.memory_space<vmem>>) target_semaphore(%run_scoped3A : memref<!tpu.dma_semaphore, #tpu.memory_space<semaphore_mem>>)
      %dma_wait3A_1556 = tpu.memref_slice %arg3[%add3A_249] : memref<4194304xf32, #tpu.memory_space<hbm>> -> memref<16384xf32, #tpu.memory_space<hbm>>
      %dma_wait3A_1557 = tpu.memref_slice %arg3[%add3A_249] : memref<4194304xf32, #tpu.memory_space<hbm>> -> memref<16384xf32, #tpu.memory_space<hbm>>
      tpu.wait_dma2 semaphore(%run_scoped3A : memref<!tpu.dma_semaphore, #tpu.memory_space<semaphore_mem>>) src(%dma_wait3A_1557 : memref<16384xf32, #tpu.memory_space<hbm>>) dst(%arg6 : memref<16384xf32, #tpu.memory_space<vmem>>)
      tpu.yield
    }) : () -> ()
    %dma_wait3A_250 = arith.constant 0 : i32
    %dma_wait3A_251 = arith.constant 0 : i32
    %dma_wait3A_252 = tpu.memref_slice %arg5[%dma_wait3A_250, %dma_wait3A_251] : memref<4x16384xf32, #tpu.memory_space<vmem>> -> memref<1x16384xf32, #tpu.memory_space<vmem>>
    %dma_wait3A_253 = tpu.memref_squeeze %dma_wait3A_252 : memref<1x16384xf32, #tpu.memory_space<vmem>> -> memref<16384xf32, #tpu.memory_space<vmem>>
    %dma_wait3A_254 = tpu.memref_slice %arg2[%add3A_94] : memref<16777216xf32, #tpu.memory_space<hbm>> -> memref<16384xf32, #tpu.memory_space<hbm>>
    %dma_wait3A_255 = arith.constant 0 : i32
    %dma_wait3A_256 = tpu.memref_slice %arg5[%dma_wait3A_250, %dma_wait3A_255] : memref<4x16384xf32, #tpu.memory_space<vmem>> -> memref<1x16384xf32, #tpu.memory_space<vmem>>
    %dma_wait3A_257 = tpu.memref_squeeze %dma_wait3A_256 : memref<1x16384xf32, #tpu.memory_space<vmem>> -> memref<16384xf32, #tpu.memory_space<vmem>>
    %dma_wait3A_258 = tpu.memref_slice %arg2[%add3A_94] : memref<16777216xf32, #tpu.memory_space<hbm>> -> memref<16384xf32, #tpu.memory_space<hbm>>
    tpu.wait_dma2 semaphore(%arg7 : memref<!tpu.dma_semaphore, #tpu.memory_space<semaphore_mem>>) src(%dma_wait3A_258 : memref<16384xf32, #tpu.memory_space<hbm>>) dst(%dma_wait3A_257 : memref<16384xf32, #tpu.memory_space<vmem>>)
    %parallel_loop3A_259 = arith.constant 0 : i32
    %parallel_loop3A_260 = arith.constant 1024 : i32
    %parallel_loop3A_261 = arith.constant 1 : i32
    %parallel_loop3A_262 = arith.constant 0 : i32
    scf.for %parallel_loop3A_1554 = %parallel_loop3A_259 to %parallel_loop3A_260 step %parallel_loop3A_261  : i32 {
      %parallel_loop3A_1555 = arith.constant 16 : i32
      %parallel_loop3A_1556 = arith.muli %parallel_loop3A_1554, %parallel_loop3A_1555 : i32
      %parallel_loop3A_1557 = arith.constant 0 : i32
      %parallel_loop3A_1558 = tpu.memref_slice %arg5[%parallel_loop3A_262, %parallel_loop3A_1557] : memref<4x16384xf32, #tpu.memory_space<vmem>> -> memref<1x16384xf32, #tpu.memory_space<vmem>>
      %parallel_loop3A_1559 = tpu.memref_squeeze %parallel_loop3A_1558 : memref<1x16384xf32, #tpu.memory_space<vmem>> -> memref<16384xf32, #tpu.memory_space<vmem>>
      %parallel_loop3A_1560 = arith.index_cast %parallel_loop3A_1556 : i32 to index
      %parallel_loop3A_1561 = tpu.vector_load %parallel_loop3A_1559[%parallel_loop3A_1560] {strides = array<i32>} : memref<16384xf32, #tpu.memory_space<vmem>>, vector<16xf32>,
      %parallel_loop3A_1562 = vector.shape_cast %parallel_loop3A_1561 : vector<16xf32> to vector<16xf32>
      %parallel_loop3A_1563 = arith.index_cast %parallel_loop3A_1556 : i32 to index
      %parallel_loop3A_1564 = tpu.vector_load %arg6[%parallel_loop3A_1563] {strides = array<i32>} : memref<16384xf32, #tpu.memory_space<vmem>>, vector<16xf32>,
      %parallel_loop3A_1565 = vector.shape_cast %parallel_loop3A_1564 : vector<16xf32> to vector<16xf32>
      %parallel_loop3A_1566 = arith.addf %parallel_loop3A_1562, %parallel_loop3A_1565 : vector<16xf32>
      %parallel_loop3A_1567 = arith.constant 0 : i32
      %parallel_loop3A_1568 = tpu.memref_slice %arg5[%parallel_loop3A_262, %parallel_loop3A_1567] : memref<4x16384xf32, #tpu.memory_space<vmem>> -> memref<1x16384xf32, #tpu.memory_space<vmem>>
      %parallel_loop3A_1569 = tpu.memref_squeeze %parallel_loop3A_1568 : memref<1x16384xf32, #tpu.memory_space<vmem>> -> memref<16384xf32, #tpu.memory_space<vmem>>
      %parallel_loop3A_1570 = arith.index_cast %parallel_loop3A_1556 : i32 to index
      %parallel_loop3A_1571 = tpu.vector_load %parallel_loop3A_1569[%parallel_loop3A_1570] {strides = array<i32>} : memref<16384xf32, #tpu.memory_space<vmem>>, vector<16xf32>,
      %parallel_loop3A_1572 = vector.shape_cast %parallel_loop3A_1571 : vector<16xf32> to vector<16xf32>
      %parallel_loop3A_1573 = vector.shape_cast %parallel_loop3A_1566 : vector<16xf32> to vector<16xf32>
      tpu.vector_store %parallel_loop3A_1569[%parallel_loop3A_1570], %parallel_loop3A_1573 {strides = array<i32>} : memref<16384xf32, #tpu.memory_space<vmem>>, vector<16xf32>,
    } {sc.loop_unroll_factor = 8 : i64, sc.parallel_access}
    %add3A_263 = arith.constant 0 : i32
    %add3A_264 = arith.addi %add3A_263, %mul3A_4 : i32
    %add3A_265 = arith.constant 16384 : i32
    %add3A_266 = arith.addi %add3A_264, %add3A_265 : i32
    %dma_start3A_267 = arith.constant 0 : i32
    %dma_start3A_268 = arith.constant 0 : i32
    %dma_start3A_269 = tpu.memref_slice %arg5[%dma_start3A_267, %dma_start3A_268] : memref<4x16384xf32, #tpu.memory_space<vmem>> -> memref<1x16384xf32, #tpu.memory_space<vmem>>
    %dma_start3A_270 = tpu.memref_squeeze %dma_start3A_269 : memref<1x16384xf32, #tpu.memory_space<vmem>> -> memref<16384xf32, #tpu.memory_space<vmem>>
    %dma_start3A_271 = tpu.memref_slice %arg4[%add3A_266] : memref<16777216xf32, #tpu.memory_space<hbm>> -> memref<16384xf32, #tpu.memory_space<hbm>>
    %dma_start3A_272 = tpu.memref_slice %arg4[%add3A_266] : memref<16777216xf32, #tpu.memory_space<hbm>> -> memref<16384xf32, #tpu.memory_space<hbm>>
    %dma_start3A_273 = arith.constant 0 : i32
    %dma_start3A_274 = tpu.memref_slice %arg5[%dma_start3A_267, %dma_start3A_273] : memref<4x16384xf32, #tpu.memory_space<vmem>> -> memref<1x16384xf32, #tpu.memory_space<vmem>>
    %dma_start3A_275 = tpu.memref_squeeze %dma_start3A_274 : memref<1x16384xf32, #tpu.memory_space<vmem>> -> memref<16384xf32, #tpu.memory_space<vmem>>
    tpu.enqueue_dma source(%dma_start3A_275 : memref<16384xf32, #tpu.memory_space<vmem>>) target(%dma_start3A_272 : memref<16384xf32, #tpu.memory_space<hbm>>) target_semaphore(%arg11 : memref<!tpu.dma_semaphore, #tpu.memory_space<semaphore_mem>>)
    %dma_wait3A_276 = arith.constant 0 : i32
    %dma_wait3A_277 = arith.constant 0 : i32
    %dma_wait3A_278 = tpu.memref_slice %arg5[%dma_wait3A_276, %dma_wait3A_277] : memref<4x16384xf32, #tpu.memory_space<vmem>> -> memref<1x16384xf32, #tpu.memory_space<vmem>>
    %dma_wait3A_279 = tpu.memref_squeeze %dma_wait3A_278 : memref<1x16384xf32, #tpu.memory_space<vmem>> -> memref<16384xf32, #tpu.memory_space<vmem>>
    %dma_wait3A_280 = tpu.memref_slice %arg4[%add3A_266] : memref<16777216xf32, #tpu.memory_space<hbm>> -> memref<16384xf32, #tpu.memory_space<hbm>>
    %dma_wait3A_281 = tpu.memref_slice %arg4[%add3A_266] : memref<16777216xf32, #tpu.memory_space<hbm>> -> memref<16384xf32, #tpu.memory_space<hbm>>
    %dma_wait3A_282 = arith.constant 0 : i32
    %dma_wait3A_283 = tpu.memref_slice %arg5[%dma_wait3A_276, %dma_wait3A_282] : memref<4x16384xf32, #tpu.memory_space<vmem>> -> memref<1x16384xf32, #tpu.memory_space<vmem>>
    %dma_wait3A_284 = tpu.memref_squeeze %dma_wait3A_283 : memref<1x16384xf32, #tpu.memory_space<vmem>> -> memref<16384xf32, #tpu.memory_space<vmem>>
    tpu.wait_dma2 semaphore(%arg11 : memref<!tpu.dma_semaphore, #tpu.memory_space<semaphore_mem>>) src(%dma_wait3A_284 : memref<16384xf32, #tpu.memory_space<vmem>>) dst(%dma_wait3A_281 : memref<16384xf32, #tpu.memory_space<hbm>>)
    %add3A_285 = arith.constant 0 : i32
    %add3A_286 = arith.addi %add3A_285, %mul3A_4 : i32
    %add3A_287 = arith.constant 32768 : i32
    %add3A_288 = arith.addi %add3A_286, %add3A_287 : i32
    %dma_start3A_289 = arith.constant 0 : i32
    %dma_start3A_290 = arith.constant 0 : i32
    %dma_start3A_291 = tpu.memref_slice %arg5[%dma_start3A_289, %dma_start3A_290] : memref<4x16384xf32, #tpu.memory_space<vmem>> -> memref<1x16384xf32, #tpu.memory_space<vmem>>
    %dma_start3A_292 = tpu.memref_squeeze %dma_start3A_291 : memref<1x16384xf32, #tpu.memory_space<vmem>> -> memref<16384xf32, #tpu.memory_space<vmem>>
    %dma_start3A_293 = tpu.memref_slice %arg2[%add3A_288] : memref<16777216xf32, #tpu.memory_space<hbm>> -> memref<16384xf32, #tpu.memory_space<hbm>>
    %dma_start3A_294 = arith.constant 0 : i32
    %dma_start3A_295 = tpu.memref_slice %arg5[%dma_start3A_289, %dma_start3A_294] : memref<4x16384xf32, #tpu.memory_space<vmem>> -> memref<1x16384xf32, #tpu.memory_space<vmem>>
    %dma_start3A_296 = tpu.memref_squeeze %dma_start3A_295 : memref<1x16384xf32, #tpu.memory_space<vmem>> -> memref<16384xf32, #tpu.memory_space<vmem>>
    %dma_start3A_297 = tpu.memref_slice %arg2[%add3A_288] : memref<16777216xf32, #tpu.memory_space<hbm>> -> memref<16384xf32, #tpu.memory_space<hbm>>
    tpu.enqueue_dma source(%dma_start3A_297 : memref<16384xf32, #tpu.memory_space<hbm>>) target(%dma_start3A_296 : memref<16384xf32, #tpu.memory_space<vmem>>) target_semaphore(%arg7 : memref<!tpu.dma_semaphore, #tpu.memory_space<semaphore_mem>>)
    %dma_wait3A_298 = arith.constant 1 : i32
    %dma_wait3A_299 = arith.constant 0 : i32
    %dma_wait3A_300 = tpu.memref_slice %arg5[%dma_wait3A_298, %dma_wait3A_299] : memref<4x16384xf32, #tpu.memory_space<vmem>> -> memref<1x16384xf32, #tpu.memory_space<vmem>>
    %dma_wait3A_301 = tpu.memref_squeeze %dma_wait3A_300 : memref<1x16384xf32, #tpu.memory_space<vmem>> -> memref<16384xf32, #tpu.memory_space<vmem>>
    %dma_wait3A_302 = tpu.memref_slice %arg2[%add3A_142] : memref<16777216xf32, #tpu.memory_space<hbm>> -> memref<16384xf32, #tpu.memory_space<hbm>>
    %dma_wait3A_303 = arith.constant 0 : i32
    %dma_wait3A_304 = tpu.memref_slice %arg5[%dma_wait3A_298, %dma_wait3A_303] : memref<4x16384xf32, #tpu.memory_space<vmem>> -> memref<1x16384xf32, #tpu.memory_space<vmem>>
    %dma_wait3A_305 = tpu.memref_squeeze %dma_wait3A_304 : memref<1x16384xf32, #tpu.memory_space<vmem>> -> memref<16384xf32, #tpu.memory_space<vmem>>
    %dma_wait3A_306 = tpu.memref_slice %arg2[%add3A_142] : memref<16777216xf32, #tpu.memory_space<hbm>> -> memref<16384xf32, #tpu.memory_space<hbm>>
    tpu.wait_dma2 semaphore(%arg8 : memref<!tpu.dma_semaphore, #tpu.memory_space<semaphore_mem>>) src(%dma_wait3A_306 : memref<16384xf32, #tpu.memory_space<hbm>>) dst(%dma_wait3A_305 : memref<16384xf32, #tpu.memory_space<vmem>>)
    %parallel_loop3A_307 = arith.constant 0 : i32
    %parallel_loop3A_308 = arith.constant 1024 : i32
    %parallel_loop3A_309 = arith.constant 1 : i32
    %parallel_loop3A_310 = arith.constant 1 : i32
    scf.for %parallel_loop3A_1554 = %parallel_loop3A_307 to %parallel_loop3A_308 step %parallel_loop3A_309  : i32 {
      %parallel_loop3A_1555 = arith.constant 16 : i32
      %parallel_loop3A_1556 = arith.muli %parallel_loop3A_1554, %parallel_loop3A_1555 : i32
      %parallel_loop3A_1557 = arith.constant 0 : i32
      %parallel_loop3A_1558 = tpu.memref_slice %arg5[%parallel_loop3A_310, %parallel_loop3A_1557] : memref<4x16384xf32, #tpu.memory_space<vmem>> -> memref<1x16384xf32, #tpu.memory_space<vmem>>
      %parallel_loop3A_1559 = tpu.memref_squeeze %parallel_loop3A_1558 : memref<1x16384xf32, #tpu.memory_space<vmem>> -> memref<16384xf32, #tpu.memory_space<vmem>>
      %parallel_loop3A_1560 = arith.index_cast %parallel_loop3A_1556 : i32 to index
      %parallel_loop3A_1561 = tpu.vector_load %parallel_loop3A_1559[%parallel_loop3A_1560] {strides = array<i32>} : memref<16384xf32, #tpu.memory_space<vmem>>, vector<16xf32>,
      %parallel_loop3A_1562 = vector.shape_cast %parallel_loop3A_1561 : vector<16xf32> to vector<16xf32>
      %parallel_loop3A_1563 = arith.index_cast %parallel_loop3A_1556 : i32 to index
      %parallel_loop3A_1564 = tpu.vector_load %arg6[%parallel_loop3A_1563] {strides = array<i32>} : memref<16384xf32, #tpu.memory_space<vmem>>, vector<16xf32>,
      %parallel_loop3A_1565 = vector.shape_cast %parallel_loop3A_1564 : vector<16xf32> to vector<16xf32>
      %parallel_loop3A_1566 = arith.addf %parallel_loop3A_1562, %parallel_loop3A_1565 : vector<16xf32>
      %parallel_loop3A_1567 = arith.constant 0 : i32
      %parallel_loop3A_1568 = tpu.memref_slice %arg5[%parallel_loop3A_310, %parallel_loop3A_1567] : memref<4x16384xf32, #tpu.memory_space<vmem>> -> memref<1x16384xf32, #tpu.memory_space<vmem>>
      %parallel_loop3A_1569 = tpu.memref_squeeze %parallel_loop3A_1568 : memref<1x16384xf32, #tpu.memory_space<vmem>> -> memref<16384xf32, #tpu.memory_space<vmem>>
      %parallel_loop3A_1570 = arith.index_cast %parallel_loop3A_1556 : i32 to index
      %parallel_loop3A_1571 = tpu.vector_load %parallel_loop3A_1569[%parallel_loop3A_1570] {strides = array<i32>} : memref<16384xf32, #tpu.memory_space<vmem>>, vector<16xf32>,
      %parallel_loop3A_1572 = vector.shape_cast %parallel_loop3A_1571 : vector<16xf32> to vector<16xf32>
      %parallel_loop3A_1573 = vector.shape_cast %parallel_loop3A_1566 : vector<16xf32> to vector<16xf32>
      tpu.vector_store %parallel_loop3A_1569[%parallel_loop3A_1570], %parallel_loop3A_1573 {strides = array<i32>} : memref<16384xf32, #tpu.memory_space<vmem>>, vector<16xf32>,
    } {sc.loop_unroll_factor = 8 : i64, sc.parallel_access}
    %add3A_311 = arith.constant 4194304 : i32
    %add3A_312 = arith.addi %add3A_311, %mul3A_4 : i32
    %add3A_313 = arith.constant 16384 : i32
    %add3A_314 = arith.addi %add3A_312, %add3A_313 : i32
    %dma_start3A_315 = arith.constant 1 : i32
    %dma_start3A_316 = arith.constant 0 : i32
    %dma_start3A_317 = tpu.memref_slice %arg5[%dma_start3A_315, %dma_start3A_316] : memref<4x16384xf32, #tpu.memory_space<vmem>> -> memref<1x16384xf32, #tpu.memory_space<vmem>>
    %dma_start3A_318 = tpu.memref_squeeze %dma_start3A_317 : memref<1x16384xf32, #tpu.memory_space<vmem>> -> memref<16384xf32, #tpu.memory_space<vmem>>
    %dma_start3A_319 = tpu.memref_slice %arg4[%add3A_314] : memref<16777216xf32, #tpu.memory_space<hbm>> -> memref<16384xf32, #tpu.memory_space<hbm>>
    %dma_start3A_320 = tpu.memref_slice %arg4[%add3A_314] : memref<16777216xf32, #tpu.memory_space<hbm>> -> memref<16384xf32, #tpu.memory_space<hbm>>
    %dma_start3A_321 = arith.constant 0 : i32
    %dma_start3A_322 = tpu.memref_slice %arg5[%dma_start3A_315, %dma_start3A_321] : memref<4x16384xf32, #tpu.memory_space<vmem>> -> memref<1x16384xf32, #tpu.memory_space<vmem>>
    %dma_start3A_323 = tpu.memref_squeeze %dma_start3A_322 : memref<1x16384xf32, #tpu.memory_space<vmem>> -> memref<16384xf32, #tpu.memory_space<vmem>>
    tpu.enqueue_dma source(%dma_start3A_323 : memref<16384xf32, #tpu.memory_space<vmem>>) target(%dma_start3A_320 : memref<16384xf32, #tpu.memory_space<hbm>>) target_semaphore(%arg12 : memref<!tpu.dma_semaphore, #tpu.memory_space<semaphore_mem>>)
    %dma_wait3A_324 = arith.constant 1 : i32
    %dma_wait3A_325 = arith.constant 0 : i32
    %dma_wait3A_326 = tpu.memref_slice %arg5[%dma_wait3A_324, %dma_wait3A_325] : memref<4x16384xf32, #tpu.memory_space<vmem>> -> memref<1x16384xf32, #tpu.memory_space<vmem>>
    %dma_wait3A_327 = tpu.memref_squeeze %dma_wait3A_326 : memref<1x16384xf32, #tpu.memory_space<vmem>> -> memref<16384xf32, #tpu.memory_space<vmem>>
    %dma_wait3A_328 = tpu.memref_slice %arg4[%add3A_314] : memref<16777216xf32, #tpu.memory_space<hbm>> -> memref<16384xf32, #tpu.memory_space<hbm>>
    %dma_wait3A_329 = tpu.memref_slice %arg4[%add3A_314] : memref<16777216xf32, #tpu.memory_space<hbm>> -> memref<16384xf32, #tpu.memory_space<hbm>>
    %dma_wait3A_330 = arith.constant 0 : i32
    %dma_wait3A_331 = tpu.memref_slice %arg5[%dma_wait3A_324, %dma_wait3A_330] : memref<4x16384xf32, #tpu.memory_space<vmem>> -> memref<1x16384xf32, #tpu.memory_space<vmem>>
    %dma_wait3A_332 = tpu.memref_squeeze %dma_wait3A_331 : memref<1x16384xf32, #tpu.memory_space<vmem>> -> memref<16384xf32, #tpu.memory_space<vmem>>
    tpu.wait_dma2 semaphore(%arg12 : memref<!tpu.dma_semaphore, #tpu.memory_space<semaphore_mem>>) src(%dma_wait3A_332 : memref<16384xf32, #tpu.memory_space<vmem>>) dst(%dma_wait3A_329 : memref<16384xf32, #tpu.memory_space<hbm>>)
    %add3A_333 = arith.constant 4194304 : i32
    %add3A_334 = arith.addi %add3A_333, %mul3A_4 : i32
    %add3A_335 = arith.constant 32768 : i32
    %add3A_336 = arith.addi %add3A_334, %add3A_335 : i32
    %dma_start3A_337 = arith.constant 1 : i32
    %dma_start3A_338 = arith.constant 0 : i32
    %dma_start3A_339 = tpu.memref_slice %arg5[%dma_start3A_337, %dma_start3A_338] : memref<4x16384xf32, #tpu.memory_space<vmem>> -> memref<1x16384xf32, #tpu.memory_space<vmem>>
    %dma_start3A_340 = tpu.memref_squeeze %dma_start3A_339 : memref<1x16384xf32, #tpu.memory_space<vmem>> -> memref<16384xf32, #tpu.memory_space<vmem>>
    %dma_start3A_341 = tpu.memref_slice %arg2[%add3A_336] : memref<16777216xf32, #tpu.memory_space<hbm>> -> memref<16384xf32, #tpu.memory_space<hbm>>
    %dma_start3A_342 = arith.constant 0 : i32
    %dma_start3A_343 = tpu.memref_slice %arg5[%dma_start3A_337, %dma_start3A_342] : memref<4x16384xf32, #tpu.memory_space<vmem>> -> memref<1x16384xf32, #tpu.memory_space<vmem>>
    %dma_start3A_344 = tpu.memref_squeeze %dma_start3A_343 : memref<1x16384xf32, #tpu.memory_space<vmem>> -> memref<16384xf32, #tpu.memory_space<vmem>>
    %dma_start3A_345 = tpu.memref_slice %arg2[%add3A_336] : memref<16777216xf32, #tpu.memory_space<hbm>> -> memref<16384xf32, #tpu.memory_space<hbm>>
    tpu.enqueue_dma source(%dma_start3A_345 : memref<16384xf32, #tpu.memory_space<hbm>>) target(%dma_start3A_344 : memref<16384xf32, #tpu.memory_space<vmem>>) target_semaphore(%arg8 : memref<!tpu.dma_semaphore, #tpu.memory_space<semaphore_mem>>)
    %dma_wait3A_346 = arith.constant 2 : i32
    %dma_wait3A_347 = arith.constant 0 : i32
    %dma_wait3A_348 = tpu.memref_slice %arg5[%dma_wait3A_346, %dma_wait3A_347] : memref<4x16384xf32, #tpu.memory_space<vmem>> -> memref<1x16384xf32, #tpu.memory_space<vmem>>
    %dma_wait3A_349 = tpu.memref_squeeze %dma_wait3A_348 : memref<1x16384xf32, #tpu.memory_space<vmem>> -> memref<16384xf32, #tpu.memory_space<vmem>>
    %dma_wait3A_350 = tpu.memref_slice %arg2[%add3A_190] : memref<16777216xf32, #tpu.memory_space<hbm>> -> memref<16384xf32, #tpu.memory_space<hbm>>
    %dma_wait3A_351 = arith.constant 0 : i32
    %dma_wait3A_352 = tpu.memref_slice %arg5[%dma_wait3A_346, %dma_wait3A_351] : memref<4x16384xf32, #tpu.memory_space<vmem>> -> memref<1x16384xf32, #tpu.memory_space<vmem>>
    %dma_wait3A_353 = tpu.memref_squeeze %dma_wait3A_352 : memref<1x16384xf32, #tpu.memory_space<vmem>> -> memref<16384xf32, #tpu.memory_space<vmem>>
    %dma_wait3A_354 = tpu.memref_slice %arg2[%add3A_190] : memref<16777216xf32, #tpu.memory_space<hbm>> -> memref<16384xf32, #tpu.memory_space<hbm>>
    tpu.wait_dma2 semaphore(%arg9 : memref<!tpu.dma_semaphore, #tpu.memory_space<semaphore_mem>>) src(%dma_wait3A_354 : memref<16384xf32, #tpu.memory_space<hbm>>) dst(%dma_wait3A_353 : memref<16384xf32, #tpu.memory_space<vmem>>)
    %parallel_loop3A_355 = arith.constant 0 : i32
    %parallel_loop3A_356 = arith.constant 1024 : i32
    %parallel_loop3A_357 = arith.constant 1 : i32
    %parallel_loop3A_358 = arith.constant 2 : i32
    scf.for %parallel_loop3A_1554 = %parallel_loop3A_355 to %parallel_loop3A_356 step %parallel_loop3A_357  : i32 {
      %parallel_loop3A_1555 = arith.constant 16 : i32
      %parallel_loop3A_1556 = arith.muli %parallel_loop3A_1554, %parallel_loop3A_1555 : i32
      %parallel_loop3A_1557 = arith.constant 0 : i32
      %parallel_loop3A_1558 = tpu.memref_slice %arg5[%parallel_loop3A_358, %parallel_loop3A_1557] : memref<4x16384xf32, #tpu.memory_space<vmem>> -> memref<1x16384xf32, #tpu.memory_space<vmem>>
      %parallel_loop3A_1559 = tpu.memref_squeeze %parallel_loop3A_1558 : memref<1x16384xf32, #tpu.memory_space<vmem>> -> memref<16384xf32, #tpu.memory_space<vmem>>
      %parallel_loop3A_1560 = arith.index_cast %parallel_loop3A_1556 : i32 to index
      %parallel_loop3A_1561 = tpu.vector_load %parallel_loop3A_1559[%parallel_loop3A_1560] {strides = array<i32>} : memref<16384xf32, #tpu.memory_space<vmem>>, vector<16xf32>,
      %parallel_loop3A_1562 = vector.shape_cast %parallel_loop3A_1561 : vector<16xf32> to vector<16xf32>
      %parallel_loop3A_1563 = arith.index_cast %parallel_loop3A_1556 : i32 to index
      %parallel_loop3A_1564 = tpu.vector_load %arg6[%parallel_loop3A_1563] {strides = array<i32>} : memref<16384xf32, #tpu.memory_space<vmem>>, vector<16xf32>,
      %parallel_loop3A_1565 = vector.shape_cast %parallel_loop3A_1564 : vector<16xf32> to vector<16xf32>
      %parallel_loop3A_1566 = arith.addf %parallel_loop3A_1562, %parallel_loop3A_1565 : vector<16xf32>
      %parallel_loop3A_1567 = arith.constant 0 : i32
      %parallel_loop3A_1568 = tpu.memref_slice %arg5[%parallel_loop3A_358, %parallel_loop3A_1567] : memref<4x16384xf32, #tpu.memory_space<vmem>> -> memref<1x16384xf32, #tpu.memory_space<vmem>>
      %parallel_loop3A_1569 = tpu.memref_squeeze %parallel_loop3A_1568 : memref<1x16384xf32, #tpu.memory_space<vmem>> -> memref<16384xf32, #tpu.memory_space<vmem>>
      %parallel_loop3A_1570 = arith.index_cast %parallel_loop3A_1556 : i32 to index
      %parallel_loop3A_1571 = tpu.vector_load %parallel_loop3A_1569[%parallel_loop3A_1570] {strides = array<i32>} : memref<16384xf32, #tpu.memory_space<vmem>>, vector<16xf32>,
      %parallel_loop3A_1572 = vector.shape_cast %parallel_loop3A_1571 : vector<16xf32> to vector<16xf32>
      %parallel_loop3A_1573 = vector.shape_cast %parallel_loop3A_1566 : vector<16xf32> to vector<16xf32>
      tpu.vector_store %parallel_loop3A_1569[%parallel_loop3A_1570], %parallel_loop3A_1573 {strides = array<i32>} : memref<16384xf32, #tpu.memory_space<vmem>>, vector<16xf32>,
    } {sc.loop_unroll_factor = 8 : i64, sc.parallel_access}
    %add3A_359 = arith.constant 8388608 : i32
    %add3A_360 = arith.addi %add3A_359, %mul3A_4 : i32
    %add3A_361 = arith.constant 16384 : i32
    %add3A_362 = arith.addi %add3A_360, %add3A_361 : i32
    %dma_start3A_363 = arith.constant 2 : i32
    %dma_start3A_364 = arith.constant 0 : i32
    %dma_start3A_365 = tpu.memref_slice %arg5[%dma_start3A_363, %dma_start3A_364] : memref<4x16384xf32, #tpu.memory_space<vmem>> -> memref<1x16384xf32, #tpu.memory_space<vmem>>
    %dma_start3A_366 = tpu.memref_squeeze %dma_start3A_365 : memref<1x16384xf32, #tpu.memory_space<vmem>> -> memref<16384xf32, #tpu.memory_space<vmem>>
    %dma_start3A_367 = tpu.memref_slice %arg4[%add3A_362] : memref<16777216xf32, #tpu.memory_space<hbm>> -> memref<16384xf32, #tpu.memory_space<hbm>>
    %dma_start3A_368 = tpu.memref_slice %arg4[%add3A_362] : memref<16777216xf32, #tpu.memory_space<hbm>> -> memref<16384xf32, #tpu.memory_space<hbm>>
    %dma_start3A_369 = arith.constant 0 : i32
    %dma_start3A_370 = tpu.memref_slice %arg5[%dma_start3A_363, %dma_start3A_369] : memref<4x16384xf32, #tpu.memory_space<vmem>> -> memref<1x16384xf32, #tpu.memory_space<vmem>>
    %dma_start3A_371 = tpu.memref_squeeze %dma_start3A_370 : memref<1x16384xf32, #tpu.memory_space<vmem>> -> memref<16384xf32, #tpu.memory_space<vmem>>
    tpu.enqueue_dma source(%dma_start3A_371 : memref<16384xf32, #tpu.memory_space<vmem>>) target(%dma_start3A_368 : memref<16384xf32, #tpu.memory_space<hbm>>) target_semaphore(%arg13 : memref<!tpu.dma_semaphore, #tpu.memory_space<semaphore_mem>>)
    %dma_wait3A_372 = arith.constant 2 : i32
    %dma_wait3A_373 = arith.constant 0 : i32
    %dma_wait3A_374 = tpu.memref_slice %arg5[%dma_wait3A_372, %dma_wait3A_373] : memref<4x16384xf32, #tpu.memory_space<vmem>> -> memref<1x16384xf32, #tpu.memory_space<vmem>>
    %dma_wait3A_375 = tpu.memref_squeeze %dma_wait3A_374 : memref<1x16384xf32, #tpu.memory_space<vmem>> -> memref<16384xf32, #tpu.memory_space<vmem>>
    %dma_wait3A_376 = tpu.memref_slice %arg4[%add3A_362] : memref<16777216xf32, #tpu.memory_space<hbm>> -> memref<16384xf32, #tpu.memory_space<hbm>>
    %dma_wait3A_377 = tpu.memref_slice %arg4[%add3A_362] : memref<16777216xf32, #tpu.memory_space<hbm>> -> memref<16384xf32, #tpu.memory_space<hbm>>
    %dma_wait3A_378 = arith.constant 0 : i32
    %dma_wait3A_379 = tpu.memref_slice %arg5[%dma_wait3A_372, %dma_wait3A_378] : memref<4x16384xf32, #tpu.memory_space<vmem>> -> memref<1x16384xf32, #tpu.memory_space<vmem>>
    %dma_wait3A_380 = tpu.memref_squeeze %dma_wait3A_379 : memref<1x16384xf32, #tpu.memory_space<vmem>> -> memref<16384xf32, #tpu.memory_space<vmem>>
    tpu.wait_dma2 semaphore(%arg13 : memref<!tpu.dma_semaphore, #tpu.memory_space<semaphore_mem>>) src(%dma_wait3A_380 : memref<16384xf32, #tpu.memory_space<vmem>>) dst(%dma_wait3A_377 : memref<16384xf32, #tpu.memory_space<hbm>>)
    %add3A_381 = arith.constant 8388608 : i32
    %add3A_382 = arith.addi %add3A_381, %mul3A_4 : i32
    %add3A_383 = arith.constant 32768 : i32
    %add3A_384 = arith.addi %add3A_382, %add3A_383 : i32
    %dma_start3A_385 = arith.constant 2 : i32
    %dma_start3A_386 = arith.constant 0 : i32
    %dma_start3A_387 = tpu.memref_slice %arg5[%dma_start3A_385, %dma_start3A_386] : memref<4x16384xf32, #tpu.memory_space<vmem>> -> memref<1x16384xf32, #tpu.memory_space<vmem>>
    %dma_start3A_388 = tpu.memref_squeeze %dma_start3A_387 : memref<1x16384xf32, #tpu.memory_space<vmem>> -> memref<16384xf32, #tpu.memory_space<vmem>>
    %dma_start3A_389 = tpu.memref_slice %arg2[%add3A_384] : memref<16777216xf32, #tpu.memory_space<hbm>> -> memref<16384xf32, #tpu.memory_space<hbm>>
    %dma_start3A_390 = arith.constant 0 : i32
    %dma_start3A_391 = tpu.memref_slice %arg5[%dma_start3A_385, %dma_start3A_390] : memref<4x16384xf32, #tpu.memory_space<vmem>> -> memref<1x16384xf32, #tpu.memory_space<vmem>>
    %dma_start3A_392 = tpu.memref_squeeze %dma_start3A_391 : memref<1x16384xf32, #tpu.memory_space<vmem>> -> memref<16384xf32, #tpu.memory_space<vmem>>
    %dma_start3A_393 = tpu.memref_slice %arg2[%add3A_384] : memref<16777216xf32, #tpu.memory_space<hbm>> -> memref<16384xf32, #tpu.memory_space<hbm>>
    tpu.enqueue_dma source(%dma_start3A_393 : memref<16384xf32, #tpu.memory_space<hbm>>) target(%dma_start3A_392 : memref<16384xf32, #tpu.memory_space<vmem>>) target_semaphore(%arg9 : memref<!tpu.dma_semaphore, #tpu.memory_space<semaphore_mem>>)
    %dma_wait3A_394 = arith.constant 3 : i32
    %dma_wait3A_395 = arith.constant 0 : i32
    %dma_wait3A_396 = tpu.memref_slice %arg5[%dma_wait3A_394, %dma_wait3A_395] : memref<4x16384xf32, #tpu.memory_space<vmem>> -> memref<1x16384xf32, #tpu.memory_space<vmem>>
    %dma_wait3A_397 = tpu.memref_squeeze %dma_wait3A_396 : memref<1x16384xf32, #tpu.memory_space<vmem>> -> memref<16384xf32, #tpu.memory_space<vmem>>
    %dma_wait3A_398 = tpu.memref_slice %arg2[%add3A_238] : memref<16777216xf32, #tpu.memory_space<hbm>> -> memref<16384xf32, #tpu.memory_space<hbm>>
    %dma_wait3A_399 = arith.constant 0 : i32
    %dma_wait3A_400 = tpu.memref_slice %arg5[%dma_wait3A_394, %dma_wait3A_399] : memref<4x16384xf32, #tpu.memory_space<vmem>> -> memref<1x16384xf32, #tpu.memory_space<vmem>>
    %dma_wait3A_401 = tpu.memref_squeeze %dma_wait3A_400 : memref<1x16384xf32, #tpu.memory_space<vmem>> -> memref<16384xf32, #tpu.memory_space<vmem>>
    %dma_wait3A_402 = tpu.memref_slice %arg2[%add3A_238] : memref<16777216xf32, #tpu.memory_space<hbm>> -> memref<16384xf32, #tpu.memory_space<hbm>>
    tpu.wait_dma2 semaphore(%arg10 : memref<!tpu.dma_semaphore, #tpu.memory_space<semaphore_mem>>) src(%dma_wait3A_402 : memref<16384xf32, #tpu.memory_space<hbm>>) dst(%dma_wait3A_401 : memref<16384xf32, #tpu.memory_space<vmem>>)
    %parallel_loop3A_403 = arith.constant 0 : i32
    %parallel_loop3A_404 = arith.constant 1024 : i32
    %parallel_loop3A_405 = arith.constant 1 : i32
    %parallel_loop3A_406 = arith.constant 3 : i32
    scf.for %parallel_loop3A_1554 = %parallel_loop3A_403 to %parallel_loop3A_404 step %parallel_loop3A_405  : i32 {
      %parallel_loop3A_1555 = arith.constant 16 : i32
      %parallel_loop3A_1556 = arith.muli %parallel_loop3A_1554, %parallel_loop3A_1555 : i32
      %parallel_loop3A_1557 = arith.constant 0 : i32
      %parallel_loop3A_1558 = tpu.memref_slice %arg5[%parallel_loop3A_406, %parallel_loop3A_1557] : memref<4x16384xf32, #tpu.memory_space<vmem>> -> memref<1x16384xf32, #tpu.memory_space<vmem>>
      %parallel_loop3A_1559 = tpu.memref_squeeze %parallel_loop3A_1558 : memref<1x16384xf32, #tpu.memory_space<vmem>> -> memref<16384xf32, #tpu.memory_space<vmem>>
      %parallel_loop3A_1560 = arith.index_cast %parallel_loop3A_1556 : i32 to index
      %parallel_loop3A_1561 = tpu.vector_load %parallel_loop3A_1559[%parallel_loop3A_1560] {strides = array<i32>} : memref<16384xf32, #tpu.memory_space<vmem>>, vector<16xf32>,
      %parallel_loop3A_1562 = vector.shape_cast %parallel_loop3A_1561 : vector<16xf32> to vector<16xf32>
      %parallel_loop3A_1563 = arith.index_cast %parallel_loop3A_1556 : i32 to index
      %parallel_loop3A_1564 = tpu.vector_load %arg6[%parallel_loop3A_1563] {strides = array<i32>} : memref<16384xf32, #tpu.memory_space<vmem>>, vector<16xf32>,
      %parallel_loop3A_1565 = vector.shape_cast %parallel_loop3A_1564 : vector<16xf32> to vector<16xf32>
      %parallel_loop3A_1566 = arith.addf %parallel_loop3A_1562, %parallel_loop3A_1565 : vector<16xf32>
      %parallel_loop3A_1567 = arith.constant 0 : i32
      %parallel_loop3A_1568 = tpu.memref_slice %arg5[%parallel_loop3A_406, %parallel_loop3A_1567] : memref<4x16384xf32, #tpu.memory_space<vmem>> -> memref<1x16384xf32, #tpu.memory_space<vmem>>
      %parallel_loop3A_1569 = tpu.memref_squeeze %parallel_loop3A_1568 : memref<1x16384xf32, #tpu.memory_space<vmem>> -> memref<16384xf32, #tpu.memory_space<vmem>>
      %parallel_loop3A_1570 = arith.index_cast %parallel_loop3A_1556 : i32 to index
      %parallel_loop3A_1571 = tpu.vector_load %parallel_loop3A_1569[%parallel_loop3A_1570] {strides = array<i32>} : memref<16384xf32, #tpu.memory_space<vmem>>, vector<16xf32>,
      %parallel_loop3A_1572 = vector.shape_cast %parallel_loop3A_1571 : vector<16xf32> to vector<16xf32>
      %parallel_loop3A_1573 = vector.shape_cast %parallel_loop3A_1566 : vector<16xf32> to vector<16xf32>
      tpu.vector_store %parallel_loop3A_1569[%parallel_loop3A_1570], %parallel_loop3A_1573 {strides = array<i32>} : memref<16384xf32, #tpu.memory_space<vmem>>, vector<16xf32>,
    } {sc.loop_unroll_factor = 8 : i64, sc.parallel_access}
    %add3A_407 = arith.constant 12582912 : i32
    %add3A_408 = arith.addi %add3A_407, %mul3A_4 : i32
    %add3A_409 = arith.constant 16384 : i32
    %add3A_410 = arith.addi %add3A_408, %add3A_409 : i32
    %dma_start3A_411 = arith.constant 3 : i32
    %dma_start3A_412 = arith.constant 0 : i32
    %dma_start3A_413 = tpu.memref_slice %arg5[%dma_start3A_411, %dma_start3A_412] : memref<4x16384xf32, #tpu.memory_space<vmem>> -> memref<1x16384xf32, #tpu.memory_space<vmem>>
    %dma_start3A_414 = tpu.memref_squeeze %dma_start3A_413 : memref<1x16384xf32, #tpu.memory_space<vmem>> -> memref<16384xf32, #tpu.memory_space<vmem>>
    %dma_start3A_415 = tpu.memref_slice %arg4[%add3A_410] : memref<16777216xf32, #tpu.memory_space<hbm>> -> memref<16384xf32, #tpu.memory_space<hbm>>
    %dma_start3A_416 = tpu.memref_slice %arg4[%add3A_410] : memref<16777216xf32, #tpu.memory_space<hbm>> -> memref<16384xf32, #tpu.memory_space<hbm>>
    %dma_start3A_417 = arith.constant 0 : i32
    %dma_start3A_418 = tpu.memref_slice %arg5[%dma_start3A_411, %dma_start3A_417] : memref<4x16384xf32, #tpu.memory_space<vmem>> -> memref<1x16384xf32, #tpu.memory_space<vmem>>
    %dma_start3A_419 = tpu.memref_squeeze %dma_start3A_418 : memref<1x16384xf32, #tpu.memory_space<vmem>> -> memref<16384xf32, #tpu.memory_space<vmem>>
    tpu.enqueue_dma source(%dma_start3A_419 : memref<16384xf32, #tpu.memory_space<vmem>>) target(%dma_start3A_416 : memref<16384xf32, #tpu.memory_space<hbm>>) target_semaphore(%arg14 : memref<!tpu.dma_semaphore, #tpu.memory_space<semaphore_mem>>)
    %dma_wait3A_420 = arith.constant 3 : i32
    %dma_wait3A_421 = arith.constant 0 : i32
    %dma_wait3A_422 = tpu.memref_slice %arg5[%dma_wait3A_420, %dma_wait3A_421] : memref<4x16384xf32, #tpu.memory_space<vmem>> -> memref<1x16384xf32, #tpu.memory_space<vmem>>
    %dma_wait3A_423 = tpu.memref_squeeze %dma_wait3A_422 : memref<1x16384xf32, #tpu.memory_space<vmem>> -> memref<16384xf32, #tpu.memory_space<vmem>>
    %dma_wait3A_424 = tpu.memref_slice %arg4[%add3A_410] : memref<16777216xf32, #tpu.memory_space<hbm>> -> memref<16384xf32, #tpu.memory_space<hbm>>
    %dma_wait3A_425 = tpu.memref_slice %arg4[%add3A_410] : memref<16777216xf32, #tpu.memory_space<hbm>> -> memref<16384xf32, #tpu.memory_space<hbm>>
    %dma_wait3A_426 = arith.constant 0 : i32
    %dma_wait3A_427 = tpu.memref_slice %arg5[%dma_wait3A_420, %dma_wait3A_426] : memref<4x16384xf32, #tpu.memory_space<vmem>> -> memref<1x16384xf32, #tpu.memory_space<vmem>>
    %dma_wait3A_428 = tpu.memref_squeeze %dma_wait3A_427 : memref<1x16384xf32, #tpu.memory_space<vmem>> -> memref<16384xf32, #tpu.memory_space<vmem>>
    tpu.wait_dma2 semaphore(%arg14 : memref<!tpu.dma_semaphore, #tpu.memory_space<semaphore_mem>>) src(%dma_wait3A_428 : memref<16384xf32, #tpu.memory_space<vmem>>) dst(%dma_wait3A_425 : memref<16384xf32, #tpu.memory_space<hbm>>)
    %add3A_429 = arith.constant 12582912 : i32
    %add3A_430 = arith.addi %add3A_429, %mul3A_4 : i32
    %add3A_431 = arith.constant 32768 : i32
    %add3A_432 = arith.addi %add3A_430, %add3A_431 : i32
    %dma_start3A_433 = arith.constant 3 : i32
    %dma_start3A_434 = arith.constant 0 : i32
    %dma_start3A_435 = tpu.memref_slice %arg5[%dma_start3A_433, %dma_start3A_434] : memref<4x16384xf32, #tpu.memory_space<vmem>> -> memref<1x16384xf32, #tpu.memory_space<vmem>>
    %dma_start3A_436 = tpu.memref_squeeze %dma_start3A_435 : memref<1x16384xf32, #tpu.memory_space<vmem>> -> memref<16384xf32, #tpu.memory_space<vmem>>
    %dma_start3A_437 = tpu.memref_slice %arg2[%add3A_432] : memref<16777216xf32, #tpu.memory_space<hbm>> -> memref<16384xf32, #tpu.memory_space<hbm>>
    %dma_start3A_438 = arith.constant 0 : i32
    %dma_start3A_439 = tpu.memref_slice %arg5[%dma_start3A_433, %dma_start3A_438] : memref<4x16384xf32, #tpu.memory_space<vmem>> -> memref<1x16384xf32, #tpu.memory_space<vmem>>
    %dma_start3A_440 = tpu.memref_squeeze %dma_start3A_439 : memref<1x16384xf32, #tpu.memory_space<vmem>> -> memref<16384xf32, #tpu.memory_space<vmem>>
    %dma_start3A_441 = tpu.memref_slice %arg2[%add3A_432] : memref<16777216xf32, #tpu.memory_space<hbm>> -> memref<16384xf32, #tpu.memory_space<hbm>>
    tpu.enqueue_dma source(%dma_start3A_441 : memref<16384xf32, #tpu.memory_space<hbm>>) target(%dma_start3A_440 : memref<16384xf32, #tpu.memory_space<vmem>>) target_semaphore(%arg10 : memref<!tpu.dma_semaphore, #tpu.memory_space<semaphore_mem>>)
    %add3A_442 = arith.constant 32768 : i32
    %add3A_443 = arith.addi %mul3A_4, %add3A_442 : i32
    "tpu.region"() ({
      %run_scoped3A = tpu.sem_alloc : memref<!tpu.dma_semaphore, #tpu.memory_space<semaphore_mem>>
      %dma_start3A_1554 = tpu.memref_slice %arg3[%add3A_443] : memref<4194304xf32, #tpu.memory_space<hbm>> -> memref<16384xf32, #tpu.memory_space<hbm>>
      %dma_start3A_1555 = tpu.memref_slice %arg3[%add3A_443] : memref<4194304xf32, #tpu.memory_space<hbm>> -> memref<16384xf32, #tpu.memory_space<hbm>>
      tpu.enqueue_dma source(%dma_start3A_1555 : memref<16384xf32, #tpu.memory_space<hbm>>) target(%arg6 : memref<16384xf32, #tpu.memory_space<vmem>>) target_semaphore(%run_scoped3A : memref<!tpu.dma_semaphore, #tpu.memory_space<semaphore_mem>>)
      %dma_wait3A_1556 = tpu.memref_slice %arg3[%add3A_443] : memref<4194304xf32, #tpu.memory_space<hbm>> -> memref<16384xf32, #tpu.memory_space<hbm>>
      %dma_wait3A_1557 = tpu.memref_slice %arg3[%add3A_443] : memref<4194304xf32, #tpu.memory_space<hbm>> -> memref<16384xf32, #tpu.memory_space<hbm>>
      tpu.wait_dma2 semaphore(%run_scoped3A : memref<!tpu.dma_semaphore, #tpu.memory_space<semaphore_mem>>) src(%dma_wait3A_1557 : memref<16384xf32, #tpu.memory_space<hbm>>) dst(%arg6 : memref<16384xf32, #tpu.memory_space<vmem>>)
      tpu.yield
    }) : () -> ()
    %dma_wait3A_444 = arith.constant 0 : i32
    %dma_wait3A_445 = arith.constant 0 : i32
    %dma_wait3A_446 = tpu.memref_slice %arg5[%dma_wait3A_444, %dma_wait3A_445] : memref<4x16384xf32, #tpu.memory_space<vmem>> -> memref<1x16384xf32, #tpu.memory_space<vmem>>
    %dma_wait3A_447 = tpu.memref_squeeze %dma_wait3A_446 : memref<1x16384xf32, #tpu.memory_space<vmem>> -> memref<16384xf32, #tpu.memory_space<vmem>>
    %dma_wait3A_448 = tpu.memref_slice %arg2[%add3A_288] : memref<16777216xf32, #tpu.memory_space<hbm>> -> memref<16384xf32, #tpu.memory_space<hbm>>
    %dma_wait3A_449 = arith.constant 0 : i32
    %dma_wait3A_450 = tpu.memref_slice %arg5[%dma_wait3A_444, %dma_wait3A_449] : memref<4x16384xf32, #tpu.memory_space<vmem>> -> memref<1x16384xf32, #tpu.memory_space<vmem>>
    %dma_wait3A_451 = tpu.memref_squeeze %dma_wait3A_450 : memref<1x16384xf32, #tpu.memory_space<vmem>> -> memref<16384xf32, #tpu.memory_space<vmem>>
    %dma_wait3A_452 = tpu.memref_slice %arg2[%add3A_288] : memref<16777216xf32, #tpu.memory_space<hbm>> -> memref<16384xf32, #tpu.memory_space<hbm>>
    tpu.wait_dma2 semaphore(%arg7 : memref<!tpu.dma_semaphore, #tpu.memory_space<semaphore_mem>>) src(%dma_wait3A_452 : memref<16384xf32, #tpu.memory_space<hbm>>) dst(%dma_wait3A_451 : memref<16384xf32, #tpu.memory_space<vmem>>)
    %parallel_loop3A_453 = arith.constant 0 : i32
    %parallel_loop3A_454 = arith.constant 1024 : i32
    %parallel_loop3A_455 = arith.constant 1 : i32
    %parallel_loop3A_456 = arith.constant 0 : i32
    scf.for %parallel_loop3A_1554 = %parallel_loop3A_453 to %parallel_loop3A_454 step %parallel_loop3A_455  : i32 {
      %parallel_loop3A_1555 = arith.constant 16 : i32
      %parallel_loop3A_1556 = arith.muli %parallel_loop3A_1554, %parallel_loop3A_1555 : i32
      %parallel_loop3A_1557 = arith.constant 0 : i32
      %parallel_loop3A_1558 = tpu.memref_slice %arg5[%parallel_loop3A_456, %parallel_loop3A_1557] : memref<4x16384xf32, #tpu.memory_space<vmem>> -> memref<1x16384xf32, #tpu.memory_space<vmem>>
      %parallel_loop3A_1559 = tpu.memref_squeeze %parallel_loop3A_1558 : memref<1x16384xf32, #tpu.memory_space<vmem>> -> memref<16384xf32, #tpu.memory_space<vmem>>
      %parallel_loop3A_1560 = arith.index_cast %parallel_loop3A_1556 : i32 to index
      %parallel_loop3A_1561 = tpu.vector_load %parallel_loop3A_1559[%parallel_loop3A_1560] {strides = array<i32>} : memref<16384xf32, #tpu.memory_space<vmem>>, vector<16xf32>,
      %parallel_loop3A_1562 = vector.shape_cast %parallel_loop3A_1561 : vector<16xf32> to vector<16xf32>
      %parallel_loop3A_1563 = arith.index_cast %parallel_loop3A_1556 : i32 to index
      %parallel_loop3A_1564 = tpu.vector_load %arg6[%parallel_loop3A_1563] {strides = array<i32>} : memref<16384xf32, #tpu.memory_space<vmem>>, vector<16xf32>,
      %parallel_loop3A_1565 = vector.shape_cast %parallel_loop3A_1564 : vector<16xf32> to vector<16xf32>
      %parallel_loop3A_1566 = arith.addf %parallel_loop3A_1562, %parallel_loop3A_1565 : vector<16xf32>
      %parallel_loop3A_1567 = arith.constant 0 : i32
      %parallel_loop3A_1568 = tpu.memref_slice %arg5[%parallel_loop3A_456, %parallel_loop3A_1567] : memref<4x16384xf32, #tpu.memory_space<vmem>> -> memref<1x16384xf32, #tpu.memory_space<vmem>>
      %parallel_loop3A_1569 = tpu.memref_squeeze %parallel_loop3A_1568 : memref<1x16384xf32, #tpu.memory_space<vmem>> -> memref<16384xf32, #tpu.memory_space<vmem>>
      %parallel_loop3A_1570 = arith.index_cast %parallel_loop3A_1556 : i32 to index
      %parallel_loop3A_1571 = tpu.vector_load %parallel_loop3A_1569[%parallel_loop3A_1570] {strides = array<i32>} : memref<16384xf32, #tpu.memory_space<vmem>>, vector<16xf32>,
      %parallel_loop3A_1572 = vector.shape_cast %parallel_loop3A_1571 : vector<16xf32> to vector<16xf32>
      %parallel_loop3A_1573 = vector.shape_cast %parallel_loop3A_1566 : vector<16xf32> to vector<16xf32>
      tpu.vector_store %parallel_loop3A_1569[%parallel_loop3A_1570], %parallel_loop3A_1573 {strides = array<i32>} : memref<16384xf32, #tpu.memory_space<vmem>>, vector<16xf32>,
    } {sc.loop_unroll_factor = 8 : i64, sc.parallel_access}
    %add3A_457 = arith.constant 0 : i32
    %add3A_458 = arith.addi %add3A_457, %mul3A_4 : i32
    %add3A_459 = arith.constant 32768 : i32
    %add3A_460 = arith.addi %add3A_458, %add3A_459 : i32
    %dma_start3A_461 = arith.constant 0 : i32
    %dma_start3A_462 = arith.constant 0 : i32
    %dma_start3A_463 = tpu.memref_slice %arg5[%dma_start3A_461, %dma_start3A_462] : memref<4x16384xf32, #tpu.memory_space<vmem>> -> memref<1x16384xf32, #tpu.memory_space<vmem>>
    %dma_start3A_464 = tpu.memref_squeeze %dma_start3A_463 : memref<1x16384xf32, #tpu.memory_space<vmem>> -> memref<16384xf32, #tpu.memory_space<vmem>>
    %dma_start3A_465 = tpu.memref_slice %arg4[%add3A_460] : memref<16777216xf32, #tpu.memory_space<hbm>> -> memref<16384xf32, #tpu.memory_space<hbm>>
    %dma_start3A_466 = tpu.memref_slice %arg4[%add3A_460] : memref<16777216xf32, #tpu.memory_space<hbm>> -> memref<16384xf32, #tpu.memory_space<hbm>>
    %dma_start3A_467 = arith.constant 0 : i32
    %dma_start3A_468 = tpu.memref_slice %arg5[%dma_start3A_461, %dma_start3A_467] : memref<4x16384xf32, #tpu.memory_space<vmem>> -> memref<1x16384xf32, #tpu.memory_space<vmem>>
    %dma_start3A_469 = tpu.memref_squeeze %dma_start3A_468 : memref<1x16384xf32, #tpu.memory_space<vmem>> -> memref<16384xf32, #tpu.memory_space<vmem>>
    tpu.enqueue_dma source(%dma_start3A_469 : memref<16384xf32, #tpu.memory_space<vmem>>) target(%dma_start3A_466 : memref<16384xf32, #tpu.memory_space<hbm>>) target_semaphore(%arg11 : memref<!tpu.dma_semaphore, #tpu.memory_space<semaphore_mem>>)
    %dma_wait3A_470 = arith.constant 0 : i32
    %dma_wait3A_471 = arith.constant 0 : i32
    %dma_wait3A_472 = tpu.memref_slice %arg5[%dma_wait3A_470, %dma_wait3A_471] : memref<4x16384xf32, #tpu.memory_space<vmem>> -> memref<1x16384xf32, #tpu.memory_space<vmem>>
    %dma_wait3A_473 = tpu.memref_squeeze %dma_wait3A_472 : memref<1x16384xf32, #tpu.memory_space<vmem>> -> memref<16384xf32, #tpu.memory_space<vmem>>
    %dma_wait3A_474 = tpu.memref_slice %arg4[%add3A_460] : memref<16777216xf32, #tpu.memory_space<hbm>> -> memref<16384xf32, #tpu.memory_space<hbm>>
    %dma_wait3A_475 = tpu.memref_slice %arg4[%add3A_460] : memref<16777216xf32, #tpu.memory_space<hbm>> -> memref<16384xf32, #tpu.memory_space<hbm>>
    %dma_wait3A_476 = arith.constant 0 : i32
    %dma_wait3A_477 = tpu.memref_slice %arg5[%dma_wait3A_470, %dma_wait3A_476] : memref<4x16384xf32, #tpu.memory_space<vmem>> -> memref<1x16384xf32, #tpu.memory_space<vmem>>
    %dma_wait3A_478 = tpu.memref_squeeze %dma_wait3A_477 : memref<1x16384xf32, #tpu.memory_space<vmem>> -> memref<16384xf32, #tpu.memory_space<vmem>>
    tpu.wait_dma2 semaphore(%arg11 : memref<!tpu.dma_semaphore, #tpu.memory_space<semaphore_mem>>) src(%dma_wait3A_478 : memref<16384xf32, #tpu.memory_space<vmem>>) dst(%dma_wait3A_475 : memref<16384xf32, #tpu.memory_space<hbm>>)
    %add3A_479 = arith.constant 0 : i32
    %add3A_480 = arith.addi %add3A_479, %mul3A_4 : i32
    %add3A_481 = arith.constant 49152 : i32
    %add3A_482 = arith.addi %add3A_480, %add3A_481 : i32
    %dma_start3A_483 = arith.constant 0 : i32
    %dma_start3A_484 = arith.constant 0 : i32
    %dma_start3A_485 = tpu.memref_slice %arg5[%dma_start3A_483, %dma_start3A_484] : memref<4x16384xf32, #tpu.memory_space<vmem>> -> memref<1x16384xf32, #tpu.memory_space<vmem>>
    %dma_start3A_486 = tpu.memref_squeeze %dma_start3A_485 : memref<1x16384xf32, #tpu.memory_space<vmem>> -> memref<16384xf32, #tpu.memory_space<vmem>>
    %dma_start3A_487 = tpu.memref_slice %arg2[%add3A_482] : memref<16777216xf32, #tpu.memory_space<hbm>> -> memref<16384xf32, #tpu.memory_space<hbm>>
    %dma_start3A_488 = arith.constant 0 : i32
    %dma_start3A_489 = tpu.memref_slice %arg5[%dma_start3A_483, %dma_start3A_488] : memref<4x16384xf32, #tpu.memory_space<vmem>> -> memref<1x16384xf32, #tpu.memory_space<vmem>>
    %dma_start3A_490 = tpu.memref_squeeze %dma_start3A_489 : memref<1x16384xf32, #tpu.memory_space<vmem>> -> memref<16384xf32, #tpu.memory_space<vmem>>
    %dma_start3A_491 = tpu.memref_slice %arg2[%add3A_482] : memref<16777216xf32, #tpu.memory_space<hbm>> -> memref<16384xf32, #tpu.memory_space<hbm>>
    tpu.enqueue_dma source(%dma_start3A_491 : memref<16384xf32, #tpu.memory_space<hbm>>) target(%dma_start3A_490 : memref<16384xf32, #tpu.memory_space<vmem>>) target_semaphore(%arg7 : memref<!tpu.dma_semaphore, #tpu.memory_space<semaphore_mem>>)
    %dma_wait3A_492 = arith.constant 1 : i32
    %dma_wait3A_493 = arith.constant 0 : i32
    %dma_wait3A_494 = tpu.memref_slice %arg5[%dma_wait3A_492, %dma_wait3A_493] : memref<4x16384xf32, #tpu.memory_space<vmem>> -> memref<1x16384xf32, #tpu.memory_space<vmem>>
    %dma_wait3A_495 = tpu.memref_squeeze %dma_wait3A_494 : memref<1x16384xf32, #tpu.memory_space<vmem>> -> memref<16384xf32, #tpu.memory_space<vmem>>
    %dma_wait3A_496 = tpu.memref_slice %arg2[%add3A_336] : memref<16777216xf32, #tpu.memory_space<hbm>> -> memref<16384xf32, #tpu.memory_space<hbm>>
    %dma_wait3A_497 = arith.constant 0 : i32
    %dma_wait3A_498 = tpu.memref_slice %arg5[%dma_wait3A_492, %dma_wait3A_497] : memref<4x16384xf32, #tpu.memory_space<vmem>> -> memref<1x16384xf32, #tpu.memory_space<vmem>>
    %dma_wait3A_499 = tpu.memref_squeeze %dma_wait3A_498 : memref<1x16384xf32, #tpu.memory_space<vmem>> -> memref<16384xf32, #tpu.memory_space<vmem>>
    %dma_wait3A_500 = tpu.memref_slice %arg2[%add3A_336] : memref<16777216xf32, #tpu.memory_space<hbm>> -> memref<16384xf32, #tpu.memory_space<hbm>>
    tpu.wait_dma2 semaphore(%arg8 : memref<!tpu.dma_semaphore, #tpu.memory_space<semaphore_mem>>) src(%dma_wait3A_500 : memref<16384xf32, #tpu.memory_space<hbm>>) dst(%dma_wait3A_499 : memref<16384xf32, #tpu.memory_space<vmem>>)
    %parallel_loop3A_501 = arith.constant 0 : i32
    %parallel_loop3A_502 = arith.constant 1024 : i32
    %parallel_loop3A_503 = arith.constant 1 : i32
    %parallel_loop3A_504 = arith.constant 1 : i32
    scf.for %parallel_loop3A_1554 = %parallel_loop3A_501 to %parallel_loop3A_502 step %parallel_loop3A_503  : i32 {
      %parallel_loop3A_1555 = arith.constant 16 : i32
      %parallel_loop3A_1556 = arith.muli %parallel_loop3A_1554, %parallel_loop3A_1555 : i32
      %parallel_loop3A_1557 = arith.constant 0 : i32
      %parallel_loop3A_1558 = tpu.memref_slice %arg5[%parallel_loop3A_504, %parallel_loop3A_1557] : memref<4x16384xf32, #tpu.memory_space<vmem>> -> memref<1x16384xf32, #tpu.memory_space<vmem>>
      %parallel_loop3A_1559 = tpu.memref_squeeze %parallel_loop3A_1558 : memref<1x16384xf32, #tpu.memory_space<vmem>> -> memref<16384xf32, #tpu.memory_space<vmem>>
      %parallel_loop3A_1560 = arith.index_cast %parallel_loop3A_1556 : i32 to index
      %parallel_loop3A_1561 = tpu.vector_load %parallel_loop3A_1559[%parallel_loop3A_1560] {strides = array<i32>} : memref<16384xf32, #tpu.memory_space<vmem>>, vector<16xf32>,
      %parallel_loop3A_1562 = vector.shape_cast %parallel_loop3A_1561 : vector<16xf32> to vector<16xf32>
      %parallel_loop3A_1563 = arith.index_cast %parallel_loop3A_1556 : i32 to index
      %parallel_loop3A_1564 = tpu.vector_load %arg6[%parallel_loop3A_1563] {strides = array<i32>} : memref<16384xf32, #tpu.memory_space<vmem>>, vector<16xf32>,
      %parallel_loop3A_1565 = vector.shape_cast %parallel_loop3A_1564 : vector<16xf32> to vector<16xf32>
      %parallel_loop3A_1566 = arith.addf %parallel_loop3A_1562, %parallel_loop3A_1565 : vector<16xf32>
      %parallel_loop3A_1567 = arith.constant 0 : i32
      %parallel_loop3A_1568 = tpu.memref_slice %arg5[%parallel_loop3A_504, %parallel_loop3A_1567] : memref<4x16384xf32, #tpu.memory_space<vmem>> -> memref<1x16384xf32, #tpu.memory_space<vmem>>
      %parallel_loop3A_1569 = tpu.memref_squeeze %parallel_loop3A_1568 : memref<1x16384xf32, #tpu.memory_space<vmem>> -> memref<16384xf32, #tpu.memory_space<vmem>>
      %parallel_loop3A_1570 = arith.index_cast %parallel_loop3A_1556 : i32 to index
      %parallel_loop3A_1571 = tpu.vector_load %parallel_loop3A_1569[%parallel_loop3A_1570] {strides = array<i32>} : memref<16384xf32, #tpu.memory_space<vmem>>, vector<16xf32>,
      %parallel_loop3A_1572 = vector.shape_cast %parallel_loop3A_1571 : vector<16xf32> to vector<16xf32>
      %parallel_loop3A_1573 = vector.shape_cast %parallel_loop3A_1566 : vector<16xf32> to vector<16xf32>
      tpu.vector_store %parallel_loop3A_1569[%parallel_loop3A_1570], %parallel_loop3A_1573 {strides = array<i32>} : memref<16384xf32, #tpu.memory_space<vmem>>, vector<16xf32>,
    } {sc.loop_unroll_factor = 8 : i64, sc.parallel_access}
    %add3A_505 = arith.constant 4194304 : i32
    %add3A_506 = arith.addi %add3A_505, %mul3A_4 : i32
    %add3A_507 = arith.constant 32768 : i32
    %add3A_508 = arith.addi %add3A_506, %add3A_507 : i32
    %dma_start3A_509 = arith.constant 1 : i32
    %dma_start3A_510 = arith.constant 0 : i32
    %dma_start3A_511 = tpu.memref_slice %arg5[%dma_start3A_509, %dma_start3A_510] : memref<4x16384xf32, #tpu.memory_space<vmem>> -> memref<1x16384xf32, #tpu.memory_space<vmem>>
    %dma_start3A_512 = tpu.memref_squeeze %dma_start3A_511 : memref<1x16384xf32, #tpu.memory_space<vmem>> -> memref<16384xf32, #tpu.memory_space<vmem>>
    %dma_start3A_513 = tpu.memref_slice %arg4[%add3A_508] : memref<16777216xf32, #tpu.memory_space<hbm>> -> memref<16384xf32, #tpu.memory_space<hbm>>
    %dma_start3A_514 = tpu.memref_slice %arg4[%add3A_508] : memref<16777216xf32, #tpu.memory_space<hbm>> -> memref<16384xf32, #tpu.memory_space<hbm>>
    %dma_start3A_515 = arith.constant 0 : i32
    %dma_start3A_516 = tpu.memref_slice %arg5[%dma_start3A_509, %dma_start3A_515] : memref<4x16384xf32, #tpu.memory_space<vmem>> -> memref<1x16384xf32, #tpu.memory_space<vmem>>
    %dma_start3A_517 = tpu.memref_squeeze %dma_start3A_516 : memref<1x16384xf32, #tpu.memory_space<vmem>> -> memref<16384xf32, #tpu.memory_space<vmem>>
    tpu.enqueue_dma source(%dma_start3A_517 : memref<16384xf32, #tpu.memory_space<vmem>>) target(%dma_start3A_514 : memref<16384xf32, #tpu.memory_space<hbm>>) target_semaphore(%arg12 : memref<!tpu.dma_semaphore, #tpu.memory_space<semaphore_mem>>)
    %dma_wait3A_518 = arith.constant 1 : i32
    %dma_wait3A_519 = arith.constant 0 : i32
    %dma_wait3A_520 = tpu.memref_slice %arg5[%dma_wait3A_518, %dma_wait3A_519] : memref<4x16384xf32, #tpu.memory_space<vmem>> -> memref<1x16384xf32, #tpu.memory_space<vmem>>
    %dma_wait3A_521 = tpu.memref_squeeze %dma_wait3A_520 : memref<1x16384xf32, #tpu.memory_space<vmem>> -> memref<16384xf32, #tpu.memory_space<vmem>>
    %dma_wait3A_522 = tpu.memref_slice %arg4[%add3A_508] : memref<16777216xf32, #tpu.memory_space<hbm>> -> memref<16384xf32, #tpu.memory_space<hbm>>
    %dma_wait3A_523 = tpu.memref_slice %arg4[%add3A_508] : memref<16777216xf32, #tpu.memory_space<hbm>> -> memref<16384xf32, #tpu.memory_space<hbm>>
    %dma_wait3A_524 = arith.constant 0 : i32
    %dma_wait3A_525 = tpu.memref_slice %arg5[%dma_wait3A_518, %dma_wait3A_524] : memref<4x16384xf32, #tpu.memory_space<vmem>> -> memref<1x16384xf32, #tpu.memory_space<vmem>>
    %dma_wait3A_526 = tpu.memref_squeeze %dma_wait3A_525 : memref<1x16384xf32, #tpu.memory_space<vmem>> -> memref<16384xf32, #tpu.memory_space<vmem>>
    tpu.wait_dma2 semaphore(%arg12 : memref<!tpu.dma_semaphore, #tpu.memory_space<semaphore_mem>>) src(%dma_wait3A_526 : memref<16384xf32, #tpu.memory_space<vmem>>) dst(%dma_wait3A_523 : memref<16384xf32, #tpu.memory_space<hbm>>)
    %add3A_527 = arith.constant 4194304 : i32
    %add3A_528 = arith.addi %add3A_527, %mul3A_4 : i32
    %add3A_529 = arith.constant 49152 : i32
    %add3A_530 = arith.addi %add3A_528, %add3A_529 : i32
    %dma_start3A_531 = arith.constant 1 : i32
    %dma_start3A_532 = arith.constant 0 : i32
    %dma_start3A_533 = tpu.memref_slice %arg5[%dma_start3A_531, %dma_start3A_532] : memref<4x16384xf32, #tpu.memory_space<vmem>> -> memref<1x16384xf32, #tpu.memory_space<vmem>>
    %dma_start3A_534 = tpu.memref_squeeze %dma_start3A_533 : memref<1x16384xf32, #tpu.memory_space<vmem>> -> memref<16384xf32, #tpu.memory_space<vmem>>
    %dma_start3A_535 = tpu.memref_slice %arg2[%add3A_530] : memref<16777216xf32, #tpu.memory_space<hbm>> -> memref<16384xf32, #tpu.memory_space<hbm>>
    %dma_start3A_536 = arith.constant 0 : i32
    %dma_start3A_537 = tpu.memref_slice %arg5[%dma_start3A_531, %dma_start3A_536] : memref<4x16384xf32, #tpu.memory_space<vmem>> -> memref<1x16384xf32, #tpu.memory_space<vmem>>
    %dma_start3A_538 = tpu.memref_squeeze %dma_start3A_537 : memref<1x16384xf32, #tpu.memory_space<vmem>> -> memref<16384xf32, #tpu.memory_space<vmem>>
    %dma_start3A_539 = tpu.memref_slice %arg2[%add3A_530] : memref<16777216xf32, #tpu.memory_space<hbm>> -> memref<16384xf32, #tpu.memory_space<hbm>>
    tpu.enqueue_dma source(%dma_start3A_539 : memref<16384xf32, #tpu.memory_space<hbm>>) target(%dma_start3A_538 : memref<16384xf32, #tpu.memory_space<vmem>>) target_semaphore(%arg8 : memref<!tpu.dma_semaphore, #tpu.memory_space<semaphore_mem>>)
    %dma_wait3A_540 = arith.constant 2 : i32
    %dma_wait3A_541 = arith.constant 0 : i32
    %dma_wait3A_542 = tpu.memref_slice %arg5[%dma_wait3A_540, %dma_wait3A_541] : memref<4x16384xf32, #tpu.memory_space<vmem>> -> memref<1x16384xf32, #tpu.memory_space<vmem>>
    %dma_wait3A_543 = tpu.memref_squeeze %dma_wait3A_542 : memref<1x16384xf32, #tpu.memory_space<vmem>> -> memref<16384xf32, #tpu.memory_space<vmem>>
    %dma_wait3A_544 = tpu.memref_slice %arg2[%add3A_384] : memref<16777216xf32, #tpu.memory_space<hbm>> -> memref<16384xf32, #tpu.memory_space<hbm>>
    %dma_wait3A_545 = arith.constant 0 : i32
    %dma_wait3A_546 = tpu.memref_slice %arg5[%dma_wait3A_540, %dma_wait3A_545] : memref<4x16384xf32, #tpu.memory_space<vmem>> -> memref<1x16384xf32, #tpu.memory_space<vmem>>
    %dma_wait3A_547 = tpu.memref_squeeze %dma_wait3A_546 : memref<1x16384xf32, #tpu.memory_space<vmem>> -> memref<16384xf32, #tpu.memory_space<vmem>>
    %dma_wait3A_548 = tpu.memref_slice %arg2[%add3A_384] : memref<16777216xf32, #tpu.memory_space<hbm>> -> memref<16384xf32, #tpu.memory_space<hbm>>
    tpu.wait_dma2 semaphore(%arg9 : memref<!tpu.dma_semaphore, #tpu.memory_space<semaphore_mem>>) src(%dma_wait3A_548 : memref<16384xf32, #tpu.memory_space<hbm>>) dst(%dma_wait3A_547 : memref<16384xf32, #tpu.memory_space<vmem>>)
    %parallel_loop3A_549 = arith.constant 0 : i32
    %parallel_loop3A_550 = arith.constant 1024 : i32
    %parallel_loop3A_551 = arith.constant 1 : i32
    %parallel_loop3A_552 = arith.constant 2 : i32
    scf.for %parallel_loop3A_1554 = %parallel_loop3A_549 to %parallel_loop3A_550 step %parallel_loop3A_551  : i32 {
      %parallel_loop3A_1555 = arith.constant 16 : i32
      %parallel_loop3A_1556 = arith.muli %parallel_loop3A_1554, %parallel_loop3A_1555 : i32
      %parallel_loop3A_1557 = arith.constant 0 : i32
      %parallel_loop3A_1558 = tpu.memref_slice %arg5[%parallel_loop3A_552, %parallel_loop3A_1557] : memref<4x16384xf32, #tpu.memory_space<vmem>> -> memref<1x16384xf32, #tpu.memory_space<vmem>>
      %parallel_loop3A_1559 = tpu.memref_squeeze %parallel_loop3A_1558 : memref<1x16384xf32, #tpu.memory_space<vmem>> -> memref<16384xf32, #tpu.memory_space<vmem>>
      %parallel_loop3A_1560 = arith.index_cast %parallel_loop3A_1556 : i32 to index
      %parallel_loop3A_1561 = tpu.vector_load %parallel_loop3A_1559[%parallel_loop3A_1560] {strides = array<i32>} : memref<16384xf32, #tpu.memory_space<vmem>>, vector<16xf32>,
      %parallel_loop3A_1562 = vector.shape_cast %parallel_loop3A_1561 : vector<16xf32> to vector<16xf32>
      %parallel_loop3A_1563 = arith.index_cast %parallel_loop3A_1556 : i32 to index
      %parallel_loop3A_1564 = tpu.vector_load %arg6[%parallel_loop3A_1563] {strides = array<i32>} : memref<16384xf32, #tpu.memory_space<vmem>>, vector<16xf32>,
      %parallel_loop3A_1565 = vector.shape_cast %parallel_loop3A_1564 : vector<16xf32> to vector<16xf32>
      %parallel_loop3A_1566 = arith.addf %parallel_loop3A_1562, %parallel_loop3A_1565 : vector<16xf32>
      %parallel_loop3A_1567 = arith.constant 0 : i32
      %parallel_loop3A_1568 = tpu.memref_slice %arg5[%parallel_loop3A_552, %parallel_loop3A_1567] : memref<4x16384xf32, #tpu.memory_space<vmem>> -> memref<1x16384xf32, #tpu.memory_space<vmem>>
      %parallel_loop3A_1569 = tpu.memref_squeeze %parallel_loop3A_1568 : memref<1x16384xf32, #tpu.memory_space<vmem>> -> memref<16384xf32, #tpu.memory_space<vmem>>
      %parallel_loop3A_1570 = arith.index_cast %parallel_loop3A_1556 : i32 to index
      %parallel_loop3A_1571 = tpu.vector_load %parallel_loop3A_1569[%parallel_loop3A_1570] {strides = array<i32>} : memref<16384xf32, #tpu.memory_space<vmem>>, vector<16xf32>,
      %parallel_loop3A_1572 = vector.shape_cast %parallel_loop3A_1571 : vector<16xf32> to vector<16xf32>
      %parallel_loop3A_1573 = vector.shape_cast %parallel_loop3A_1566 : vector<16xf32> to vector<16xf32>
      tpu.vector_store %parallel_loop3A_1569[%parallel_loop3A_1570], %parallel_loop3A_1573 {strides = array<i32>} : memref<16384xf32, #tpu.memory_space<vmem>>, vector<16xf32>,
    } {sc.loop_unroll_factor = 8 : i64, sc.parallel_access}
    %add3A_553 = arith.constant 8388608 : i32
    %add3A_554 = arith.addi %add3A_553, %mul3A_4 : i32
    %add3A_555 = arith.constant 32768 : i32
    %add3A_556 = arith.addi %add3A_554, %add3A_555 : i32
    %dma_start3A_557 = arith.constant 2 : i32
    %dma_start3A_558 = arith.constant 0 : i32
    %dma_start3A_559 = tpu.memref_slice %arg5[%dma_start3A_557, %dma_start3A_558] : memref<4x16384xf32, #tpu.memory_space<vmem>> -> memref<1x16384xf32, #tpu.memory_space<vmem>>
    %dma_start3A_560 = tpu.memref_squeeze %dma_start3A_559 : memref<1x16384xf32, #tpu.memory_space<vmem>> -> memref<16384xf32, #tpu.memory_space<vmem>>
    %dma_start3A_561 = tpu.memref_slice %arg4[%add3A_556] : memref<16777216xf32, #tpu.memory_space<hbm>> -> memref<16384xf32, #tpu.memory_space<hbm>>
    %dma_start3A_562 = tpu.memref_slice %arg4[%add3A_556] : memref<16777216xf32, #tpu.memory_space<hbm>> -> memref<16384xf32, #tpu.memory_space<hbm>>
    %dma_start3A_563 = arith.constant 0 : i32
    %dma_start3A_564 = tpu.memref_slice %arg5[%dma_start3A_557, %dma_start3A_563] : memref<4x16384xf32, #tpu.memory_space<vmem>> -> memref<1x16384xf32, #tpu.memory_space<vmem>>
    %dma_start3A_565 = tpu.memref_squeeze %dma_start3A_564 : memref<1x16384xf32, #tpu.memory_space<vmem>> -> memref<16384xf32, #tpu.memory_space<vmem>>
    tpu.enqueue_dma source(%dma_start3A_565 : memref<16384xf32, #tpu.memory_space<vmem>>) target(%dma_start3A_562 : memref<16384xf32, #tpu.memory_space<hbm>>) target_semaphore(%arg13 : memref<!tpu.dma_semaphore, #tpu.memory_space<semaphore_mem>>)
    %dma_wait3A_566 = arith.constant 2 : i32
    %dma_wait3A_567 = arith.constant 0 : i32
    %dma_wait3A_568 = tpu.memref_slice %arg5[%dma_wait3A_566, %dma_wait3A_567] : memref<4x16384xf32, #tpu.memory_space<vmem>> -> memref<1x16384xf32, #tpu.memory_space<vmem>>
    %dma_wait3A_569 = tpu.memref_squeeze %dma_wait3A_568 : memref<1x16384xf32, #tpu.memory_space<vmem>> -> memref<16384xf32, #tpu.memory_space<vmem>>
    %dma_wait3A_570 = tpu.memref_slice %arg4[%add3A_556] : memref<16777216xf32, #tpu.memory_space<hbm>> -> memref<16384xf32, #tpu.memory_space<hbm>>
    %dma_wait3A_571 = tpu.memref_slice %arg4[%add3A_556] : memref<16777216xf32, #tpu.memory_space<hbm>> -> memref<16384xf32, #tpu.memory_space<hbm>>
    %dma_wait3A_572 = arith.constant 0 : i32
    %dma_wait3A_573 = tpu.memref_slice %arg5[%dma_wait3A_566, %dma_wait3A_572] : memref<4x16384xf32, #tpu.memory_space<vmem>> -> memref<1x16384xf32, #tpu.memory_space<vmem>>
    %dma_wait3A_574 = tpu.memref_squeeze %dma_wait3A_573 : memref<1x16384xf32, #tpu.memory_space<vmem>> -> memref<16384xf32, #tpu.memory_space<vmem>>
    tpu.wait_dma2 semaphore(%arg13 : memref<!tpu.dma_semaphore, #tpu.memory_space<semaphore_mem>>) src(%dma_wait3A_574 : memref<16384xf32, #tpu.memory_space<vmem>>) dst(%dma_wait3A_571 : memref<16384xf32, #tpu.memory_space<hbm>>)
    %add3A_575 = arith.constant 8388608 : i32
    %add3A_576 = arith.addi %add3A_575, %mul3A_4 : i32
    %add3A_577 = arith.constant 49152 : i32
    %add3A_578 = arith.addi %add3A_576, %add3A_577 : i32
    %dma_start3A_579 = arith.constant 2 : i32
    %dma_start3A_580 = arith.constant 0 : i32
    %dma_start3A_581 = tpu.memref_slice %arg5[%dma_start3A_579, %dma_start3A_580] : memref<4x16384xf32, #tpu.memory_space<vmem>> -> memref<1x16384xf32, #tpu.memory_space<vmem>>
    %dma_start3A_582 = tpu.memref_squeeze %dma_start3A_581 : memref<1x16384xf32, #tpu.memory_space<vmem>> -> memref<16384xf32, #tpu.memory_space<vmem>>
    %dma_start3A_583 = tpu.memref_slice %arg2[%add3A_578] : memref<16777216xf32, #tpu.memory_space<hbm>> -> memref<16384xf32, #tpu.memory_space<hbm>>
    %dma_start3A_584 = arith.constant 0 : i32
    %dma_start3A_585 = tpu.memref_slice %arg5[%dma_start3A_579, %dma_start3A_584] : memref<4x16384xf32, #tpu.memory_space<vmem>> -> memref<1x16384xf32, #tpu.memory_space<vmem>>
    %dma_start3A_586 = tpu.memref_squeeze %dma_start3A_585 : memref<1x16384xf32, #tpu.memory_space<vmem>> -> memref<16384xf32, #tpu.memory_space<vmem>>
    %dma_start3A_587 = tpu.memref_slice %arg2[%add3A_578] : memref<16777216xf32, #tpu.memory_space<hbm>> -> memref<16384xf32, #tpu.memory_space<hbm>>
    tpu.enqueue_dma source(%dma_start3A_587 : memref<16384xf32, #tpu.memory_space<hbm>>) target(%dma_start3A_586 : memref<16384xf32, #tpu.memory_space<vmem>>) target_semaphore(%arg9 : memref<!tpu.dma_semaphore, #tpu.memory_space<semaphore_mem>>)
    %dma_wait3A_588 = arith.constant 3 : i32
    %dma_wait3A_589 = arith.constant 0 : i32
    %dma_wait3A_590 = tpu.memref_slice %arg5[%dma_wait3A_588, %dma_wait3A_589] : memref<4x16384xf32, #tpu.memory_space<vmem>> -> memref<1x16384xf32, #tpu.memory_space<vmem>>
    %dma_wait3A_591 = tpu.memref_squeeze %dma_wait3A_590 : memref<1x16384xf32, #tpu.memory_space<vmem>> -> memref<16384xf32, #tpu.memory_space<vmem>>
    %dma_wait3A_592 = tpu.memref_slice %arg2[%add3A_432] : memref<16777216xf32, #tpu.memory_space<hbm>> -> memref<16384xf32, #tpu.memory_space<hbm>>
    %dma_wait3A_593 = arith.constant 0 : i32
    %dma_wait3A_594 = tpu.memref_slice %arg5[%dma_wait3A_588, %dma_wait3A_593] : memref<4x16384xf32, #tpu.memory_space<vmem>> -> memref<1x16384xf32, #tpu.memory_space<vmem>>
    %dma_wait3A_595 = tpu.memref_squeeze %dma_wait3A_594 : memref<1x16384xf32, #tpu.memory_space<vmem>> -> memref<16384xf32, #tpu.memory_space<vmem>>
    %dma_wait3A_596 = tpu.memref_slice %arg2[%add3A_432] : memref<16777216xf32, #tpu.memory_space<hbm>> -> memref<16384xf32, #tpu.memory_space<hbm>>
    tpu.wait_dma2 semaphore(%arg10 : memref<!tpu.dma_semaphore, #tpu.memory_space<semaphore_mem>>) src(%dma_wait3A_596 : memref<16384xf32, #tpu.memory_space<hbm>>) dst(%dma_wait3A_595 : memref<16384xf32, #tpu.memory_space<vmem>>)
    %parallel_loop3A_597 = arith.constant 0 : i32
    %parallel_loop3A_598 = arith.constant 1024 : i32
    %parallel_loop3A_599 = arith.constant 1 : i32
    %parallel_loop3A_600 = arith.constant 3 : i32
    scf.for %parallel_loop3A_1554 = %parallel_loop3A_597 to %parallel_loop3A_598 step %parallel_loop3A_599  : i32 {
      %parallel_loop3A_1555 = arith.constant 16 : i32
      %parallel_loop3A_1556 = arith.muli %parallel_loop3A_1554, %parallel_loop3A_1555 : i32
      %parallel_loop3A_1557 = arith.constant 0 : i32
      %parallel_loop3A_1558 = tpu.memref_slice %arg5[%parallel_loop3A_600, %parallel_loop3A_1557] : memref<4x16384xf32, #tpu.memory_space<vmem>> -> memref<1x16384xf32, #tpu.memory_space<vmem>>
      %parallel_loop3A_1559 = tpu.memref_squeeze %parallel_loop3A_1558 : memref<1x16384xf32, #tpu.memory_space<vmem>> -> memref<16384xf32, #tpu.memory_space<vmem>>
      %parallel_loop3A_1560 = arith.index_cast %parallel_loop3A_1556 : i32 to index
      %parallel_loop3A_1561 = tpu.vector_load %parallel_loop3A_1559[%parallel_loop3A_1560] {strides = array<i32>} : memref<16384xf32, #tpu.memory_space<vmem>>, vector<16xf32>,
      %parallel_loop3A_1562 = vector.shape_cast %parallel_loop3A_1561 : vector<16xf32> to vector<16xf32>
      %parallel_loop3A_1563 = arith.index_cast %parallel_loop3A_1556 : i32 to index
      %parallel_loop3A_1564 = tpu.vector_load %arg6[%parallel_loop3A_1563] {strides = array<i32>} : memref<16384xf32, #tpu.memory_space<vmem>>, vector<16xf32>,
      %parallel_loop3A_1565 = vector.shape_cast %parallel_loop3A_1564 : vector<16xf32> to vector<16xf32>
      %parallel_loop3A_1566 = arith.addf %parallel_loop3A_1562, %parallel_loop3A_1565 : vector<16xf32>
      %parallel_loop3A_1567 = arith.constant 0 : i32
      %parallel_loop3A_1568 = tpu.memref_slice %arg5[%parallel_loop3A_600, %parallel_loop3A_1567] : memref<4x16384xf32, #tpu.memory_space<vmem>> -> memref<1x16384xf32, #tpu.memory_space<vmem>>
      %parallel_loop3A_1569 = tpu.memref_squeeze %parallel_loop3A_1568 : memref<1x16384xf32, #tpu.memory_space<vmem>> -> memref<16384xf32, #tpu.memory_space<vmem>>
      %parallel_loop3A_1570 = arith.index_cast %parallel_loop3A_1556 : i32 to index
      %parallel_loop3A_1571 = tpu.vector_load %parallel_loop3A_1569[%parallel_loop3A_1570] {strides = array<i32>} : memref<16384xf32, #tpu.memory_space<vmem>>, vector<16xf32>,
      %parallel_loop3A_1572 = vector.shape_cast %parallel_loop3A_1571 : vector<16xf32> to vector<16xf32>
      %parallel_loop3A_1573 = vector.shape_cast %parallel_loop3A_1566 : vector<16xf32> to vector<16xf32>
      tpu.vector_store %parallel_loop3A_1569[%parallel_loop3A_1570], %parallel_loop3A_1573 {strides = array<i32>} : memref<16384xf32, #tpu.memory_space<vmem>>, vector<16xf32>,
    } {sc.loop_unroll_factor = 8 : i64, sc.parallel_access}
    %add3A_601 = arith.constant 12582912 : i32
    %add3A_602 = arith.addi %add3A_601, %mul3A_4 : i32
    %add3A_603 = arith.constant 32768 : i32
    %add3A_604 = arith.addi %add3A_602, %add3A_603 : i32
    %dma_start3A_605 = arith.constant 3 : i32
    %dma_start3A_606 = arith.constant 0 : i32
    %dma_start3A_607 = tpu.memref_slice %arg5[%dma_start3A_605, %dma_start3A_606] : memref<4x16384xf32, #tpu.memory_space<vmem>> -> memref<1x16384xf32, #tpu.memory_space<vmem>>
    %dma_start3A_608 = tpu.memref_squeeze %dma_start3A_607 : memref<1x16384xf32, #tpu.memory_space<vmem>> -> memref<16384xf32, #tpu.memory_space<vmem>>
    %dma_start3A_609 = tpu.memref_slice %arg4[%add3A_604] : memref<16777216xf32, #tpu.memory_space<hbm>> -> memref<16384xf32, #tpu.memory_space<hbm>>
    %dma_start3A_610 = tpu.memref_slice %arg4[%add3A_604] : memref<16777216xf32, #tpu.memory_space<hbm>> -> memref<16384xf32, #tpu.memory_space<hbm>>
    %dma_start3A_611 = arith.constant 0 : i32
    %dma_start3A_612 = tpu.memref_slice %arg5[%dma_start3A_605, %dma_start3A_611] : memref<4x16384xf32, #tpu.memory_space<vmem>> -> memref<1x16384xf32, #tpu.memory_space<vmem>>
    %dma_start3A_613 = tpu.memref_squeeze %dma_start3A_612 : memref<1x16384xf32, #tpu.memory_space<vmem>> -> memref<16384xf32, #tpu.memory_space<vmem>>
    tpu.enqueue_dma source(%dma_start3A_613 : memref<16384xf32, #tpu.memory_space<vmem>>) target(%dma_start3A_610 : memref<16384xf32, #tpu.memory_space<hbm>>) target_semaphore(%arg14 : memref<!tpu.dma_semaphore, #tpu.memory_space<semaphore_mem>>)
    %dma_wait3A_614 = arith.constant 3 : i32
    %dma_wait3A_615 = arith.constant 0 : i32
    %dma_wait3A_616 = tpu.memref_slice %arg5[%dma_wait3A_614, %dma_wait3A_615] : memref<4x16384xf32, #tpu.memory_space<vmem>> -> memref<1x16384xf32, #tpu.memory_space<vmem>>
    %dma_wait3A_617 = tpu.memref_squeeze %dma_wait3A_616 : memref<1x16384xf32, #tpu.memory_space<vmem>> -> memref<16384xf32, #tpu.memory_space<vmem>>
    %dma_wait3A_618 = tpu.memref_slice %arg4[%add3A_604] : memref<16777216xf32, #tpu.memory_space<hbm>> -> memref<16384xf32, #tpu.memory_space<hbm>>
    %dma_wait3A_619 = tpu.memref_slice %arg4[%add3A_604] : memref<16777216xf32, #tpu.memory_space<hbm>> -> memref<16384xf32, #tpu.memory_space<hbm>>
    %dma_wait3A_620 = arith.constant 0 : i32
    %dma_wait3A_621 = tpu.memref_slice %arg5[%dma_wait3A_614, %dma_wait3A_620] : memref<4x16384xf32, #tpu.memory_space<vmem>> -> memref<1x16384xf32, #tpu.memory_space<vmem>>
    %dma_wait3A_622 = tpu.memref_squeeze %dma_wait3A_621 : memref<1x16384xf32, #tpu.memory_space<vmem>> -> memref<16384xf32, #tpu.memory_space<vmem>>
    tpu.wait_dma2 semaphore(%arg14 : memref<!tpu.dma_semaphore, #tpu.memory_space<semaphore_mem>>) src(%dma_wait3A_622 : memref<16384xf32, #tpu.memory_space<vmem>>) dst(%dma_wait3A_619 : memref<16384xf32, #tpu.memory_space<hbm>>)
    %add3A_623 = arith.constant 12582912 : i32
    %add3A_624 = arith.addi %add3A_623, %mul3A_4 : i32
    %add3A_625 = arith.constant 49152 : i32
    %add3A_626 = arith.addi %add3A_624, %add3A_625 : i32
    %dma_start3A_627 = arith.constant 3 : i32
    %dma_start3A_628 = arith.constant 0 : i32
    %dma_start3A_629 = tpu.memref_slice %arg5[%dma_start3A_627, %dma_start3A_628] : memref<4x16384xf32, #tpu.memory_space<vmem>> -> memref<1x16384xf32, #tpu.memory_space<vmem>>
    %dma_start3A_630 = tpu.memref_squeeze %dma_start3A_629 : memref<1x16384xf32, #tpu.memory_space<vmem>> -> memref<16384xf32, #tpu.memory_space<vmem>>
    %dma_start3A_631 = tpu.memref_slice %arg2[%add3A_626] : memref<16777216xf32, #tpu.memory_space<hbm>> -> memref<16384xf32, #tpu.memory_space<hbm>>
    %dma_start3A_632 = arith.constant 0 : i32
    %dma_start3A_633 = tpu.memref_slice %arg5[%dma_start3A_627, %dma_start3A_632] : memref<4x16384xf32, #tpu.memory_space<vmem>> -> memref<1x16384xf32, #tpu.memory_space<vmem>>
    %dma_start3A_634 = tpu.memref_squeeze %dma_start3A_633 : memref<1x16384xf32, #tpu.memory_space<vmem>> -> memref<16384xf32, #tpu.memory_space<vmem>>
    %dma_start3A_635 = tpu.memref_slice %arg2[%add3A_626] : memref<16777216xf32, #tpu.memory_space<hbm>> -> memref<16384xf32, #tpu.memory_space<hbm>>
    tpu.enqueue_dma source(%dma_start3A_635 : memref<16384xf32, #tpu.memory_space<hbm>>) target(%dma_start3A_634 : memref<16384xf32, #tpu.memory_space<vmem>>) target_semaphore(%arg10 : memref<!tpu.dma_semaphore, #tpu.memory_space<semaphore_mem>>)
    %add3A_636 = arith.constant 49152 : i32
    %add3A_637 = arith.addi %mul3A_4, %add3A_636 : i32
    "tpu.region"() ({
      %run_scoped3A = tpu.sem_alloc : memref<!tpu.dma_semaphore, #tpu.memory_space<semaphore_mem>>
      %dma_start3A_1554 = tpu.memref_slice %arg3[%add3A_637] : memref<4194304xf32, #tpu.memory_space<hbm>> -> memref<16384xf32, #tpu.memory_space<hbm>>
      %dma_start3A_1555 = tpu.memref_slice %arg3[%add3A_637] : memref<4194304xf32, #tpu.memory_space<hbm>> -> memref<16384xf32, #tpu.memory_space<hbm>>
      tpu.enqueue_dma source(%dma_start3A_1555 : memref<16384xf32, #tpu.memory_space<hbm>>) target(%arg6 : memref<16384xf32, #tpu.memory_space<vmem>>) target_semaphore(%run_scoped3A : memref<!tpu.dma_semaphore, #tpu.memory_space<semaphore_mem>>)
      %dma_wait3A_1556 = tpu.memref_slice %arg3[%add3A_637] : memref<4194304xf32, #tpu.memory_space<hbm>> -> memref<16384xf32, #tpu.memory_space<hbm>>
      %dma_wait3A_1557 = tpu.memref_slice %arg3[%add3A_637] : memref<4194304xf32, #tpu.memory_space<hbm>> -> memref<16384xf32, #tpu.memory_space<hbm>>
      tpu.wait_dma2 semaphore(%run_scoped3A : memref<!tpu.dma_semaphore, #tpu.memory_space<semaphore_mem>>) src(%dma_wait3A_1557 : memref<16384xf32, #tpu.memory_space<hbm>>) dst(%arg6 : memref<16384xf32, #tpu.memory_space<vmem>>)
      tpu.yield
    }) : () -> ()
    %dma_wait3A_638 = arith.constant 0 : i32
    %dma_wait3A_639 = arith.constant 0 : i32
    %dma_wait3A_640 = tpu.memref_slice %arg5[%dma_wait3A_638, %dma_wait3A_639] : memref<4x16384xf32, #tpu.memory_space<vmem>> -> memref<1x16384xf32, #tpu.memory_space<vmem>>
    %dma_wait3A_641 = tpu.memref_squeeze %dma_wait3A_640 : memref<1x16384xf32, #tpu.memory_space<vmem>> -> memref<16384xf32, #tpu.memory_space<vmem>>
    %dma_wait3A_642 = tpu.memref_slice %arg2[%add3A_482] : memref<16777216xf32, #tpu.memory_space<hbm>> -> memref<16384xf32, #tpu.memory_space<hbm>>
    %dma_wait3A_643 = arith.constant 0 : i32
    %dma_wait3A_644 = tpu.memref_slice %arg5[%dma_wait3A_638, %dma_wait3A_643] : memref<4x16384xf32, #tpu.memory_space<vmem>> -> memref<1x16384xf32, #tpu.memory_space<vmem>>
    %dma_wait3A_645 = tpu.memref_squeeze %dma_wait3A_644 : memref<1x16384xf32, #tpu.memory_space<vmem>> -> memref<16384xf32, #tpu.memory_space<vmem>>
    %dma_wait3A_646 = tpu.memref_slice %arg2[%add3A_482] : memref<16777216xf32, #tpu.memory_space<hbm>> -> memref<16384xf32, #tpu.memory_space<hbm>>
    tpu.wait_dma2 semaphore(%arg7 : memref<!tpu.dma_semaphore, #tpu.memory_space<semaphore_mem>>) src(%dma_wait3A_646 : memref<16384xf32, #tpu.memory_space<hbm>>) dst(%dma_wait3A_645 : memref<16384xf32, #tpu.memory_space<vmem>>)
    %parallel_loop3A_647 = arith.constant 0 : i32
    %parallel_loop3A_648 = arith.constant 1024 : i32
    %parallel_loop3A_649 = arith.constant 1 : i32
    %parallel_loop3A_650 = arith.constant 0 : i32
    scf.for %parallel_loop3A_1554 = %parallel_loop3A_647 to %parallel_loop3A_648 step %parallel_loop3A_649  : i32 {
      %parallel_loop3A_1555 = arith.constant 16 : i32
      %parallel_loop3A_1556 = arith.muli %parallel_loop3A_1554, %parallel_loop3A_1555 : i32
      %parallel_loop3A_1557 = arith.constant 0 : i32
      %parallel_loop3A_1558 = tpu.memref_slice %arg5[%parallel_loop3A_650, %parallel_loop3A_1557] : memref<4x16384xf32, #tpu.memory_space<vmem>> -> memref<1x16384xf32, #tpu.memory_space<vmem>>
      %parallel_loop3A_1559 = tpu.memref_squeeze %parallel_loop3A_1558 : memref<1x16384xf32, #tpu.memory_space<vmem>> -> memref<16384xf32, #tpu.memory_space<vmem>>
      %parallel_loop3A_1560 = arith.index_cast %parallel_loop3A_1556 : i32 to index
      %parallel_loop3A_1561 = tpu.vector_load %parallel_loop3A_1559[%parallel_loop3A_1560] {strides = array<i32>} : memref<16384xf32, #tpu.memory_space<vmem>>, vector<16xf32>,
      %parallel_loop3A_1562 = vector.shape_cast %parallel_loop3A_1561 : vector<16xf32> to vector<16xf32>
      %parallel_loop3A_1563 = arith.index_cast %parallel_loop3A_1556 : i32 to index
      %parallel_loop3A_1564 = tpu.vector_load %arg6[%parallel_loop3A_1563] {strides = array<i32>} : memref<16384xf32, #tpu.memory_space<vmem>>, vector<16xf32>,
      %parallel_loop3A_1565 = vector.shape_cast %parallel_loop3A_1564 : vector<16xf32> to vector<16xf32>
      %parallel_loop3A_1566 = arith.addf %parallel_loop3A_1562, %parallel_loop3A_1565 : vector<16xf32>
      %parallel_loop3A_1567 = arith.constant 0 : i32
      %parallel_loop3A_1568 = tpu.memref_slice %arg5[%parallel_loop3A_650, %parallel_loop3A_1567] : memref<4x16384xf32, #tpu.memory_space<vmem>> -> memref<1x16384xf32, #tpu.memory_space<vmem>>
      %parallel_loop3A_1569 = tpu.memref_squeeze %parallel_loop3A_1568 : memref<1x16384xf32, #tpu.memory_space<vmem>> -> memref<16384xf32, #tpu.memory_space<vmem>>
      %parallel_loop3A_1570 = arith.index_cast %parallel_loop3A_1556 : i32 to index
      %parallel_loop3A_1571 = tpu.vector_load %parallel_loop3A_1569[%parallel_loop3A_1570] {strides = array<i32>} : memref<16384xf32, #tpu.memory_space<vmem>>, vector<16xf32>,
      %parallel_loop3A_1572 = vector.shape_cast %parallel_loop3A_1571 : vector<16xf32> to vector<16xf32>
      %parallel_loop3A_1573 = vector.shape_cast %parallel_loop3A_1566 : vector<16xf32> to vector<16xf32>
      tpu.vector_store %parallel_loop3A_1569[%parallel_loop3A_1570], %parallel_loop3A_1573 {strides = array<i32>} : memref<16384xf32, #tpu.memory_space<vmem>>, vector<16xf32>,
    } {sc.loop_unroll_factor = 8 : i64, sc.parallel_access}
    %add3A_651 = arith.constant 0 : i32
    %add3A_652 = arith.addi %add3A_651, %mul3A_4 : i32
    %add3A_653 = arith.constant 49152 : i32
    %add3A_654 = arith.addi %add3A_652, %add3A_653 : i32
    %dma_start3A_655 = arith.constant 0 : i32
    %dma_start3A_656 = arith.constant 0 : i32
    %dma_start3A_657 = tpu.memref_slice %arg5[%dma_start3A_655, %dma_start3A_656] : memref<4x16384xf32, #tpu.memory_space<vmem>> -> memref<1x16384xf32, #tpu.memory_space<vmem>>
    %dma_start3A_658 = tpu.memref_squeeze %dma_start3A_657 : memref<1x16384xf32, #tpu.memory_space<vmem>> -> memref<16384xf32, #tpu.memory_space<vmem>>
    %dma_start3A_659 = tpu.memref_slice %arg4[%add3A_654] : memref<16777216xf32, #tpu.memory_space<hbm>> -> memref<16384xf32, #tpu.memory_space<hbm>>
    %dma_start3A_660 = tpu.memref_slice %arg4[%add3A_654] : memref<16777216xf32, #tpu.memory_space<hbm>> -> memref<16384xf32, #tpu.memory_space<hbm>>
    %dma_start3A_661 = arith.constant 0 : i32
    %dma_start3A_662 = tpu.memref_slice %arg5[%dma_start3A_655, %dma_start3A_661] : memref<4x16384xf32, #tpu.memory_space<vmem>> -> memref<1x16384xf32, #tpu.memory_space<vmem>>
    %dma_start3A_663 = tpu.memref_squeeze %dma_start3A_662 : memref<1x16384xf32, #tpu.memory_space<vmem>> -> memref<16384xf32, #tpu.memory_space<vmem>>
    tpu.enqueue_dma source(%dma_start3A_663 : memref<16384xf32, #tpu.memory_space<vmem>>) target(%dma_start3A_660 : memref<16384xf32, #tpu.memory_space<hbm>>) target_semaphore(%arg11 : memref<!tpu.dma_semaphore, #tpu.memory_space<semaphore_mem>>)
    %dma_wait3A_664 = arith.constant 0 : i32
    %dma_wait3A_665 = arith.constant 0 : i32
    %dma_wait3A_666 = tpu.memref_slice %arg5[%dma_wait3A_664, %dma_wait3A_665] : memref<4x16384xf32, #tpu.memory_space<vmem>> -> memref<1x16384xf32, #tpu.memory_space<vmem>>
    %dma_wait3A_667 = tpu.memref_squeeze %dma_wait3A_666 : memref<1x16384xf32, #tpu.memory_space<vmem>> -> memref<16384xf32, #tpu.memory_space<vmem>>
    %dma_wait3A_668 = tpu.memref_slice %arg4[%add3A_654] : memref<16777216xf32, #tpu.memory_space<hbm>> -> memref<16384xf32, #tpu.memory_space<hbm>>
    %dma_wait3A_669 = tpu.memref_slice %arg4[%add3A_654] : memref<16777216xf32, #tpu.memory_space<hbm>> -> memref<16384xf32, #tpu.memory_space<hbm>>
    %dma_wait3A_670 = arith.constant 0 : i32
    %dma_wait3A_671 = tpu.memref_slice %arg5[%dma_wait3A_664, %dma_wait3A_670] : memref<4x16384xf32, #tpu.memory_space<vmem>> -> memref<1x16384xf32, #tpu.memory_space<vmem>>
    %dma_wait3A_672 = tpu.memref_squeeze %dma_wait3A_671 : memref<1x16384xf32, #tpu.memory_space<vmem>> -> memref<16384xf32, #tpu.memory_space<vmem>>
    tpu.wait_dma2 semaphore(%arg11 : memref<!tpu.dma_semaphore, #tpu.memory_space<semaphore_mem>>) src(%dma_wait3A_672 : memref<16384xf32, #tpu.memory_space<vmem>>) dst(%dma_wait3A_669 : memref<16384xf32, #tpu.memory_space<hbm>>)
    %add3A_673 = arith.constant 0 : i32
    %add3A_674 = arith.addi %add3A_673, %mul3A_4 : i32
    %add3A_675 = arith.constant 65536 : i32
    %add3A_676 = arith.addi %add3A_674, %add3A_675 : i32
    %dma_start3A_677 = arith.constant 0 : i32
    %dma_start3A_678 = arith.constant 0 : i32
    %dma_start3A_679 = tpu.memref_slice %arg5[%dma_start3A_677, %dma_start3A_678] : memref<4x16384xf32, #tpu.memory_space<vmem>> -> memref<1x16384xf32, #tpu.memory_space<vmem>>
    %dma_start3A_680 = tpu.memref_squeeze %dma_start3A_679 : memref<1x16384xf32, #tpu.memory_space<vmem>> -> memref<16384xf32, #tpu.memory_space<vmem>>
    %dma_start3A_681 = tpu.memref_slice %arg2[%add3A_676] : memref<16777216xf32, #tpu.memory_space<hbm>> -> memref<16384xf32, #tpu.memory_space<hbm>>
    %dma_start3A_682 = arith.constant 0 : i32
    %dma_start3A_683 = tpu.memref_slice %arg5[%dma_start3A_677, %dma_start3A_682] : memref<4x16384xf32, #tpu.memory_space<vmem>> -> memref<1x16384xf32, #tpu.memory_space<vmem>>
    %dma_start3A_684 = tpu.memref_squeeze %dma_start3A_683 : memref<1x16384xf32, #tpu.memory_space<vmem>> -> memref<16384xf32, #tpu.memory_space<vmem>>
    %dma_start3A_685 = tpu.memref_slice %arg2[%add3A_676] : memref<16777216xf32, #tpu.memory_space<hbm>> -> memref<16384xf32, #tpu.memory_space<hbm>>
    tpu.enqueue_dma source(%dma_start3A_685 : memref<16384xf32, #tpu.memory_space<hbm>>) target(%dma_start3A_684 : memref<16384xf32, #tpu.memory_space<vmem>>) target_semaphore(%arg7 : memref<!tpu.dma_semaphore, #tpu.memory_space<semaphore_mem>>)
    %dma_wait3A_686 = arith.constant 1 : i32
    %dma_wait3A_687 = arith.constant 0 : i32
    %dma_wait3A_688 = tpu.memref_slice %arg5[%dma_wait3A_686, %dma_wait3A_687] : memref<4x16384xf32, #tpu.memory_space<vmem>> -> memref<1x16384xf32, #tpu.memory_space<vmem>>
    %dma_wait3A_689 = tpu.memref_squeeze %dma_wait3A_688 : memref<1x16384xf32, #tpu.memory_space<vmem>> -> memref<16384xf32, #tpu.memory_space<vmem>>
    %dma_wait3A_690 = tpu.memref_slice %arg2[%add3A_530] : memref<16777216xf32, #tpu.memory_space<hbm>> -> memref<16384xf32, #tpu.memory_space<hbm>>
    %dma_wait3A_691 = arith.constant 0 : i32
    %dma_wait3A_692 = tpu.memref_slice %arg5[%dma_wait3A_686, %dma_wait3A_691] : memref<4x16384xf32, #tpu.memory_space<vmem>> -> memref<1x16384xf32, #tpu.memory_space<vmem>>
    %dma_wait3A_693 = tpu.memref_squeeze %dma_wait3A_692 : memref<1x16384xf32, #tpu.memory_space<vmem>> -> memref<16384xf32, #tpu.memory_space<vmem>>
    %dma_wait3A_694 = tpu.memref_slice %arg2[%add3A_530] : memref<16777216xf32, #tpu.memory_space<hbm>> -> memref<16384xf32, #tpu.memory_space<hbm>>
    tpu.wait_dma2 semaphore(%arg8 : memref<!tpu.dma_semaphore, #tpu.memory_space<semaphore_mem>>) src(%dma_wait3A_694 : memref<16384xf32, #tpu.memory_space<hbm>>) dst(%dma_wait3A_693 : memref<16384xf32, #tpu.memory_space<vmem>>)
    %parallel_loop3A_695 = arith.constant 0 : i32
    %parallel_loop3A_696 = arith.constant 1024 : i32
    %parallel_loop3A_697 = arith.constant 1 : i32
    %parallel_loop3A_698 = arith.constant 1 : i32
    scf.for %parallel_loop3A_1554 = %parallel_loop3A_695 to %parallel_loop3A_696 step %parallel_loop3A_697  : i32 {
      %parallel_loop3A_1555 = arith.constant 16 : i32
      %parallel_loop3A_1556 = arith.muli %parallel_loop3A_1554, %parallel_loop3A_1555 : i32
      %parallel_loop3A_1557 = arith.constant 0 : i32
      %parallel_loop3A_1558 = tpu.memref_slice %arg5[%parallel_loop3A_698, %parallel_loop3A_1557] : memref<4x16384xf32, #tpu.memory_space<vmem>> -> memref<1x16384xf32, #tpu.memory_space<vmem>>
      %parallel_loop3A_1559 = tpu.memref_squeeze %parallel_loop3A_1558 : memref<1x16384xf32, #tpu.memory_space<vmem>> -> memref<16384xf32, #tpu.memory_space<vmem>>
      %parallel_loop3A_1560 = arith.index_cast %parallel_loop3A_1556 : i32 to index
      %parallel_loop3A_1561 = tpu.vector_load %parallel_loop3A_1559[%parallel_loop3A_1560] {strides = array<i32>} : memref<16384xf32, #tpu.memory_space<vmem>>, vector<16xf32>,
      %parallel_loop3A_1562 = vector.shape_cast %parallel_loop3A_1561 : vector<16xf32> to vector<16xf32>
      %parallel_loop3A_1563 = arith.index_cast %parallel_loop3A_1556 : i32 to index
      %parallel_loop3A_1564 = tpu.vector_load %arg6[%parallel_loop3A_1563] {strides = array<i32>} : memref<16384xf32, #tpu.memory_space<vmem>>, vector<16xf32>,
      %parallel_loop3A_1565 = vector.shape_cast %parallel_loop3A_1564 : vector<16xf32> to vector<16xf32>
      %parallel_loop3A_1566 = arith.addf %parallel_loop3A_1562, %parallel_loop3A_1565 : vector<16xf32>
      %parallel_loop3A_1567 = arith.constant 0 : i32
      %parallel_loop3A_1568 = tpu.memref_slice %arg5[%parallel_loop3A_698, %parallel_loop3A_1567] : memref<4x16384xf32, #tpu.memory_space<vmem>> -> memref<1x16384xf32, #tpu.memory_space<vmem>>
      %parallel_loop3A_1569 = tpu.memref_squeeze %parallel_loop3A_1568 : memref<1x16384xf32, #tpu.memory_space<vmem>> -> memref<16384xf32, #tpu.memory_space<vmem>>
      %parallel_loop3A_1570 = arith.index_cast %parallel_loop3A_1556 : i32 to index
      %parallel_loop3A_1571 = tpu.vector_load %parallel_loop3A_1569[%parallel_loop3A_1570] {strides = array<i32>} : memref<16384xf32, #tpu.memory_space<vmem>>, vector<16xf32>,
      %parallel_loop3A_1572 = vector.shape_cast %parallel_loop3A_1571 : vector<16xf32> to vector<16xf32>
      %parallel_loop3A_1573 = vector.shape_cast %parallel_loop3A_1566 : vector<16xf32> to vector<16xf32>
      tpu.vector_store %parallel_loop3A_1569[%parallel_loop3A_1570], %parallel_loop3A_1573 {strides = array<i32>} : memref<16384xf32, #tpu.memory_space<vmem>>, vector<16xf32>,
    } {sc.loop_unroll_factor = 8 : i64, sc.parallel_access}
    %add3A_699 = arith.constant 4194304 : i32
    %add3A_700 = arith.addi %add3A_699, %mul3A_4 : i32
    %add3A_701 = arith.constant 49152 : i32
    %add3A_702 = arith.addi %add3A_700, %add3A_701 : i32
    %dma_start3A_703 = arith.constant 1 : i32
    %dma_start3A_704 = arith.constant 0 : i32
    %dma_start3A_705 = tpu.memref_slice %arg5[%dma_start3A_703, %dma_start3A_704] : memref<4x16384xf32, #tpu.memory_space<vmem>> -> memref<1x16384xf32, #tpu.memory_space<vmem>>
    %dma_start3A_706 = tpu.memref_squeeze %dma_start3A_705 : memref<1x16384xf32, #tpu.memory_space<vmem>> -> memref<16384xf32, #tpu.memory_space<vmem>>
    %dma_start3A_707 = tpu.memref_slice %arg4[%add3A_702] : memref<16777216xf32, #tpu.memory_space<hbm>> -> memref<16384xf32, #tpu.memory_space<hbm>>
    %dma_start3A_708 = tpu.memref_slice %arg4[%add3A_702] : memref<16777216xf32, #tpu.memory_space<hbm>> -> memref<16384xf32, #tpu.memory_space<hbm>>
    %dma_start3A_709 = arith.constant 0 : i32
    %dma_start3A_710 = tpu.memref_slice %arg5[%dma_start3A_703, %dma_start3A_709] : memref<4x16384xf32, #tpu.memory_space<vmem>> -> memref<1x16384xf32, #tpu.memory_space<vmem>>
    %dma_start3A_711 = tpu.memref_squeeze %dma_start3A_710 : memref<1x16384xf32, #tpu.memory_space<vmem>> -> memref<16384xf32, #tpu.memory_space<vmem>>
    tpu.enqueue_dma source(%dma_start3A_711 : memref<16384xf32, #tpu.memory_space<vmem>>) target(%dma_start3A_708 : memref<16384xf32, #tpu.memory_space<hbm>>) target_semaphore(%arg12 : memref<!tpu.dma_semaphore, #tpu.memory_space<semaphore_mem>>)
    %dma_wait3A_712 = arith.constant 1 : i32
    %dma_wait3A_713 = arith.constant 0 : i32
    %dma_wait3A_714 = tpu.memref_slice %arg5[%dma_wait3A_712, %dma_wait3A_713] : memref<4x16384xf32, #tpu.memory_space<vmem>> -> memref<1x16384xf32, #tpu.memory_space<vmem>>
    %dma_wait3A_715 = tpu.memref_squeeze %dma_wait3A_714 : memref<1x16384xf32, #tpu.memory_space<vmem>> -> memref<16384xf32, #tpu.memory_space<vmem>>
    %dma_wait3A_716 = tpu.memref_slice %arg4[%add3A_702] : memref<16777216xf32, #tpu.memory_space<hbm>> -> memref<16384xf32, #tpu.memory_space<hbm>>
    %dma_wait3A_717 = tpu.memref_slice %arg4[%add3A_702] : memref<16777216xf32, #tpu.memory_space<hbm>> -> memref<16384xf32, #tpu.memory_space<hbm>>
    %dma_wait3A_718 = arith.constant 0 : i32
    %dma_wait3A_719 = tpu.memref_slice %arg5[%dma_wait3A_712, %dma_wait3A_718] : memref<4x16384xf32, #tpu.memory_space<vmem>> -> memref<1x16384xf32, #tpu.memory_space<vmem>>
    %dma_wait3A_720 = tpu.memref_squeeze %dma_wait3A_719 : memref<1x16384xf32, #tpu.memory_space<vmem>> -> memref<16384xf32, #tpu.memory_space<vmem>>
    tpu.wait_dma2 semaphore(%arg12 : memref<!tpu.dma_semaphore, #tpu.memory_space<semaphore_mem>>) src(%dma_wait3A_720 : memref<16384xf32, #tpu.memory_space<vmem>>) dst(%dma_wait3A_717 : memref<16384xf32, #tpu.memory_space<hbm>>)
    %add3A_721 = arith.constant 4194304 : i32
    %add3A_722 = arith.addi %add3A_721, %mul3A_4 : i32
    %add3A_723 = arith.constant 65536 : i32
    %add3A_724 = arith.addi %add3A_722, %add3A_723 : i32
    %dma_start3A_725 = arith.constant 1 : i32
    %dma_start3A_726 = arith.constant 0 : i32
    %dma_start3A_727 = tpu.memref_slice %arg5[%dma_start3A_725, %dma_start3A_726] : memref<4x16384xf32, #tpu.memory_space<vmem>> -> memref<1x16384xf32, #tpu.memory_space<vmem>>
    %dma_start3A_728 = tpu.memref_squeeze %dma_start3A_727 : memref<1x16384xf32, #tpu.memory_space<vmem>> -> memref<16384xf32, #tpu.memory_space<vmem>>
    %dma_start3A_729 = tpu.memref_slice %arg2[%add3A_724] : memref<16777216xf32, #tpu.memory_space<hbm>> -> memref<16384xf32, #tpu.memory_space<hbm>>
    %dma_start3A_730 = arith.constant 0 : i32
    %dma_start3A_731 = tpu.memref_slice %arg5[%dma_start3A_725, %dma_start3A_730] : memref<4x16384xf32, #tpu.memory_space<vmem>> -> memref<1x16384xf32, #tpu.memory_space<vmem>>
    %dma_start3A_732 = tpu.memref_squeeze %dma_start3A_731 : memref<1x16384xf32, #tpu.memory_space<vmem>> -> memref<16384xf32, #tpu.memory_space<vmem>>
    %dma_start3A_733 = tpu.memref_slice %arg2[%add3A_724] : memref<16777216xf32, #tpu.memory_space<hbm>> -> memref<16384xf32, #tpu.memory_space<hbm>>
    tpu.enqueue_dma source(%dma_start3A_733 : memref<16384xf32, #tpu.memory_space<hbm>>) target(%dma_start3A_732 : memref<16384xf32, #tpu.memory_space<vmem>>) target_semaphore(%arg8 : memref<!tpu.dma_semaphore, #tpu.memory_space<semaphore_mem>>)
    %dma_wait3A_734 = arith.constant 2 : i32
    %dma_wait3A_735 = arith.constant 0 : i32
    %dma_wait3A_736 = tpu.memref_slice %arg5[%dma_wait3A_734, %dma_wait3A_735] : memref<4x16384xf32, #tpu.memory_space<vmem>> -> memref<1x16384xf32, #tpu.memory_space<vmem>>
    %dma_wait3A_737 = tpu.memref_squeeze %dma_wait3A_736 : memref<1x16384xf32, #tpu.memory_space<vmem>> -> memref<16384xf32, #tpu.memory_space<vmem>>
    %dma_wait3A_738 = tpu.memref_slice %arg2[%add3A_578] : memref<16777216xf32, #tpu.memory_space<hbm>> -> memref<16384xf32, #tpu.memory_space<hbm>>
    %dma_wait3A_739 = arith.constant 0 : i32
    %dma_wait3A_740 = tpu.memref_slice %arg5[%dma_wait3A_734, %dma_wait3A_739] : memref<4x16384xf32, #tpu.memory_space<vmem>> -> memref<1x16384xf32, #tpu.memory_space<vmem>>
    %dma_wait3A_741 = tpu.memref_squeeze %dma_wait3A_740 : memref<1x16384xf32, #tpu.memory_space<vmem>> -> memref<16384xf32, #tpu.memory_space<vmem>>
    %dma_wait3A_742 = tpu.memref_slice %arg2[%add3A_578] : memref<16777216xf32, #tpu.memory_space<hbm>> -> memref<16384xf32, #tpu.memory_space<hbm>>
    tpu.wait_dma2 semaphore(%arg9 : memref<!tpu.dma_semaphore, #tpu.memory_space<semaphore_mem>>) src(%dma_wait3A_742 : memref<16384xf32, #tpu.memory_space<hbm>>) dst(%dma_wait3A_741 : memref<16384xf32, #tpu.memory_space<vmem>>)
    %parallel_loop3A_743 = arith.constant 0 : i32
    %parallel_loop3A_744 = arith.constant 1024 : i32
    %parallel_loop3A_745 = arith.constant 1 : i32
    %parallel_loop3A_746 = arith.constant 2 : i32
    scf.for %parallel_loop3A_1554 = %parallel_loop3A_743 to %parallel_loop3A_744 step %parallel_loop3A_745  : i32 {
      %parallel_loop3A_1555 = arith.constant 16 : i32
      %parallel_loop3A_1556 = arith.muli %parallel_loop3A_1554, %parallel_loop3A_1555 : i32
      %parallel_loop3A_1557 = arith.constant 0 : i32
      %parallel_loop3A_1558 = tpu.memref_slice %arg5[%parallel_loop3A_746, %parallel_loop3A_1557] : memref<4x16384xf32, #tpu.memory_space<vmem>> -> memref<1x16384xf32, #tpu.memory_space<vmem>>
      %parallel_loop3A_1559 = tpu.memref_squeeze %parallel_loop3A_1558 : memref<1x16384xf32, #tpu.memory_space<vmem>> -> memref<16384xf32, #tpu.memory_space<vmem>>
      %parallel_loop3A_1560 = arith.index_cast %parallel_loop3A_1556 : i32 to index
      %parallel_loop3A_1561 = tpu.vector_load %parallel_loop3A_1559[%parallel_loop3A_1560] {strides = array<i32>} : memref<16384xf32, #tpu.memory_space<vmem>>, vector<16xf32>,
      %parallel_loop3A_1562 = vector.shape_cast %parallel_loop3A_1561 : vector<16xf32> to vector<16xf32>
      %parallel_loop3A_1563 = arith.index_cast %parallel_loop3A_1556 : i32 to index
      %parallel_loop3A_1564 = tpu.vector_load %arg6[%parallel_loop3A_1563] {strides = array<i32>} : memref<16384xf32, #tpu.memory_space<vmem>>, vector<16xf32>,
      %parallel_loop3A_1565 = vector.shape_cast %parallel_loop3A_1564 : vector<16xf32> to vector<16xf32>
      %parallel_loop3A_1566 = arith.addf %parallel_loop3A_1562, %parallel_loop3A_1565 : vector<16xf32>
      %parallel_loop3A_1567 = arith.constant 0 : i32
      %parallel_loop3A_1568 = tpu.memref_slice %arg5[%parallel_loop3A_746, %parallel_loop3A_1567] : memref<4x16384xf32, #tpu.memory_space<vmem>> -> memref<1x16384xf32, #tpu.memory_space<vmem>>
      %parallel_loop3A_1569 = tpu.memref_squeeze %parallel_loop3A_1568 : memref<1x16384xf32, #tpu.memory_space<vmem>> -> memref<16384xf32, #tpu.memory_space<vmem>>
      %parallel_loop3A_1570 = arith.index_cast %parallel_loop3A_1556 : i32 to index
      %parallel_loop3A_1571 = tpu.vector_load %parallel_loop3A_1569[%parallel_loop3A_1570] {strides = array<i32>} : memref<16384xf32, #tpu.memory_space<vmem>>, vector<16xf32>,
      %parallel_loop3A_1572 = vector.shape_cast %parallel_loop3A_1571 : vector<16xf32> to vector<16xf32>
      %parallel_loop3A_1573 = vector.shape_cast %parallel_loop3A_1566 : vector<16xf32> to vector<16xf32>
      tpu.vector_store %parallel_loop3A_1569[%parallel_loop3A_1570], %parallel_loop3A_1573 {strides = array<i32>} : memref<16384xf32, #tpu.memory_space<vmem>>, vector<16xf32>,
    } {sc.loop_unroll_factor = 8 : i64, sc.parallel_access}
    %add3A_747 = arith.constant 8388608 : i32
    %add3A_748 = arith.addi %add3A_747, %mul3A_4 : i32
    %add3A_749 = arith.constant 49152 : i32
    %add3A_750 = arith.addi %add3A_748, %add3A_749 : i32
    %dma_start3A_751 = arith.constant 2 : i32
    %dma_start3A_752 = arith.constant 0 : i32
    %dma_start3A_753 = tpu.memref_slice %arg5[%dma_start3A_751, %dma_start3A_752] : memref<4x16384xf32, #tpu.memory_space<vmem>> -> memref<1x16384xf32, #tpu.memory_space<vmem>>
    %dma_start3A_754 = tpu.memref_squeeze %dma_start3A_753 : memref<1x16384xf32, #tpu.memory_space<vmem>> -> memref<16384xf32, #tpu.memory_space<vmem>>
    %dma_start3A_755 = tpu.memref_slice %arg4[%add3A_750] : memref<16777216xf32, #tpu.memory_space<hbm>> -> memref<16384xf32, #tpu.memory_space<hbm>>
    %dma_start3A_756 = tpu.memref_slice %arg4[%add3A_750] : memref<16777216xf32, #tpu.memory_space<hbm>> -> memref<16384xf32, #tpu.memory_space<hbm>>
    %dma_start3A_757 = arith.constant 0 : i32
    %dma_start3A_758 = tpu.memref_slice %arg5[%dma_start3A_751, %dma_start3A_757] : memref<4x16384xf32, #tpu.memory_space<vmem>> -> memref<1x16384xf32, #tpu.memory_space<vmem>>
    %dma_start3A_759 = tpu.memref_squeeze %dma_start3A_758 : memref<1x16384xf32, #tpu.memory_space<vmem>> -> memref<16384xf32, #tpu.memory_space<vmem>>
    tpu.enqueue_dma source(%dma_start3A_759 : memref<16384xf32, #tpu.memory_space<vmem>>) target(%dma_start3A_756 : memref<16384xf32, #tpu.memory_space<hbm>>) target_semaphore(%arg13 : memref<!tpu.dma_semaphore, #tpu.memory_space<semaphore_mem>>)
    %dma_wait3A_760 = arith.constant 2 : i32
    %dma_wait3A_761 = arith.constant 0 : i32
    %dma_wait3A_762 = tpu.memref_slice %arg5[%dma_wait3A_760, %dma_wait3A_761] : memref<4x16384xf32, #tpu.memory_space<vmem>> -> memref<1x16384xf32, #tpu.memory_space<vmem>>
    %dma_wait3A_763 = tpu.memref_squeeze %dma_wait3A_762 : memref<1x16384xf32, #tpu.memory_space<vmem>> -> memref<16384xf32, #tpu.memory_space<vmem>>
    %dma_wait3A_764 = tpu.memref_slice %arg4[%add3A_750] : memref<16777216xf32, #tpu.memory_space<hbm>> -> memref<16384xf32, #tpu.memory_space<hbm>>
    %dma_wait3A_765 = tpu.memref_slice %arg4[%add3A_750] : memref<16777216xf32, #tpu.memory_space<hbm>> -> memref<16384xf32, #tpu.memory_space<hbm>>
    %dma_wait3A_766 = arith.constant 0 : i32
    %dma_wait3A_767 = tpu.memref_slice %arg5[%dma_wait3A_760, %dma_wait3A_766] : memref<4x16384xf32, #tpu.memory_space<vmem>> -> memref<1x16384xf32, #tpu.memory_space<vmem>>
    %dma_wait3A_768 = tpu.memref_squeeze %dma_wait3A_767 : memref<1x16384xf32, #tpu.memory_space<vmem>> -> memref<16384xf32, #tpu.memory_space<vmem>>
    tpu.wait_dma2 semaphore(%arg13 : memref<!tpu.dma_semaphore, #tpu.memory_space<semaphore_mem>>) src(%dma_wait3A_768 : memref<16384xf32, #tpu.memory_space<vmem>>) dst(%dma_wait3A_765 : memref<16384xf32, #tpu.memory_space<hbm>>)
    %add3A_769 = arith.constant 8388608 : i32
    %add3A_770 = arith.addi %add3A_769, %mul3A_4 : i32
    %add3A_771 = arith.constant 65536 : i32
    %add3A_772 = arith.addi %add3A_770, %add3A_771 : i32
    %dma_start3A_773 = arith.constant 2 : i32
    %dma_start3A_774 = arith.constant 0 : i32
    %dma_start3A_775 = tpu.memref_slice %arg5[%dma_start3A_773, %dma_start3A_774] : memref<4x16384xf32, #tpu.memory_space<vmem>> -> memref<1x16384xf32, #tpu.memory_space<vmem>>
    %dma_start3A_776 = tpu.memref_squeeze %dma_start3A_775 : memref<1x16384xf32, #tpu.memory_space<vmem>> -> memref<16384xf32, #tpu.memory_space<vmem>>
    %dma_start3A_777 = tpu.memref_slice %arg2[%add3A_772] : memref<16777216xf32, #tpu.memory_space<hbm>> -> memref<16384xf32, #tpu.memory_space<hbm>>
    %dma_start3A_778 = arith.constant 0 : i32
    %dma_start3A_779 = tpu.memref_slice %arg5[%dma_start3A_773, %dma_start3A_778] : memref<4x16384xf32, #tpu.memory_space<vmem>> -> memref<1x16384xf32, #tpu.memory_space<vmem>>
    %dma_start3A_780 = tpu.memref_squeeze %dma_start3A_779 : memref<1x16384xf32, #tpu.memory_space<vmem>> -> memref<16384xf32, #tpu.memory_space<vmem>>
    %dma_start3A_781 = tpu.memref_slice %arg2[%add3A_772] : memref<16777216xf32, #tpu.memory_space<hbm>> -> memref<16384xf32, #tpu.memory_space<hbm>>
    tpu.enqueue_dma source(%dma_start3A_781 : memref<16384xf32, #tpu.memory_space<hbm>>) target(%dma_start3A_780 : memref<16384xf32, #tpu.memory_space<vmem>>) target_semaphore(%arg9 : memref<!tpu.dma_semaphore, #tpu.memory_space<semaphore_mem>>)
    %dma_wait3A_782 = arith.constant 3 : i32
    %dma_wait3A_783 = arith.constant 0 : i32
    %dma_wait3A_784 = tpu.memref_slice %arg5[%dma_wait3A_782, %dma_wait3A_783] : memref<4x16384xf32, #tpu.memory_space<vmem>> -> memref<1x16384xf32, #tpu.memory_space<vmem>>
    %dma_wait3A_785 = tpu.memref_squeeze %dma_wait3A_784 : memref<1x16384xf32, #tpu.memory_space<vmem>> -> memref<16384xf32, #tpu.memory_space<vmem>>
    %dma_wait3A_786 = tpu.memref_slice %arg2[%add3A_626] : memref<16777216xf32, #tpu.memory_space<hbm>> -> memref<16384xf32, #tpu.memory_space<hbm>>
    %dma_wait3A_787 = arith.constant 0 : i32
    %dma_wait3A_788 = tpu.memref_slice %arg5[%dma_wait3A_782, %dma_wait3A_787] : memref<4x16384xf32, #tpu.memory_space<vmem>> -> memref<1x16384xf32, #tpu.memory_space<vmem>>
    %dma_wait3A_789 = tpu.memref_squeeze %dma_wait3A_788 : memref<1x16384xf32, #tpu.memory_space<vmem>> -> memref<16384xf32, #tpu.memory_space<vmem>>
    %dma_wait3A_790 = tpu.memref_slice %arg2[%add3A_626] : memref<16777216xf32, #tpu.memory_space<hbm>> -> memref<16384xf32, #tpu.memory_space<hbm>>
    tpu.wait_dma2 semaphore(%arg10 : memref<!tpu.dma_semaphore, #tpu.memory_space<semaphore_mem>>) src(%dma_wait3A_790 : memref<16384xf32, #tpu.memory_space<hbm>>) dst(%dma_wait3A_789 : memref<16384xf32, #tpu.memory_space<vmem>>)
    %parallel_loop3A_791 = arith.constant 0 : i32
    %parallel_loop3A_792 = arith.constant 1024 : i32
    %parallel_loop3A_793 = arith.constant 1 : i32
    %parallel_loop3A_794 = arith.constant 3 : i32
    scf.for %parallel_loop3A_1554 = %parallel_loop3A_791 to %parallel_loop3A_792 step %parallel_loop3A_793  : i32 {
      %parallel_loop3A_1555 = arith.constant 16 : i32
      %parallel_loop3A_1556 = arith.muli %parallel_loop3A_1554, %parallel_loop3A_1555 : i32
      %parallel_loop3A_1557 = arith.constant 0 : i32
      %parallel_loop3A_1558 = tpu.memref_slice %arg5[%parallel_loop3A_794, %parallel_loop3A_1557] : memref<4x16384xf32, #tpu.memory_space<vmem>> -> memref<1x16384xf32, #tpu.memory_space<vmem>>
      %parallel_loop3A_1559 = tpu.memref_squeeze %parallel_loop3A_1558 : memref<1x16384xf32, #tpu.memory_space<vmem>> -> memref<16384xf32, #tpu.memory_space<vmem>>
      %parallel_loop3A_1560 = arith.index_cast %parallel_loop3A_1556 : i32 to index
      %parallel_loop3A_1561 = tpu.vector_load %parallel_loop3A_1559[%parallel_loop3A_1560] {strides = array<i32>} : memref<16384xf32, #tpu.memory_space<vmem>>, vector<16xf32>,
      %parallel_loop3A_1562 = vector.shape_cast %parallel_loop3A_1561 : vector<16xf32> to vector<16xf32>
      %parallel_loop3A_1563 = arith.index_cast %parallel_loop3A_1556 : i32 to index
      %parallel_loop3A_1564 = tpu.vector_load %arg6[%parallel_loop3A_1563] {strides = array<i32>} : memref<16384xf32, #tpu.memory_space<vmem>>, vector<16xf32>,
      %parallel_loop3A_1565 = vector.shape_cast %parallel_loop3A_1564 : vector<16xf32> to vector<16xf32>
      %parallel_loop3A_1566 = arith.addf %parallel_loop3A_1562, %parallel_loop3A_1565 : vector<16xf32>
      %parallel_loop3A_1567 = arith.constant 0 : i32
      %parallel_loop3A_1568 = tpu.memref_slice %arg5[%parallel_loop3A_794, %parallel_loop3A_1567] : memref<4x16384xf32, #tpu.memory_space<vmem>> -> memref<1x16384xf32, #tpu.memory_space<vmem>>
      %parallel_loop3A_1569 = tpu.memref_squeeze %parallel_loop3A_1568 : memref<1x16384xf32, #tpu.memory_space<vmem>> -> memref<16384xf32, #tpu.memory_space<vmem>>
      %parallel_loop3A_1570 = arith.index_cast %parallel_loop3A_1556 : i32 to index
      %parallel_loop3A_1571 = tpu.vector_load %parallel_loop3A_1569[%parallel_loop3A_1570] {strides = array<i32>} : memref<16384xf32, #tpu.memory_space<vmem>>, vector<16xf32>,
      %parallel_loop3A_1572 = vector.shape_cast %parallel_loop3A_1571 : vector<16xf32> to vector<16xf32>
      %parallel_loop3A_1573 = vector.shape_cast %parallel_loop3A_1566 : vector<16xf32> to vector<16xf32>
      tpu.vector_store %parallel_loop3A_1569[%parallel_loop3A_1570], %parallel_loop3A_1573 {strides = array<i32>} : memref<16384xf32, #tpu.memory_space<vmem>>, vector<16xf32>,
    } {sc.loop_unroll_factor = 8 : i64, sc.parallel_access}
    %add3A_795 = arith.constant 12582912 : i32
    %add3A_796 = arith.addi %add3A_795, %mul3A_4 : i32
    %add3A_797 = arith.constant 49152 : i32
    %add3A_798 = arith.addi %add3A_796, %add3A_797 : i32
    %dma_start3A_799 = arith.constant 3 : i32
    %dma_start3A_800 = arith.constant 0 : i32
    %dma_start3A_801 = tpu.memref_slice %arg5[%dma_start3A_799, %dma_start3A_800] : memref<4x16384xf32, #tpu.memory_space<vmem>> -> memref<1x16384xf32, #tpu.memory_space<vmem>>
    %dma_start3A_802 = tpu.memref_squeeze %dma_start3A_801 : memref<1x16384xf32, #tpu.memory_space<vmem>> -> memref<16384xf32, #tpu.memory_space<vmem>>
    %dma_start3A_803 = tpu.memref_slice %arg4[%add3A_798] : memref<16777216xf32, #tpu.memory_space<hbm>> -> memref<16384xf32, #tpu.memory_space<hbm>>
    %dma_start3A_804 = tpu.memref_slice %arg4[%add3A_798] : memref<16777216xf32, #tpu.memory_space<hbm>> -> memref<16384xf32, #tpu.memory_space<hbm>>
    %dma_start3A_805 = arith.constant 0 : i32
    %dma_start3A_806 = tpu.memref_slice %arg5[%dma_start3A_799, %dma_start3A_805] : memref<4x16384xf32, #tpu.memory_space<vmem>> -> memref<1x16384xf32, #tpu.memory_space<vmem>>
    %dma_start3A_807 = tpu.memref_squeeze %dma_start3A_806 : memref<1x16384xf32, #tpu.memory_space<vmem>> -> memref<16384xf32, #tpu.memory_space<vmem>>
    tpu.enqueue_dma source(%dma_start3A_807 : memref<16384xf32, #tpu.memory_space<vmem>>) target(%dma_start3A_804 : memref<16384xf32, #tpu.memory_space<hbm>>) target_semaphore(%arg14 : memref<!tpu.dma_semaphore, #tpu.memory_space<semaphore_mem>>)
    %dma_wait3A_808 = arith.constant 3 : i32
    %dma_wait3A_809 = arith.constant 0 : i32
    %dma_wait3A_810 = tpu.memref_slice %arg5[%dma_wait3A_808, %dma_wait3A_809] : memref<4x16384xf32, #tpu.memory_space<vmem>> -> memref<1x16384xf32, #tpu.memory_space<vmem>>
    %dma_wait3A_811 = tpu.memref_squeeze %dma_wait3A_810 : memref<1x16384xf32, #tpu.memory_space<vmem>> -> memref<16384xf32, #tpu.memory_space<vmem>>
    %dma_wait3A_812 = tpu.memref_slice %arg4[%add3A_798] : memref<16777216xf32, #tpu.memory_space<hbm>> -> memref<16384xf32, #tpu.memory_space<hbm>>
    %dma_wait3A_813 = tpu.memref_slice %arg4[%add3A_798] : memref<16777216xf32, #tpu.memory_space<hbm>> -> memref<16384xf32, #tpu.memory_space<hbm>>
    %dma_wait3A_814 = arith.constant 0 : i32
    %dma_wait3A_815 = tpu.memref_slice %arg5[%dma_wait3A_808, %dma_wait3A_814] : memref<4x16384xf32, #tpu.memory_space<vmem>> -> memref<1x16384xf32, #tpu.memory_space<vmem>>
    %dma_wait3A_816 = tpu.memref_squeeze %dma_wait3A_815 : memref<1x16384xf32, #tpu.memory_space<vmem>> -> memref<16384xf32, #tpu.memory_space<vmem>>
    tpu.wait_dma2 semaphore(%arg14 : memref<!tpu.dma_semaphore, #tpu.memory_space<semaphore_mem>>) src(%dma_wait3A_816 : memref<16384xf32, #tpu.memory_space<vmem>>) dst(%dma_wait3A_813 : memref<16384xf32, #tpu.memory_space<hbm>>)
    %add3A_817 = arith.constant 12582912 : i32
    %add3A_818 = arith.addi %add3A_817, %mul3A_4 : i32
    %add3A_819 = arith.constant 65536 : i32
    %add3A_820 = arith.addi %add3A_818, %add3A_819 : i32
    %dma_start3A_821 = arith.constant 3 : i32
    %dma_start3A_822 = arith.constant 0 : i32
    %dma_start3A_823 = tpu.memref_slice %arg5[%dma_start3A_821, %dma_start3A_822] : memref<4x16384xf32, #tpu.memory_space<vmem>> -> memref<1x16384xf32, #tpu.memory_space<vmem>>
    %dma_start3A_824 = tpu.memref_squeeze %dma_start3A_823 : memref<1x16384xf32, #tpu.memory_space<vmem>> -> memref<16384xf32, #tpu.memory_space<vmem>>
    %dma_start3A_825 = tpu.memref_slice %arg2[%add3A_820] : memref<16777216xf32, #tpu.memory_space<hbm>> -> memref<16384xf32, #tpu.memory_space<hbm>>
    %dma_start3A_826 = arith.constant 0 : i32
    %dma_start3A_827 = tpu.memref_slice %arg5[%dma_start3A_821, %dma_start3A_826] : memref<4x16384xf32, #tpu.memory_space<vmem>> -> memref<1x16384xf32, #tpu.memory_space<vmem>>
    %dma_start3A_828 = tpu.memref_squeeze %dma_start3A_827 : memref<1x16384xf32, #tpu.memory_space<vmem>> -> memref<16384xf32, #tpu.memory_space<vmem>>
    %dma_start3A_829 = tpu.memref_slice %arg2[%add3A_820] : memref<16777216xf32, #tpu.memory_space<hbm>> -> memref<16384xf32, #tpu.memory_space<hbm>>
    tpu.enqueue_dma source(%dma_start3A_829 : memref<16384xf32, #tpu.memory_space<hbm>>) target(%dma_start3A_828 : memref<16384xf32, #tpu.memory_space<vmem>>) target_semaphore(%arg10 : memref<!tpu.dma_semaphore, #tpu.memory_space<semaphore_mem>>)
    %add3A_830 = arith.constant 65536 : i32
    %add3A_831 = arith.addi %mul3A_4, %add3A_830 : i32
    "tpu.region"() ({
      %run_scoped3A = tpu.sem_alloc : memref<!tpu.dma_semaphore, #tpu.memory_space<semaphore_mem>>
      %dma_start3A_1554 = tpu.memref_slice %arg3[%add3A_831] : memref<4194304xf32, #tpu.memory_space<hbm>> -> memref<16384xf32, #tpu.memory_space<hbm>>
      %dma_start3A_1555 = tpu.memref_slice %arg3[%add3A_831] : memref<4194304xf32, #tpu.memory_space<hbm>> -> memref<16384xf32, #tpu.memory_space<hbm>>
      tpu.enqueue_dma source(%dma_start3A_1555 : memref<16384xf32, #tpu.memory_space<hbm>>) target(%arg6 : memref<16384xf32, #tpu.memory_space<vmem>>) target_semaphore(%run_scoped3A : memref<!tpu.dma_semaphore, #tpu.memory_space<semaphore_mem>>)
      %dma_wait3A_1556 = tpu.memref_slice %arg3[%add3A_831] : memref<4194304xf32, #tpu.memory_space<hbm>> -> memref<16384xf32, #tpu.memory_space<hbm>>
      %dma_wait3A_1557 = tpu.memref_slice %arg3[%add3A_831] : memref<4194304xf32, #tpu.memory_space<hbm>> -> memref<16384xf32, #tpu.memory_space<hbm>>
      tpu.wait_dma2 semaphore(%run_scoped3A : memref<!tpu.dma_semaphore, #tpu.memory_space<semaphore_mem>>) src(%dma_wait3A_1557 : memref<16384xf32, #tpu.memory_space<hbm>>) dst(%arg6 : memref<16384xf32, #tpu.memory_space<vmem>>)
      tpu.yield
    }) : () -> ()
    %dma_wait3A_832 = arith.constant 0 : i32
    %dma_wait3A_833 = arith.constant 0 : i32
    %dma_wait3A_834 = tpu.memref_slice %arg5[%dma_wait3A_832, %dma_wait3A_833] : memref<4x16384xf32, #tpu.memory_space<vmem>> -> memref<1x16384xf32, #tpu.memory_space<vmem>>
    %dma_wait3A_835 = tpu.memref_squeeze %dma_wait3A_834 : memref<1x16384xf32, #tpu.memory_space<vmem>> -> memref<16384xf32, #tpu.memory_space<vmem>>
    %dma_wait3A_836 = tpu.memref_slice %arg2[%add3A_676] : memref<16777216xf32, #tpu.memory_space<hbm>> -> memref<16384xf32, #tpu.memory_space<hbm>>
    %dma_wait3A_837 = arith.constant 0 : i32
    %dma_wait3A_838 = tpu.memref_slice %arg5[%dma_wait3A_832, %dma_wait3A_837] : memref<4x16384xf32, #tpu.memory_space<vmem>> -> memref<1x16384xf32, #tpu.memory_space<vmem>>
    %dma_wait3A_839 = tpu.memref_squeeze %dma_wait3A_838 : memref<1x16384xf32, #tpu.memory_space<vmem>> -> memref<16384xf32, #tpu.memory_space<vmem>>
    %dma_wait3A_840 = tpu.memref_slice %arg2[%add3A_676] : memref<16777216xf32, #tpu.memory_space<hbm>> -> memref<16384xf32, #tpu.memory_space<hbm>>
    tpu.wait_dma2 semaphore(%arg7 : memref<!tpu.dma_semaphore, #tpu.memory_space<semaphore_mem>>) src(%dma_wait3A_840 : memref<16384xf32, #tpu.memory_space<hbm>>) dst(%dma_wait3A_839 : memref<16384xf32, #tpu.memory_space<vmem>>)
    %parallel_loop3A_841 = arith.constant 0 : i32
    %parallel_loop3A_842 = arith.constant 1024 : i32
    %parallel_loop3A_843 = arith.constant 1 : i32
    %parallel_loop3A_844 = arith.constant 0 : i32
    scf.for %parallel_loop3A_1554 = %parallel_loop3A_841 to %parallel_loop3A_842 step %parallel_loop3A_843  : i32 {
      %parallel_loop3A_1555 = arith.constant 16 : i32
      %parallel_loop3A_1556 = arith.muli %parallel_loop3A_1554, %parallel_loop3A_1555 : i32
      %parallel_loop3A_1557 = arith.constant 0 : i32
      %parallel_loop3A_1558 = tpu.memref_slice %arg5[%parallel_loop3A_844, %parallel_loop3A_1557] : memref<4x16384xf32, #tpu.memory_space<vmem>> -> memref<1x16384xf32, #tpu.memory_space<vmem>>
      %parallel_loop3A_1559 = tpu.memref_squeeze %parallel_loop3A_1558 : memref<1x16384xf32, #tpu.memory_space<vmem>> -> memref<16384xf32, #tpu.memory_space<vmem>>
      %parallel_loop3A_1560 = arith.index_cast %parallel_loop3A_1556 : i32 to index
      %parallel_loop3A_1561 = tpu.vector_load %parallel_loop3A_1559[%parallel_loop3A_1560] {strides = array<i32>} : memref<16384xf32, #tpu.memory_space<vmem>>, vector<16xf32>,
      %parallel_loop3A_1562 = vector.shape_cast %parallel_loop3A_1561 : vector<16xf32> to vector<16xf32>
      %parallel_loop3A_1563 = arith.index_cast %parallel_loop3A_1556 : i32 to index
      %parallel_loop3A_1564 = tpu.vector_load %arg6[%parallel_loop3A_1563] {strides = array<i32>} : memref<16384xf32, #tpu.memory_space<vmem>>, vector<16xf32>,
      %parallel_loop3A_1565 = vector.shape_cast %parallel_loop3A_1564 : vector<16xf32> to vector<16xf32>
      %parallel_loop3A_1566 = arith.addf %parallel_loop3A_1562, %parallel_loop3A_1565 : vector<16xf32>
      %parallel_loop3A_1567 = arith.constant 0 : i32
      %parallel_loop3A_1568 = tpu.memref_slice %arg5[%parallel_loop3A_844, %parallel_loop3A_1567] : memref<4x16384xf32, #tpu.memory_space<vmem>> -> memref<1x16384xf32, #tpu.memory_space<vmem>>
      %parallel_loop3A_1569 = tpu.memref_squeeze %parallel_loop3A_1568 : memref<1x16384xf32, #tpu.memory_space<vmem>> -> memref<16384xf32, #tpu.memory_space<vmem>>
      %parallel_loop3A_1570 = arith.index_cast %parallel_loop3A_1556 : i32 to index
      %parallel_loop3A_1571 = tpu.vector_load %parallel_loop3A_1569[%parallel_loop3A_1570] {strides = array<i32>} : memref<16384xf32, #tpu.memory_space<vmem>>, vector<16xf32>,
      %parallel_loop3A_1572 = vector.shape_cast %parallel_loop3A_1571 : vector<16xf32> to vector<16xf32>
      %parallel_loop3A_1573 = vector.shape_cast %parallel_loop3A_1566 : vector<16xf32> to vector<16xf32>
      tpu.vector_store %parallel_loop3A_1569[%parallel_loop3A_1570], %parallel_loop3A_1573 {strides = array<i32>} : memref<16384xf32, #tpu.memory_space<vmem>>, vector<16xf32>,
    } {sc.loop_unroll_factor = 8 : i64, sc.parallel_access}
    %add3A_845 = arith.constant 0 : i32
    %add3A_846 = arith.addi %add3A_845, %mul3A_4 : i32
    %add3A_847 = arith.constant 65536 : i32
    %add3A_848 = arith.addi %add3A_846, %add3A_847 : i32
    %dma_start3A_849 = arith.constant 0 : i32
    %dma_start3A_850 = arith.constant 0 : i32
    %dma_start3A_851 = tpu.memref_slice %arg5[%dma_start3A_849, %dma_start3A_850] : memref<4x16384xf32, #tpu.memory_space<vmem>> -> memref<1x16384xf32, #tpu.memory_space<vmem>>
    %dma_start3A_852 = tpu.memref_squeeze %dma_start3A_851 : memref<1x16384xf32, #tpu.memory_space<vmem>> -> memref<16384xf32, #tpu.memory_space<vmem>>
    %dma_start3A_853 = tpu.memref_slice %arg4[%add3A_848] : memref<16777216xf32, #tpu.memory_space<hbm>> -> memref<16384xf32, #tpu.memory_space<hbm>>
    %dma_start3A_854 = tpu.memref_slice %arg4[%add3A_848] : memref<16777216xf32, #tpu.memory_space<hbm>> -> memref<16384xf32, #tpu.memory_space<hbm>>
    %dma_start3A_855 = arith.constant 0 : i32
    %dma_start3A_856 = tpu.memref_slice %arg5[%dma_start3A_849, %dma_start3A_855] : memref<4x16384xf32, #tpu.memory_space<vmem>> -> memref<1x16384xf32, #tpu.memory_space<vmem>>
    %dma_start3A_857 = tpu.memref_squeeze %dma_start3A_856 : memref<1x16384xf32, #tpu.memory_space<vmem>> -> memref<16384xf32, #tpu.memory_space<vmem>>
    tpu.enqueue_dma source(%dma_start3A_857 : memref<16384xf32, #tpu.memory_space<vmem>>) target(%dma_start3A_854 : memref<16384xf32, #tpu.memory_space<hbm>>) target_semaphore(%arg11 : memref<!tpu.dma_semaphore, #tpu.memory_space<semaphore_mem>>)
    %dma_wait3A_858 = arith.constant 0 : i32
    %dma_wait3A_859 = arith.constant 0 : i32
    %dma_wait3A_860 = tpu.memref_slice %arg5[%dma_wait3A_858, %dma_wait3A_859] : memref<4x16384xf32, #tpu.memory_space<vmem>> -> memref<1x16384xf32, #tpu.memory_space<vmem>>
    %dma_wait3A_861 = tpu.memref_squeeze %dma_wait3A_860 : memref<1x16384xf32, #tpu.memory_space<vmem>> -> memref<16384xf32, #tpu.memory_space<vmem>>
    %dma_wait3A_862 = tpu.memref_slice %arg4[%add3A_848] : memref<16777216xf32, #tpu.memory_space<hbm>> -> memref<16384xf32, #tpu.memory_space<hbm>>
    %dma_wait3A_863 = tpu.memref_slice %arg4[%add3A_848] : memref<16777216xf32, #tpu.memory_space<hbm>> -> memref<16384xf32, #tpu.memory_space<hbm>>
    %dma_wait3A_864 = arith.constant 0 : i32
    %dma_wait3A_865 = tpu.memref_slice %arg5[%dma_wait3A_858, %dma_wait3A_864] : memref<4x16384xf32, #tpu.memory_space<vmem>> -> memref<1x16384xf32, #tpu.memory_space<vmem>>
    %dma_wait3A_866 = tpu.memref_squeeze %dma_wait3A_865 : memref<1x16384xf32, #tpu.memory_space<vmem>> -> memref<16384xf32, #tpu.memory_space<vmem>>
    tpu.wait_dma2 semaphore(%arg11 : memref<!tpu.dma_semaphore, #tpu.memory_space<semaphore_mem>>) src(%dma_wait3A_866 : memref<16384xf32, #tpu.memory_space<vmem>>) dst(%dma_wait3A_863 : memref<16384xf32, #tpu.memory_space<hbm>>)
    %add3A_867 = arith.constant 0 : i32
    %add3A_868 = arith.addi %add3A_867, %mul3A_4 : i32
    %add3A_869 = arith.constant 81920 : i32
    %add3A_870 = arith.addi %add3A_868, %add3A_869 : i32
    %dma_start3A_871 = arith.constant 0 : i32
    %dma_start3A_872 = arith.constant 0 : i32
    %dma_start3A_873 = tpu.memref_slice %arg5[%dma_start3A_871, %dma_start3A_872] : memref<4x16384xf32, #tpu.memory_space<vmem>> -> memref<1x16384xf32, #tpu.memory_space<vmem>>
    %dma_start3A_874 = tpu.memref_squeeze %dma_start3A_873 : memref<1x16384xf32, #tpu.memory_space<vmem>> -> memref<16384xf32, #tpu.memory_space<vmem>>
    %dma_start3A_875 = tpu.memref_slice %arg2[%add3A_870] : memref<16777216xf32, #tpu.memory_space<hbm>> -> memref<16384xf32, #tpu.memory_space<hbm>>
    %dma_start3A_876 = arith.constant 0 : i32
    %dma_start3A_877 = tpu.memref_slice %arg5[%dma_start3A_871, %dma_start3A_876] : memref<4x16384xf32, #tpu.memory_space<vmem>> -> memref<1x16384xf32, #tpu.memory_space<vmem>>
    %dma_start3A_878 = tpu.memref_squeeze %dma_start3A_877 : memref<1x16384xf32, #tpu.memory_space<vmem>> -> memref<16384xf32, #tpu.memory_space<vmem>>
    %dma_start3A_879 = tpu.memref_slice %arg2[%add3A_870] : memref<16777216xf32, #tpu.memory_space<hbm>> -> memref<16384xf32, #tpu.memory_space<hbm>>
    tpu.enqueue_dma source(%dma_start3A_879 : memref<16384xf32, #tpu.memory_space<hbm>>) target(%dma_start3A_878 : memref<16384xf32, #tpu.memory_space<vmem>>) target_semaphore(%arg7 : memref<!tpu.dma_semaphore, #tpu.memory_space<semaphore_mem>>)
    %dma_wait3A_880 = arith.constant 1 : i32
    %dma_wait3A_881 = arith.constant 0 : i32
    %dma_wait3A_882 = tpu.memref_slice %arg5[%dma_wait3A_880, %dma_wait3A_881] : memref<4x16384xf32, #tpu.memory_space<vmem>> -> memref<1x16384xf32, #tpu.memory_space<vmem>>
    %dma_wait3A_883 = tpu.memref_squeeze %dma_wait3A_882 : memref<1x16384xf32, #tpu.memory_space<vmem>> -> memref<16384xf32, #tpu.memory_space<vmem>>
    %dma_wait3A_884 = tpu.memref_slice %arg2[%add3A_724] : memref<16777216xf32, #tpu.memory_space<hbm>> -> memref<16384xf32, #tpu.memory_space<hbm>>
    %dma_wait3A_885 = arith.constant 0 : i32
    %dma_wait3A_886 = tpu.memref_slice %arg5[%dma_wait3A_880, %dma_wait3A_885] : memref<4x16384xf32, #tpu.memory_space<vmem>> -> memref<1x16384xf32, #tpu.memory_space<vmem>>
    %dma_wait3A_887 = tpu.memref_squeeze %dma_wait3A_886 : memref<1x16384xf32, #tpu.memory_space<vmem>> -> memref<16384xf32, #tpu.memory_space<vmem>>
    %dma_wait3A_888 = tpu.memref_slice %arg2[%add3A_724] : memref<16777216xf32, #tpu.memory_space<hbm>> -> memref<16384xf32, #tpu.memory_space<hbm>>
    tpu.wait_dma2 semaphore(%arg8 : memref<!tpu.dma_semaphore, #tpu.memory_space<semaphore_mem>>) src(%dma_wait3A_888 : memref<16384xf32, #tpu.memory_space<hbm>>) dst(%dma_wait3A_887 : memref<16384xf32, #tpu.memory_space<vmem>>)
    %parallel_loop3A_889 = arith.constant 0 : i32
    %parallel_loop3A_890 = arith.constant 1024 : i32
    %parallel_loop3A_891 = arith.constant 1 : i32
    %parallel_loop3A_892 = arith.constant 1 : i32
    scf.for %parallel_loop3A_1554 = %parallel_loop3A_889 to %parallel_loop3A_890 step %parallel_loop3A_891  : i32 {
      %parallel_loop3A_1555 = arith.constant 16 : i32
      %parallel_loop3A_1556 = arith.muli %parallel_loop3A_1554, %parallel_loop3A_1555 : i32
      %parallel_loop3A_1557 = arith.constant 0 : i32
      %parallel_loop3A_1558 = tpu.memref_slice %arg5[%parallel_loop3A_892, %parallel_loop3A_1557] : memref<4x16384xf32, #tpu.memory_space<vmem>> -> memref<1x16384xf32, #tpu.memory_space<vmem>>
      %parallel_loop3A_1559 = tpu.memref_squeeze %parallel_loop3A_1558 : memref<1x16384xf32, #tpu.memory_space<vmem>> -> memref<16384xf32, #tpu.memory_space<vmem>>
      %parallel_loop3A_1560 = arith.index_cast %parallel_loop3A_1556 : i32 to index
      %parallel_loop3A_1561 = tpu.vector_load %parallel_loop3A_1559[%parallel_loop3A_1560] {strides = array<i32>} : memref<16384xf32, #tpu.memory_space<vmem>>, vector<16xf32>,
      %parallel_loop3A_1562 = vector.shape_cast %parallel_loop3A_1561 : vector<16xf32> to vector<16xf32>
      %parallel_loop3A_1563 = arith.index_cast %parallel_loop3A_1556 : i32 to index
      %parallel_loop3A_1564 = tpu.vector_load %arg6[%parallel_loop3A_1563] {strides = array<i32>} : memref<16384xf32, #tpu.memory_space<vmem>>, vector<16xf32>,
      %parallel_loop3A_1565 = vector.shape_cast %parallel_loop3A_1564 : vector<16xf32> to vector<16xf32>
      %parallel_loop3A_1566 = arith.addf %parallel_loop3A_1562, %parallel_loop3A_1565 : vector<16xf32>
      %parallel_loop3A_1567 = arith.constant 0 : i32
      %parallel_loop3A_1568 = tpu.memref_slice %arg5[%parallel_loop3A_892, %parallel_loop3A_1567] : memref<4x16384xf32, #tpu.memory_space<vmem>> -> memref<1x16384xf32, #tpu.memory_space<vmem>>
      %parallel_loop3A_1569 = tpu.memref_squeeze %parallel_loop3A_1568 : memref<1x16384xf32, #tpu.memory_space<vmem>> -> memref<16384xf32, #tpu.memory_space<vmem>>
      %parallel_loop3A_1570 = arith.index_cast %parallel_loop3A_1556 : i32 to index
      %parallel_loop3A_1571 = tpu.vector_load %parallel_loop3A_1569[%parallel_loop3A_1570] {strides = array<i32>} : memref<16384xf32, #tpu.memory_space<vmem>>, vector<16xf32>,
      %parallel_loop3A_1572 = vector.shape_cast %parallel_loop3A_1571 : vector<16xf32> to vector<16xf32>
      %parallel_loop3A_1573 = vector.shape_cast %parallel_loop3A_1566 : vector<16xf32> to vector<16xf32>
      tpu.vector_store %parallel_loop3A_1569[%parallel_loop3A_1570], %parallel_loop3A_1573 {strides = array<i32>} : memref<16384xf32, #tpu.memory_space<vmem>>, vector<16xf32>,
    } {sc.loop_unroll_factor = 8 : i64, sc.parallel_access}
    %add3A_893 = arith.constant 4194304 : i32
    %add3A_894 = arith.addi %add3A_893, %mul3A_4 : i32
    %add3A_895 = arith.constant 65536 : i32
    %add3A_896 = arith.addi %add3A_894, %add3A_895 : i32
    %dma_start3A_897 = arith.constant 1 : i32
    %dma_start3A_898 = arith.constant 0 : i32
    %dma_start3A_899 = tpu.memref_slice %arg5[%dma_start3A_897, %dma_start3A_898] : memref<4x16384xf32, #tpu.memory_space<vmem>> -> memref<1x16384xf32, #tpu.memory_space<vmem>>
    %dma_start3A_900 = tpu.memref_squeeze %dma_start3A_899 : memref<1x16384xf32, #tpu.memory_space<vmem>> -> memref<16384xf32, #tpu.memory_space<vmem>>
    %dma_start3A_901 = tpu.memref_slice %arg4[%add3A_896] : memref<16777216xf32, #tpu.memory_space<hbm>> -> memref<16384xf32, #tpu.memory_space<hbm>>
    %dma_start3A_902 = tpu.memref_slice %arg4[%add3A_896] : memref<16777216xf32, #tpu.memory_space<hbm>> -> memref<16384xf32, #tpu.memory_space<hbm>>
    %dma_start3A_903 = arith.constant 0 : i32
    %dma_start3A_904 = tpu.memref_slice %arg5[%dma_start3A_897, %dma_start3A_903] : memref<4x16384xf32, #tpu.memory_space<vmem>> -> memref<1x16384xf32, #tpu.memory_space<vmem>>
    %dma_start3A_905 = tpu.memref_squeeze %dma_start3A_904 : memref<1x16384xf32, #tpu.memory_space<vmem>> -> memref<16384xf32, #tpu.memory_space<vmem>>
    tpu.enqueue_dma source(%dma_start3A_905 : memref<16384xf32, #tpu.memory_space<vmem>>) target(%dma_start3A_902 : memref<16384xf32, #tpu.memory_space<hbm>>) target_semaphore(%arg12 : memref<!tpu.dma_semaphore, #tpu.memory_space<semaphore_mem>>)
    %dma_wait3A_906 = arith.constant 1 : i32
    %dma_wait3A_907 = arith.constant 0 : i32
    %dma_wait3A_908 = tpu.memref_slice %arg5[%dma_wait3A_906, %dma_wait3A_907] : memref<4x16384xf32, #tpu.memory_space<vmem>> -> memref<1x16384xf32, #tpu.memory_space<vmem>>
    %dma_wait3A_909 = tpu.memref_squeeze %dma_wait3A_908 : memref<1x16384xf32, #tpu.memory_space<vmem>> -> memref<16384xf32, #tpu.memory_space<vmem>>
    %dma_wait3A_910 = tpu.memref_slice %arg4[%add3A_896] : memref<16777216xf32, #tpu.memory_space<hbm>> -> memref<16384xf32, #tpu.memory_space<hbm>>
    %dma_wait3A_911 = tpu.memref_slice %arg4[%add3A_896] : memref<16777216xf32, #tpu.memory_space<hbm>> -> memref<16384xf32, #tpu.memory_space<hbm>>
    %dma_wait3A_912 = arith.constant 0 : i32
    %dma_wait3A_913 = tpu.memref_slice %arg5[%dma_wait3A_906, %dma_wait3A_912] : memref<4x16384xf32, #tpu.memory_space<vmem>> -> memref<1x16384xf32, #tpu.memory_space<vmem>>
    %dma_wait3A_914 = tpu.memref_squeeze %dma_wait3A_913 : memref<1x16384xf32, #tpu.memory_space<vmem>> -> memref<16384xf32, #tpu.memory_space<vmem>>
    tpu.wait_dma2 semaphore(%arg12 : memref<!tpu.dma_semaphore, #tpu.memory_space<semaphore_mem>>) src(%dma_wait3A_914 : memref<16384xf32, #tpu.memory_space<vmem>>) dst(%dma_wait3A_911 : memref<16384xf32, #tpu.memory_space<hbm>>)
    %add3A_915 = arith.constant 4194304 : i32
    %add3A_916 = arith.addi %add3A_915, %mul3A_4 : i32
    %add3A_917 = arith.constant 81920 : i32
    %add3A_918 = arith.addi %add3A_916, %add3A_917 : i32
    %dma_start3A_919 = arith.constant 1 : i32
    %dma_start3A_920 = arith.constant 0 : i32
    %dma_start3A_921 = tpu.memref_slice %arg5[%dma_start3A_919, %dma_start3A_920] : memref<4x16384xf32, #tpu.memory_space<vmem>> -> memref<1x16384xf32, #tpu.memory_space<vmem>>
    %dma_start3A_922 = tpu.memref_squeeze %dma_start3A_921 : memref<1x16384xf32, #tpu.memory_space<vmem>> -> memref<16384xf32, #tpu.memory_space<vmem>>
    %dma_start3A_923 = tpu.memref_slice %arg2[%add3A_918] : memref<16777216xf32, #tpu.memory_space<hbm>> -> memref<16384xf32, #tpu.memory_space<hbm>>
    %dma_start3A_924 = arith.constant 0 : i32
    %dma_start3A_925 = tpu.memref_slice %arg5[%dma_start3A_919, %dma_start3A_924] : memref<4x16384xf32, #tpu.memory_space<vmem>> -> memref<1x16384xf32, #tpu.memory_space<vmem>>
    %dma_start3A_926 = tpu.memref_squeeze %dma_start3A_925 : memref<1x16384xf32, #tpu.memory_space<vmem>> -> memref<16384xf32, #tpu.memory_space<vmem>>
    %dma_start3A_927 = tpu.memref_slice %arg2[%add3A_918] : memref<16777216xf32, #tpu.memory_space<hbm>> -> memref<16384xf32, #tpu.memory_space<hbm>>
    tpu.enqueue_dma source(%dma_start3A_927 : memref<16384xf32, #tpu.memory_space<hbm>>) target(%dma_start3A_926 : memref<16384xf32, #tpu.memory_space<vmem>>) target_semaphore(%arg8 : memref<!tpu.dma_semaphore, #tpu.memory_space<semaphore_mem>>)
    %dma_wait3A_928 = arith.constant 2 : i32
    %dma_wait3A_929 = arith.constant 0 : i32
    %dma_wait3A_930 = tpu.memref_slice %arg5[%dma_wait3A_928, %dma_wait3A_929] : memref<4x16384xf32, #tpu.memory_space<vmem>> -> memref<1x16384xf32, #tpu.memory_space<vmem>>
    %dma_wait3A_931 = tpu.memref_squeeze %dma_wait3A_930 : memref<1x16384xf32, #tpu.memory_space<vmem>> -> memref<16384xf32, #tpu.memory_space<vmem>>
    %dma_wait3A_932 = tpu.memref_slice %arg2[%add3A_772] : memref<16777216xf32, #tpu.memory_space<hbm>> -> memref<16384xf32, #tpu.memory_space<hbm>>
    %dma_wait3A_933 = arith.constant 0 : i32
    %dma_wait3A_934 = tpu.memref_slice %arg5[%dma_wait3A_928, %dma_wait3A_933] : memref<4x16384xf32, #tpu.memory_space<vmem>> -> memref<1x16384xf32, #tpu.memory_space<vmem>>
    %dma_wait3A_935 = tpu.memref_squeeze %dma_wait3A_934 : memref<1x16384xf32, #tpu.memory_space<vmem>> -> memref<16384xf32, #tpu.memory_space<vmem>>
    %dma_wait3A_936 = tpu.memref_slice %arg2[%add3A_772] : memref<16777216xf32, #tpu.memory_space<hbm>> -> memref<16384xf32, #tpu.memory_space<hbm>>
    tpu.wait_dma2 semaphore(%arg9 : memref<!tpu.dma_semaphore, #tpu.memory_space<semaphore_mem>>) src(%dma_wait3A_936 : memref<16384xf32, #tpu.memory_space<hbm>>) dst(%dma_wait3A_935 : memref<16384xf32, #tpu.memory_space<vmem>>)
    %parallel_loop3A_937 = arith.constant 0 : i32
    %parallel_loop3A_938 = arith.constant 1024 : i32
    %parallel_loop3A_939 = arith.constant 1 : i32
    %parallel_loop3A_940 = arith.constant 2 : i32
    scf.for %parallel_loop3A_1554 = %parallel_loop3A_937 to %parallel_loop3A_938 step %parallel_loop3A_939  : i32 {
      %parallel_loop3A_1555 = arith.constant 16 : i32
      %parallel_loop3A_1556 = arith.muli %parallel_loop3A_1554, %parallel_loop3A_1555 : i32
      %parallel_loop3A_1557 = arith.constant 0 : i32
      %parallel_loop3A_1558 = tpu.memref_slice %arg5[%parallel_loop3A_940, %parallel_loop3A_1557] : memref<4x16384xf32, #tpu.memory_space<vmem>> -> memref<1x16384xf32, #tpu.memory_space<vmem>>
      %parallel_loop3A_1559 = tpu.memref_squeeze %parallel_loop3A_1558 : memref<1x16384xf32, #tpu.memory_space<vmem>> -> memref<16384xf32, #tpu.memory_space<vmem>>
      %parallel_loop3A_1560 = arith.index_cast %parallel_loop3A_1556 : i32 to index
      %parallel_loop3A_1561 = tpu.vector_load %parallel_loop3A_1559[%parallel_loop3A_1560] {strides = array<i32>} : memref<16384xf32, #tpu.memory_space<vmem>>, vector<16xf32>,
      %parallel_loop3A_1562 = vector.shape_cast %parallel_loop3A_1561 : vector<16xf32> to vector<16xf32>
      %parallel_loop3A_1563 = arith.index_cast %parallel_loop3A_1556 : i32 to index
      %parallel_loop3A_1564 = tpu.vector_load %arg6[%parallel_loop3A_1563] {strides = array<i32>} : memref<16384xf32, #tpu.memory_space<vmem>>, vector<16xf32>,
      %parallel_loop3A_1565 = vector.shape_cast %parallel_loop3A_1564 : vector<16xf32> to vector<16xf32>
      %parallel_loop3A_1566 = arith.addf %parallel_loop3A_1562, %parallel_loop3A_1565 : vector<16xf32>
      %parallel_loop3A_1567 = arith.constant 0 : i32
      %parallel_loop3A_1568 = tpu.memref_slice %arg5[%parallel_loop3A_940, %parallel_loop3A_1567] : memref<4x16384xf32, #tpu.memory_space<vmem>> -> memref<1x16384xf32, #tpu.memory_space<vmem>>
      %parallel_loop3A_1569 = tpu.memref_squeeze %parallel_loop3A_1568 : memref<1x16384xf32, #tpu.memory_space<vmem>> -> memref<16384xf32, #tpu.memory_space<vmem>>
      %parallel_loop3A_1570 = arith.index_cast %parallel_loop3A_1556 : i32 to index
      %parallel_loop3A_1571 = tpu.vector_load %parallel_loop3A_1569[%parallel_loop3A_1570] {strides = array<i32>} : memref<16384xf32, #tpu.memory_space<vmem>>, vector<16xf32>,
      %parallel_loop3A_1572 = vector.shape_cast %parallel_loop3A_1571 : vector<16xf32> to vector<16xf32>
      %parallel_loop3A_1573 = vector.shape_cast %parallel_loop3A_1566 : vector<16xf32> to vector<16xf32>
      tpu.vector_store %parallel_loop3A_1569[%parallel_loop3A_1570], %parallel_loop3A_1573 {strides = array<i32>} : memref<16384xf32, #tpu.memory_space<vmem>>, vector<16xf32>,
    } {sc.loop_unroll_factor = 8 : i64, sc.parallel_access}
    %add3A_941 = arith.constant 8388608 : i32
    %add3A_942 = arith.addi %add3A_941, %mul3A_4 : i32
    %add3A_943 = arith.constant 65536 : i32
    %add3A_944 = arith.addi %add3A_942, %add3A_943 : i32
    %dma_start3A_945 = arith.constant 2 : i32
    %dma_start3A_946 = arith.constant 0 : i32
    %dma_start3A_947 = tpu.memref_slice %arg5[%dma_start3A_945, %dma_start3A_946] : memref<4x16384xf32, #tpu.memory_space<vmem>> -> memref<1x16384xf32, #tpu.memory_space<vmem>>
    %dma_start3A_948 = tpu.memref_squeeze %dma_start3A_947 : memref<1x16384xf32, #tpu.memory_space<vmem>> -> memref<16384xf32, #tpu.memory_space<vmem>>
    %dma_start3A_949 = tpu.memref_slice %arg4[%add3A_944] : memref<16777216xf32, #tpu.memory_space<hbm>> -> memref<16384xf32, #tpu.memory_space<hbm>>
    %dma_start3A_950 = tpu.memref_slice %arg4[%add3A_944] : memref<16777216xf32, #tpu.memory_space<hbm>> -> memref<16384xf32, #tpu.memory_space<hbm>>
    %dma_start3A_951 = arith.constant 0 : i32
    %dma_start3A_952 = tpu.memref_slice %arg5[%dma_start3A_945, %dma_start3A_951] : memref<4x16384xf32, #tpu.memory_space<vmem>> -> memref<1x16384xf32, #tpu.memory_space<vmem>>
    %dma_start3A_953 = tpu.memref_squeeze %dma_start3A_952 : memref<1x16384xf32, #tpu.memory_space<vmem>> -> memref<16384xf32, #tpu.memory_space<vmem>>
    tpu.enqueue_dma source(%dma_start3A_953 : memref<16384xf32, #tpu.memory_space<vmem>>) target(%dma_start3A_950 : memref<16384xf32, #tpu.memory_space<hbm>>) target_semaphore(%arg13 : memref<!tpu.dma_semaphore, #tpu.memory_space<semaphore_mem>>)
    %dma_wait3A_954 = arith.constant 2 : i32
    %dma_wait3A_955 = arith.constant 0 : i32
    %dma_wait3A_956 = tpu.memref_slice %arg5[%dma_wait3A_954, %dma_wait3A_955] : memref<4x16384xf32, #tpu.memory_space<vmem>> -> memref<1x16384xf32, #tpu.memory_space<vmem>>
    %dma_wait3A_957 = tpu.memref_squeeze %dma_wait3A_956 : memref<1x16384xf32, #tpu.memory_space<vmem>> -> memref<16384xf32, #tpu.memory_space<vmem>>
    %dma_wait3A_958 = tpu.memref_slice %arg4[%add3A_944] : memref<16777216xf32, #tpu.memory_space<hbm>> -> memref<16384xf32, #tpu.memory_space<hbm>>
    %dma_wait3A_959 = tpu.memref_slice %arg4[%add3A_944] : memref<16777216xf32, #tpu.memory_space<hbm>> -> memref<16384xf32, #tpu.memory_space<hbm>>
    %dma_wait3A_960 = arith.constant 0 : i32
    %dma_wait3A_961 = tpu.memref_slice %arg5[%dma_wait3A_954, %dma_wait3A_960] : memref<4x16384xf32, #tpu.memory_space<vmem>> -> memref<1x16384xf32, #tpu.memory_space<vmem>>
    %dma_wait3A_962 = tpu.memref_squeeze %dma_wait3A_961 : memref<1x16384xf32, #tpu.memory_space<vmem>> -> memref<16384xf32, #tpu.memory_space<vmem>>
    tpu.wait_dma2 semaphore(%arg13 : memref<!tpu.dma_semaphore, #tpu.memory_space<semaphore_mem>>) src(%dma_wait3A_962 : memref<16384xf32, #tpu.memory_space<vmem>>) dst(%dma_wait3A_959 : memref<16384xf32, #tpu.memory_space<hbm>>)
    %add3A_963 = arith.constant 8388608 : i32
    %add3A_964 = arith.addi %add3A_963, %mul3A_4 : i32
    %add3A_965 = arith.constant 81920 : i32
    %add3A_966 = arith.addi %add3A_964, %add3A_965 : i32
    %dma_start3A_967 = arith.constant 2 : i32
    %dma_start3A_968 = arith.constant 0 : i32
    %dma_start3A_969 = tpu.memref_slice %arg5[%dma_start3A_967, %dma_start3A_968] : memref<4x16384xf32, #tpu.memory_space<vmem>> -> memref<1x16384xf32, #tpu.memory_space<vmem>>
    %dma_start3A_970 = tpu.memref_squeeze %dma_start3A_969 : memref<1x16384xf32, #tpu.memory_space<vmem>> -> memref<16384xf32, #tpu.memory_space<vmem>>
    %dma_start3A_971 = tpu.memref_slice %arg2[%add3A_966] : memref<16777216xf32, #tpu.memory_space<hbm>> -> memref<16384xf32, #tpu.memory_space<hbm>>
    %dma_start3A_972 = arith.constant 0 : i32
    %dma_start3A_973 = tpu.memref_slice %arg5[%dma_start3A_967, %dma_start3A_972] : memref<4x16384xf32, #tpu.memory_space<vmem>> -> memref<1x16384xf32, #tpu.memory_space<vmem>>
    %dma_start3A_974 = tpu.memref_squeeze %dma_start3A_973 : memref<1x16384xf32, #tpu.memory_space<vmem>> -> memref<16384xf32, #tpu.memory_space<vmem>>
    %dma_start3A_975 = tpu.memref_slice %arg2[%add3A_966] : memref<16777216xf32, #tpu.memory_space<hbm>> -> memref<16384xf32, #tpu.memory_space<hbm>>
    tpu.enqueue_dma source(%dma_start3A_975 : memref<16384xf32, #tpu.memory_space<hbm>>) target(%dma_start3A_974 : memref<16384xf32, #tpu.memory_space<vmem>>) target_semaphore(%arg9 : memref<!tpu.dma_semaphore, #tpu.memory_space<semaphore_mem>>)
    %dma_wait3A_976 = arith.constant 3 : i32
    %dma_wait3A_977 = arith.constant 0 : i32
    %dma_wait3A_978 = tpu.memref_slice %arg5[%dma_wait3A_976, %dma_wait3A_977] : memref<4x16384xf32, #tpu.memory_space<vmem>> -> memref<1x16384xf32, #tpu.memory_space<vmem>>
    %dma_wait3A_979 = tpu.memref_squeeze %dma_wait3A_978 : memref<1x16384xf32, #tpu.memory_space<vmem>> -> memref<16384xf32, #tpu.memory_space<vmem>>
    %dma_wait3A_980 = tpu.memref_slice %arg2[%add3A_820] : memref<16777216xf32, #tpu.memory_space<hbm>> -> memref<16384xf32, #tpu.memory_space<hbm>>
    %dma_wait3A_981 = arith.constant 0 : i32
    %dma_wait3A_982 = tpu.memref_slice %arg5[%dma_wait3A_976, %dma_wait3A_981] : memref<4x16384xf32, #tpu.memory_space<vmem>> -> memref<1x16384xf32, #tpu.memory_space<vmem>>
    %dma_wait3A_983 = tpu.memref_squeeze %dma_wait3A_982 : memref<1x16384xf32, #tpu.memory_space<vmem>> -> memref<16384xf32, #tpu.memory_space<vmem>>
    %dma_wait3A_984 = tpu.memref_slice %arg2[%add3A_820] : memref<16777216xf32, #tpu.memory_space<hbm>> -> memref<16384xf32, #tpu.memory_space<hbm>>
    tpu.wait_dma2 semaphore(%arg10 : memref<!tpu.dma_semaphore, #tpu.memory_space<semaphore_mem>>) src(%dma_wait3A_984 : memref<16384xf32, #tpu.memory_space<hbm>>) dst(%dma_wait3A_983 : memref<16384xf32, #tpu.memory_space<vmem>>)
    %parallel_loop3A_985 = arith.constant 0 : i32
    %parallel_loop3A_986 = arith.constant 1024 : i32
    %parallel_loop3A_987 = arith.constant 1 : i32
    %parallel_loop3A_988 = arith.constant 3 : i32
    scf.for %parallel_loop3A_1554 = %parallel_loop3A_985 to %parallel_loop3A_986 step %parallel_loop3A_987  : i32 {
      %parallel_loop3A_1555 = arith.constant 16 : i32
      %parallel_loop3A_1556 = arith.muli %parallel_loop3A_1554, %parallel_loop3A_1555 : i32
      %parallel_loop3A_1557 = arith.constant 0 : i32
      %parallel_loop3A_1558 = tpu.memref_slice %arg5[%parallel_loop3A_988, %parallel_loop3A_1557] : memref<4x16384xf32, #tpu.memory_space<vmem>> -> memref<1x16384xf32, #tpu.memory_space<vmem>>
      %parallel_loop3A_1559 = tpu.memref_squeeze %parallel_loop3A_1558 : memref<1x16384xf32, #tpu.memory_space<vmem>> -> memref<16384xf32, #tpu.memory_space<vmem>>
      %parallel_loop3A_1560 = arith.index_cast %parallel_loop3A_1556 : i32 to index
      %parallel_loop3A_1561 = tpu.vector_load %parallel_loop3A_1559[%parallel_loop3A_1560] {strides = array<i32>} : memref<16384xf32, #tpu.memory_space<vmem>>, vector<16xf32>,
      %parallel_loop3A_1562 = vector.shape_cast %parallel_loop3A_1561 : vector<16xf32> to vector<16xf32>
      %parallel_loop3A_1563 = arith.index_cast %parallel_loop3A_1556 : i32 to index
      %parallel_loop3A_1564 = tpu.vector_load %arg6[%parallel_loop3A_1563] {strides = array<i32>} : memref<16384xf32, #tpu.memory_space<vmem>>, vector<16xf32>,
      %parallel_loop3A_1565 = vector.shape_cast %parallel_loop3A_1564 : vector<16xf32> to vector<16xf32>
      %parallel_loop3A_1566 = arith.addf %parallel_loop3A_1562, %parallel_loop3A_1565 : vector<16xf32>
      %parallel_loop3A_1567 = arith.constant 0 : i32
      %parallel_loop3A_1568 = tpu.memref_slice %arg5[%parallel_loop3A_988, %parallel_loop3A_1567] : memref<4x16384xf32, #tpu.memory_space<vmem>> -> memref<1x16384xf32, #tpu.memory_space<vmem>>
      %parallel_loop3A_1569 = tpu.memref_squeeze %parallel_loop3A_1568 : memref<1x16384xf32, #tpu.memory_space<vmem>> -> memref<16384xf32, #tpu.memory_space<vmem>>
      %parallel_loop3A_1570 = arith.index_cast %parallel_loop3A_1556 : i32 to index
      %parallel_loop3A_1571 = tpu.vector_load %parallel_loop3A_1569[%parallel_loop3A_1570] {strides = array<i32>} : memref<16384xf32, #tpu.memory_space<vmem>>, vector<16xf32>,
      %parallel_loop3A_1572 = vector.shape_cast %parallel_loop3A_1571 : vector<16xf32> to vector<16xf32>
      %parallel_loop3A_1573 = vector.shape_cast %parallel_loop3A_1566 : vector<16xf32> to vector<16xf32>
      tpu.vector_store %parallel_loop3A_1569[%parallel_loop3A_1570], %parallel_loop3A_1573 {strides = array<i32>} : memref<16384xf32, #tpu.memory_space<vmem>>, vector<16xf32>,
    } {sc.loop_unroll_factor = 8 : i64, sc.parallel_access}
    %add3A_989 = arith.constant 12582912 : i32
    %add3A_990 = arith.addi %add3A_989, %mul3A_4 : i32
    %add3A_991 = arith.constant 65536 : i32
    %add3A_992 = arith.addi %add3A_990, %add3A_991 : i32
    %dma_start3A_993 = arith.constant 3 : i32
    %dma_start3A_994 = arith.constant 0 : i32
    %dma_start3A_995 = tpu.memref_slice %arg5[%dma_start3A_993, %dma_start3A_994] : memref<4x16384xf32, #tpu.memory_space<vmem>> -> memref<1x16384xf32, #tpu.memory_space<vmem>>
    %dma_start3A_996 = tpu.memref_squeeze %dma_start3A_995 : memref<1x16384xf32, #tpu.memory_space<vmem>> -> memref<16384xf32, #tpu.memory_space<vmem>>
    %dma_start3A_997 = tpu.memref_slice %arg4[%add3A_992] : memref<16777216xf32, #tpu.memory_space<hbm>> -> memref<16384xf32, #tpu.memory_space<hbm>>
    %dma_start3A_998 = tpu.memref_slice %arg4[%add3A_992] : memref<16777216xf32, #tpu.memory_space<hbm>> -> memref<16384xf32, #tpu.memory_space<hbm>>
    %dma_start3A_999 = arith.constant 0 : i32
    %dma_start3A_1000 = tpu.memref_slice %arg5[%dma_start3A_993, %dma_start3A_999] : memref<4x16384xf32, #tpu.memory_space<vmem>> -> memref<1x16384xf32, #tpu.memory_space<vmem>>
    %dma_start3A_1001 = tpu.memref_squeeze %dma_start3A_1000 : memref<1x16384xf32, #tpu.memory_space<vmem>> -> memref<16384xf32, #tpu.memory_space<vmem>>
    tpu.enqueue_dma source(%dma_start3A_1001 : memref<16384xf32, #tpu.memory_space<vmem>>) target(%dma_start3A_998 : memref<16384xf32, #tpu.memory_space<hbm>>) target_semaphore(%arg14 : memref<!tpu.dma_semaphore, #tpu.memory_space<semaphore_mem>>)
    %dma_wait3A_1002 = arith.constant 3 : i32
    %dma_wait3A_1003 = arith.constant 0 : i32
    %dma_wait3A_1004 = tpu.memref_slice %arg5[%dma_wait3A_1002, %dma_wait3A_1003] : memref<4x16384xf32, #tpu.memory_space<vmem>> -> memref<1x16384xf32, #tpu.memory_space<vmem>>
    %dma_wait3A_1005 = tpu.memref_squeeze %dma_wait3A_1004 : memref<1x16384xf32, #tpu.memory_space<vmem>> -> memref<16384xf32, #tpu.memory_space<vmem>>
    %dma_wait3A_1006 = tpu.memref_slice %arg4[%add3A_992] : memref<16777216xf32, #tpu.memory_space<hbm>> -> memref<16384xf32, #tpu.memory_space<hbm>>
    %dma_wait3A_1007 = tpu.memref_slice %arg4[%add3A_992] : memref<16777216xf32, #tpu.memory_space<hbm>> -> memref<16384xf32, #tpu.memory_space<hbm>>
    %dma_wait3A_1008 = arith.constant 0 : i32
    %dma_wait3A_1009 = tpu.memref_slice %arg5[%dma_wait3A_1002, %dma_wait3A_1008] : memref<4x16384xf32, #tpu.memory_space<vmem>> -> memref<1x16384xf32, #tpu.memory_space<vmem>>
    %dma_wait3A_1010 = tpu.memref_squeeze %dma_wait3A_1009 : memref<1x16384xf32, #tpu.memory_space<vmem>> -> memref<16384xf32, #tpu.memory_space<vmem>>
    tpu.wait_dma2 semaphore(%arg14 : memref<!tpu.dma_semaphore, #tpu.memory_space<semaphore_mem>>) src(%dma_wait3A_1010 : memref<16384xf32, #tpu.memory_space<vmem>>) dst(%dma_wait3A_1007 : memref<16384xf32, #tpu.memory_space<hbm>>)
    %add3A_1011 = arith.constant 12582912 : i32
    %add3A_1012 = arith.addi %add3A_1011, %mul3A_4 : i32
    %add3A_1013 = arith.constant 81920 : i32
    %add3A_1014 = arith.addi %add3A_1012, %add3A_1013 : i32
    %dma_start3A_1015 = arith.constant 3 : i32
    %dma_start3A_1016 = arith.constant 0 : i32
    %dma_start3A_1017 = tpu.memref_slice %arg5[%dma_start3A_1015, %dma_start3A_1016] : memref<4x16384xf32, #tpu.memory_space<vmem>> -> memref<1x16384xf32, #tpu.memory_space<vmem>>
    %dma_start3A_1018 = tpu.memref_squeeze %dma_start3A_1017 : memref<1x16384xf32, #tpu.memory_space<vmem>> -> memref<16384xf32, #tpu.memory_space<vmem>>
    %dma_start3A_1019 = tpu.memref_slice %arg2[%add3A_1014] : memref<16777216xf32, #tpu.memory_space<hbm>> -> memref<16384xf32, #tpu.memory_space<hbm>>
    %dma_start3A_1020 = arith.constant 0 : i32
    %dma_start3A_1021 = tpu.memref_slice %arg5[%dma_start3A_1015, %dma_start3A_1020] : memref<4x16384xf32, #tpu.memory_space<vmem>> -> memref<1x16384xf32, #tpu.memory_space<vmem>>
    %dma_start3A_1022 = tpu.memref_squeeze %dma_start3A_1021 : memref<1x16384xf32, #tpu.memory_space<vmem>> -> memref<16384xf32, #tpu.memory_space<vmem>>
    %dma_start3A_1023 = tpu.memref_slice %arg2[%add3A_1014] : memref<16777216xf32, #tpu.memory_space<hbm>> -> memref<16384xf32, #tpu.memory_space<hbm>>
    tpu.enqueue_dma source(%dma_start3A_1023 : memref<16384xf32, #tpu.memory_space<hbm>>) target(%dma_start3A_1022 : memref<16384xf32, #tpu.memory_space<vmem>>) target_semaphore(%arg10 : memref<!tpu.dma_semaphore, #tpu.memory_space<semaphore_mem>>)
    %add3A_1024 = arith.constant 81920 : i32
    %add3A_1025 = arith.addi %mul3A_4, %add3A_1024 : i32
    "tpu.region"() ({
      %run_scoped3A = tpu.sem_alloc : memref<!tpu.dma_semaphore, #tpu.memory_space<semaphore_mem>>
      %dma_start3A_1554 = tpu.memref_slice %arg3[%add3A_1025] : memref<4194304xf32, #tpu.memory_space<hbm>> -> memref<16384xf32, #tpu.memory_space<hbm>>
      %dma_start3A_1555 = tpu.memref_slice %arg3[%add3A_1025] : memref<4194304xf32, #tpu.memory_space<hbm>> -> memref<16384xf32, #tpu.memory_space<hbm>>
      tpu.enqueue_dma source(%dma_start3A_1555 : memref<16384xf32, #tpu.memory_space<hbm>>) target(%arg6 : memref<16384xf32, #tpu.memory_space<vmem>>) target_semaphore(%run_scoped3A : memref<!tpu.dma_semaphore, #tpu.memory_space<semaphore_mem>>)
      %dma_wait3A_1556 = tpu.memref_slice %arg3[%add3A_1025] : memref<4194304xf32, #tpu.memory_space<hbm>> -> memref<16384xf32, #tpu.memory_space<hbm>>
      %dma_wait3A_1557 = tpu.memref_slice %arg3[%add3A_1025] : memref<4194304xf32, #tpu.memory_space<hbm>> -> memref<16384xf32, #tpu.memory_space<hbm>>
      tpu.wait_dma2 semaphore(%run_scoped3A : memref<!tpu.dma_semaphore, #tpu.memory_space<semaphore_mem>>) src(%dma_wait3A_1557 : memref<16384xf32, #tpu.memory_space<hbm>>) dst(%arg6 : memref<16384xf32, #tpu.memory_space<vmem>>)
      tpu.yield
    }) : () -> ()
    %dma_wait3A_1026 = arith.constant 0 : i32
    %dma_wait3A_1027 = arith.constant 0 : i32
    %dma_wait3A_1028 = tpu.memref_slice %arg5[%dma_wait3A_1026, %dma_wait3A_1027] : memref<4x16384xf32, #tpu.memory_space<vmem>> -> memref<1x16384xf32, #tpu.memory_space<vmem>>
    %dma_wait3A_1029 = tpu.memref_squeeze %dma_wait3A_1028 : memref<1x16384xf32, #tpu.memory_space<vmem>> -> memref<16384xf32, #tpu.memory_space<vmem>>
    %dma_wait3A_1030 = tpu.memref_slice %arg2[%add3A_870] : memref<16777216xf32, #tpu.memory_space<hbm>> -> memref<16384xf32, #tpu.memory_space<hbm>>
    %dma_wait3A_1031 = arith.constant 0 : i32
    %dma_wait3A_1032 = tpu.memref_slice %arg5[%dma_wait3A_1026, %dma_wait3A_1031] : memref<4x16384xf32, #tpu.memory_space<vmem>> -> memref<1x16384xf32, #tpu.memory_space<vmem>>
    %dma_wait3A_1033 = tpu.memref_squeeze %dma_wait3A_1032 : memref<1x16384xf32, #tpu.memory_space<vmem>> -> memref<16384xf32, #tpu.memory_space<vmem>>
    %dma_wait3A_1034 = tpu.memref_slice %arg2[%add3A_870] : memref<16777216xf32, #tpu.memory_space<hbm>> -> memref<16384xf32, #tpu.memory_space<hbm>>
    tpu.wait_dma2 semaphore(%arg7 : memref<!tpu.dma_semaphore, #tpu.memory_space<semaphore_mem>>) src(%dma_wait3A_1034 : memref<16384xf32, #tpu.memory_space<hbm>>) dst(%dma_wait3A_1033 : memref<16384xf32, #tpu.memory_space<vmem>>)
    %parallel_loop3A_1035 = arith.constant 0 : i32
    %parallel_loop3A_1036 = arith.constant 1024 : i32
    %parallel_loop3A_1037 = arith.constant 1 : i32
    %parallel_loop3A_1038 = arith.constant 0 : i32
    scf.for %parallel_loop3A_1554 = %parallel_loop3A_1035 to %parallel_loop3A_1036 step %parallel_loop3A_1037  : i32 {
      %parallel_loop3A_1555 = arith.constant 16 : i32
      %parallel_loop3A_1556 = arith.muli %parallel_loop3A_1554, %parallel_loop3A_1555 : i32
      %parallel_loop3A_1557 = arith.constant 0 : i32
      %parallel_loop3A_1558 = tpu.memref_slice %arg5[%parallel_loop3A_1038, %parallel_loop3A_1557] : memref<4x16384xf32, #tpu.memory_space<vmem>> -> memref<1x16384xf32, #tpu.memory_space<vmem>>
      %parallel_loop3A_1559 = tpu.memref_squeeze %parallel_loop3A_1558 : memref<1x16384xf32, #tpu.memory_space<vmem>> -> memref<16384xf32, #tpu.memory_space<vmem>>
      %parallel_loop3A_1560 = arith.index_cast %parallel_loop3A_1556 : i32 to index
      %parallel_loop3A_1561 = tpu.vector_load %parallel_loop3A_1559[%parallel_loop3A_1560] {strides = array<i32>} : memref<16384xf32, #tpu.memory_space<vmem>>, vector<16xf32>,
      %parallel_loop3A_1562 = vector.shape_cast %parallel_loop3A_1561 : vector<16xf32> to vector<16xf32>
      %parallel_loop3A_1563 = arith.index_cast %parallel_loop3A_1556 : i32 to index
      %parallel_loop3A_1564 = tpu.vector_load %arg6[%parallel_loop3A_1563] {strides = array<i32>} : memref<16384xf32, #tpu.memory_space<vmem>>, vector<16xf32>,
      %parallel_loop3A_1565 = vector.shape_cast %parallel_loop3A_1564 : vector<16xf32> to vector<16xf32>
      %parallel_loop3A_1566 = arith.addf %parallel_loop3A_1562, %parallel_loop3A_1565 : vector<16xf32>
      %parallel_loop3A_1567 = arith.constant 0 : i32
      %parallel_loop3A_1568 = tpu.memref_slice %arg5[%parallel_loop3A_1038, %parallel_loop3A_1567] : memref<4x16384xf32, #tpu.memory_space<vmem>> -> memref<1x16384xf32, #tpu.memory_space<vmem>>
      %parallel_loop3A_1569 = tpu.memref_squeeze %parallel_loop3A_1568 : memref<1x16384xf32, #tpu.memory_space<vmem>> -> memref<16384xf32, #tpu.memory_space<vmem>>
      %parallel_loop3A_1570 = arith.index_cast %parallel_loop3A_1556 : i32 to index
      %parallel_loop3A_1571 = tpu.vector_load %parallel_loop3A_1569[%parallel_loop3A_1570] {strides = array<i32>} : memref<16384xf32, #tpu.memory_space<vmem>>, vector<16xf32>,
      %parallel_loop3A_1572 = vector.shape_cast %parallel_loop3A_1571 : vector<16xf32> to vector<16xf32>
      %parallel_loop3A_1573 = vector.shape_cast %parallel_loop3A_1566 : vector<16xf32> to vector<16xf32>
      tpu.vector_store %parallel_loop3A_1569[%parallel_loop3A_1570], %parallel_loop3A_1573 {strides = array<i32>} : memref<16384xf32, #tpu.memory_space<vmem>>, vector<16xf32>,
    } {sc.loop_unroll_factor = 8 : i64, sc.parallel_access}
    %add3A_1039 = arith.constant 0 : i32
    %add3A_1040 = arith.addi %add3A_1039, %mul3A_4 : i32
    %add3A_1041 = arith.constant 81920 : i32
    %add3A_1042 = arith.addi %add3A_1040, %add3A_1041 : i32
    %dma_start3A_1043 = arith.constant 0 : i32
    %dma_start3A_1044 = arith.constant 0 : i32
    %dma_start3A_1045 = tpu.memref_slice %arg5[%dma_start3A_1043, %dma_start3A_1044] : memref<4x16384xf32, #tpu.memory_space<vmem>> -> memref<1x16384xf32, #tpu.memory_space<vmem>>
    %dma_start3A_1046 = tpu.memref_squeeze %dma_start3A_1045 : memref<1x16384xf32, #tpu.memory_space<vmem>> -> memref<16384xf32, #tpu.memory_space<vmem>>
    %dma_start3A_1047 = tpu.memref_slice %arg4[%add3A_1042] : memref<16777216xf32, #tpu.memory_space<hbm>> -> memref<16384xf32, #tpu.memory_space<hbm>>
    %dma_start3A_1048 = tpu.memref_slice %arg4[%add3A_1042] : memref<16777216xf32, #tpu.memory_space<hbm>> -> memref<16384xf32, #tpu.memory_space<hbm>>
    %dma_start3A_1049 = arith.constant 0 : i32
    %dma_start3A_1050 = tpu.memref_slice %arg5[%dma_start3A_1043, %dma_start3A_1049] : memref<4x16384xf32, #tpu.memory_space<vmem>> -> memref<1x16384xf32, #tpu.memory_space<vmem>>
    %dma_start3A_1051 = tpu.memref_squeeze %dma_start3A_1050 : memref<1x16384xf32, #tpu.memory_space<vmem>> -> memref<16384xf32, #tpu.memory_space<vmem>>
    tpu.enqueue_dma source(%dma_start3A_1051 : memref<16384xf32, #tpu.memory_space<vmem>>) target(%dma_start3A_1048 : memref<16384xf32, #tpu.memory_space<hbm>>) target_semaphore(%arg11 : memref<!tpu.dma_semaphore, #tpu.memory_space<semaphore_mem>>)
    %dma_wait3A_1052 = arith.constant 0 : i32
    %dma_wait3A_1053 = arith.constant 0 : i32
    %dma_wait3A_1054 = tpu.memref_slice %arg5[%dma_wait3A_1052, %dma_wait3A_1053] : memref<4x16384xf32, #tpu.memory_space<vmem>> -> memref<1x16384xf32, #tpu.memory_space<vmem>>
    %dma_wait3A_1055 = tpu.memref_squeeze %dma_wait3A_1054 : memref<1x16384xf32, #tpu.memory_space<vmem>> -> memref<16384xf32, #tpu.memory_space<vmem>>
    %dma_wait3A_1056 = tpu.memref_slice %arg4[%add3A_1042] : memref<16777216xf32, #tpu.memory_space<hbm>> -> memref<16384xf32, #tpu.memory_space<hbm>>
    %dma_wait3A_1057 = tpu.memref_slice %arg4[%add3A_1042] : memref<16777216xf32, #tpu.memory_space<hbm>> -> memref<16384xf32, #tpu.memory_space<hbm>>
    %dma_wait3A_1058 = arith.constant 0 : i32
    %dma_wait3A_1059 = tpu.memref_slice %arg5[%dma_wait3A_1052, %dma_wait3A_1058] : memref<4x16384xf32, #tpu.memory_space<vmem>> -> memref<1x16384xf32, #tpu.memory_space<vmem>>
    %dma_wait3A_1060 = tpu.memref_squeeze %dma_wait3A_1059 : memref<1x16384xf32, #tpu.memory_space<vmem>> -> memref<16384xf32, #tpu.memory_space<vmem>>
    tpu.wait_dma2 semaphore(%arg11 : memref<!tpu.dma_semaphore, #tpu.memory_space<semaphore_mem>>) src(%dma_wait3A_1060 : memref<16384xf32, #tpu.memory_space<vmem>>) dst(%dma_wait3A_1057 : memref<16384xf32, #tpu.memory_space<hbm>>)
    %add3A_1061 = arith.constant 0 : i32
    %add3A_1062 = arith.addi %add3A_1061, %mul3A_4 : i32
    %add3A_1063 = arith.constant 98304 : i32
    %add3A_1064 = arith.addi %add3A_1062, %add3A_1063 : i32
    %dma_start3A_1065 = arith.constant 0 : i32
    %dma_start3A_1066 = arith.constant 0 : i32
    %dma_start3A_1067 = tpu.memref_slice %arg5[%dma_start3A_1065, %dma_start3A_1066] : memref<4x16384xf32, #tpu.memory_space<vmem>> -> memref<1x16384xf32, #tpu.memory_space<vmem>>
    %dma_start3A_1068 = tpu.memref_squeeze %dma_start3A_1067 : memref<1x16384xf32, #tpu.memory_space<vmem>> -> memref<16384xf32, #tpu.memory_space<vmem>>
    %dma_start3A_1069 = tpu.memref_slice %arg2[%add3A_1064] : memref<16777216xf32, #tpu.memory_space<hbm>> -> memref<16384xf32, #tpu.memory_space<hbm>>
    %dma_start3A_1070 = arith.constant 0 : i32
    %dma_start3A_1071 = tpu.memref_slice %arg5[%dma_start3A_1065, %dma_start3A_1070] : memref<4x16384xf32, #tpu.memory_space<vmem>> -> memref<1x16384xf32, #tpu.memory_space<vmem>>
    %dma_start3A_1072 = tpu.memref_squeeze %dma_start3A_1071 : memref<1x16384xf32, #tpu.memory_space<vmem>> -> memref<16384xf32, #tpu.memory_space<vmem>>
    %dma_start3A_1073 = tpu.memref_slice %arg2[%add3A_1064] : memref<16777216xf32, #tpu.memory_space<hbm>> -> memref<16384xf32, #tpu.memory_space<hbm>>
    tpu.enqueue_dma source(%dma_start3A_1073 : memref<16384xf32, #tpu.memory_space<hbm>>) target(%dma_start3A_1072 : memref<16384xf32, #tpu.memory_space<vmem>>) target_semaphore(%arg7 : memref<!tpu.dma_semaphore, #tpu.memory_space<semaphore_mem>>)
    %dma_wait3A_1074 = arith.constant 1 : i32
    %dma_wait3A_1075 = arith.constant 0 : i32
    %dma_wait3A_1076 = tpu.memref_slice %arg5[%dma_wait3A_1074, %dma_wait3A_1075] : memref<4x16384xf32, #tpu.memory_space<vmem>> -> memref<1x16384xf32, #tpu.memory_space<vmem>>
    %dma_wait3A_1077 = tpu.memref_squeeze %dma_wait3A_1076 : memref<1x16384xf32, #tpu.memory_space<vmem>> -> memref<16384xf32, #tpu.memory_space<vmem>>
    %dma_wait3A_1078 = tpu.memref_slice %arg2[%add3A_918] : memref<16777216xf32, #tpu.memory_space<hbm>> -> memref<16384xf32, #tpu.memory_space<hbm>>
    %dma_wait3A_1079 = arith.constant 0 : i32
    %dma_wait3A_1080 = tpu.memref_slice %arg5[%dma_wait3A_1074, %dma_wait3A_1079] : memref<4x16384xf32, #tpu.memory_space<vmem>> -> memref<1x16384xf32, #tpu.memory_space<vmem>>
    %dma_wait3A_1081 = tpu.memref_squeeze %dma_wait3A_1080 : memref<1x16384xf32, #tpu.memory_space<vmem>> -> memref<16384xf32, #tpu.memory_space<vmem>>
    %dma_wait3A_1082 = tpu.memref_slice %arg2[%add3A_918] : memref<16777216xf32, #tpu.memory_space<hbm>> -> memref<16384xf32, #tpu.memory_space<hbm>>
    tpu.wait_dma2 semaphore(%arg8 : memref<!tpu.dma_semaphore, #tpu.memory_space<semaphore_mem>>) src(%dma_wait3A_1082 : memref<16384xf32, #tpu.memory_space<hbm>>) dst(%dma_wait3A_1081 : memref<16384xf32, #tpu.memory_space<vmem>>)
    %parallel_loop3A_1083 = arith.constant 0 : i32
    %parallel_loop3A_1084 = arith.constant 1024 : i32
    %parallel_loop3A_1085 = arith.constant 1 : i32
    %parallel_loop3A_1086 = arith.constant 1 : i32
    scf.for %parallel_loop3A_1554 = %parallel_loop3A_1083 to %parallel_loop3A_1084 step %parallel_loop3A_1085  : i32 {
      %parallel_loop3A_1555 = arith.constant 16 : i32
      %parallel_loop3A_1556 = arith.muli %parallel_loop3A_1554, %parallel_loop3A_1555 : i32
      %parallel_loop3A_1557 = arith.constant 0 : i32
      %parallel_loop3A_1558 = tpu.memref_slice %arg5[%parallel_loop3A_1086, %parallel_loop3A_1557] : memref<4x16384xf32, #tpu.memory_space<vmem>> -> memref<1x16384xf32, #tpu.memory_space<vmem>>
      %parallel_loop3A_1559 = tpu.memref_squeeze %parallel_loop3A_1558 : memref<1x16384xf32, #tpu.memory_space<vmem>> -> memref<16384xf32, #tpu.memory_space<vmem>>
      %parallel_loop3A_1560 = arith.index_cast %parallel_loop3A_1556 : i32 to index
      %parallel_loop3A_1561 = tpu.vector_load %parallel_loop3A_1559[%parallel_loop3A_1560] {strides = array<i32>} : memref<16384xf32, #tpu.memory_space<vmem>>, vector<16xf32>,
      %parallel_loop3A_1562 = vector.shape_cast %parallel_loop3A_1561 : vector<16xf32> to vector<16xf32>
      %parallel_loop3A_1563 = arith.index_cast %parallel_loop3A_1556 : i32 to index
      %parallel_loop3A_1564 = tpu.vector_load %arg6[%parallel_loop3A_1563] {strides = array<i32>} : memref<16384xf32, #tpu.memory_space<vmem>>, vector<16xf32>,
      %parallel_loop3A_1565 = vector.shape_cast %parallel_loop3A_1564 : vector<16xf32> to vector<16xf32>
      %parallel_loop3A_1566 = arith.addf %parallel_loop3A_1562, %parallel_loop3A_1565 : vector<16xf32>
      %parallel_loop3A_1567 = arith.constant 0 : i32
      %parallel_loop3A_1568 = tpu.memref_slice %arg5[%parallel_loop3A_1086, %parallel_loop3A_1567] : memref<4x16384xf32, #tpu.memory_space<vmem>> -> memref<1x16384xf32, #tpu.memory_space<vmem>>
      %parallel_loop3A_1569 = tpu.memref_squeeze %parallel_loop3A_1568 : memref<1x16384xf32, #tpu.memory_space<vmem>> -> memref<16384xf32, #tpu.memory_space<vmem>>
      %parallel_loop3A_1570 = arith.index_cast %parallel_loop3A_1556 : i32 to index
      %parallel_loop3A_1571 = tpu.vector_load %parallel_loop3A_1569[%parallel_loop3A_1570] {strides = array<i32>} : memref<16384xf32, #tpu.memory_space<vmem>>, vector<16xf32>,
      %parallel_loop3A_1572 = vector.shape_cast %parallel_loop3A_1571 : vector<16xf32> to vector<16xf32>
      %parallel_loop3A_1573 = vector.shape_cast %parallel_loop3A_1566 : vector<16xf32> to vector<16xf32>
      tpu.vector_store %parallel_loop3A_1569[%parallel_loop3A_1570], %parallel_loop3A_1573 {strides = array<i32>} : memref<16384xf32, #tpu.memory_space<vmem>>, vector<16xf32>,
    } {sc.loop_unroll_factor = 8 : i64, sc.parallel_access}
    %add3A_1087 = arith.constant 4194304 : i32
    %add3A_1088 = arith.addi %add3A_1087, %mul3A_4 : i32
    %add3A_1089 = arith.constant 81920 : i32
    %add3A_1090 = arith.addi %add3A_1088, %add3A_1089 : i32
    %dma_start3A_1091 = arith.constant 1 : i32
    %dma_start3A_1092 = arith.constant 0 : i32
    %dma_start3A_1093 = tpu.memref_slice %arg5[%dma_start3A_1091, %dma_start3A_1092] : memref<4x16384xf32, #tpu.memory_space<vmem>> -> memref<1x16384xf32, #tpu.memory_space<vmem>>
    %dma_start3A_1094 = tpu.memref_squeeze %dma_start3A_1093 : memref<1x16384xf32, #tpu.memory_space<vmem>> -> memref<16384xf32, #tpu.memory_space<vmem>>
    %dma_start3A_1095 = tpu.memref_slice %arg4[%add3A_1090] : memref<16777216xf32, #tpu.memory_space<hbm>> -> memref<16384xf32, #tpu.memory_space<hbm>>
    %dma_start3A_1096 = tpu.memref_slice %arg4[%add3A_1090] : memref<16777216xf32, #tpu.memory_space<hbm>> -> memref<16384xf32, #tpu.memory_space<hbm>>
    %dma_start3A_1097 = arith.constant 0 : i32
    %dma_start3A_1098 = tpu.memref_slice %arg5[%dma_start3A_1091, %dma_start3A_1097] : memref<4x16384xf32, #tpu.memory_space<vmem>> -> memref<1x16384xf32, #tpu.memory_space<vmem>>
    %dma_start3A_1099 = tpu.memref_squeeze %dma_start3A_1098 : memref<1x16384xf32, #tpu.memory_space<vmem>> -> memref<16384xf32, #tpu.memory_space<vmem>>
    tpu.enqueue_dma source(%dma_start3A_1099 : memref<16384xf32, #tpu.memory_space<vmem>>) target(%dma_start3A_1096 : memref<16384xf32, #tpu.memory_space<hbm>>) target_semaphore(%arg12 : memref<!tpu.dma_semaphore, #tpu.memory_space<semaphore_mem>>)
    %dma_wait3A_1100 = arith.constant 1 : i32
    %dma_wait3A_1101 = arith.constant 0 : i32
    %dma_wait3A_1102 = tpu.memref_slice %arg5[%dma_wait3A_1100, %dma_wait3A_1101] : memref<4x16384xf32, #tpu.memory_space<vmem>> -> memref<1x16384xf32, #tpu.memory_space<vmem>>
    %dma_wait3A_1103 = tpu.memref_squeeze %dma_wait3A_1102 : memref<1x16384xf32, #tpu.memory_space<vmem>> -> memref<16384xf32, #tpu.memory_space<vmem>>
    %dma_wait3A_1104 = tpu.memref_slice %arg4[%add3A_1090] : memref<16777216xf32, #tpu.memory_space<hbm>> -> memref<16384xf32, #tpu.memory_space<hbm>>
    %dma_wait3A_1105 = tpu.memref_slice %arg4[%add3A_1090] : memref<16777216xf32, #tpu.memory_space<hbm>> -> memref<16384xf32, #tpu.memory_space<hbm>>
    %dma_wait3A_1106 = arith.constant 0 : i32
    %dma_wait3A_1107 = tpu.memref_slice %arg5[%dma_wait3A_1100, %dma_wait3A_1106] : memref<4x16384xf32, #tpu.memory_space<vmem>> -> memref<1x16384xf32, #tpu.memory_space<vmem>>
    %dma_wait3A_1108 = tpu.memref_squeeze %dma_wait3A_1107 : memref<1x16384xf32, #tpu.memory_space<vmem>> -> memref<16384xf32, #tpu.memory_space<vmem>>
    tpu.wait_dma2 semaphore(%arg12 : memref<!tpu.dma_semaphore, #tpu.memory_space<semaphore_mem>>) src(%dma_wait3A_1108 : memref<16384xf32, #tpu.memory_space<vmem>>) dst(%dma_wait3A_1105 : memref<16384xf32, #tpu.memory_space<hbm>>)
    %add3A_1109 = arith.constant 4194304 : i32
    %add3A_1110 = arith.addi %add3A_1109, %mul3A_4 : i32
    %add3A_1111 = arith.constant 98304 : i32
    %add3A_1112 = arith.addi %add3A_1110, %add3A_1111 : i32
    %dma_start3A_1113 = arith.constant 1 : i32
    %dma_start3A_1114 = arith.constant 0 : i32
    %dma_start3A_1115 = tpu.memref_slice %arg5[%dma_start3A_1113, %dma_start3A_1114] : memref<4x16384xf32, #tpu.memory_space<vmem>> -> memref<1x16384xf32, #tpu.memory_space<vmem>>
    %dma_start3A_1116 = tpu.memref_squeeze %dma_start3A_1115 : memref<1x16384xf32, #tpu.memory_space<vmem>> -> memref<16384xf32, #tpu.memory_space<vmem>>
    %dma_start3A_1117 = tpu.memref_slice %arg2[%add3A_1112] : memref<16777216xf32, #tpu.memory_space<hbm>> -> memref<16384xf32, #tpu.memory_space<hbm>>
    %dma_start3A_1118 = arith.constant 0 : i32
    %dma_start3A_1119 = tpu.memref_slice %arg5[%dma_start3A_1113, %dma_start3A_1118] : memref<4x16384xf32, #tpu.memory_space<vmem>> -> memref<1x16384xf32, #tpu.memory_space<vmem>>
    %dma_start3A_1120 = tpu.memref_squeeze %dma_start3A_1119 : memref<1x16384xf32, #tpu.memory_space<vmem>> -> memref<16384xf32, #tpu.memory_space<vmem>>
    %dma_start3A_1121 = tpu.memref_slice %arg2[%add3A_1112] : memref<16777216xf32, #tpu.memory_space<hbm>> -> memref<16384xf32, #tpu.memory_space<hbm>>
    tpu.enqueue_dma source(%dma_start3A_1121 : memref<16384xf32, #tpu.memory_space<hbm>>) target(%dma_start3A_1120 : memref<16384xf32, #tpu.memory_space<vmem>>) target_semaphore(%arg8 : memref<!tpu.dma_semaphore, #tpu.memory_space<semaphore_mem>>)
    %dma_wait3A_1122 = arith.constant 2 : i32
    %dma_wait3A_1123 = arith.constant 0 : i32
    %dma_wait3A_1124 = tpu.memref_slice %arg5[%dma_wait3A_1122, %dma_wait3A_1123] : memref<4x16384xf32, #tpu.memory_space<vmem>> -> memref<1x16384xf32, #tpu.memory_space<vmem>>
    %dma_wait3A_1125 = tpu.memref_squeeze %dma_wait3A_1124 : memref<1x16384xf32, #tpu.memory_space<vmem>> -> memref<16384xf32, #tpu.memory_space<vmem>>
    %dma_wait3A_1126 = tpu.memref_slice %arg2[%add3A_966] : memref<16777216xf32, #tpu.memory_space<hbm>> -> memref<16384xf32, #tpu.memory_space<hbm>>
    %dma_wait3A_1127 = arith.constant 0 : i32
    %dma_wait3A_1128 = tpu.memref_slice %arg5[%dma_wait3A_1122, %dma_wait3A_1127] : memref<4x16384xf32, #tpu.memory_space<vmem>> -> memref<1x16384xf32, #tpu.memory_space<vmem>>
    %dma_wait3A_1129 = tpu.memref_squeeze %dma_wait3A_1128 : memref<1x16384xf32, #tpu.memory_space<vmem>> -> memref<16384xf32, #tpu.memory_space<vmem>>
    %dma_wait3A_1130 = tpu.memref_slice %arg2[%add3A_966] : memref<16777216xf32, #tpu.memory_space<hbm>> -> memref<16384xf32, #tpu.memory_space<hbm>>
    tpu.wait_dma2 semaphore(%arg9 : memref<!tpu.dma_semaphore, #tpu.memory_space<semaphore_mem>>) src(%dma_wait3A_1130 : memref<16384xf32, #tpu.memory_space<hbm>>) dst(%dma_wait3A_1129 : memref<16384xf32, #tpu.memory_space<vmem>>)
    %parallel_loop3A_1131 = arith.constant 0 : i32
    %parallel_loop3A_1132 = arith.constant 1024 : i32
    %parallel_loop3A_1133 = arith.constant 1 : i32
    %parallel_loop3A_1134 = arith.constant 2 : i32
    scf.for %parallel_loop3A_1554 = %parallel_loop3A_1131 to %parallel_loop3A_1132 step %parallel_loop3A_1133  : i32 {
      %parallel_loop3A_1555 = arith.constant 16 : i32
      %parallel_loop3A_1556 = arith.muli %parallel_loop3A_1554, %parallel_loop3A_1555 : i32
      %parallel_loop3A_1557 = arith.constant 0 : i32
      %parallel_loop3A_1558 = tpu.memref_slice %arg5[%parallel_loop3A_1134, %parallel_loop3A_1557] : memref<4x16384xf32, #tpu.memory_space<vmem>> -> memref<1x16384xf32, #tpu.memory_space<vmem>>
      %parallel_loop3A_1559 = tpu.memref_squeeze %parallel_loop3A_1558 : memref<1x16384xf32, #tpu.memory_space<vmem>> -> memref<16384xf32, #tpu.memory_space<vmem>>
      %parallel_loop3A_1560 = arith.index_cast %parallel_loop3A_1556 : i32 to index
      %parallel_loop3A_1561 = tpu.vector_load %parallel_loop3A_1559[%parallel_loop3A_1560] {strides = array<i32>} : memref<16384xf32, #tpu.memory_space<vmem>>, vector<16xf32>,
      %parallel_loop3A_1562 = vector.shape_cast %parallel_loop3A_1561 : vector<16xf32> to vector<16xf32>
      %parallel_loop3A_1563 = arith.index_cast %parallel_loop3A_1556 : i32 to index
      %parallel_loop3A_1564 = tpu.vector_load %arg6[%parallel_loop3A_1563] {strides = array<i32>} : memref<16384xf32, #tpu.memory_space<vmem>>, vector<16xf32>,
      %parallel_loop3A_1565 = vector.shape_cast %parallel_loop3A_1564 : vector<16xf32> to vector<16xf32>
      %parallel_loop3A_1566 = arith.addf %parallel_loop3A_1562, %parallel_loop3A_1565 : vector<16xf32>
      %parallel_loop3A_1567 = arith.constant 0 : i32
      %parallel_loop3A_1568 = tpu.memref_slice %arg5[%parallel_loop3A_1134, %parallel_loop3A_1567] : memref<4x16384xf32, #tpu.memory_space<vmem>> -> memref<1x16384xf32, #tpu.memory_space<vmem>>
      %parallel_loop3A_1569 = tpu.memref_squeeze %parallel_loop3A_1568 : memref<1x16384xf32, #tpu.memory_space<vmem>> -> memref<16384xf32, #tpu.memory_space<vmem>>
      %parallel_loop3A_1570 = arith.index_cast %parallel_loop3A_1556 : i32 to index
      %parallel_loop3A_1571 = tpu.vector_load %parallel_loop3A_1569[%parallel_loop3A_1570] {strides = array<i32>} : memref<16384xf32, #tpu.memory_space<vmem>>, vector<16xf32>,
      %parallel_loop3A_1572 = vector.shape_cast %parallel_loop3A_1571 : vector<16xf32> to vector<16xf32>
      %parallel_loop3A_1573 = vector.shape_cast %parallel_loop3A_1566 : vector<16xf32> to vector<16xf32>
      tpu.vector_store %parallel_loop3A_1569[%parallel_loop3A_1570], %parallel_loop3A_1573 {strides = array<i32>} : memref<16384xf32, #tpu.memory_space<vmem>>, vector<16xf32>,
    } {sc.loop_unroll_factor = 8 : i64, sc.parallel_access}
    %add3A_1135 = arith.constant 8388608 : i32
    %add3A_1136 = arith.addi %add3A_1135, %mul3A_4 : i32
    %add3A_1137 = arith.constant 81920 : i32
    %add3A_1138 = arith.addi %add3A_1136, %add3A_1137 : i32
    %dma_start3A_1139 = arith.constant 2 : i32
    %dma_start3A_1140 = arith.constant 0 : i32
    %dma_start3A_1141 = tpu.memref_slice %arg5[%dma_start3A_1139, %dma_start3A_1140] : memref<4x16384xf32, #tpu.memory_space<vmem>> -> memref<1x16384xf32, #tpu.memory_space<vmem>>
    %dma_start3A_1142 = tpu.memref_squeeze %dma_start3A_1141 : memref<1x16384xf32, #tpu.memory_space<vmem>> -> memref<16384xf32, #tpu.memory_space<vmem>>
    %dma_start3A_1143 = tpu.memref_slice %arg4[%add3A_1138] : memref<16777216xf32, #tpu.memory_space<hbm>> -> memref<16384xf32, #tpu.memory_space<hbm>>
    %dma_start3A_1144 = tpu.memref_slice %arg4[%add3A_1138] : memref<16777216xf32, #tpu.memory_space<hbm>> -> memref<16384xf32, #tpu.memory_space<hbm>>
    %dma_start3A_1145 = arith.constant 0 : i32
    %dma_start3A_1146 = tpu.memref_slice %arg5[%dma_start3A_1139, %dma_start3A_1145] : memref<4x16384xf32, #tpu.memory_space<vmem>> -> memref<1x16384xf32, #tpu.memory_space<vmem>>
    %dma_start3A_1147 = tpu.memref_squeeze %dma_start3A_1146 : memref<1x16384xf32, #tpu.memory_space<vmem>> -> memref<16384xf32, #tpu.memory_space<vmem>>
    tpu.enqueue_dma source(%dma_start3A_1147 : memref<16384xf32, #tpu.memory_space<vmem>>) target(%dma_start3A_1144 : memref<16384xf32, #tpu.memory_space<hbm>>) target_semaphore(%arg13 : memref<!tpu.dma_semaphore, #tpu.memory_space<semaphore_mem>>)
    %dma_wait3A_1148 = arith.constant 2 : i32
    %dma_wait3A_1149 = arith.constant 0 : i32
    %dma_wait3A_1150 = tpu.memref_slice %arg5[%dma_wait3A_1148, %dma_wait3A_1149] : memref<4x16384xf32, #tpu.memory_space<vmem>> -> memref<1x16384xf32, #tpu.memory_space<vmem>>
    %dma_wait3A_1151 = tpu.memref_squeeze %dma_wait3A_1150 : memref<1x16384xf32, #tpu.memory_space<vmem>> -> memref<16384xf32, #tpu.memory_space<vmem>>
    %dma_wait3A_1152 = tpu.memref_slice %arg4[%add3A_1138] : memref<16777216xf32, #tpu.memory_space<hbm>> -> memref<16384xf32, #tpu.memory_space<hbm>>
    %dma_wait3A_1153 = tpu.memref_slice %arg4[%add3A_1138] : memref<16777216xf32, #tpu.memory_space<hbm>> -> memref<16384xf32, #tpu.memory_space<hbm>>
    %dma_wait3A_1154 = arith.constant 0 : i32
    %dma_wait3A_1155 = tpu.memref_slice %arg5[%dma_wait3A_1148, %dma_wait3A_1154] : memref<4x16384xf32, #tpu.memory_space<vmem>> -> memref<1x16384xf32, #tpu.memory_space<vmem>>
    %dma_wait3A_1156 = tpu.memref_squeeze %dma_wait3A_1155 : memref<1x16384xf32, #tpu.memory_space<vmem>> -> memref<16384xf32, #tpu.memory_space<vmem>>
    tpu.wait_dma2 semaphore(%arg13 : memref<!tpu.dma_semaphore, #tpu.memory_space<semaphore_mem>>) src(%dma_wait3A_1156 : memref<16384xf32, #tpu.memory_space<vmem>>) dst(%dma_wait3A_1153 : memref<16384xf32, #tpu.memory_space<hbm>>)
    %add3A_1157 = arith.constant 8388608 : i32
    %add3A_1158 = arith.addi %add3A_1157, %mul3A_4 : i32
    %add3A_1159 = arith.constant 98304 : i32
    %add3A_1160 = arith.addi %add3A_1158, %add3A_1159 : i32
    %dma_start3A_1161 = arith.constant 2 : i32
    %dma_start3A_1162 = arith.constant 0 : i32
    %dma_start3A_1163 = tpu.memref_slice %arg5[%dma_start3A_1161, %dma_start3A_1162] : memref<4x16384xf32, #tpu.memory_space<vmem>> -> memref<1x16384xf32, #tpu.memory_space<vmem>>
    %dma_start3A_1164 = tpu.memref_squeeze %dma_start3A_1163 : memref<1x16384xf32, #tpu.memory_space<vmem>> -> memref<16384xf32, #tpu.memory_space<vmem>>
    %dma_start3A_1165 = tpu.memref_slice %arg2[%add3A_1160] : memref<16777216xf32, #tpu.memory_space<hbm>> -> memref<16384xf32, #tpu.memory_space<hbm>>
    %dma_start3A_1166 = arith.constant 0 : i32
    %dma_start3A_1167 = tpu.memref_slice %arg5[%dma_start3A_1161, %dma_start3A_1166] : memref<4x16384xf32, #tpu.memory_space<vmem>> -> memref<1x16384xf32, #tpu.memory_space<vmem>>
    %dma_start3A_1168 = tpu.memref_squeeze %dma_start3A_1167 : memref<1x16384xf32, #tpu.memory_space<vmem>> -> memref<16384xf32, #tpu.memory_space<vmem>>
    %dma_start3A_1169 = tpu.memref_slice %arg2[%add3A_1160] : memref<16777216xf32, #tpu.memory_space<hbm>> -> memref<16384xf32, #tpu.memory_space<hbm>>
    tpu.enqueue_dma source(%dma_start3A_1169 : memref<16384xf32, #tpu.memory_space<hbm>>) target(%dma_start3A_1168 : memref<16384xf32, #tpu.memory_space<vmem>>) target_semaphore(%arg9 : memref<!tpu.dma_semaphore, #tpu.memory_space<semaphore_mem>>)
    %dma_wait3A_1170 = arith.constant 3 : i32
    %dma_wait3A_1171 = arith.constant 0 : i32
    %dma_wait3A_1172 = tpu.memref_slice %arg5[%dma_wait3A_1170, %dma_wait3A_1171] : memref<4x16384xf32, #tpu.memory_space<vmem>> -> memref<1x16384xf32, #tpu.memory_space<vmem>>
    %dma_wait3A_1173 = tpu.memref_squeeze %dma_wait3A_1172 : memref<1x16384xf32, #tpu.memory_space<vmem>> -> memref<16384xf32, #tpu.memory_space<vmem>>
    %dma_wait3A_1174 = tpu.memref_slice %arg2[%add3A_1014] : memref<16777216xf32, #tpu.memory_space<hbm>> -> memref<16384xf32, #tpu.memory_space<hbm>>
    %dma_wait3A_1175 = arith.constant 0 : i32
    %dma_wait3A_1176 = tpu.memref_slice %arg5[%dma_wait3A_1170, %dma_wait3A_1175] : memref<4x16384xf32, #tpu.memory_space<vmem>> -> memref<1x16384xf32, #tpu.memory_space<vmem>>
    %dma_wait3A_1177 = tpu.memref_squeeze %dma_wait3A_1176 : memref<1x16384xf32, #tpu.memory_space<vmem>> -> memref<16384xf32, #tpu.memory_space<vmem>>
    %dma_wait3A_1178 = tpu.memref_slice %arg2[%add3A_1014] : memref<16777216xf32, #tpu.memory_space<hbm>> -> memref<16384xf32, #tpu.memory_space<hbm>>
    tpu.wait_dma2 semaphore(%arg10 : memref<!tpu.dma_semaphore, #tpu.memory_space<semaphore_mem>>) src(%dma_wait3A_1178 : memref<16384xf32, #tpu.memory_space<hbm>>) dst(%dma_wait3A_1177 : memref<16384xf32, #tpu.memory_space<vmem>>)
    %parallel_loop3A_1179 = arith.constant 0 : i32
    %parallel_loop3A_1180 = arith.constant 1024 : i32
    %parallel_loop3A_1181 = arith.constant 1 : i32
    %parallel_loop3A_1182 = arith.constant 3 : i32
    scf.for %parallel_loop3A_1554 = %parallel_loop3A_1179 to %parallel_loop3A_1180 step %parallel_loop3A_1181  : i32 {
      %parallel_loop3A_1555 = arith.constant 16 : i32
      %parallel_loop3A_1556 = arith.muli %parallel_loop3A_1554, %parallel_loop3A_1555 : i32
      %parallel_loop3A_1557 = arith.constant 0 : i32
      %parallel_loop3A_1558 = tpu.memref_slice %arg5[%parallel_loop3A_1182, %parallel_loop3A_1557] : memref<4x16384xf32, #tpu.memory_space<vmem>> -> memref<1x16384xf32, #tpu.memory_space<vmem>>
      %parallel_loop3A_1559 = tpu.memref_squeeze %parallel_loop3A_1558 : memref<1x16384xf32, #tpu.memory_space<vmem>> -> memref<16384xf32, #tpu.memory_space<vmem>>
      %parallel_loop3A_1560 = arith.index_cast %parallel_loop3A_1556 : i32 to index
      %parallel_loop3A_1561 = tpu.vector_load %parallel_loop3A_1559[%parallel_loop3A_1560] {strides = array<i32>} : memref<16384xf32, #tpu.memory_space<vmem>>, vector<16xf32>,
      %parallel_loop3A_1562 = vector.shape_cast %parallel_loop3A_1561 : vector<16xf32> to vector<16xf32>
      %parallel_loop3A_1563 = arith.index_cast %parallel_loop3A_1556 : i32 to index
      %parallel_loop3A_1564 = tpu.vector_load %arg6[%parallel_loop3A_1563] {strides = array<i32>} : memref<16384xf32, #tpu.memory_space<vmem>>, vector<16xf32>,
      %parallel_loop3A_1565 = vector.shape_cast %parallel_loop3A_1564 : vector<16xf32> to vector<16xf32>
      %parallel_loop3A_1566 = arith.addf %parallel_loop3A_1562, %parallel_loop3A_1565 : vector<16xf32>
      %parallel_loop3A_1567 = arith.constant 0 : i32
      %parallel_loop3A_1568 = tpu.memref_slice %arg5[%parallel_loop3A_1182, %parallel_loop3A_1567] : memref<4x16384xf32, #tpu.memory_space<vmem>> -> memref<1x16384xf32, #tpu.memory_space<vmem>>
      %parallel_loop3A_1569 = tpu.memref_squeeze %parallel_loop3A_1568 : memref<1x16384xf32, #tpu.memory_space<vmem>> -> memref<16384xf32, #tpu.memory_space<vmem>>
      %parallel_loop3A_1570 = arith.index_cast %parallel_loop3A_1556 : i32 to index
      %parallel_loop3A_1571 = tpu.vector_load %parallel_loop3A_1569[%parallel_loop3A_1570] {strides = array<i32>} : memref<16384xf32, #tpu.memory_space<vmem>>, vector<16xf32>,
      %parallel_loop3A_1572 = vector.shape_cast %parallel_loop3A_1571 : vector<16xf32> to vector<16xf32>
      %parallel_loop3A_1573 = vector.shape_cast %parallel_loop3A_1566 : vector<16xf32> to vector<16xf32>
      tpu.vector_store %parallel_loop3A_1569[%parallel_loop3A_1570], %parallel_loop3A_1573 {strides = array<i32>} : memref<16384xf32, #tpu.memory_space<vmem>>, vector<16xf32>,
    } {sc.loop_unroll_factor = 8 : i64, sc.parallel_access}
    %add3A_1183 = arith.constant 12582912 : i32
    %add3A_1184 = arith.addi %add3A_1183, %mul3A_4 : i32
    %add3A_1185 = arith.constant 81920 : i32
    %add3A_1186 = arith.addi %add3A_1184, %add3A_1185 : i32
    %dma_start3A_1187 = arith.constant 3 : i32
    %dma_start3A_1188 = arith.constant 0 : i32
    %dma_start3A_1189 = tpu.memref_slice %arg5[%dma_start3A_1187, %dma_start3A_1188] : memref<4x16384xf32, #tpu.memory_space<vmem>> -> memref<1x16384xf32, #tpu.memory_space<vmem>>
    %dma_start3A_1190 = tpu.memref_squeeze %dma_start3A_1189 : memref<1x16384xf32, #tpu.memory_space<vmem>> -> memref<16384xf32, #tpu.memory_space<vmem>>
    %dma_start3A_1191 = tpu.memref_slice %arg4[%add3A_1186] : memref<16777216xf32, #tpu.memory_space<hbm>> -> memref<16384xf32, #tpu.memory_space<hbm>>
    %dma_start3A_1192 = tpu.memref_slice %arg4[%add3A_1186] : memref<16777216xf32, #tpu.memory_space<hbm>> -> memref<16384xf32, #tpu.memory_space<hbm>>
    %dma_start3A_1193 = arith.constant 0 : i32
    %dma_start3A_1194 = tpu.memref_slice %arg5[%dma_start3A_1187, %dma_start3A_1193] : memref<4x16384xf32, #tpu.memory_space<vmem>> -> memref<1x16384xf32, #tpu.memory_space<vmem>>
    %dma_start3A_1195 = tpu.memref_squeeze %dma_start3A_1194 : memref<1x16384xf32, #tpu.memory_space<vmem>> -> memref<16384xf32, #tpu.memory_space<vmem>>
    tpu.enqueue_dma source(%dma_start3A_1195 : memref<16384xf32, #tpu.memory_space<vmem>>) target(%dma_start3A_1192 : memref<16384xf32, #tpu.memory_space<hbm>>) target_semaphore(%arg14 : memref<!tpu.dma_semaphore, #tpu.memory_space<semaphore_mem>>)
    %dma_wait3A_1196 = arith.constant 3 : i32
    %dma_wait3A_1197 = arith.constant 0 : i32
    %dma_wait3A_1198 = tpu.memref_slice %arg5[%dma_wait3A_1196, %dma_wait3A_1197] : memref<4x16384xf32, #tpu.memory_space<vmem>> -> memref<1x16384xf32, #tpu.memory_space<vmem>>
    %dma_wait3A_1199 = tpu.memref_squeeze %dma_wait3A_1198 : memref<1x16384xf32, #tpu.memory_space<vmem>> -> memref<16384xf32, #tpu.memory_space<vmem>>
    %dma_wait3A_1200 = tpu.memref_slice %arg4[%add3A_1186] : memref<16777216xf32, #tpu.memory_space<hbm>> -> memref<16384xf32, #tpu.memory_space<hbm>>
    %dma_wait3A_1201 = tpu.memref_slice %arg4[%add3A_1186] : memref<16777216xf32, #tpu.memory_space<hbm>> -> memref<16384xf32, #tpu.memory_space<hbm>>
    %dma_wait3A_1202 = arith.constant 0 : i32
    %dma_wait3A_1203 = tpu.memref_slice %arg5[%dma_wait3A_1196, %dma_wait3A_1202] : memref<4x16384xf32, #tpu.memory_space<vmem>> -> memref<1x16384xf32, #tpu.memory_space<vmem>>
    %dma_wait3A_1204 = tpu.memref_squeeze %dma_wait3A_1203 : memref<1x16384xf32, #tpu.memory_space<vmem>> -> memref<16384xf32, #tpu.memory_space<vmem>>
    tpu.wait_dma2 semaphore(%arg14 : memref<!tpu.dma_semaphore, #tpu.memory_space<semaphore_mem>>) src(%dma_wait3A_1204 : memref<16384xf32, #tpu.memory_space<vmem>>) dst(%dma_wait3A_1201 : memref<16384xf32, #tpu.memory_space<hbm>>)
    %add3A_1205 = arith.constant 12582912 : i32
    %add3A_1206 = arith.addi %add3A_1205, %mul3A_4 : i32
    %add3A_1207 = arith.constant 98304 : i32
    %add3A_1208 = arith.addi %add3A_1206, %add3A_1207 : i32
    %dma_start3A_1209 = arith.constant 3 : i32
    %dma_start3A_1210 = arith.constant 0 : i32
    %dma_start3A_1211 = tpu.memref_slice %arg5[%dma_start3A_1209, %dma_start3A_1210] : memref<4x16384xf32, #tpu.memory_space<vmem>> -> memref<1x16384xf32, #tpu.memory_space<vmem>>
    %dma_start3A_1212 = tpu.memref_squeeze %dma_start3A_1211 : memref<1x16384xf32, #tpu.memory_space<vmem>> -> memref<16384xf32, #tpu.memory_space<vmem>>
    %dma_start3A_1213 = tpu.memref_slice %arg2[%add3A_1208] : memref<16777216xf32, #tpu.memory_space<hbm>> -> memref<16384xf32, #tpu.memory_space<hbm>>
    %dma_start3A_1214 = arith.constant 0 : i32
    %dma_start3A_1215 = tpu.memref_slice %arg5[%dma_start3A_1209, %dma_start3A_1214] : memref<4x16384xf32, #tpu.memory_space<vmem>> -> memref<1x16384xf32, #tpu.memory_space<vmem>>
    %dma_start3A_1216 = tpu.memref_squeeze %dma_start3A_1215 : memref<1x16384xf32, #tpu.memory_space<vmem>> -> memref<16384xf32, #tpu.memory_space<vmem>>
    %dma_start3A_1217 = tpu.memref_slice %arg2[%add3A_1208] : memref<16777216xf32, #tpu.memory_space<hbm>> -> memref<16384xf32, #tpu.memory_space<hbm>>
    tpu.enqueue_dma source(%dma_start3A_1217 : memref<16384xf32, #tpu.memory_space<hbm>>) target(%dma_start3A_1216 : memref<16384xf32, #tpu.memory_space<vmem>>) target_semaphore(%arg10 : memref<!tpu.dma_semaphore, #tpu.memory_space<semaphore_mem>>)
    %add3A_1218 = arith.constant 98304 : i32
    %add3A_1219 = arith.addi %mul3A_4, %add3A_1218 : i32
    "tpu.region"() ({
      %run_scoped3A = tpu.sem_alloc : memref<!tpu.dma_semaphore, #tpu.memory_space<semaphore_mem>>
      %dma_start3A_1554 = tpu.memref_slice %arg3[%add3A_1219] : memref<4194304xf32, #tpu.memory_space<hbm>> -> memref<16384xf32, #tpu.memory_space<hbm>>
      %dma_start3A_1555 = tpu.memref_slice %arg3[%add3A_1219] : memref<4194304xf32, #tpu.memory_space<hbm>> -> memref<16384xf32, #tpu.memory_space<hbm>>
      tpu.enqueue_dma source(%dma_start3A_1555 : memref<16384xf32, #tpu.memory_space<hbm>>) target(%arg6 : memref<16384xf32, #tpu.memory_space<vmem>>) target_semaphore(%run_scoped3A : memref<!tpu.dma_semaphore, #tpu.memory_space<semaphore_mem>>)
      %dma_wait3A_1556 = tpu.memref_slice %arg3[%add3A_1219] : memref<4194304xf32, #tpu.memory_space<hbm>> -> memref<16384xf32, #tpu.memory_space<hbm>>
      %dma_wait3A_1557 = tpu.memref_slice %arg3[%add3A_1219] : memref<4194304xf32, #tpu.memory_space<hbm>> -> memref<16384xf32, #tpu.memory_space<hbm>>
      tpu.wait_dma2 semaphore(%run_scoped3A : memref<!tpu.dma_semaphore, #tpu.memory_space<semaphore_mem>>) src(%dma_wait3A_1557 : memref<16384xf32, #tpu.memory_space<hbm>>) dst(%arg6 : memref<16384xf32, #tpu.memory_space<vmem>>)
      tpu.yield
    }) : () -> ()
    %dma_wait3A_1220 = arith.constant 0 : i32
    %dma_wait3A_1221 = arith.constant 0 : i32
    %dma_wait3A_1222 = tpu.memref_slice %arg5[%dma_wait3A_1220, %dma_wait3A_1221] : memref<4x16384xf32, #tpu.memory_space<vmem>> -> memref<1x16384xf32, #tpu.memory_space<vmem>>
    %dma_wait3A_1223 = tpu.memref_squeeze %dma_wait3A_1222 : memref<1x16384xf32, #tpu.memory_space<vmem>> -> memref<16384xf32, #tpu.memory_space<vmem>>
    %dma_wait3A_1224 = tpu.memref_slice %arg2[%add3A_1064] : memref<16777216xf32, #tpu.memory_space<hbm>> -> memref<16384xf32, #tpu.memory_space<hbm>>
    %dma_wait3A_1225 = arith.constant 0 : i32
    %dma_wait3A_1226 = tpu.memref_slice %arg5[%dma_wait3A_1220, %dma_wait3A_1225] : memref<4x16384xf32, #tpu.memory_space<vmem>> -> memref<1x16384xf32, #tpu.memory_space<vmem>>
    %dma_wait3A_1227 = tpu.memref_squeeze %dma_wait3A_1226 : memref<1x16384xf32, #tpu.memory_space<vmem>> -> memref<16384xf32, #tpu.memory_space<vmem>>
    %dma_wait3A_1228 = tpu.memref_slice %arg2[%add3A_1064] : memref<16777216xf32, #tpu.memory_space<hbm>> -> memref<16384xf32, #tpu.memory_space<hbm>>
    tpu.wait_dma2 semaphore(%arg7 : memref<!tpu.dma_semaphore, #tpu.memory_space<semaphore_mem>>) src(%dma_wait3A_1228 : memref<16384xf32, #tpu.memory_space<hbm>>) dst(%dma_wait3A_1227 : memref<16384xf32, #tpu.memory_space<vmem>>)
    %parallel_loop3A_1229 = arith.constant 0 : i32
    %parallel_loop3A_1230 = arith.constant 1024 : i32
    %parallel_loop3A_1231 = arith.constant 1 : i32
    %parallel_loop3A_1232 = arith.constant 0 : i32
    scf.for %parallel_loop3A_1554 = %parallel_loop3A_1229 to %parallel_loop3A_1230 step %parallel_loop3A_1231  : i32 {
      %parallel_loop3A_1555 = arith.constant 16 : i32
      %parallel_loop3A_1556 = arith.muli %parallel_loop3A_1554, %parallel_loop3A_1555 : i32
      %parallel_loop3A_1557 = arith.constant 0 : i32
      %parallel_loop3A_1558 = tpu.memref_slice %arg5[%parallel_loop3A_1232, %parallel_loop3A_1557] : memref<4x16384xf32, #tpu.memory_space<vmem>> -> memref<1x16384xf32, #tpu.memory_space<vmem>>
      %parallel_loop3A_1559 = tpu.memref_squeeze %parallel_loop3A_1558 : memref<1x16384xf32, #tpu.memory_space<vmem>> -> memref<16384xf32, #tpu.memory_space<vmem>>
      %parallel_loop3A_1560 = arith.index_cast %parallel_loop3A_1556 : i32 to index
      %parallel_loop3A_1561 = tpu.vector_load %parallel_loop3A_1559[%parallel_loop3A_1560] {strides = array<i32>} : memref<16384xf32, #tpu.memory_space<vmem>>, vector<16xf32>,
      %parallel_loop3A_1562 = vector.shape_cast %parallel_loop3A_1561 : vector<16xf32> to vector<16xf32>
      %parallel_loop3A_1563 = arith.index_cast %parallel_loop3A_1556 : i32 to index
      %parallel_loop3A_1564 = tpu.vector_load %arg6[%parallel_loop3A_1563] {strides = array<i32>} : memref<16384xf32, #tpu.memory_space<vmem>>, vector<16xf32>,
      %parallel_loop3A_1565 = vector.shape_cast %parallel_loop3A_1564 : vector<16xf32> to vector<16xf32>
      %parallel_loop3A_1566 = arith.addf %parallel_loop3A_1562, %parallel_loop3A_1565 : vector<16xf32>
      %parallel_loop3A_1567 = arith.constant 0 : i32
      %parallel_loop3A_1568 = tpu.memref_slice %arg5[%parallel_loop3A_1232, %parallel_loop3A_1567] : memref<4x16384xf32, #tpu.memory_space<vmem>> -> memref<1x16384xf32, #tpu.memory_space<vmem>>
      %parallel_loop3A_1569 = tpu.memref_squeeze %parallel_loop3A_1568 : memref<1x16384xf32, #tpu.memory_space<vmem>> -> memref<16384xf32, #tpu.memory_space<vmem>>
      %parallel_loop3A_1570 = arith.index_cast %parallel_loop3A_1556 : i32 to index
      %parallel_loop3A_1571 = tpu.vector_load %parallel_loop3A_1569[%parallel_loop3A_1570] {strides = array<i32>} : memref<16384xf32, #tpu.memory_space<vmem>>, vector<16xf32>,
      %parallel_loop3A_1572 = vector.shape_cast %parallel_loop3A_1571 : vector<16xf32> to vector<16xf32>
      %parallel_loop3A_1573 = vector.shape_cast %parallel_loop3A_1566 : vector<16xf32> to vector<16xf32>
      tpu.vector_store %parallel_loop3A_1569[%parallel_loop3A_1570], %parallel_loop3A_1573 {strides = array<i32>} : memref<16384xf32, #tpu.memory_space<vmem>>, vector<16xf32>,
    } {sc.loop_unroll_factor = 8 : i64, sc.parallel_access}
    %add3A_1233 = arith.constant 0 : i32
    %add3A_1234 = arith.addi %add3A_1233, %mul3A_4 : i32
    %add3A_1235 = arith.constant 98304 : i32
    %add3A_1236 = arith.addi %add3A_1234, %add3A_1235 : i32
    %dma_start3A_1237 = arith.constant 0 : i32
    %dma_start3A_1238 = arith.constant 0 : i32
    %dma_start3A_1239 = tpu.memref_slice %arg5[%dma_start3A_1237, %dma_start3A_1238] : memref<4x16384xf32, #tpu.memory_space<vmem>> -> memref<1x16384xf32, #tpu.memory_space<vmem>>
    %dma_start3A_1240 = tpu.memref_squeeze %dma_start3A_1239 : memref<1x16384xf32, #tpu.memory_space<vmem>> -> memref<16384xf32, #tpu.memory_space<vmem>>
    %dma_start3A_1241 = tpu.memref_slice %arg4[%add3A_1236] : memref<16777216xf32, #tpu.memory_space<hbm>> -> memref<16384xf32, #tpu.memory_space<hbm>>
    %dma_start3A_1242 = tpu.memref_slice %arg4[%add3A_1236] : memref<16777216xf32, #tpu.memory_space<hbm>> -> memref<16384xf32, #tpu.memory_space<hbm>>
    %dma_start3A_1243 = arith.constant 0 : i32
    %dma_start3A_1244 = tpu.memref_slice %arg5[%dma_start3A_1237, %dma_start3A_1243] : memref<4x16384xf32, #tpu.memory_space<vmem>> -> memref<1x16384xf32, #tpu.memory_space<vmem>>
    %dma_start3A_1245 = tpu.memref_squeeze %dma_start3A_1244 : memref<1x16384xf32, #tpu.memory_space<vmem>> -> memref<16384xf32, #tpu.memory_space<vmem>>
    tpu.enqueue_dma source(%dma_start3A_1245 : memref<16384xf32, #tpu.memory_space<vmem>>) target(%dma_start3A_1242 : memref<16384xf32, #tpu.memory_space<hbm>>) target_semaphore(%arg11 : memref<!tpu.dma_semaphore, #tpu.memory_space<semaphore_mem>>)
    %dma_wait3A_1246 = arith.constant 0 : i32
    %dma_wait3A_1247 = arith.constant 0 : i32
    %dma_wait3A_1248 = tpu.memref_slice %arg5[%dma_wait3A_1246, %dma_wait3A_1247] : memref<4x16384xf32, #tpu.memory_space<vmem>> -> memref<1x16384xf32, #tpu.memory_space<vmem>>
    %dma_wait3A_1249 = tpu.memref_squeeze %dma_wait3A_1248 : memref<1x16384xf32, #tpu.memory_space<vmem>> -> memref<16384xf32, #tpu.memory_space<vmem>>
    %dma_wait3A_1250 = tpu.memref_slice %arg4[%add3A_1236] : memref<16777216xf32, #tpu.memory_space<hbm>> -> memref<16384xf32, #tpu.memory_space<hbm>>
    %dma_wait3A_1251 = tpu.memref_slice %arg4[%add3A_1236] : memref<16777216xf32, #tpu.memory_space<hbm>> -> memref<16384xf32, #tpu.memory_space<hbm>>
    %dma_wait3A_1252 = arith.constant 0 : i32
    %dma_wait3A_1253 = tpu.memref_slice %arg5[%dma_wait3A_1246, %dma_wait3A_1252] : memref<4x16384xf32, #tpu.memory_space<vmem>> -> memref<1x16384xf32, #tpu.memory_space<vmem>>
    %dma_wait3A_1254 = tpu.memref_squeeze %dma_wait3A_1253 : memref<1x16384xf32, #tpu.memory_space<vmem>> -> memref<16384xf32, #tpu.memory_space<vmem>>
    tpu.wait_dma2 semaphore(%arg11 : memref<!tpu.dma_semaphore, #tpu.memory_space<semaphore_mem>>) src(%dma_wait3A_1254 : memref<16384xf32, #tpu.memory_space<vmem>>) dst(%dma_wait3A_1251 : memref<16384xf32, #tpu.memory_space<hbm>>)
    %add3A_1255 = arith.constant 0 : i32
    %add3A_1256 = arith.addi %add3A_1255, %mul3A_4 : i32
    %add3A_1257 = arith.constant 114688 : i32
    %add3A_1258 = arith.addi %add3A_1256, %add3A_1257 : i32
    %dma_start3A_1259 = arith.constant 0 : i32
    %dma_start3A_1260 = arith.constant 0 : i32
    %dma_start3A_1261 = tpu.memref_slice %arg5[%dma_start3A_1259, %dma_start3A_1260] : memref<4x16384xf32, #tpu.memory_space<vmem>> -> memref<1x16384xf32, #tpu.memory_space<vmem>>
    %dma_start3A_1262 = tpu.memref_squeeze %dma_start3A_1261 : memref<1x16384xf32, #tpu.memory_space<vmem>> -> memref<16384xf32, #tpu.memory_space<vmem>>
    %dma_start3A_1263 = tpu.memref_slice %arg2[%add3A_1258] : memref<16777216xf32, #tpu.memory_space<hbm>> -> memref<16384xf32, #tpu.memory_space<hbm>>
    %dma_start3A_1264 = arith.constant 0 : i32
    %dma_start3A_1265 = tpu.memref_slice %arg5[%dma_start3A_1259, %dma_start3A_1264] : memref<4x16384xf32, #tpu.memory_space<vmem>> -> memref<1x16384xf32, #tpu.memory_space<vmem>>
    %dma_start3A_1266 = tpu.memref_squeeze %dma_start3A_1265 : memref<1x16384xf32, #tpu.memory_space<vmem>> -> memref<16384xf32, #tpu.memory_space<vmem>>
    %dma_start3A_1267 = tpu.memref_slice %arg2[%add3A_1258] : memref<16777216xf32, #tpu.memory_space<hbm>> -> memref<16384xf32, #tpu.memory_space<hbm>>
    tpu.enqueue_dma source(%dma_start3A_1267 : memref<16384xf32, #tpu.memory_space<hbm>>) target(%dma_start3A_1266 : memref<16384xf32, #tpu.memory_space<vmem>>) target_semaphore(%arg7 : memref<!tpu.dma_semaphore, #tpu.memory_space<semaphore_mem>>)
    %dma_wait3A_1268 = arith.constant 1 : i32
    %dma_wait3A_1269 = arith.constant 0 : i32
    %dma_wait3A_1270 = tpu.memref_slice %arg5[%dma_wait3A_1268, %dma_wait3A_1269] : memref<4x16384xf32, #tpu.memory_space<vmem>> -> memref<1x16384xf32, #tpu.memory_space<vmem>>
    %dma_wait3A_1271 = tpu.memref_squeeze %dma_wait3A_1270 : memref<1x16384xf32, #tpu.memory_space<vmem>> -> memref<16384xf32, #tpu.memory_space<vmem>>
    %dma_wait3A_1272 = tpu.memref_slice %arg2[%add3A_1112] : memref<16777216xf32, #tpu.memory_space<hbm>> -> memref<16384xf32, #tpu.memory_space<hbm>>
    %dma_wait3A_1273 = arith.constant 0 : i32
    %dma_wait3A_1274 = tpu.memref_slice %arg5[%dma_wait3A_1268, %dma_wait3A_1273] : memref<4x16384xf32, #tpu.memory_space<vmem>> -> memref<1x16384xf32, #tpu.memory_space<vmem>>
    %dma_wait3A_1275 = tpu.memref_squeeze %dma_wait3A_1274 : memref<1x16384xf32, #tpu.memory_space<vmem>> -> memref<16384xf32, #tpu.memory_space<vmem>>
    %dma_wait3A_1276 = tpu.memref_slice %arg2[%add3A_1112] : memref<16777216xf32, #tpu.memory_space<hbm>> -> memref<16384xf32, #tpu.memory_space<hbm>>
    tpu.wait_dma2 semaphore(%arg8 : memref<!tpu.dma_semaphore, #tpu.memory_space<semaphore_mem>>) src(%dma_wait3A_1276 : memref<16384xf32, #tpu.memory_space<hbm>>) dst(%dma_wait3A_1275 : memref<16384xf32, #tpu.memory_space<vmem>>)
    %parallel_loop3A_1277 = arith.constant 0 : i32
    %parallel_loop3A_1278 = arith.constant 1024 : i32
    %parallel_loop3A_1279 = arith.constant 1 : i32
    %parallel_loop3A_1280 = arith.constant 1 : i32
    scf.for %parallel_loop3A_1554 = %parallel_loop3A_1277 to %parallel_loop3A_1278 step %parallel_loop3A_1279  : i32 {
      %parallel_loop3A_1555 = arith.constant 16 : i32
      %parallel_loop3A_1556 = arith.muli %parallel_loop3A_1554, %parallel_loop3A_1555 : i32
      %parallel_loop3A_1557 = arith.constant 0 : i32
      %parallel_loop3A_1558 = tpu.memref_slice %arg5[%parallel_loop3A_1280, %parallel_loop3A_1557] : memref<4x16384xf32, #tpu.memory_space<vmem>> -> memref<1x16384xf32, #tpu.memory_space<vmem>>
      %parallel_loop3A_1559 = tpu.memref_squeeze %parallel_loop3A_1558 : memref<1x16384xf32, #tpu.memory_space<vmem>> -> memref<16384xf32, #tpu.memory_space<vmem>>
      %parallel_loop3A_1560 = arith.index_cast %parallel_loop3A_1556 : i32 to index
      %parallel_loop3A_1561 = tpu.vector_load %parallel_loop3A_1559[%parallel_loop3A_1560] {strides = array<i32>} : memref<16384xf32, #tpu.memory_space<vmem>>, vector<16xf32>,
      %parallel_loop3A_1562 = vector.shape_cast %parallel_loop3A_1561 : vector<16xf32> to vector<16xf32>
      %parallel_loop3A_1563 = arith.index_cast %parallel_loop3A_1556 : i32 to index
      %parallel_loop3A_1564 = tpu.vector_load %arg6[%parallel_loop3A_1563] {strides = array<i32>} : memref<16384xf32, #tpu.memory_space<vmem>>, vector<16xf32>,
      %parallel_loop3A_1565 = vector.shape_cast %parallel_loop3A_1564 : vector<16xf32> to vector<16xf32>
      %parallel_loop3A_1566 = arith.addf %parallel_loop3A_1562, %parallel_loop3A_1565 : vector<16xf32>
      %parallel_loop3A_1567 = arith.constant 0 : i32
      %parallel_loop3A_1568 = tpu.memref_slice %arg5[%parallel_loop3A_1280, %parallel_loop3A_1567] : memref<4x16384xf32, #tpu.memory_space<vmem>> -> memref<1x16384xf32, #tpu.memory_space<vmem>>
      %parallel_loop3A_1569 = tpu.memref_squeeze %parallel_loop3A_1568 : memref<1x16384xf32, #tpu.memory_space<vmem>> -> memref<16384xf32, #tpu.memory_space<vmem>>
      %parallel_loop3A_1570 = arith.index_cast %parallel_loop3A_1556 : i32 to index
      %parallel_loop3A_1571 = tpu.vector_load %parallel_loop3A_1569[%parallel_loop3A_1570] {strides = array<i32>} : memref<16384xf32, #tpu.memory_space<vmem>>, vector<16xf32>,
      %parallel_loop3A_1572 = vector.shape_cast %parallel_loop3A_1571 : vector<16xf32> to vector<16xf32>
      %parallel_loop3A_1573 = vector.shape_cast %parallel_loop3A_1566 : vector<16xf32> to vector<16xf32>
      tpu.vector_store %parallel_loop3A_1569[%parallel_loop3A_1570], %parallel_loop3A_1573 {strides = array<i32>} : memref<16384xf32, #tpu.memory_space<vmem>>, vector<16xf32>,
    } {sc.loop_unroll_factor = 8 : i64, sc.parallel_access}
    %add3A_1281 = arith.constant 4194304 : i32
    %add3A_1282 = arith.addi %add3A_1281, %mul3A_4 : i32
    %add3A_1283 = arith.constant 98304 : i32
    %add3A_1284 = arith.addi %add3A_1282, %add3A_1283 : i32
    %dma_start3A_1285 = arith.constant 1 : i32
    %dma_start3A_1286 = arith.constant 0 : i32
    %dma_start3A_1287 = tpu.memref_slice %arg5[%dma_start3A_1285, %dma_start3A_1286] : memref<4x16384xf32, #tpu.memory_space<vmem>> -> memref<1x16384xf32, #tpu.memory_space<vmem>>
    %dma_start3A_1288 = tpu.memref_squeeze %dma_start3A_1287 : memref<1x16384xf32, #tpu.memory_space<vmem>> -> memref<16384xf32, #tpu.memory_space<vmem>>
    %dma_start3A_1289 = tpu.memref_slice %arg4[%add3A_1284] : memref<16777216xf32, #tpu.memory_space<hbm>> -> memref<16384xf32, #tpu.memory_space<hbm>>
    %dma_start3A_1290 = tpu.memref_slice %arg4[%add3A_1284] : memref<16777216xf32, #tpu.memory_space<hbm>> -> memref<16384xf32, #tpu.memory_space<hbm>>
    %dma_start3A_1291 = arith.constant 0 : i32
    %dma_start3A_1292 = tpu.memref_slice %arg5[%dma_start3A_1285, %dma_start3A_1291] : memref<4x16384xf32, #tpu.memory_space<vmem>> -> memref<1x16384xf32, #tpu.memory_space<vmem>>
    %dma_start3A_1293 = tpu.memref_squeeze %dma_start3A_1292 : memref<1x16384xf32, #tpu.memory_space<vmem>> -> memref<16384xf32, #tpu.memory_space<vmem>>
    tpu.enqueue_dma source(%dma_start3A_1293 : memref<16384xf32, #tpu.memory_space<vmem>>) target(%dma_start3A_1290 : memref<16384xf32, #tpu.memory_space<hbm>>) target_semaphore(%arg12 : memref<!tpu.dma_semaphore, #tpu.memory_space<semaphore_mem>>)
    %dma_wait3A_1294 = arith.constant 1 : i32
    %dma_wait3A_1295 = arith.constant 0 : i32
    %dma_wait3A_1296 = tpu.memref_slice %arg5[%dma_wait3A_1294, %dma_wait3A_1295] : memref<4x16384xf32, #tpu.memory_space<vmem>> -> memref<1x16384xf32, #tpu.memory_space<vmem>>
    %dma_wait3A_1297 = tpu.memref_squeeze %dma_wait3A_1296 : memref<1x16384xf32, #tpu.memory_space<vmem>> -> memref<16384xf32, #tpu.memory_space<vmem>>
    %dma_wait3A_1298 = tpu.memref_slice %arg4[%add3A_1284] : memref<16777216xf32, #tpu.memory_space<hbm>> -> memref<16384xf32, #tpu.memory_space<hbm>>
    %dma_wait3A_1299 = tpu.memref_slice %arg4[%add3A_1284] : memref<16777216xf32, #tpu.memory_space<hbm>> -> memref<16384xf32, #tpu.memory_space<hbm>>
    %dma_wait3A_1300 = arith.constant 0 : i32
    %dma_wait3A_1301 = tpu.memref_slice %arg5[%dma_wait3A_1294, %dma_wait3A_1300] : memref<4x16384xf32, #tpu.memory_space<vmem>> -> memref<1x16384xf32, #tpu.memory_space<vmem>>
    %dma_wait3A_1302 = tpu.memref_squeeze %dma_wait3A_1301 : memref<1x16384xf32, #tpu.memory_space<vmem>> -> memref<16384xf32, #tpu.memory_space<vmem>>
    tpu.wait_dma2 semaphore(%arg12 : memref<!tpu.dma_semaphore, #tpu.memory_space<semaphore_mem>>) src(%dma_wait3A_1302 : memref<16384xf32, #tpu.memory_space<vmem>>) dst(%dma_wait3A_1299 : memref<16384xf32, #tpu.memory_space<hbm>>)
    %add3A_1303 = arith.constant 4194304 : i32
    %add3A_1304 = arith.addi %add3A_1303, %mul3A_4 : i32
    %add3A_1305 = arith.constant 114688 : i32
    %add3A_1306 = arith.addi %add3A_1304, %add3A_1305 : i32
    %dma_start3A_1307 = arith.constant 1 : i32
    %dma_start3A_1308 = arith.constant 0 : i32
    %dma_start3A_1309 = tpu.memref_slice %arg5[%dma_start3A_1307, %dma_start3A_1308] : memref<4x16384xf32, #tpu.memory_space<vmem>> -> memref<1x16384xf32, #tpu.memory_space<vmem>>
    %dma_start3A_1310 = tpu.memref_squeeze %dma_start3A_1309 : memref<1x16384xf32, #tpu.memory_space<vmem>> -> memref<16384xf32, #tpu.memory_space<vmem>>
    %dma_start3A_1311 = tpu.memref_slice %arg2[%add3A_1306] : memref<16777216xf32, #tpu.memory_space<hbm>> -> memref<16384xf32, #tpu.memory_space<hbm>>
    %dma_start3A_1312 = arith.constant 0 : i32
    %dma_start3A_1313 = tpu.memref_slice %arg5[%dma_start3A_1307, %dma_start3A_1312] : memref<4x16384xf32, #tpu.memory_space<vmem>> -> memref<1x16384xf32, #tpu.memory_space<vmem>>
    %dma_start3A_1314 = tpu.memref_squeeze %dma_start3A_1313 : memref<1x16384xf32, #tpu.memory_space<vmem>> -> memref<16384xf32, #tpu.memory_space<vmem>>
    %dma_start3A_1315 = tpu.memref_slice %arg2[%add3A_1306] : memref<16777216xf32, #tpu.memory_space<hbm>> -> memref<16384xf32, #tpu.memory_space<hbm>>
    tpu.enqueue_dma source(%dma_start3A_1315 : memref<16384xf32, #tpu.memory_space<hbm>>) target(%dma_start3A_1314 : memref<16384xf32, #tpu.memory_space<vmem>>) target_semaphore(%arg8 : memref<!tpu.dma_semaphore, #tpu.memory_space<semaphore_mem>>)
    %dma_wait3A_1316 = arith.constant 2 : i32
    %dma_wait3A_1317 = arith.constant 0 : i32
    %dma_wait3A_1318 = tpu.memref_slice %arg5[%dma_wait3A_1316, %dma_wait3A_1317] : memref<4x16384xf32, #tpu.memory_space<vmem>> -> memref<1x16384xf32, #tpu.memory_space<vmem>>
    %dma_wait3A_1319 = tpu.memref_squeeze %dma_wait3A_1318 : memref<1x16384xf32, #tpu.memory_space<vmem>> -> memref<16384xf32, #tpu.memory_space<vmem>>
    %dma_wait3A_1320 = tpu.memref_slice %arg2[%add3A_1160] : memref<16777216xf32, #tpu.memory_space<hbm>> -> memref<16384xf32, #tpu.memory_space<hbm>>
    %dma_wait3A_1321 = arith.constant 0 : i32
    %dma_wait3A_1322 = tpu.memref_slice %arg5[%dma_wait3A_1316, %dma_wait3A_1321] : memref<4x16384xf32, #tpu.memory_space<vmem>> -> memref<1x16384xf32, #tpu.memory_space<vmem>>
    %dma_wait3A_1323 = tpu.memref_squeeze %dma_wait3A_1322 : memref<1x16384xf32, #tpu.memory_space<vmem>> -> memref<16384xf32, #tpu.memory_space<vmem>>
    %dma_wait3A_1324 = tpu.memref_slice %arg2[%add3A_1160] : memref<16777216xf32, #tpu.memory_space<hbm>> -> memref<16384xf32, #tpu.memory_space<hbm>>
    tpu.wait_dma2 semaphore(%arg9 : memref<!tpu.dma_semaphore, #tpu.memory_space<semaphore_mem>>) src(%dma_wait3A_1324 : memref<16384xf32, #tpu.memory_space<hbm>>) dst(%dma_wait3A_1323 : memref<16384xf32, #tpu.memory_space<vmem>>)
    %parallel_loop3A_1325 = arith.constant 0 : i32
    %parallel_loop3A_1326 = arith.constant 1024 : i32
    %parallel_loop3A_1327 = arith.constant 1 : i32
    %parallel_loop3A_1328 = arith.constant 2 : i32
    scf.for %parallel_loop3A_1554 = %parallel_loop3A_1325 to %parallel_loop3A_1326 step %parallel_loop3A_1327  : i32 {
      %parallel_loop3A_1555 = arith.constant 16 : i32
      %parallel_loop3A_1556 = arith.muli %parallel_loop3A_1554, %parallel_loop3A_1555 : i32
      %parallel_loop3A_1557 = arith.constant 0 : i32
      %parallel_loop3A_1558 = tpu.memref_slice %arg5[%parallel_loop3A_1328, %parallel_loop3A_1557] : memref<4x16384xf32, #tpu.memory_space<vmem>> -> memref<1x16384xf32, #tpu.memory_space<vmem>>
      %parallel_loop3A_1559 = tpu.memref_squeeze %parallel_loop3A_1558 : memref<1x16384xf32, #tpu.memory_space<vmem>> -> memref<16384xf32, #tpu.memory_space<vmem>>
      %parallel_loop3A_1560 = arith.index_cast %parallel_loop3A_1556 : i32 to index
      %parallel_loop3A_1561 = tpu.vector_load %parallel_loop3A_1559[%parallel_loop3A_1560] {strides = array<i32>} : memref<16384xf32, #tpu.memory_space<vmem>>, vector<16xf32>,
      %parallel_loop3A_1562 = vector.shape_cast %parallel_loop3A_1561 : vector<16xf32> to vector<16xf32>
      %parallel_loop3A_1563 = arith.index_cast %parallel_loop3A_1556 : i32 to index
      %parallel_loop3A_1564 = tpu.vector_load %arg6[%parallel_loop3A_1563] {strides = array<i32>} : memref<16384xf32, #tpu.memory_space<vmem>>, vector<16xf32>,
      %parallel_loop3A_1565 = vector.shape_cast %parallel_loop3A_1564 : vector<16xf32> to vector<16xf32>
      %parallel_loop3A_1566 = arith.addf %parallel_loop3A_1562, %parallel_loop3A_1565 : vector<16xf32>
      %parallel_loop3A_1567 = arith.constant 0 : i32
      %parallel_loop3A_1568 = tpu.memref_slice %arg5[%parallel_loop3A_1328, %parallel_loop3A_1567] : memref<4x16384xf32, #tpu.memory_space<vmem>> -> memref<1x16384xf32, #tpu.memory_space<vmem>>
      %parallel_loop3A_1569 = tpu.memref_squeeze %parallel_loop3A_1568 : memref<1x16384xf32, #tpu.memory_space<vmem>> -> memref<16384xf32, #tpu.memory_space<vmem>>
      %parallel_loop3A_1570 = arith.index_cast %parallel_loop3A_1556 : i32 to index
      %parallel_loop3A_1571 = tpu.vector_load %parallel_loop3A_1569[%parallel_loop3A_1570] {strides = array<i32>} : memref<16384xf32, #tpu.memory_space<vmem>>, vector<16xf32>,
      %parallel_loop3A_1572 = vector.shape_cast %parallel_loop3A_1571 : vector<16xf32> to vector<16xf32>
      %parallel_loop3A_1573 = vector.shape_cast %parallel_loop3A_1566 : vector<16xf32> to vector<16xf32>
      tpu.vector_store %parallel_loop3A_1569[%parallel_loop3A_1570], %parallel_loop3A_1573 {strides = array<i32>} : memref<16384xf32, #tpu.memory_space<vmem>>, vector<16xf32>,
    } {sc.loop_unroll_factor = 8 : i64, sc.parallel_access}
    %add3A_1329 = arith.constant 8388608 : i32
    %add3A_1330 = arith.addi %add3A_1329, %mul3A_4 : i32
    %add3A_1331 = arith.constant 98304 : i32
    %add3A_1332 = arith.addi %add3A_1330, %add3A_1331 : i32
    %dma_start3A_1333 = arith.constant 2 : i32
    %dma_start3A_1334 = arith.constant 0 : i32
    %dma_start3A_1335 = tpu.memref_slice %arg5[%dma_start3A_1333, %dma_start3A_1334] : memref<4x16384xf32, #tpu.memory_space<vmem>> -> memref<1x16384xf32, #tpu.memory_space<vmem>>
    %dma_start3A_1336 = tpu.memref_squeeze %dma_start3A_1335 : memref<1x16384xf32, #tpu.memory_space<vmem>> -> memref<16384xf32, #tpu.memory_space<vmem>>
    %dma_start3A_1337 = tpu.memref_slice %arg4[%add3A_1332] : memref<16777216xf32, #tpu.memory_space<hbm>> -> memref<16384xf32, #tpu.memory_space<hbm>>
    %dma_start3A_1338 = tpu.memref_slice %arg4[%add3A_1332] : memref<16777216xf32, #tpu.memory_space<hbm>> -> memref<16384xf32, #tpu.memory_space<hbm>>
    %dma_start3A_1339 = arith.constant 0 : i32
    %dma_start3A_1340 = tpu.memref_slice %arg5[%dma_start3A_1333, %dma_start3A_1339] : memref<4x16384xf32, #tpu.memory_space<vmem>> -> memref<1x16384xf32, #tpu.memory_space<vmem>>
    %dma_start3A_1341 = tpu.memref_squeeze %dma_start3A_1340 : memref<1x16384xf32, #tpu.memory_space<vmem>> -> memref<16384xf32, #tpu.memory_space<vmem>>
    tpu.enqueue_dma source(%dma_start3A_1341 : memref<16384xf32, #tpu.memory_space<vmem>>) target(%dma_start3A_1338 : memref<16384xf32, #tpu.memory_space<hbm>>) target_semaphore(%arg13 : memref<!tpu.dma_semaphore, #tpu.memory_space<semaphore_mem>>)
    %dma_wait3A_1342 = arith.constant 2 : i32
    %dma_wait3A_1343 = arith.constant 0 : i32
    %dma_wait3A_1344 = tpu.memref_slice %arg5[%dma_wait3A_1342, %dma_wait3A_1343] : memref<4x16384xf32, #tpu.memory_space<vmem>> -> memref<1x16384xf32, #tpu.memory_space<vmem>>
    %dma_wait3A_1345 = tpu.memref_squeeze %dma_wait3A_1344 : memref<1x16384xf32, #tpu.memory_space<vmem>> -> memref<16384xf32, #tpu.memory_space<vmem>>
    %dma_wait3A_1346 = tpu.memref_slice %arg4[%add3A_1332] : memref<16777216xf32, #tpu.memory_space<hbm>> -> memref<16384xf32, #tpu.memory_space<hbm>>
    %dma_wait3A_1347 = tpu.memref_slice %arg4[%add3A_1332] : memref<16777216xf32, #tpu.memory_space<hbm>> -> memref<16384xf32, #tpu.memory_space<hbm>>
    %dma_wait3A_1348 = arith.constant 0 : i32
    %dma_wait3A_1349 = tpu.memref_slice %arg5[%dma_wait3A_1342, %dma_wait3A_1348] : memref<4x16384xf32, #tpu.memory_space<vmem>> -> memref<1x16384xf32, #tpu.memory_space<vmem>>
    %dma_wait3A_1350 = tpu.memref_squeeze %dma_wait3A_1349 : memref<1x16384xf32, #tpu.memory_space<vmem>> -> memref<16384xf32, #tpu.memory_space<vmem>>
    tpu.wait_dma2 semaphore(%arg13 : memref<!tpu.dma_semaphore, #tpu.memory_space<semaphore_mem>>) src(%dma_wait3A_1350 : memref<16384xf32, #tpu.memory_space<vmem>>) dst(%dma_wait3A_1347 : memref<16384xf32, #tpu.memory_space<hbm>>)
    %add3A_1351 = arith.constant 8388608 : i32
    %add3A_1352 = arith.addi %add3A_1351, %mul3A_4 : i32
    %add3A_1353 = arith.constant 114688 : i32
    %add3A_1354 = arith.addi %add3A_1352, %add3A_1353 : i32
    %dma_start3A_1355 = arith.constant 2 : i32
    %dma_start3A_1356 = arith.constant 0 : i32
    %dma_start3A_1357 = tpu.memref_slice %arg5[%dma_start3A_1355, %dma_start3A_1356] : memref<4x16384xf32, #tpu.memory_space<vmem>> -> memref<1x16384xf32, #tpu.memory_space<vmem>>
    %dma_start3A_1358 = tpu.memref_squeeze %dma_start3A_1357 : memref<1x16384xf32, #tpu.memory_space<vmem>> -> memref<16384xf32, #tpu.memory_space<vmem>>
    %dma_start3A_1359 = tpu.memref_slice %arg2[%add3A_1354] : memref<16777216xf32, #tpu.memory_space<hbm>> -> memref<16384xf32, #tpu.memory_space<hbm>>
    %dma_start3A_1360 = arith.constant 0 : i32
    %dma_start3A_1361 = tpu.memref_slice %arg5[%dma_start3A_1355, %dma_start3A_1360] : memref<4x16384xf32, #tpu.memory_space<vmem>> -> memref<1x16384xf32, #tpu.memory_space<vmem>>
    %dma_start3A_1362 = tpu.memref_squeeze %dma_start3A_1361 : memref<1x16384xf32, #tpu.memory_space<vmem>> -> memref<16384xf32, #tpu.memory_space<vmem>>
    %dma_start3A_1363 = tpu.memref_slice %arg2[%add3A_1354] : memref<16777216xf32, #tpu.memory_space<hbm>> -> memref<16384xf32, #tpu.memory_space<hbm>>
    tpu.enqueue_dma source(%dma_start3A_1363 : memref<16384xf32, #tpu.memory_space<hbm>>) target(%dma_start3A_1362 : memref<16384xf32, #tpu.memory_space<vmem>>) target_semaphore(%arg9 : memref<!tpu.dma_semaphore, #tpu.memory_space<semaphore_mem>>)
    %dma_wait3A_1364 = arith.constant 3 : i32
    %dma_wait3A_1365 = arith.constant 0 : i32
    %dma_wait3A_1366 = tpu.memref_slice %arg5[%dma_wait3A_1364, %dma_wait3A_1365] : memref<4x16384xf32, #tpu.memory_space<vmem>> -> memref<1x16384xf32, #tpu.memory_space<vmem>>
    %dma_wait3A_1367 = tpu.memref_squeeze %dma_wait3A_1366 : memref<1x16384xf32, #tpu.memory_space<vmem>> -> memref<16384xf32, #tpu.memory_space<vmem>>
    %dma_wait3A_1368 = tpu.memref_slice %arg2[%add3A_1208] : memref<16777216xf32, #tpu.memory_space<hbm>> -> memref<16384xf32, #tpu.memory_space<hbm>>
    %dma_wait3A_1369 = arith.constant 0 : i32
    %dma_wait3A_1370 = tpu.memref_slice %arg5[%dma_wait3A_1364, %dma_wait3A_1369] : memref<4x16384xf32, #tpu.memory_space<vmem>> -> memref<1x16384xf32, #tpu.memory_space<vmem>>
    %dma_wait3A_1371 = tpu.memref_squeeze %dma_wait3A_1370 : memref<1x16384xf32, #tpu.memory_space<vmem>> -> memref<16384xf32, #tpu.memory_space<vmem>>
    %dma_wait3A_1372 = tpu.memref_slice %arg2[%add3A_1208] : memref<16777216xf32, #tpu.memory_space<hbm>> -> memref<16384xf32, #tpu.memory_space<hbm>>
    tpu.wait_dma2 semaphore(%arg10 : memref<!tpu.dma_semaphore, #tpu.memory_space<semaphore_mem>>) src(%dma_wait3A_1372 : memref<16384xf32, #tpu.memory_space<hbm>>) dst(%dma_wait3A_1371 : memref<16384xf32, #tpu.memory_space<vmem>>)
    %parallel_loop3A_1373 = arith.constant 0 : i32
    %parallel_loop3A_1374 = arith.constant 1024 : i32
    %parallel_loop3A_1375 = arith.constant 1 : i32
    %parallel_loop3A_1376 = arith.constant 3 : i32
    scf.for %parallel_loop3A_1554 = %parallel_loop3A_1373 to %parallel_loop3A_1374 step %parallel_loop3A_1375  : i32 {
      %parallel_loop3A_1555 = arith.constant 16 : i32
      %parallel_loop3A_1556 = arith.muli %parallel_loop3A_1554, %parallel_loop3A_1555 : i32
      %parallel_loop3A_1557 = arith.constant 0 : i32
      %parallel_loop3A_1558 = tpu.memref_slice %arg5[%parallel_loop3A_1376, %parallel_loop3A_1557] : memref<4x16384xf32, #tpu.memory_space<vmem>> -> memref<1x16384xf32, #tpu.memory_space<vmem>>
      %parallel_loop3A_1559 = tpu.memref_squeeze %parallel_loop3A_1558 : memref<1x16384xf32, #tpu.memory_space<vmem>> -> memref<16384xf32, #tpu.memory_space<vmem>>
      %parallel_loop3A_1560 = arith.index_cast %parallel_loop3A_1556 : i32 to index
      %parallel_loop3A_1561 = tpu.vector_load %parallel_loop3A_1559[%parallel_loop3A_1560] {strides = array<i32>} : memref<16384xf32, #tpu.memory_space<vmem>>, vector<16xf32>,
      %parallel_loop3A_1562 = vector.shape_cast %parallel_loop3A_1561 : vector<16xf32> to vector<16xf32>
      %parallel_loop3A_1563 = arith.index_cast %parallel_loop3A_1556 : i32 to index
      %parallel_loop3A_1564 = tpu.vector_load %arg6[%parallel_loop3A_1563] {strides = array<i32>} : memref<16384xf32, #tpu.memory_space<vmem>>, vector<16xf32>,
      %parallel_loop3A_1565 = vector.shape_cast %parallel_loop3A_1564 : vector<16xf32> to vector<16xf32>
      %parallel_loop3A_1566 = arith.addf %parallel_loop3A_1562, %parallel_loop3A_1565 : vector<16xf32>
      %parallel_loop3A_1567 = arith.constant 0 : i32
      %parallel_loop3A_1568 = tpu.memref_slice %arg5[%parallel_loop3A_1376, %parallel_loop3A_1567] : memref<4x16384xf32, #tpu.memory_space<vmem>> -> memref<1x16384xf32, #tpu.memory_space<vmem>>
      %parallel_loop3A_1569 = tpu.memref_squeeze %parallel_loop3A_1568 : memref<1x16384xf32, #tpu.memory_space<vmem>> -> memref<16384xf32, #tpu.memory_space<vmem>>
      %parallel_loop3A_1570 = arith.index_cast %parallel_loop3A_1556 : i32 to index
      %parallel_loop3A_1571 = tpu.vector_load %parallel_loop3A_1569[%parallel_loop3A_1570] {strides = array<i32>} : memref<16384xf32, #tpu.memory_space<vmem>>, vector<16xf32>,
      %parallel_loop3A_1572 = vector.shape_cast %parallel_loop3A_1571 : vector<16xf32> to vector<16xf32>
      %parallel_loop3A_1573 = vector.shape_cast %parallel_loop3A_1566 : vector<16xf32> to vector<16xf32>
      tpu.vector_store %parallel_loop3A_1569[%parallel_loop3A_1570], %parallel_loop3A_1573 {strides = array<i32>} : memref<16384xf32, #tpu.memory_space<vmem>>, vector<16xf32>,
    } {sc.loop_unroll_factor = 8 : i64, sc.parallel_access}
    %add3A_1377 = arith.constant 12582912 : i32
    %add3A_1378 = arith.addi %add3A_1377, %mul3A_4 : i32
    %add3A_1379 = arith.constant 98304 : i32
    %add3A_1380 = arith.addi %add3A_1378, %add3A_1379 : i32
    %dma_start3A_1381 = arith.constant 3 : i32
    %dma_start3A_1382 = arith.constant 0 : i32
    %dma_start3A_1383 = tpu.memref_slice %arg5[%dma_start3A_1381, %dma_start3A_1382] : memref<4x16384xf32, #tpu.memory_space<vmem>> -> memref<1x16384xf32, #tpu.memory_space<vmem>>
    %dma_start3A_1384 = tpu.memref_squeeze %dma_start3A_1383 : memref<1x16384xf32, #tpu.memory_space<vmem>> -> memref<16384xf32, #tpu.memory_space<vmem>>
    %dma_start3A_1385 = tpu.memref_slice %arg4[%add3A_1380] : memref<16777216xf32, #tpu.memory_space<hbm>> -> memref<16384xf32, #tpu.memory_space<hbm>>
    %dma_start3A_1386 = tpu.memref_slice %arg4[%add3A_1380] : memref<16777216xf32, #tpu.memory_space<hbm>> -> memref<16384xf32, #tpu.memory_space<hbm>>
    %dma_start3A_1387 = arith.constant 0 : i32
    %dma_start3A_1388 = tpu.memref_slice %arg5[%dma_start3A_1381, %dma_start3A_1387] : memref<4x16384xf32, #tpu.memory_space<vmem>> -> memref<1x16384xf32, #tpu.memory_space<vmem>>
    %dma_start3A_1389 = tpu.memref_squeeze %dma_start3A_1388 : memref<1x16384xf32, #tpu.memory_space<vmem>> -> memref<16384xf32, #tpu.memory_space<vmem>>
    tpu.enqueue_dma source(%dma_start3A_1389 : memref<16384xf32, #tpu.memory_space<vmem>>) target(%dma_start3A_1386 : memref<16384xf32, #tpu.memory_space<hbm>>) target_semaphore(%arg14 : memref<!tpu.dma_semaphore, #tpu.memory_space<semaphore_mem>>)
    %dma_wait3A_1390 = arith.constant 3 : i32
    %dma_wait3A_1391 = arith.constant 0 : i32
    %dma_wait3A_1392 = tpu.memref_slice %arg5[%dma_wait3A_1390, %dma_wait3A_1391] : memref<4x16384xf32, #tpu.memory_space<vmem>> -> memref<1x16384xf32, #tpu.memory_space<vmem>>
    %dma_wait3A_1393 = tpu.memref_squeeze %dma_wait3A_1392 : memref<1x16384xf32, #tpu.memory_space<vmem>> -> memref<16384xf32, #tpu.memory_space<vmem>>
    %dma_wait3A_1394 = tpu.memref_slice %arg4[%add3A_1380] : memref<16777216xf32, #tpu.memory_space<hbm>> -> memref<16384xf32, #tpu.memory_space<hbm>>
    %dma_wait3A_1395 = tpu.memref_slice %arg4[%add3A_1380] : memref<16777216xf32, #tpu.memory_space<hbm>> -> memref<16384xf32, #tpu.memory_space<hbm>>
    %dma_wait3A_1396 = arith.constant 0 : i32
    %dma_wait3A_1397 = tpu.memref_slice %arg5[%dma_wait3A_1390, %dma_wait3A_1396] : memref<4x16384xf32, #tpu.memory_space<vmem>> -> memref<1x16384xf32, #tpu.memory_space<vmem>>
    %dma_wait3A_1398 = tpu.memref_squeeze %dma_wait3A_1397 : memref<1x16384xf32, #tpu.memory_space<vmem>> -> memref<16384xf32, #tpu.memory_space<vmem>>
    tpu.wait_dma2 semaphore(%arg14 : memref<!tpu.dma_semaphore, #tpu.memory_space<semaphore_mem>>) src(%dma_wait3A_1398 : memref<16384xf32, #tpu.memory_space<vmem>>) dst(%dma_wait3A_1395 : memref<16384xf32, #tpu.memory_space<hbm>>)
    %add3A_1399 = arith.constant 12582912 : i32
    %add3A_1400 = arith.addi %add3A_1399, %mul3A_4 : i32
    %add3A_1401 = arith.constant 114688 : i32
    %add3A_1402 = arith.addi %add3A_1400, %add3A_1401 : i32
    %dma_start3A_1403 = arith.constant 3 : i32
    %dma_start3A_1404 = arith.constant 0 : i32
    %dma_start3A_1405 = tpu.memref_slice %arg5[%dma_start3A_1403, %dma_start3A_1404] : memref<4x16384xf32, #tpu.memory_space<vmem>> -> memref<1x16384xf32, #tpu.memory_space<vmem>>
    %dma_start3A_1406 = tpu.memref_squeeze %dma_start3A_1405 : memref<1x16384xf32, #tpu.memory_space<vmem>> -> memref<16384xf32, #tpu.memory_space<vmem>>
    %dma_start3A_1407 = tpu.memref_slice %arg2[%add3A_1402] : memref<16777216xf32, #tpu.memory_space<hbm>> -> memref<16384xf32, #tpu.memory_space<hbm>>
    %dma_start3A_1408 = arith.constant 0 : i32
    %dma_start3A_1409 = tpu.memref_slice %arg5[%dma_start3A_1403, %dma_start3A_1408] : memref<4x16384xf32, #tpu.memory_space<vmem>> -> memref<1x16384xf32, #tpu.memory_space<vmem>>
    %dma_start3A_1410 = tpu.memref_squeeze %dma_start3A_1409 : memref<1x16384xf32, #tpu.memory_space<vmem>> -> memref<16384xf32, #tpu.memory_space<vmem>>
    %dma_start3A_1411 = tpu.memref_slice %arg2[%add3A_1402] : memref<16777216xf32, #tpu.memory_space<hbm>> -> memref<16384xf32, #tpu.memory_space<hbm>>
    tpu.enqueue_dma source(%dma_start3A_1411 : memref<16384xf32, #tpu.memory_space<hbm>>) target(%dma_start3A_1410 : memref<16384xf32, #tpu.memory_space<vmem>>) target_semaphore(%arg10 : memref<!tpu.dma_semaphore, #tpu.memory_space<semaphore_mem>>)
    %add3A_1412 = arith.constant 114688 : i32
    %add3A_1413 = arith.addi %mul3A_4, %add3A_1412 : i32
    "tpu.region"() ({
      %run_scoped3A = tpu.sem_alloc : memref<!tpu.dma_semaphore, #tpu.memory_space<semaphore_mem>>
      %dma_start3A_1554 = tpu.memref_slice %arg3[%add3A_1413] : memref<4194304xf32, #tpu.memory_space<hbm>> -> memref<16384xf32, #tpu.memory_space<hbm>>
      %dma_start3A_1555 = tpu.memref_slice %arg3[%add3A_1413] : memref<4194304xf32, #tpu.memory_space<hbm>> -> memref<16384xf32, #tpu.memory_space<hbm>>
      tpu.enqueue_dma source(%dma_start3A_1555 : memref<16384xf32, #tpu.memory_space<hbm>>) target(%arg6 : memref<16384xf32, #tpu.memory_space<vmem>>) target_semaphore(%run_scoped3A : memref<!tpu.dma_semaphore, #tpu.memory_space<semaphore_mem>>)
      %dma_wait3A_1556 = tpu.memref_slice %arg3[%add3A_1413] : memref<4194304xf32, #tpu.memory_space<hbm>> -> memref<16384xf32, #tpu.memory_space<hbm>>
      %dma_wait3A_1557 = tpu.memref_slice %arg3[%add3A_1413] : memref<4194304xf32, #tpu.memory_space<hbm>> -> memref<16384xf32, #tpu.memory_space<hbm>>
      tpu.wait_dma2 semaphore(%run_scoped3A : memref<!tpu.dma_semaphore, #tpu.memory_space<semaphore_mem>>) src(%dma_wait3A_1557 : memref<16384xf32, #tpu.memory_space<hbm>>) dst(%arg6 : memref<16384xf32, #tpu.memory_space<vmem>>)
      tpu.yield
    }) : () -> ()
    %dma_wait3A_1414 = arith.constant 0 : i32
    %dma_wait3A_1415 = arith.constant 0 : i32
    %dma_wait3A_1416 = tpu.memref_slice %arg5[%dma_wait3A_1414, %dma_wait3A_1415] : memref<4x16384xf32, #tpu.memory_space<vmem>> -> memref<1x16384xf32, #tpu.memory_space<vmem>>
    %dma_wait3A_1417 = tpu.memref_squeeze %dma_wait3A_1416 : memref<1x16384xf32, #tpu.memory_space<vmem>> -> memref<16384xf32, #tpu.memory_space<vmem>>
    %dma_wait3A_1418 = tpu.memref_slice %arg2[%add3A_1258] : memref<16777216xf32, #tpu.memory_space<hbm>> -> memref<16384xf32, #tpu.memory_space<hbm>>
    %dma_wait3A_1419 = arith.constant 0 : i32
    %dma_wait3A_1420 = tpu.memref_slice %arg5[%dma_wait3A_1414, %dma_wait3A_1419] : memref<4x16384xf32, #tpu.memory_space<vmem>> -> memref<1x16384xf32, #tpu.memory_space<vmem>>
    %dma_wait3A_1421 = tpu.memref_squeeze %dma_wait3A_1420 : memref<1x16384xf32, #tpu.memory_space<vmem>> -> memref<16384xf32, #tpu.memory_space<vmem>>
    %dma_wait3A_1422 = tpu.memref_slice %arg2[%add3A_1258] : memref<16777216xf32, #tpu.memory_space<hbm>> -> memref<16384xf32, #tpu.memory_space<hbm>>
    tpu.wait_dma2 semaphore(%arg7 : memref<!tpu.dma_semaphore, #tpu.memory_space<semaphore_mem>>) src(%dma_wait3A_1422 : memref<16384xf32, #tpu.memory_space<hbm>>) dst(%dma_wait3A_1421 : memref<16384xf32, #tpu.memory_space<vmem>>)
    %parallel_loop3A_1423 = arith.constant 0 : i32
    %parallel_loop3A_1424 = arith.constant 1024 : i32
    %parallel_loop3A_1425 = arith.constant 1 : i32
    %parallel_loop3A_1426 = arith.constant 0 : i32
    scf.for %parallel_loop3A_1554 = %parallel_loop3A_1423 to %parallel_loop3A_1424 step %parallel_loop3A_1425  : i32 {
      %parallel_loop3A_1555 = arith.constant 16 : i32
      %parallel_loop3A_1556 = arith.muli %parallel_loop3A_1554, %parallel_loop3A_1555 : i32
      %parallel_loop3A_1557 = arith.constant 0 : i32
      %parallel_loop3A_1558 = tpu.memref_slice %arg5[%parallel_loop3A_1426, %parallel_loop3A_1557] : memref<4x16384xf32, #tpu.memory_space<vmem>> -> memref<1x16384xf32, #tpu.memory_space<vmem>>
      %parallel_loop3A_1559 = tpu.memref_squeeze %parallel_loop3A_1558 : memref<1x16384xf32, #tpu.memory_space<vmem>> -> memref<16384xf32, #tpu.memory_space<vmem>>
      %parallel_loop3A_1560 = arith.index_cast %parallel_loop3A_1556 : i32 to index
      %parallel_loop3A_1561 = tpu.vector_load %parallel_loop3A_1559[%parallel_loop3A_1560] {strides = array<i32>} : memref<16384xf32, #tpu.memory_space<vmem>>, vector<16xf32>,
      %parallel_loop3A_1562 = vector.shape_cast %parallel_loop3A_1561 : vector<16xf32> to vector<16xf32>
      %parallel_loop3A_1563 = arith.index_cast %parallel_loop3A_1556 : i32 to index
      %parallel_loop3A_1564 = tpu.vector_load %arg6[%parallel_loop3A_1563] {strides = array<i32>} : memref<16384xf32, #tpu.memory_space<vmem>>, vector<16xf32>,
      %parallel_loop3A_1565 = vector.shape_cast %parallel_loop3A_1564 : vector<16xf32> to vector<16xf32>
      %parallel_loop3A_1566 = arith.addf %parallel_loop3A_1562, %parallel_loop3A_1565 : vector<16xf32>
      %parallel_loop3A_1567 = arith.constant 0 : i32
      %parallel_loop3A_1568 = tpu.memref_slice %arg5[%parallel_loop3A_1426, %parallel_loop3A_1567] : memref<4x16384xf32, #tpu.memory_space<vmem>> -> memref<1x16384xf32, #tpu.memory_space<vmem>>
      %parallel_loop3A_1569 = tpu.memref_squeeze %parallel_loop3A_1568 : memref<1x16384xf32, #tpu.memory_space<vmem>> -> memref<16384xf32, #tpu.memory_space<vmem>>
      %parallel_loop3A_1570 = arith.index_cast %parallel_loop3A_1556 : i32 to index
      %parallel_loop3A_1571 = tpu.vector_load %parallel_loop3A_1569[%parallel_loop3A_1570] {strides = array<i32>} : memref<16384xf32, #tpu.memory_space<vmem>>, vector<16xf32>,
      %parallel_loop3A_1572 = vector.shape_cast %parallel_loop3A_1571 : vector<16xf32> to vector<16xf32>
      %parallel_loop3A_1573 = vector.shape_cast %parallel_loop3A_1566 : vector<16xf32> to vector<16xf32>
      tpu.vector_store %parallel_loop3A_1569[%parallel_loop3A_1570], %parallel_loop3A_1573 {strides = array<i32>} : memref<16384xf32, #tpu.memory_space<vmem>>, vector<16xf32>,
    } {sc.loop_unroll_factor = 8 : i64, sc.parallel_access}
    %add3A_1427 = arith.constant 0 : i32
    %add3A_1428 = arith.addi %add3A_1427, %mul3A_4 : i32
    %add3A_1429 = arith.constant 114688 : i32
    %add3A_1430 = arith.addi %add3A_1428, %add3A_1429 : i32
    %dma_start3A_1431 = arith.constant 0 : i32
    %dma_start3A_1432 = arith.constant 0 : i32
    %dma_start3A_1433 = tpu.memref_slice %arg5[%dma_start3A_1431, %dma_start3A_1432] : memref<4x16384xf32, #tpu.memory_space<vmem>> -> memref<1x16384xf32, #tpu.memory_space<vmem>>
    %dma_start3A_1434 = tpu.memref_squeeze %dma_start3A_1433 : memref<1x16384xf32, #tpu.memory_space<vmem>> -> memref<16384xf32, #tpu.memory_space<vmem>>
    %dma_start3A_1435 = tpu.memref_slice %arg4[%add3A_1430] : memref<16777216xf32, #tpu.memory_space<hbm>> -> memref<16384xf32, #tpu.memory_space<hbm>>
    %dma_start3A_1436 = tpu.memref_slice %arg4[%add3A_1430] : memref<16777216xf32, #tpu.memory_space<hbm>> -> memref<16384xf32, #tpu.memory_space<hbm>>
    %dma_start3A_1437 = arith.constant 0 : i32
    %dma_start3A_1438 = tpu.memref_slice %arg5[%dma_start3A_1431, %dma_start3A_1437] : memref<4x16384xf32, #tpu.memory_space<vmem>> -> memref<1x16384xf32, #tpu.memory_space<vmem>>
    %dma_start3A_1439 = tpu.memref_squeeze %dma_start3A_1438 : memref<1x16384xf32, #tpu.memory_space<vmem>> -> memref<16384xf32, #tpu.memory_space<vmem>>
    tpu.enqueue_dma source(%dma_start3A_1439 : memref<16384xf32, #tpu.memory_space<vmem>>) target(%dma_start3A_1436 : memref<16384xf32, #tpu.memory_space<hbm>>) target_semaphore(%arg11 : memref<!tpu.dma_semaphore, #tpu.memory_space<semaphore_mem>>)
    %dma_wait3A_1440 = arith.constant 1 : i32
    %dma_wait3A_1441 = arith.constant 0 : i32
    %dma_wait3A_1442 = tpu.memref_slice %arg5[%dma_wait3A_1440, %dma_wait3A_1441] : memref<4x16384xf32, #tpu.memory_space<vmem>> -> memref<1x16384xf32, #tpu.memory_space<vmem>>
    %dma_wait3A_1443 = tpu.memref_squeeze %dma_wait3A_1442 : memref<1x16384xf32, #tpu.memory_space<vmem>> -> memref<16384xf32, #tpu.memory_space<vmem>>
    %dma_wait3A_1444 = tpu.memref_slice %arg2[%add3A_1306] : memref<16777216xf32, #tpu.memory_space<hbm>> -> memref<16384xf32, #tpu.memory_space<hbm>>
    %dma_wait3A_1445 = arith.constant 0 : i32
    %dma_wait3A_1446 = tpu.memref_slice %arg5[%dma_wait3A_1440, %dma_wait3A_1445] : memref<4x16384xf32, #tpu.memory_space<vmem>> -> memref<1x16384xf32, #tpu.memory_space<vmem>>
    %dma_wait3A_1447 = tpu.memref_squeeze %dma_wait3A_1446 : memref<1x16384xf32, #tpu.memory_space<vmem>> -> memref<16384xf32, #tpu.memory_space<vmem>>
    %dma_wait3A_1448 = tpu.memref_slice %arg2[%add3A_1306] : memref<16777216xf32, #tpu.memory_space<hbm>> -> memref<16384xf32, #tpu.memory_space<hbm>>
    tpu.wait_dma2 semaphore(%arg8 : memref<!tpu.dma_semaphore, #tpu.memory_space<semaphore_mem>>) src(%dma_wait3A_1448 : memref<16384xf32, #tpu.memory_space<hbm>>) dst(%dma_wait3A_1447 : memref<16384xf32, #tpu.memory_space<vmem>>)
    %parallel_loop3A_1449 = arith.constant 0 : i32
    %parallel_loop3A_1450 = arith.constant 1024 : i32
    %parallel_loop3A_1451 = arith.constant 1 : i32
    %parallel_loop3A_1452 = arith.constant 1 : i32
    scf.for %parallel_loop3A_1554 = %parallel_loop3A_1449 to %parallel_loop3A_1450 step %parallel_loop3A_1451  : i32 {
      %parallel_loop3A_1555 = arith.constant 16 : i32
      %parallel_loop3A_1556 = arith.muli %parallel_loop3A_1554, %parallel_loop3A_1555 : i32
      %parallel_loop3A_1557 = arith.constant 0 : i32
      %parallel_loop3A_1558 = tpu.memref_slice %arg5[%parallel_loop3A_1452, %parallel_loop3A_1557] : memref<4x16384xf32, #tpu.memory_space<vmem>> -> memref<1x16384xf32, #tpu.memory_space<vmem>>
      %parallel_loop3A_1559 = tpu.memref_squeeze %parallel_loop3A_1558 : memref<1x16384xf32, #tpu.memory_space<vmem>> -> memref<16384xf32, #tpu.memory_space<vmem>>
      %parallel_loop3A_1560 = arith.index_cast %parallel_loop3A_1556 : i32 to index
      %parallel_loop3A_1561 = tpu.vector_load %parallel_loop3A_1559[%parallel_loop3A_1560] {strides = array<i32>} : memref<16384xf32, #tpu.memory_space<vmem>>, vector<16xf32>,
      %parallel_loop3A_1562 = vector.shape_cast %parallel_loop3A_1561 : vector<16xf32> to vector<16xf32>
      %parallel_loop3A_1563 = arith.index_cast %parallel_loop3A_1556 : i32 to index
      %parallel_loop3A_1564 = tpu.vector_load %arg6[%parallel_loop3A_1563] {strides = array<i32>} : memref<16384xf32, #tpu.memory_space<vmem>>, vector<16xf32>,
      %parallel_loop3A_1565 = vector.shape_cast %parallel_loop3A_1564 : vector<16xf32> to vector<16xf32>
      %parallel_loop3A_1566 = arith.addf %parallel_loop3A_1562, %parallel_loop3A_1565 : vector<16xf32>
      %parallel_loop3A_1567 = arith.constant 0 : i32
      %parallel_loop3A_1568 = tpu.memref_slice %arg5[%parallel_loop3A_1452, %parallel_loop3A_1567] : memref<4x16384xf32, #tpu.memory_space<vmem>> -> memref<1x16384xf32, #tpu.memory_space<vmem>>
      %parallel_loop3A_1569 = tpu.memref_squeeze %parallel_loop3A_1568 : memref<1x16384xf32, #tpu.memory_space<vmem>> -> memref<16384xf32, #tpu.memory_space<vmem>>
      %parallel_loop3A_1570 = arith.index_cast %parallel_loop3A_1556 : i32 to index
      %parallel_loop3A_1571 = tpu.vector_load %parallel_loop3A_1569[%parallel_loop3A_1570] {strides = array<i32>} : memref<16384xf32, #tpu.memory_space<vmem>>, vector<16xf32>,
      %parallel_loop3A_1572 = vector.shape_cast %parallel_loop3A_1571 : vector<16xf32> to vector<16xf32>
      %parallel_loop3A_1573 = vector.shape_cast %parallel_loop3A_1566 : vector<16xf32> to vector<16xf32>
      tpu.vector_store %parallel_loop3A_1569[%parallel_loop3A_1570], %parallel_loop3A_1573 {strides = array<i32>} : memref<16384xf32, #tpu.memory_space<vmem>>, vector<16xf32>,
    } {sc.loop_unroll_factor = 8 : i64, sc.parallel_access}
    %add3A_1453 = arith.constant 4194304 : i32
    %add3A_1454 = arith.addi %add3A_1453, %mul3A_4 : i32
    %add3A_1455 = arith.constant 114688 : i32
    %add3A_1456 = arith.addi %add3A_1454, %add3A_1455 : i32
    %dma_start3A_1457 = arith.constant 1 : i32
    %dma_start3A_1458 = arith.constant 0 : i32
    %dma_start3A_1459 = tpu.memref_slice %arg5[%dma_start3A_1457, %dma_start3A_1458] : memref<4x16384xf32, #tpu.memory_space<vmem>> -> memref<1x16384xf32, #tpu.memory_space<vmem>>
    %dma_start3A_1460 = tpu.memref_squeeze %dma_start3A_1459 : memref<1x16384xf32, #tpu.memory_space<vmem>> -> memref<16384xf32, #tpu.memory_space<vmem>>
    %dma_start3A_1461 = tpu.memref_slice %arg4[%add3A_1456] : memref<16777216xf32, #tpu.memory_space<hbm>> -> memref<16384xf32, #tpu.memory_space<hbm>>
    %dma_start3A_1462 = tpu.memref_slice %arg4[%add3A_1456] : memref<16777216xf32, #tpu.memory_space<hbm>> -> memref<16384xf32, #tpu.memory_space<hbm>>
    %dma_start3A_1463 = arith.constant 0 : i32
    %dma_start3A_1464 = tpu.memref_slice %arg5[%dma_start3A_1457, %dma_start3A_1463] : memref<4x16384xf32, #tpu.memory_space<vmem>> -> memref<1x16384xf32, #tpu.memory_space<vmem>>
    %dma_start3A_1465 = tpu.memref_squeeze %dma_start3A_1464 : memref<1x16384xf32, #tpu.memory_space<vmem>> -> memref<16384xf32, #tpu.memory_space<vmem>>
    tpu.enqueue_dma source(%dma_start3A_1465 : memref<16384xf32, #tpu.memory_space<vmem>>) target(%dma_start3A_1462 : memref<16384xf32, #tpu.memory_space<hbm>>) target_semaphore(%arg12 : memref<!tpu.dma_semaphore, #tpu.memory_space<semaphore_mem>>)
    %dma_wait3A_1466 = arith.constant 2 : i32
    %dma_wait3A_1467 = arith.constant 0 : i32
    %dma_wait3A_1468 = tpu.memref_slice %arg5[%dma_wait3A_1466, %dma_wait3A_1467] : memref<4x16384xf32, #tpu.memory_space<vmem>> -> memref<1x16384xf32, #tpu.memory_space<vmem>>
    %dma_wait3A_1469 = tpu.memref_squeeze %dma_wait3A_1468 : memref<1x16384xf32, #tpu.memory_space<vmem>> -> memref<16384xf32, #tpu.memory_space<vmem>>
    %dma_wait3A_1470 = tpu.memref_slice %arg2[%add3A_1354] : memref<16777216xf32, #tpu.memory_space<hbm>> -> memref<16384xf32, #tpu.memory_space<hbm>>
    %dma_wait3A_1471 = arith.constant 0 : i32
    %dma_wait3A_1472 = tpu.memref_slice %arg5[%dma_wait3A_1466, %dma_wait3A_1471] : memref<4x16384xf32, #tpu.memory_space<vmem>> -> memref<1x16384xf32, #tpu.memory_space<vmem>>
    %dma_wait3A_1473 = tpu.memref_squeeze %dma_wait3A_1472 : memref<1x16384xf32, #tpu.memory_space<vmem>> -> memref<16384xf32, #tpu.memory_space<vmem>>
    %dma_wait3A_1474 = tpu.memref_slice %arg2[%add3A_1354] : memref<16777216xf32, #tpu.memory_space<hbm>> -> memref<16384xf32, #tpu.memory_space<hbm>>
    tpu.wait_dma2 semaphore(%arg9 : memref<!tpu.dma_semaphore, #tpu.memory_space<semaphore_mem>>) src(%dma_wait3A_1474 : memref<16384xf32, #tpu.memory_space<hbm>>) dst(%dma_wait3A_1473 : memref<16384xf32, #tpu.memory_space<vmem>>)
    %parallel_loop3A_1475 = arith.constant 0 : i32
    %parallel_loop3A_1476 = arith.constant 1024 : i32
    %parallel_loop3A_1477 = arith.constant 1 : i32
    %parallel_loop3A_1478 = arith.constant 2 : i32
    scf.for %parallel_loop3A_1554 = %parallel_loop3A_1475 to %parallel_loop3A_1476 step %parallel_loop3A_1477  : i32 {
      %parallel_loop3A_1555 = arith.constant 16 : i32
      %parallel_loop3A_1556 = arith.muli %parallel_loop3A_1554, %parallel_loop3A_1555 : i32
      %parallel_loop3A_1557 = arith.constant 0 : i32
      %parallel_loop3A_1558 = tpu.memref_slice %arg5[%parallel_loop3A_1478, %parallel_loop3A_1557] : memref<4x16384xf32, #tpu.memory_space<vmem>> -> memref<1x16384xf32, #tpu.memory_space<vmem>>
      %parallel_loop3A_1559 = tpu.memref_squeeze %parallel_loop3A_1558 : memref<1x16384xf32, #tpu.memory_space<vmem>> -> memref<16384xf32, #tpu.memory_space<vmem>>
      %parallel_loop3A_1560 = arith.index_cast %parallel_loop3A_1556 : i32 to index
      %parallel_loop3A_1561 = tpu.vector_load %parallel_loop3A_1559[%parallel_loop3A_1560] {strides = array<i32>} : memref<16384xf32, #tpu.memory_space<vmem>>, vector<16xf32>,
      %parallel_loop3A_1562 = vector.shape_cast %parallel_loop3A_1561 : vector<16xf32> to vector<16xf32>
      %parallel_loop3A_1563 = arith.index_cast %parallel_loop3A_1556 : i32 to index
      %parallel_loop3A_1564 = tpu.vector_load %arg6[%parallel_loop3A_1563] {strides = array<i32>} : memref<16384xf32, #tpu.memory_space<vmem>>, vector<16xf32>,
      %parallel_loop3A_1565 = vector.shape_cast %parallel_loop3A_1564 : vector<16xf32> to vector<16xf32>
      %parallel_loop3A_1566 = arith.addf %parallel_loop3A_1562, %parallel_loop3A_1565 : vector<16xf32>
      %parallel_loop3A_1567 = arith.constant 0 : i32
      %parallel_loop3A_1568 = tpu.memref_slice %arg5[%parallel_loop3A_1478, %parallel_loop3A_1567] : memref<4x16384xf32, #tpu.memory_space<vmem>> -> memref<1x16384xf32, #tpu.memory_space<vmem>>
      %parallel_loop3A_1569 = tpu.memref_squeeze %parallel_loop3A_1568 : memref<1x16384xf32, #tpu.memory_space<vmem>> -> memref<16384xf32, #tpu.memory_space<vmem>>
      %parallel_loop3A_1570 = arith.index_cast %parallel_loop3A_1556 : i32 to index
      %parallel_loop3A_1571 = tpu.vector_load %parallel_loop3A_1569[%parallel_loop3A_1570] {strides = array<i32>} : memref<16384xf32, #tpu.memory_space<vmem>>, vector<16xf32>,
      %parallel_loop3A_1572 = vector.shape_cast %parallel_loop3A_1571 : vector<16xf32> to vector<16xf32>
      %parallel_loop3A_1573 = vector.shape_cast %parallel_loop3A_1566 : vector<16xf32> to vector<16xf32>
      tpu.vector_store %parallel_loop3A_1569[%parallel_loop3A_1570], %parallel_loop3A_1573 {strides = array<i32>} : memref<16384xf32, #tpu.memory_space<vmem>>, vector<16xf32>,
    } {sc.loop_unroll_factor = 8 : i64, sc.parallel_access}
    %add3A_1479 = arith.constant 8388608 : i32
    %add3A_1480 = arith.addi %add3A_1479, %mul3A_4 : i32
    %add3A_1481 = arith.constant 114688 : i32
    %add3A_1482 = arith.addi %add3A_1480, %add3A_1481 : i32
    %dma_start3A_1483 = arith.constant 2 : i32
    %dma_start3A_1484 = arith.constant 0 : i32
    %dma_start3A_1485 = tpu.memref_slice %arg5[%dma_start3A_1483, %dma_start3A_1484] : memref<4x16384xf32, #tpu.memory_space<vmem>> -> memref<1x16384xf32, #tpu.memory_space<vmem>>
    %dma_start3A_1486 = tpu.memref_squeeze %dma_start3A_1485 : memref<1x16384xf32, #tpu.memory_space<vmem>> -> memref<16384xf32, #tpu.memory_space<vmem>>
    %dma_start3A_1487 = tpu.memref_slice %arg4[%add3A_1482] : memref<16777216xf32, #tpu.memory_space<hbm>> -> memref<16384xf32, #tpu.memory_space<hbm>>
    %dma_start3A_1488 = tpu.memref_slice %arg4[%add3A_1482] : memref<16777216xf32, #tpu.memory_space<hbm>> -> memref<16384xf32, #tpu.memory_space<hbm>>
    %dma_start3A_1489 = arith.constant 0 : i32
    %dma_start3A_1490 = tpu.memref_slice %arg5[%dma_start3A_1483, %dma_start3A_1489] : memref<4x16384xf32, #tpu.memory_space<vmem>> -> memref<1x16384xf32, #tpu.memory_space<vmem>>
    %dma_start3A_1491 = tpu.memref_squeeze %dma_start3A_1490 : memref<1x16384xf32, #tpu.memory_space<vmem>> -> memref<16384xf32, #tpu.memory_space<vmem>>
    tpu.enqueue_dma source(%dma_start3A_1491 : memref<16384xf32, #tpu.memory_space<vmem>>) target(%dma_start3A_1488 : memref<16384xf32, #tpu.memory_space<hbm>>) target_semaphore(%arg13 : memref<!tpu.dma_semaphore, #tpu.memory_space<semaphore_mem>>)
    %dma_wait3A_1492 = arith.constant 3 : i32
    %dma_wait3A_1493 = arith.constant 0 : i32
    %dma_wait3A_1494 = tpu.memref_slice %arg5[%dma_wait3A_1492, %dma_wait3A_1493] : memref<4x16384xf32, #tpu.memory_space<vmem>> -> memref<1x16384xf32, #tpu.memory_space<vmem>>
    %dma_wait3A_1495 = tpu.memref_squeeze %dma_wait3A_1494 : memref<1x16384xf32, #tpu.memory_space<vmem>> -> memref<16384xf32, #tpu.memory_space<vmem>>
    %dma_wait3A_1496 = tpu.memref_slice %arg2[%add3A_1402] : memref<16777216xf32, #tpu.memory_space<hbm>> -> memref<16384xf32, #tpu.memory_space<hbm>>
    %dma_wait3A_1497 = arith.constant 0 : i32
    %dma_wait3A_1498 = tpu.memref_slice %arg5[%dma_wait3A_1492, %dma_wait3A_1497] : memref<4x16384xf32, #tpu.memory_space<vmem>> -> memref<1x16384xf32, #tpu.memory_space<vmem>>
    %dma_wait3A_1499 = tpu.memref_squeeze %dma_wait3A_1498 : memref<1x16384xf32, #tpu.memory_space<vmem>> -> memref<16384xf32, #tpu.memory_space<vmem>>
    %dma_wait3A_1500 = tpu.memref_slice %arg2[%add3A_1402] : memref<16777216xf32, #tpu.memory_space<hbm>> -> memref<16384xf32, #tpu.memory_space<hbm>>
    tpu.wait_dma2 semaphore(%arg10 : memref<!tpu.dma_semaphore, #tpu.memory_space<semaphore_mem>>) src(%dma_wait3A_1500 : memref<16384xf32, #tpu.memory_space<hbm>>) dst(%dma_wait3A_1499 : memref<16384xf32, #tpu.memory_space<vmem>>)
    %parallel_loop3A_1501 = arith.constant 0 : i32
    %parallel_loop3A_1502 = arith.constant 1024 : i32
    %parallel_loop3A_1503 = arith.constant 1 : i32
    %parallel_loop3A_1504 = arith.constant 3 : i32
    scf.for %parallel_loop3A_1554 = %parallel_loop3A_1501 to %parallel_loop3A_1502 step %parallel_loop3A_1503  : i32 {
      %parallel_loop3A_1555 = arith.constant 16 : i32
      %parallel_loop3A_1556 = arith.muli %parallel_loop3A_1554, %parallel_loop3A_1555 : i32
      %parallel_loop3A_1557 = arith.constant 0 : i32
      %parallel_loop3A_1558 = tpu.memref_slice %arg5[%parallel_loop3A_1504, %parallel_loop3A_1557] : memref<4x16384xf32, #tpu.memory_space<vmem>> -> memref<1x16384xf32, #tpu.memory_space<vmem>>
      %parallel_loop3A_1559 = tpu.memref_squeeze %parallel_loop3A_1558 : memref<1x16384xf32, #tpu.memory_space<vmem>> -> memref<16384xf32, #tpu.memory_space<vmem>>
      %parallel_loop3A_1560 = arith.index_cast %parallel_loop3A_1556 : i32 to index
      %parallel_loop3A_1561 = tpu.vector_load %parallel_loop3A_1559[%parallel_loop3A_1560] {strides = array<i32>} : memref<16384xf32, #tpu.memory_space<vmem>>, vector<16xf32>,
      %parallel_loop3A_1562 = vector.shape_cast %parallel_loop3A_1561 : vector<16xf32> to vector<16xf32>
      %parallel_loop3A_1563 = arith.index_cast %parallel_loop3A_1556 : i32 to index
      %parallel_loop3A_1564 = tpu.vector_load %arg6[%parallel_loop3A_1563] {strides = array<i32>} : memref<16384xf32, #tpu.memory_space<vmem>>, vector<16xf32>,
      %parallel_loop3A_1565 = vector.shape_cast %parallel_loop3A_1564 : vector<16xf32> to vector<16xf32>
      %parallel_loop3A_1566 = arith.addf %parallel_loop3A_1562, %parallel_loop3A_1565 : vector<16xf32>
      %parallel_loop3A_1567 = arith.constant 0 : i32
      %parallel_loop3A_1568 = tpu.memref_slice %arg5[%parallel_loop3A_1504, %parallel_loop3A_1567] : memref<4x16384xf32, #tpu.memory_space<vmem>> -> memref<1x16384xf32, #tpu.memory_space<vmem>>
      %parallel_loop3A_1569 = tpu.memref_squeeze %parallel_loop3A_1568 : memref<1x16384xf32, #tpu.memory_space<vmem>> -> memref<16384xf32, #tpu.memory_space<vmem>>
      %parallel_loop3A_1570 = arith.index_cast %parallel_loop3A_1556 : i32 to index
      %parallel_loop3A_1571 = tpu.vector_load %parallel_loop3A_1569[%parallel_loop3A_1570] {strides = array<i32>} : memref<16384xf32, #tpu.memory_space<vmem>>, vector<16xf32>,
      %parallel_loop3A_1572 = vector.shape_cast %parallel_loop3A_1571 : vector<16xf32> to vector<16xf32>
      %parallel_loop3A_1573 = vector.shape_cast %parallel_loop3A_1566 : vector<16xf32> to vector<16xf32>
      tpu.vector_store %parallel_loop3A_1569[%parallel_loop3A_1570], %parallel_loop3A_1573 {strides = array<i32>} : memref<16384xf32, #tpu.memory_space<vmem>>, vector<16xf32>,
    } {sc.loop_unroll_factor = 8 : i64, sc.parallel_access}
    %add3A_1505 = arith.constant 12582912 : i32
    %add3A_1506 = arith.addi %add3A_1505, %mul3A_4 : i32
    %add3A_1507 = arith.constant 114688 : i32
    %add3A_1508 = arith.addi %add3A_1506, %add3A_1507 : i32
    %dma_start3A_1509 = arith.constant 3 : i32
    %dma_start3A_1510 = arith.constant 0 : i32
    %dma_start3A_1511 = tpu.memref_slice %arg5[%dma_start3A_1509, %dma_start3A_1510] : memref<4x16384xf32, #tpu.memory_space<vmem>> -> memref<1x16384xf32, #tpu.memory_space<vmem>>
    %dma_start3A_1512 = tpu.memref_squeeze %dma_start3A_1511 : memref<1x16384xf32, #tpu.memory_space<vmem>> -> memref<16384xf32, #tpu.memory_space<vmem>>
    %dma_start3A_1513 = tpu.memref_slice %arg4[%add3A_1508] : memref<16777216xf32, #tpu.memory_space<hbm>> -> memref<16384xf32, #tpu.memory_space<hbm>>
    %dma_start3A_1514 = tpu.memref_slice %arg4[%add3A_1508] : memref<16777216xf32, #tpu.memory_space<hbm>> -> memref<16384xf32, #tpu.memory_space<hbm>>
    %dma_start3A_1515 = arith.constant 0 : i32
    %dma_start3A_1516 = tpu.memref_slice %arg5[%dma_start3A_1509, %dma_start3A_1515] : memref<4x16384xf32, #tpu.memory_space<vmem>> -> memref<1x16384xf32, #tpu.memory_space<vmem>>
    %dma_start3A_1517 = tpu.memref_squeeze %dma_start3A_1516 : memref<1x16384xf32, #tpu.memory_space<vmem>> -> memref<16384xf32, #tpu.memory_space<vmem>>
    tpu.enqueue_dma source(%dma_start3A_1517 : memref<16384xf32, #tpu.memory_space<vmem>>) target(%dma_start3A_1514 : memref<16384xf32, #tpu.memory_space<hbm>>) target_semaphore(%arg14 : memref<!tpu.dma_semaphore, #tpu.memory_space<semaphore_mem>>)
    %dma_wait3A_1518 = arith.constant 0 : i32
    %dma_wait3A_1519 = arith.constant 0 : i32
    %dma_wait3A_1520 = tpu.memref_slice %arg5[%dma_wait3A_1518, %dma_wait3A_1519] : memref<4x16384xf32, #tpu.memory_space<vmem>> -> memref<1x16384xf32, #tpu.memory_space<vmem>>
    %dma_wait3A_1521 = tpu.memref_squeeze %dma_wait3A_1520 : memref<1x16384xf32, #tpu.memory_space<vmem>> -> memref<16384xf32, #tpu.memory_space<vmem>>
    %dma_wait3A_1522 = tpu.memref_slice %arg4[%add3A_1430] : memref<16777216xf32, #tpu.memory_space<hbm>> -> memref<16384xf32, #tpu.memory_space<hbm>>
    %dma_wait3A_1523 = tpu.memref_slice %arg4[%add3A_1430] : memref<16777216xf32, #tpu.memory_space<hbm>> -> memref<16384xf32, #tpu.memory_space<hbm>>
    %dma_wait3A_1524 = arith.constant 0 : i32
    %dma_wait3A_1525 = tpu.memref_slice %arg5[%dma_wait3A_1518, %dma_wait3A_1524] : memref<4x16384xf32, #tpu.memory_space<vmem>> -> memref<1x16384xf32, #tpu.memory_space<vmem>>
    %dma_wait3A_1526 = tpu.memref_squeeze %dma_wait3A_1525 : memref<1x16384xf32, #tpu.memory_space<vmem>> -> memref<16384xf32, #tpu.memory_space<vmem>>
    tpu.wait_dma2 semaphore(%arg11 : memref<!tpu.dma_semaphore, #tpu.memory_space<semaphore_mem>>) src(%dma_wait3A_1526 : memref<16384xf32, #tpu.memory_space<vmem>>) dst(%dma_wait3A_1523 : memref<16384xf32, #tpu.memory_space<hbm>>)
    %dma_wait3A_1527 = arith.constant 1 : i32
    %dma_wait3A_1528 = arith.constant 0 : i32
    %dma_wait3A_1529 = tpu.memref_slice %arg5[%dma_wait3A_1527, %dma_wait3A_1528] : memref<4x16384xf32, #tpu.memory_space<vmem>> -> memref<1x16384xf32, #tpu.memory_space<vmem>>
    %dma_wait3A_1530 = tpu.memref_squeeze %dma_wait3A_1529 : memref<1x16384xf32, #tpu.memory_space<vmem>> -> memref<16384xf32, #tpu.memory_space<vmem>>
    %dma_wait3A_1531 = tpu.memref_slice %arg4[%add3A_1456] : memref<16777216xf32, #tpu.memory_space<hbm>> -> memref<16384xf32, #tpu.memory_space<hbm>>
    %dma_wait3A_1532 = tpu.memref_slice %arg4[%add3A_1456] : memref<16777216xf32, #tpu.memory_space<hbm>> -> memref<16384xf32, #tpu.memory_space<hbm>>
    %dma_wait3A_1533 = arith.constant 0 : i32
    %dma_wait3A_1534 = tpu.memref_slice %arg5[%dma_wait3A_1527, %dma_wait3A_1533] : memref<4x16384xf32, #tpu.memory_space<vmem>> -> memref<1x16384xf32, #tpu.memory_space<vmem>>
    %dma_wait3A_1535 = tpu.memref_squeeze %dma_wait3A_1534 : memref<1x16384xf32, #tpu.memory_space<vmem>> -> memref<16384xf32, #tpu.memory_space<vmem>>
    tpu.wait_dma2 semaphore(%arg12 : memref<!tpu.dma_semaphore, #tpu.memory_space<semaphore_mem>>) src(%dma_wait3A_1535 : memref<16384xf32, #tpu.memory_space<vmem>>) dst(%dma_wait3A_1532 : memref<16384xf32, #tpu.memory_space<hbm>>)
    %dma_wait3A_1536 = arith.constant 2 : i32
    %dma_wait3A_1537 = arith.constant 0 : i32
    %dma_wait3A_1538 = tpu.memref_slice %arg5[%dma_wait3A_1536, %dma_wait3A_1537] : memref<4x16384xf32, #tpu.memory_space<vmem>> -> memref<1x16384xf32, #tpu.memory_space<vmem>>
    %dma_wait3A_1539 = tpu.memref_squeeze %dma_wait3A_1538 : memref<1x16384xf32, #tpu.memory_space<vmem>> -> memref<16384xf32, #tpu.memory_space<vmem>>
    %dma_wait3A_1540 = tpu.memref_slice %arg4[%add3A_1482] : memref<16777216xf32, #tpu.memory_space<hbm>> -> memref<16384xf32, #tpu.memory_space<hbm>>
    %dma_wait3A_1541 = tpu.memref_slice %arg4[%add3A_1482] : memref<16777216xf32, #tpu.memory_space<hbm>> -> memref<16384xf32, #tpu.memory_space<hbm>>
    %dma_wait3A_1542 = arith.constant 0 : i32
    %dma_wait3A_1543 = tpu.memref_slice %arg5[%dma_wait3A_1536, %dma_wait3A_1542] : memref<4x16384xf32, #tpu.memory_space<vmem>> -> memref<1x16384xf32, #tpu.memory_space<vmem>>
    %dma_wait3A_1544 = tpu.memref_squeeze %dma_wait3A_1543 : memref<1x16384xf32, #tpu.memory_space<vmem>> -> memref<16384xf32, #tpu.memory_space<vmem>>
    tpu.wait_dma2 semaphore(%arg13 : memref<!tpu.dma_semaphore, #tpu.memory_space<semaphore_mem>>) src(%dma_wait3A_1544 : memref<16384xf32, #tpu.memory_space<vmem>>) dst(%dma_wait3A_1541 : memref<16384xf32, #tpu.memory_space<hbm>>)
    %dma_wait3A_1545 = arith.constant 3 : i32
    %dma_wait3A_1546 = arith.constant 0 : i32
    %dma_wait3A_1547 = tpu.memref_slice %arg5[%dma_wait3A_1545, %dma_wait3A_1546] : memref<4x16384xf32, #tpu.memory_space<vmem>> -> memref<1x16384xf32, #tpu.memory_space<vmem>>
    %dma_wait3A_1548 = tpu.memref_squeeze %dma_wait3A_1547 : memref<1x16384xf32, #tpu.memory_space<vmem>> -> memref<16384xf32, #tpu.memory_space<vmem>>
    %dma_wait3A_1549 = tpu.memref_slice %arg4[%add3A_1508] : memref<16777216xf32, #tpu.memory_space<hbm>> -> memref<16384xf32, #tpu.memory_space<hbm>>
    %dma_wait3A_1550 = tpu.memref_slice %arg4[%add3A_1508] : memref<16777216xf32, #tpu.memory_space<hbm>> -> memref<16384xf32, #tpu.memory_space<hbm>>
    %dma_wait3A_1551 = arith.constant 0 : i32
    %dma_wait3A_1552 = tpu.memref_slice %arg5[%dma_wait3A_1545, %dma_wait3A_1551] : memref<4x16384xf32, #tpu.memory_space<vmem>> -> memref<1x16384xf32, #tpu.memory_space<vmem>>
    %dma_wait3A_1553 = tpu.memref_squeeze %dma_wait3A_1552 : memref<1x16384xf32, #tpu.memory_space<vmem>> -> memref<16384xf32, #tpu.memory_space<vmem>>
    tpu.wait_dma2 semaphore(%arg14 : memref<!tpu.dma_semaphore, #tpu.memory_space<semaphore_mem>>) src(%dma_wait3A_1553 : memref<16384xf32, #tpu.memory_space<vmem>>) dst(%dma_wait3A_1550 : memref<16384xf32, #tpu.memory_space<hbm>>)
    return
  }
}

</mosaic_0001>

<sc_bundles>
// kernel: kernel.3.cloned.1.call-start
scs
__scs_entry_jumppad:
0x0: {  	(pc) =	sbr.rel $0x88, $3  }
0x1: {  	(tag) =	ssettag $0x0;
	lr =	simm.s32 $0x1  }
0x2: {  	[smem:$0x3F9F] =	sst lr;
	_ =	strace $0xD0000000  }
0x3: {  	_ = 	snop  }
0x4: {  	_ = 	snop  }
0x5: {  	_ = 	snop  }
0x6: {  	_ = 	snop  }
0x7: {  	_ = 	snop  }
__scs_overlays_trampoline_lowered:
0x8: {  	[smem:$0x3FAE] =	sst s0  }
0x9: {  	[smem:$0x3FAF] =	sst s1  }
0xa: {  	[smem:$0x3FB0] =	sst s2  }
0xb: {  	[smem:$0x3FB1] =	sst s3  }
0xc: {  	[smem:$0x3FB2] =	sst s4  }
0xd: {  	[smem:$0x3FB3] =	sst s5  }
0xe: {  	[smem:$0x3FB4] =	sst s6  }
0xf: {  	[smem:$0x3FB5] =	sst s7  }
0x10: {  	[smem:$0x3FB6] =	sst s8  }
0x11: {  	[smem:$0x3FB7] =	sst s9;
	s0 =	simm.s32 @!p0 $0x0  }
0x12: {  	s1 =	sld [smem:$0x3F9D];
	s0 =	simm.s32 @p0 $0x1  }
0x13: {  	[smem:$0x3FB8] =	sst s0;
	s0 =	simm.s32 @!p1 $0x0  }
0x14: {  	s2 =	sld [smem:$0x3F9C];
	s0 =	simm.s32 @p1 $0x1  }
0x15: {  	[smem:$0x3FB9] =	sst s0;
	s0 =	simm.s32 @!p2 $0x0  }
0x16: {  	s3 =	sld [smem:$0x3FDB];
	s0 =	simm.s32 @p2 $0x1  }
0x17: {  	s4 =	simm.s32 $0x1BF5;
	[smem:$0x3FBB] =	sst s0  }
0x18: {  	s0 =	sld [smem:$0x3F9E];
	_ =	swait.ge [sflag:s4], $0x0  }
0x19: {  	s7 =	sld [smem:$0x3F9F]  }
0x1a: {  	s8 =	sadd.s32 $0xFFFFE003, lr  }
0x1b: {  	s9 =	sadd.s32 $0xFFFFFEF7, lr;
	s5 =	simm.s32 $0xFFFFFFFF;
	p2 =	slt.u32 s8, $0xFFFFF086  }
0x1c: {  	p1 =	slt.u32 s9, $0xF7A;
	s5 =	simm.s32 @!p2 $0x0  }
0x1d: {  	s5 =	simm.s32 @p1 $0x1;
	p0 =	seq.s32 s7, s2  }
0x1e: {  	s7 =	smul.u32 @!p0 $0xF7A, s2;
	p2 =	seq.s32 @!p0 s5, $0x0  }
0x1f: {  	s9 =	smul.u32 $0xF7A, s1;
	s8 =	simm.s32 @!p0 $0x1BF5;
	p2 =	por !p2, p0  }
0x20: {  	[sflag:s8] =	ssyncset.s32 @!p0 $0xFFFFF086;
	s6 =	sadd.s32 @!p0 s3, s7;
	s7 =	simm.s32 @!p0 $0x108  }
0x21: {  	s3 =	sadd.s32 s3, s9;
	s6 =	sadd.s32 @!p0 $0x88, s6;
	s7 =	simm.s32 @p2 $0x1082  }
0x22: {  	[simem:s7], [sflag:s8] =	dma.local @!p0 [hbm:s6], $0xF7A  }
0x23: {  	s9 =	sor.u32 $0xD0000000, s2;
	s6 =	simm.s32 $0x108;
	_ =	swait.ge @!p0 [sflag:s8], $0x0  }
0x24: {  	s3 =	sadd.s32 $0x88, s3;
	s6 =	simm.s32 @!p1 $0x1082;
	[sflag:s4] =	ssyncset.s32 $0xFFFFF086  }
0x25: {  	[simem:s6], [sflag:s4] =	dma.local [hbm:s3], $0xF7A  }
0x26: {  	[smem:$0x3F9F] =	sst s1;
	(tag) =	ssettag s2;
	_ =	strace s9  }
0x27: {  	s1 =	sld [smem:$0x3FAF]  }
0x28: {  	s2 =	sld [smem:$0x3FB0]  }
0x29: {  	s4 =	sld [smem:$0x3FB2]  }
0x2a: {  	p0 =	seq.s32 s5, $0x0;
	s5 =	sld [smem:$0x3FB3]  }
0x2b: {  	s6 =	sld [smem:$0x3FB4]  }
0x2c: {  	s7 =	sld [smem:$0x3FB5]  }
0x2d: {  	s3 =	simm.s32 $0x108;
	s8 =	sld [smem:$0x3FB6]  }
0x2e: {  	s3 =	simm.s32 @!p0 $0x1082;
	s9 =	sld [smem:$0x3FB7]  }
0x2f: {  	lr =	sadd.s32 s0, s3;
	s0 =	sld [smem:$0x3FAE]  }
0x30: {  	s3 =	sld [smem:$0x3FB1]  }
0x31: {  	[smem:$0x3FBA] =	sst s10  }
0x32: {  	s10 =	sld [smem:$0x3FB8];
	_ =	sdelay $0x3  }
0x33: {  	p0 =	seq.s32 s10, $0x1;
	s10 =	sld [smem:$0x3FBA];
	_ =	sdelay $0x3  }
0x34: {  	[smem:$0x3FBA] =	sst s10  }
0x35: {  	s10 =	sld [smem:$0x3FB9];
	_ =	sdelay $0x3  }
0x36: {  	p1 =	seq.s32 s10, $0x1;
	s10 =	sld [smem:$0x3FBA];
	_ =	sdelay $0x3  }
0x37: {  	[smem:$0x3FBA] =	sst s10  }
0x38: {  	s10 =	sld [smem:$0x3FBB]  }
0x39: {  	_ = 	snop;
	(pc) =	sbr.ind lr, $3  }
0x3a: {  	_ = 	snop  }
0x3b: {  	_ = 	snop  }
0x3c: {  	p2 =	seq.s32 s10, $0x1;
	s10 =	sld [smem:$0x3FBA]  }
0x3d: {  	_ =	shalt  }
0x3e: {  	_ =	shalt  }
0x3f: {  	_ =	shalt  }
0x40: {  	_ =	shalt  }
0x41: {  	_ =	shalt  }
0x42: {  	_ =	shalt  }
0x43: {  	_ =	shalt  }
0x44: {  	_ =	shalt  }
0x45: {  	_ =	shalt  }
0x46: {  	_ =	shalt  }
0x47: {  	_ =	shalt  }
0x48: {  	_ =	shalt  }
0x49: {  	_ =	shalt  }
0x4a: {  	_ =	shalt  }
0x4b: {  	_ =	shalt  }
0x4c: {  	_ =	shalt  }
0x4d: {  	_ =	shalt  }
0x4e: {  	_ =	shalt  }
0x4f: {  	_ =	shalt  }
0x50: {  	_ =	shalt  }
0x51: {  	_ =	shalt  }
0x52: {  	_ =	shalt  }
0x53: {  	_ =	shalt  }
0x54: {  	_ =	shalt  }
0x55: {  	_ =	shalt  }
0x56: {  	_ =	shalt  }
0x57: {  	_ =	shalt  }
0x58: {  	_ =	shalt  }
0x59: {  	_ =	shalt  }
0x5a: {  	_ =	shalt  }
0x5b: {  	_ =	shalt  }
0x5c: {  	_ =	shalt  }
0x5d: {  	_ =	shalt  }
0x5e: {  	_ =	shalt  }
0x5f: {  	_ =	shalt  }
0x60: {  	_ =	shalt  }
0x61: {  	_ =	shalt  }
0x62: {  	_ =	shalt  }
0x63: {  	_ =	shalt  }
0x64: {  	_ =	shalt  }
0x65: {  	_ =	shalt  }
0x66: {  	_ =	shalt  }
0x67: {  	_ =	shalt  }
0x68: {  	_ =	shalt  }
0x69: {  	_ =	shalt  }
0x6a: {  	_ =	shalt  }
0x6b: {  	_ =	shalt  }
0x6c: {  	_ =	shalt  }
0x6d: {  	_ =	shalt  }
0x6e: {  	_ =	shalt  }
0x6f: {  	_ =	shalt  }
0x70: {  	_ =	shalt  }
0x71: {  	_ =	shalt  }
0x72: {  	_ =	shalt  }
0x73: {  	_ =	shalt  }
0x74: {  	_ =	shalt  }
0x75: {  	_ =	shalt  }
0x76: {  	_ =	shalt  }
0x77: {  	_ =	shalt  }
0x78: {  	_ =	shalt  }
0x79: {  	_ =	shalt  }
0x7a: {  	_ =	shalt  }
0x7b: {  	_ =	shalt  }
0x7c: {  	_ =	shalt  }
0x7d: {  	_ =	shalt  }
0x7e: {  	_ =	shalt  }
0x7f: {  	_ =	shalt  }
0x80: {  	_ =	shalt  }
0x81: {  	_ =	shalt  }
0x82: {  	_ =	shalt  }
0x83: {  	_ =	shalt  }
0x84: {  	_ =	shalt  }
0x85: {  	_ =	shalt  }
0x86: {  	_ =	shalt  }
0x87: {  	_ =	shalt  }
.Lfunc_end0:
.L_simem_size_0:
called_computation.1_lowered:
.L_overlay_start_0:
0x88: {  	s2 =	sld [smem:$0x3FD9]  }
0x89: {  	s3 =	sld [smem:$0x3FFE];
	_ =	sdelay $0x1  }
0x8a: {  	s1 =	srdreg.scid  }
0x8b: {  	s0 =	sand.u32 $0x1, s1  }
0x8c: {  	s17 =	sshll.u32 s0, $0xA;
	s2 =	sadd.s32 s3, s2  }
0x8d: {  	s2 =	sadd.s32 s2, s17  }
0x8e: {  	[smem:$0x3FC6] =	sst s2  }
0x8f: {  	_ = 	snop  }
0x90: {  	s2 =	sld [smem:$0x3FD0];
	(tm) =	ssettm $0x1  }
0x91: {  	s18 =	sld [smem:$0x3FFB];
	_ =	sdelay $0x3  }
0x92: {  	_ =	strace s18  }
0x93: {  	s3 =	sld [smem:$0x3FFC];
	_ =	sdelay $0x3  }
0x94: {  	_ =	strace s3  }
0x95: {  	s3 =	sld [smem:$0x3FFD];
	_ =	sdelay $0x3  }
0x96: {  	_ =	strace s3  }
0x97: {  	_ =	strace $0x8FFFFFFF  }
0x98: {  	s19 =	sld [smem:$0x3FDB];
	_ =	sdelay $0x1  }
0x99: {  	s4 =	simm.s32 $_scs_section_size  }
0x9a: {  	s5 =	simm.s32 $_size__tile_overlayer_lowered;
	s6 =	simm.s32 $_tile_overlayer_lowered  }
0x9b: {  	s22 =	simm.s32 $0x1BFF;
	s21 =	sshll.u32 s6, $0x1;
	s3 =	sadd.s32 s4, s19  }
0x9c: {  	s7 =	simm.s32 $0x0;
	s20 =	sshll.u32 s5, $0x1;
	s5 =	sadd.s32 s21, s3  }
0x9d: {  	[timem:s7], [sflag:s22] =	dma.local [hbm:s5], s20  }
0x9e: {  	_ =	swait.ge [sflag:s22], s20  }
0x9f: {  	s4 =	ssub.s32 $0x0, s20;
	[sflag:s22] =	ssyncset.done $0x0  }
0xa0: {  	[sflag:s22] =	ssyncadd.s32 s4;
	_ =	sdelay $0x1  }
0xa1: {  	s23 =	simm.s32 $0x1B8B  }
0xa2: {  	_ =	swait.ge [sflag:s23], $0x1  }
0xa3: {  	[sflag:s23] =	ssyncset.done $0x0  }
0xa4: {  	s25 =	simm.s32 $0x1B8E;
	s24 =	sld [smem:$0x3FFE];
	[sflag:s23] =	ssyncadd.s32 $0xFFFFFFFF  }
0xa5: {  	s26 =	simm.s32 $execute0_lowered;
	[smem:$0x3FD2] =	sst s25  }
0xa6: {  	s5 =	sshll.u32 s26, $0x1;
	_ =	strace $0x80000049;
	[dreg:$0x1] =	wrdreg $0xFFFFFFFF  }
0xa7: {  	s28 =	simm.s32 $_size_execute0_lowered;
	s3 =	sadd.s32 s3, s5;
	[dreg:$0x0] =	wrdreg $0x0  }
0xa8: {  	s5 =	sshll.u32 s28, $0x1;
	[dreg:$0x2] =	wrdreg s3  }
0xa9: {  	[dreg:$0x3] =	wrdreg s5  }
0xaa: {  	[dreg:$0x4] =	wrdreg $0xC0  }
0xab: {  	_ =	task [dreg:s7], $0x5FFFF  }
0xac: {  	[dreg:$0x1] =	wrdreg $0xFFFFFFFF  }
0xad: {  	[dreg:$0x0] =	wrdreg $0x60  }
0xae: {  	[dreg:$0x2] =	wrdreg s2  }
0xaf: {  	[dreg:$0x3] =	wrdreg s24  }
0xb0: {  	[dreg:$0x4] =	wrdreg $0x9  }
0xb1: {  	_ =	task.clear_ibuf [dreg:s7], $0x5FFFF;
	_ =	strace $0x90000049  }
0xb2: {  	s29 =	simm.s32 $0x9;
	_ =	strace $0x8000004B  }
0xb3: {  	_ =	swait.ge [sflag:s29], $0x1  }
0xb4: {  	[sflag:s29] =	ssyncadd.s32 $0xFFFFFFFF  }
0xb5: {  	_ =	strace $0x9000004B  }
0xb6: {  	_ =	sfence  }
0xb7: {  	s30 =	sld [smem:$0x0];
	_ =	sdelay $0x2  }
0xb8: {  	s31 =	sshll.u32 s1, $0xD;
	s1 =	sshrl.u32 s1, $0x2  }
0xb9: {  	s3 =	sand.u32 $0x4000, s31;
	s1 =	sadd.s32 s1, s30  }
0xba: {  	s0 =	sor.u32 s3, s0;
	s1 =	sshll.u32 s1, $0x11  }
0xbb: {  	s0 =	sor.u32 s1, s0  }
0xbc: {  	s0 =	sadd.s32 $0x8F2B, s0  }
0xbd: {  	[sflag:s0] =	ssyncadd.remote.s32 $0x1  }
0xbe: {  	_ =	sfence.sel $0xFFFF  }
0xbf: {  	[dreg:$0x0] =	wrdreg $0xFFFFFFFF;
	(pc) =	sbr.abs _section_cstart, $3  }
0xc0: {  	[dreg:$0x1] =	wrdreg $0xFFFFFFFF  }
0xc1: {  	_ =	task.clear_ibuf [dreg:s7], $0x2FFFF;
	_ =	strace $0x9FFFFFFF  }
0xc2: {  	(tm) =	ssettm $0x7FFFFFFF  }
0xc3: {  	_ =	shalt  }
tec
execute0_lowered:
.L_overlay_start_1:
0x0: {  	(tag) =	ssettag $0x1  }
0x1: {  	s2 =	rddreg [dreg:$0x0]  }
0x2: {  	s4 =	rddreg [dreg:$0x1]  }
0x3: {  	s0 =	srdreg.scid;
	s1 =	simm.s32 $0x0;
	s3 =	stileid.u32  }
0x4: {  	s0 =	sand.u32 $0x1, s0;
	[smem:$0x7FF] =	sst s1;
	s5 =	sshll.u32 s3, $0xF  }
0x5: {  	s3 =	sadd.s32 $0xA00, s4;
	s6 =	sshll.u32 s0, $0xE;
	s7 =	ssub.s32 $0x2, s0  }
0x6: {  	s0 =	sor.u32 s6, s5;
	s5 =	sadd.s32 $0x80A00, s4;
	s19 =	sshrl.u32 s7, $0x1  }
0x7: {  	s6 =	sor.u32 $0x80000, s0;
	s4 =	ssub.s32 s7, s19;
	s21 =	sor.u32 $0x100000, s0  }
0x8: {  	s23 =	sor.u32 $0x180000, s0;
	s8 =	sor.u32 $0x800, s0;
	s25 =	sor.u32 $0x100800, s0  }
0x9: {  	s24 =	sor.u32 $0x80800, s0;
	s26 =	sor.u32 $0x180800, s0;
	s10 =	sor.u32 $0x1000, s0  }
0xa: {  	s18 =	sor.u32 $0x81000, s0;
	[smem:$0x7EF] =	sst s4;
	s20 =	sadd.s32 s2, s6  }
0xb: {  	s22 =	sadd.s32 s2, s21;
	s9 =	sadd.s32 s2, s23;
	[dreg:$0x3] =	wrdreg s20  }
0xc: {  	s11 =	sadd.s32 s2, s8;
	s6 =	sadd.s32 s5, s6;
	[dreg:$0x4] =	wrdreg s22  }
0xd: {  	s13 =	sadd.s32 s2, s24;
	s4 =	sadd.s32 s5, s21;
	[dreg:$0x5] =	wrdreg s9  }
0xe: {  	s14 =	sadd.s32 s2, s25;
	s7 =	sadd.s32 s5, s23;
	[dreg:$0x7] =	wrdreg s6  }
0xf: {  	s15 =	sadd.s32 s2, s26;
	s12 =	sadd.s32 s3, s8;
	[dreg:$0x9] =	wrdreg s4  }
0x10: {  	s8 =	sadd.s32 s5, s8;
	s16 =	sadd.s32 s2, s10;
	[dreg:$0xb] =	wrdreg s7  }
0x11: {  	s17 =	sadd.s32 s5, s24;
	s19 =	sadd.s32 s3, s10;
	[dreg:$0xd] =	wrdreg s12  }
0x12: {  	s21 =	sadd.s32 s5, s18;
	s23 =	sor.u32 $0x181000, s0;
	[dreg:$0xe] =	wrdreg s8  }
0x13: {  	s24 =	sor.u32 $0x1800, s0;
	[dreg:$0x10] =	wrdreg s17;
	s17 =	sadd.s32 s5, s25  }
0x14: {  	s4 =	sadd.s32 s5, s26;
	[dreg:$0x13] =	wrdreg s19;
	s19 =	sadd.s32 s5, s10  }
0x15: {  	s20 =	sadd.s32 s2, s18;
	[dreg:$0x16] =	wrdreg s21;
	s22 =	sor.u32 $0x101000, s0  }
0x16: {  	s21 =	sadd.s32 s2, s23;
	s25 =	sor.u32 $0x81800, s0;
	s26 =	sadd.s32 s3, s24  }
0x17: {  	s7 =	sor.u32 $0x101800, s0;
	s8 =	sor.u32 $0x181800, s0;
	[dreg:$0x12] =	wrdreg s4  }
0x18: {  	s9 =	sor.u32 $0x2000, s0;
	s12 =	sor.u32 $0x82000, s0;
	[dreg:$0x15] =	wrdreg s20  }
0x19: {  	s18 =	sor.u32 $0x102000, s0;
	s4 =	sadd.s32 s5, s22;
	[dreg:$0x1c] =	wrdreg s26  }
0x1a: {  	s20 =	sadd.s32 s2, s22;
	s6 =	sadd.s32 s5, s25;
	[dreg:$0x18] =	wrdreg s4  }
0x1b: {  	s22 =	sadd.s32 s2, s24;
	s10 =	sadd.s32 s3, s9;
	[dreg:$0x1f] =	wrdreg s6  }
0x1c: {  	s26 =	sadd.s32 s2, s9;
	s4 =	sadd.s32 s5, s23;
	[smem:$0x7D3] =	sst s10  }
0x1d: {  	s23 =	sadd.s32 s2, s25;
	s6 =	sadd.s32 s5, s8;
	[dreg:$0x1a] =	wrdreg s4  }
0x1e: {  	s25 =	sadd.s32 s2, s8;
	s4 =	sadd.s32 s5, s24;
	[smem:$0x7D2] =	sst s6  }
0x1f: {  	s8 =	sor.u32 $0x2800, s0;
	s6 =	sadd.s32 s5, s18;
	[dreg:$0x1d] =	wrdreg s4  }
0x20: {  	s29 =	sadd.s32 s2, s12;
	s10 =	sadd.s32 s3, s8;
	[smem:$0x7D6] =	sst s6  }
0x21: {  	s30 =	sadd.s32 s2, s18;
	s4 =	sadd.s32 s5, s7;
	[smem:$0x7D9] =	sst s10  }
0x22: {  	s24 =	sadd.s32 s2, s7;
	[smem:$0x7D1] =	sst s4;
	s4 =	sadd.s32 s5, s9  }
0x23: {  	s7 =	sor.u32 $0x182000, s0;
	s9 =	sadd.s32 s2, s8;
	[smem:$0x7D4] =	sst s4  }
0x24: {  	s31 =	sadd.s32 s2, s7;
	s4 =	sadd.s32 s5, s12;
	[smem:$0x7D8] =	sst s9  }
0x25: {  	s12 =	sor.u32 $0x82800, s0;
	[smem:$0x7D5] =	sst s4;
	s4 =	sadd.s32 s5, s7  }
0x26: {  	s9 =	sadd.s32 s5, s8;
	s18 =	sadd.s32 s2, s12;
	[smem:$0x7D7] =	sst s4  }
0x27: {  	s7 =	sor.u32 $0x102800, s0;
	[smem:$0x7DA] =	sst s18;
	s4 =	sadd.s32 s5, s12  }
0x28: {  	s8 =	sor.u32 $0x182800, s0;
	[smem:$0x7DB] =	sst s4;
	s4 =	sadd.s32 s5, s7  }
0x29: {  	s10 =	sor.u32 $0x3000, s0;
	[smem:$0x7DC] =	sst s4;
	s4 =	sadd.s32 s5, s8  }
0x2a: {  	s18 =	sadd.s32 s2, s8;
	s8 =	sadd.s32 s3, s10;
	[smem:$0x7DD] =	sst s4  }
0x2b: {  	s6 =	sor.u32 $0x83000, s0;
	[smem:$0x7DE] =	sst s8;
	s4 =	sadd.s32 s5, s10  }
0x2c: {  	s28 =	sadd.s32 s2, s10;
	s10 =	sadd.s32 s2, s6;
	[smem:$0x7DF] =	sst s4  }
0x2d: {  	[smem:$0x7E0] =	sst s10  }
0x2e: {  	s4 =	sor.u32 $0x103000, s0;
	s10 =	sadd.s32 s5, s6;
	s6 =	sadd.s32 s2, s0  }
0x2f: {  	s12 =	sadd.s32 s2, s7;
	s7 =	sadd.s32 s2, s4;
	[smem:$0x7E5] =	sst s6  }
0x30: {  	s8 =	sor.u32 $0x183000, s0;
	s4 =	sadd.s32 s5, s4;
	[smem:$0x7E1] =	sst s7  }
0x31: {  	[smem:$0x7E2] =	sst s4;
	s7 =	sadd.s32 s2, s8  }
0x32: {  	s8 =	sadd.s32 s5, s8;
	[smem:$0x7E3] =	sst s7  }
0x33: {  	[smem:$0x7E4] =	sst s8;
	s7 =	sadd.s32 s3, s0  }
0x34: {  	s8 =	sadd.s32 s5, s0;
	[smem:$0x7E6] =	sst s7  }
0x35: {  	s6 =	sor.u32 $0x83800, s0;
	s4 =	sor.u32 $0x3800, s0;
	[smem:$0x7E7] =	sst s8  }
0x36: {  	s3 =	sadd.s32 s3, s4;
	s7 =	sor.u32 $0x103800, s0;
	s8 =	sor.u32 $0x183800, s0  }
0x37: {  	s0 =	smov.u32 s9;
	s9 =	sadd.s32 s2, s4;
	[smem:$0x7EC] =	sst s3  }
0x38: {  	[smem:$0x7E8] =	sst s9;
	s9 =	sadd.s32 s2, s6  }
0x39: {  	s6 =	sadd.s32 s5, s6;
	[smem:$0x7E9] =	sst s9  }
0x3a: {  	s3 =	sadd.s32 s5, s4;
	s4 =	sadd.s32 s5, s7;
	[smem:$0x7ED] =	sst s6  }
0x3b: {  	s9 =	sadd.s32 s2, s7;
	[smem:$0x7EE] =	sst s4  }
0x3c: {  	s2 =	sadd.s32 s2, s8;
	[smem:$0x7EA] =	sst s9  }
0x3d: {  	[smem:$0x7EB] =	sst s2  }
0x3e: {  	_ =	strace $0x8000004A;
	[dreg:$0x6] =	wrdreg s11  }
0x3f: {  	[dreg:$0x8] =	wrdreg s13  }
0x40: {  	[dreg:$0xa] =	wrdreg s14  }
0x41: {  	[dreg:$0xc] =	wrdreg s15  }
0x42: {  	[dreg:$0xf] =	wrdreg s16  }
0x43: {  	[dreg:$0x11] =	wrdreg s17  }
0x44: {  	[dreg:$0x14] =	wrdreg s19  }
0x45: {  	[dreg:$0x17] =	wrdreg s20  }
0x46: {  	[dreg:$0x19] =	wrdreg s21  }
0x47: {  	[dreg:$0x1b] =	wrdreg s22  }
0x48: {  	[dreg:$0x1e] =	wrdreg s23  }
0x49: {  	[smem:$0x7F1] =	sst s24  }
0x4a: {  	[smem:$0x7F2] =	sst s25  }
0x4b: {  	[smem:$0x7F3] =	sst s26  }
0x4c: {  	[smem:$0x7F4] =	sst s29  }
0x4d: {  	[smem:$0x7F5] =	sst s30  }
0x4e: {  	[smem:$0x7F6] =	sst s31  }
0x4f: {  	[smem:$0x7F7] =	sst s0  }
0x50: {  	[smem:$0x7F8] =	sst s12  }
0x51: {  	[smem:$0x7F9] =	sst s18  }
0x52: {  	[smem:$0x7FA] =	sst s28  }
0x53: {  	s10 =	smov.u32 s10;
	s7 =	sadd.s32 s5, s8;
	s8 =	sld [smem:$0x7EF]  }
0x54: {  	[smem:$0x7FB] =	sst s10  }
0x55: {  	[smem:$0x7FC] =	sst s3  }
0x56: {  	[smem:$0x7FD] =	sst s7;
	s6 =	smax.u32 s8, $0x1  }
0x57: {  	s8 =	simm.s32 $0x0;
	[smem:$0x7F0] =	sst s6  }
.LBB2_1:
0x58: {  	s0 =	sld [smem:$0x7E5];
	_ =	sdelay $0x1  }
0x59: {  	[smem:$0x7D0] =	sst s8;
	s6 =	simm.s32 $0x10  }
0x5a: {  	s7 =	simm.s32 $0x200;
	s8 =	simm.s32 $0x0;
	s9 =	sadd.s32 $0x0, s0  }
.LBB2_2:
0x5b: {  	[tilespmem:s8], [sflag:$0x1] =	stream.linear.gather [hbm4b:s9+s1], $0x80, $0x38;
	[tilespmem:$0x14000] =	vst v63  }
0x5c: {  	s9 =	smov.u32 s6;
	s8 =	smov.u32 s7;
	p0 =	sne.s32 s6, $0x7F0  }
.Ltmp0:
0x5d: {  	s6 =	sadd.s32 $0x10, s6;
	(pc) =	sbr.rel @p0 .LBB2_2-.Ltmp0, $2  }
0x5e: {  	_ =	sdelay $0x2  }
0x5f: {  	s7 =	sadd.s32 $0x200, s7;
	s9 =	sadd.s32 s9, s0  }
0x60: {  	[tilespmem:s8], [sflag:$0x1] =	stream.linear.gather [hbm4b:s9+s1], $0x80, $0x38;
	[tilespmem:$0x14000] =	vst v63  }
0x61: {  	s10 =	rddreg [dreg:$0x3]  }
0x62: {  	s6 =	simm.s32 $0x80;
	s7 =	simm.s32 $0x10;
	s0 =	sld [smem:$0x7D8]  }
0x63: {  	s8 =	simm.s32 $0x280;
	s2 =	sld [smem:$0x7E0];
	s9 =	sadd.s32 $0x0, s10  }
.LBB2_4:
0x64: {  	[tilespmem:s6], [sflag:$0x2] =	stream.linear.gather [hbm4b:s9+s1], $0x80, $0x38;
	[tilespmem:$0x14000] =	vst v63  }
0x65: {  	s9 =	smov.u32 s7;
	s6 =	smov.u32 s8;
	p0 =	sne.s32 s7, $0x7F0  }
.Ltmp1:
0x66: {  	s7 =	sadd.s32 $0x10, s7;
	(pc) =	sbr.rel @p0 .LBB2_4-.Ltmp1, $2  }
0x67: {  	_ =	sdelay $0x2  }
0x68: {  	s8 =	sadd.s32 $0x200, s8;
	s9 =	sadd.s32 s9, s10  }
0x69: {  	[tilespmem:s6], [sflag:$0x2] =	stream.linear.gather [hbm4b:s9+s1], $0x80, $0x38;
	[tilespmem:$0x14000] =	vst v63  }
0x6a: {  	s6 =	simm.s32 $0x100;
	s10 =	rddreg [dreg:$0x4]  }
0x6b: {  	s7 =	simm.s32 $0x10;
	s8 =	simm.s32 $0x300;
	s9 =	sadd.s32 $0x0, s10  }
.LBB2_6:
0x6c: {  	[tilespmem:s6], [sflag:$0x3] =	stream.linear.gather [hbm4b:s9+s1], $0x80, $0x38;
	[tilespmem:$0x14000] =	vst v63  }
0x6d: {  	s9 =	smov.u32 s7;
	s6 =	smov.u32 s8;
	p0 =	sne.s32 s7, $0x7F0  }
.Ltmp2:
0x6e: {  	s7 =	sadd.s32 $0x10, s7;
	(pc) =	sbr.rel @p0 .LBB2_6-.Ltmp2, $2  }
0x6f: {  	_ =	sdelay $0x2  }
0x70: {  	s8 =	sadd.s32 $0x200, s8;
	s9 =	sadd.s32 s9, s10  }
0x71: {  	[tilespmem:s6], [sflag:$0x3] =	stream.linear.gather [hbm4b:s9+s1], $0x80, $0x38;
	[tilespmem:$0x14000] =	vst v63  }
0x72: {  	s6 =	simm.s32 $0x180;
	s11 =	rddreg [dreg:$0x5]  }
0x73: {  	s7 =	simm.s32 $0x10;
	s8 =	simm.s32 $0x380;
	s9 =	sadd.s32 $0x0, s11  }
.LBB2_8:
0x74: {  	[tilespmem:s6], [sflag:$0x4] =	stream.linear.gather [hbm4b:s9+s1], $0x80, $0x38;
	[tilespmem:$0x14000] =	vst v63  }
0x75: {  	s9 =	smov.u32 s7;
	s6 =	smov.u32 s8;
	p0 =	sne.s32 s7, $0x7F0  }
.Ltmp3:
0x76: {  	s7 =	sadd.s32 $0x10, s7;
	(pc) =	sbr.rel @p0 .LBB2_8-.Ltmp3, $2  }
0x77: {  	_ =	sdelay $0x2  }
0x78: {  	s8 =	sadd.s32 $0x200, s8;
	s9 =	sadd.s32 s9, s11  }
0x79: {  	s16 =	sld [smem:$0x7E6]  }
0x7a: {  	[tilespmem:s6], [sflag:$0x4] =	stream.linear.gather [hbm4b:s9+s1], $0x80, $0x38;
	[tilespmem:$0x14000] =	vst v63  }
0x7b: {  	s4 =	simm.s32 $0x10000;
	s17 =	simm.s32 $0x9  }
0x7c: {  	[tilespmem:s4], [sflag:$0x9] =	stream.linear.gather [hbm4b:s16+s1], $0x4000, $0x38;
	[tilespmem:$0x14000] =	vst v63  }
0x7d: {  	_ =	swait.ge [sflag:s17], $0x4000  }
0x7e: {  	[sflag:s17] =	ssyncset.done $0x0  }
0x7f: {  	s19 =	simm.s32 $0x1;
	[sflag:s17] =	ssyncadd.s32 $0xFFFFC000  }
0x80: {  	_ =	swait.ge [sflag:s19], $0x4000  }
0x81: {  	[sflag:s19] =	ssyncset.done $0x0  }
0x82: {  	s6 =	simm.s32 $0x40;
	[sflag:s19] =	ssyncadd.s32 $0xFFFFC000  }
0x83: {  	s7 =	simm.s32 $0x10040;
	v1 =	vld [tilespmem:s6+$0x30]  }
0x84: {  	v2 =	vld [tilespmem:s7+$0x30]  }
0x85: {  	v0 =	vld [tilespmem:s7+$0xFFFFFFC0]  }
0x86: {  	v3 =	vld [tilespmem:s6+$0xFFFFFFD0]  }
0x87: {  	v4 =	vld [tilespmem:s7+$0xFFFFFFD0]  }
0x88: {  	v5 =	vld [tilespmem:s6+$0xFFFFFFE0]  }
0x89: {  	v6 =	vld [tilespmem:s7+$0xFFFFFFE0]  }
0x8a: {  	v7 =	vld [tilespmem:s6+$0xFFFFFFF0]  }
0x8b: {  	v8 =	vld [tilespmem:s7+$0xFFFFFFF0]  }
0x8c: {  	v9 =	vld [tilespmem:s6+$0x0]  }
0x8d: {  	v10 =	vld [tilespmem:s7+$0x0];
	v2 =	vadd.f32 v2, v1  }
0x8e: {  	v4 =	vadd.f32 v4, v3;
	v1 =	vld [tilespmem:s6+$0x10]  }
0x8f: {  	v5 =	vadd.f32 v6, v5;
	v3 =	vld [tilespmem:s7+$0x10];
	[tilespmem:s6+$0x30] =	vst v2  }
0x90: {  	v6 =	vadd.f32 v8, v7;
	[tilespmem:s6+$0xFFFFFFD0] =	vst v4;
	v2 =	vld [tilespmem:s6+$0x20]  }
0x91: {  	[tilespmem:s6+$0xFFFFFFE0] =	vst v5;
	v5 =	vld [tilespmem:s7+$0x20]  }
0x92: {  	s8 =	simm.s32 $0x0;
	s9 =	simm.s32 $0x240;
	v4 =	vld [tilespmem:s6+$0xFFFFFFC0];
	[tilespmem:s6+$0xFFFFFFF0] =	vst v6;
	v6 =	vadd.f32 v10, v9  }
.LBB2_10:
0x93: {  	v7 =	vld [tilespmem:s9+$0x30];
	s7 =	sadd.s32 $0x80, s7  }
0x94: {  	s8 =	sadd.s32 $0x8, s8;
	v8 =	vld [tilespmem:s7+$0x30];
	[tilespmem:s6+$0x0] =	vst v6;
	v1 =	vadd.f32 v3, v1  }
0x95: {  	p0 =	slt.u32 s8, $0x3F8;
	v3 =	vld [tilespmem:s7+$0xFFFFFFC0]  }
0x96: {  	v6 =	vld [tilespmem:s9+$0xFFFFFFD0];
	[tilespmem:s6+$0x10] =	vst v1;
	v1 =	vadd.f32 v5, v2  }
0x97: {  	v2 =	vld [tilespmem:s7+$0xFFFFFFD0];
	v9 =	vadd.f32 v0, v4  }
0x98: {  	v4 =	vld [tilespmem:s9+$0xFFFFFFE0];
	[tilespmem:s6+$0x20] =	vst v1  }
0x99: {  	v1 =	vld [tilespmem:s7+$0xFFFFFFE0];
	v5 =	vadd.f32 v8, v7;
	[tilespmem:s6+$0xFFFFFFC0] =	vst v9;
	s6 =	smov.u32 s9  }
0x9a: {  	v7 =	vld [tilespmem:s9+$0xFFFFFFF0];
	v0 =	vmov v3  }
0x9b: {  	v8 =	vld [tilespmem:s7+$0xFFFFFFF0];
	[tilespmem:s9+$0x30] =	vst v5  }
0x9c: {  	v2 =	vadd.f32 v2, v6;
	v6 =	vld [tilespmem:s9+$0x0]  }
0x9d: {  	v9 =	vld [tilespmem:s7+$0x0]  }
.Ltmp4:
0x9e: {  	[tilespmem:s9+$0xFFFFFFD0] =	vst v2;
	v2 =	vadd.f32 v1, v4;
	v1 =	vld [tilespmem:s9+$0x10];
	(pc) =	sbr.rel @p0 .LBB2_10-.Ltmp4, $4  }
0x9f: {  	v3 =	vld [tilespmem:s7+$0x10]  }
0xa0: {  	[tilespmem:s9+$0xFFFFFFE0] =	vst v2;
	v7 =	vadd.f32 v8, v7;
	v2 =	vld [tilespmem:s9+$0x20]  }
0xa1: {  	v5 =	vld [tilespmem:s7+$0x20]  }
0xa2: {  	s9 =	sadd.s32 $0x200, s9;
	v4 =	vld [tilespmem:s6+$0xFFFFFFC0];
	[tilespmem:s6+$0xFFFFFFF0] =	vst v7;
	v6 =	vadd.f32 v9, v6  }
0xa3: {  	_ =	sdelay $0x1  }
0xa4: {  	v1 =	vadd.f32 v3, v1  }
0xa5: {  	[tilespmem:s6+$0x0] =	vst v6;
	v2 =	vadd.f32 v5, v2  }
0xa6: {  	[tilespmem:s6+$0x10] =	vst v1;
	v0 =	vadd.f32 v0, v4  }
0xa7: {  	[tilespmem:s6+$0x20] =	vst v2  }
0xa8: {  	[tilespmem:s6+$0xFFFFFFC0] =	vst v0  }
0xa9: {  	s4 =	sld [smem:$0x7E7];
	_ =	sdelay $0x1  }
0xaa: {  	s7 =	simm.s32 $0x0;
	s8 =	simm.s32 $0x200  }
0xab: {  	s6 =	simm.s32 $0x10;
	s11 =	rddreg [dreg:$0x6];
	s9 =	sadd.s32 $0x0, s4  }
.LBB2_12:
0xac: {  	[hbm4b:s9+s1] =	stream.linear.scatter [tilespmem:s7], [sflag:$0x5], $0x80, $0x38;
	[tilespmem:$0x14000] =	vst v63  }
0xad: {  	s9 =	smov.u32 s6;
	s7 =	smov.u32 s8;
	p0 =	sne.s32 s6, $0x7F0  }
.Ltmp5:
0xae: {  	s6 =	sadd.s32 $0x10, s6;
	(pc) =	sbr.rel @p0 .LBB2_12-.Ltmp5, $2  }
0xaf: {  	_ =	sdelay $0x2  }
0xb0: {  	s8 =	sadd.s32 $0x200, s8;
	s9 =	sadd.s32 s9, s4  }
0xb1: {  	[hbm4b:s9+s1] =	stream.linear.scatter [tilespmem:s7], [sflag:$0x5], $0x80, $0x38;
	[tilespmem:$0x14000] =	vst v63  }
0xb2: {  	s4 =	simm.s32 $0x5  }
0xb3: {  	_ =	swait.ge [sflag:s4], $0x4000  }
0xb4: {  	s6 =	simm.s32 $0x0;
	s7 =	simm.s32 $0x10;
	[sflag:s4] =	ssyncset.done $0x0  }
0xb5: {  	s9 =	sadd.s32 $0x0, s11;
	s8 =	simm.s32 $0x200;
	[sflag:s4] =	ssyncadd.s32 $0xFFFFC000  }
.LBB2_14:
0xb6: {  	[tilespmem:s6], [sflag:$0x1] =	stream.linear.gather [hbm4b:s9+s1], $0x80, $0x38;
	[tilespmem:$0x14000] =	vst v63  }
0xb7: {  	s9 =	smov.u32 s7;
	s6 =	smov.u32 s8;
	p0 =	sne.s32 s7, $0x7F0  }
.Ltmp6:
0xb8: {  	s7 =	sadd.s32 $0x10, s7;
	(pc) =	sbr.rel @p0 .LBB2_14-.Ltmp6, $2  }
0xb9: {  	_ =	sdelay $0x2  }
0xba: {  	s8 =	sadd.s32 $0x200, s8;
	s9 =	sadd.s32 s9, s11  }
0xbb: {  	[tilespmem:s6], [sflag:$0x1] =	stream.linear.gather [hbm4b:s9+s1], $0x80, $0x38;
	[tilespmem:$0x14000] =	vst v63  }
0xbc: {  	s4 =	simm.s32 $0x2  }
0xbd: {  	_ =	swait.ge [sflag:s4], $0x4000  }
0xbe: {  	[sflag:s4] =	ssyncset.done $0x0  }
0xbf: {  	s6 =	simm.s32 $0xF0;
	[sflag:s4] =	ssyncadd.s32 $0xFFFFC000  }
0xc0: {  	s7 =	simm.s32 $0x10040;
	v1 =	vld [tilespmem:s6+$0x0]  }
0xc1: {  	v2 =	vld [tilespmem:s7+$0x30]  }
0xc2: {  	v3 =	vld [tilespmem:s6+$0xFFFFFFA0]  }
0xc3: {  	v4 =	vld [tilespmem:s7+$0xFFFFFFD0]  }
0xc4: {  	v5 =	vld [tilespmem:s6+$0xFFFFFFB0]  }
0xc5: {  	v6 =	vld [tilespmem:s7+$0xFFFFFFE0]  }
0xc6: {  	v7 =	vld [tilespmem:s6+$0xFFFFFFC0]  }
0xc7: {  	v8 =	vld [tilespmem:s7+$0xFFFFFFF0]  }
0xc8: {  	v0 =	vld [tilespmem:s7+$0xFFFFFFC0]  }
0xc9: {  	v9 =	vld [tilespmem:s6+$0xFFFFFFD0];
	v2 =	vadd.f32 v2, v1  }
0xca: {  	v10 =	vld [tilespmem:s7+$0x0];
	v4 =	vadd.f32 v4, v3  }
0xcb: {  	v1 =	vld [tilespmem:s6+$0xFFFFFFE0];
	v5 =	vadd.f32 v6, v5;
	[tilespmem:s6+$0x0] =	vst v2  }
0xcc: {  	v3 =	vld [tilespmem:s7+$0x10];
	v6 =	vadd.f32 v8, v7;
	[tilespmem:s6+$0xFFFFFFA0] =	vst v4  }
0xcd: {  	v2 =	vld [tilespmem:s6+$0xFFFFFFF0];
	[tilespmem:s6+$0xFFFFFFB0] =	vst v5  }
0xce: {  	v5 =	vld [tilespmem:s7+$0x20];
	[tilespmem:s6+$0xFFFFFFC0] =	vst v6  }
0xcf: {  	s8 =	simm.s32 $0x0;
	s9 =	simm.s32 $0x2F0;
	v4 =	vld [tilespmem:s6+$0xFFFFFF90];
	v6 =	vadd.f32 v10, v9;
	s4 =	sld [smem:$0x7E9]  }
.LBB2_16:
0xd0: {  	v7 =	vld [tilespmem:s9+$0x0];
	s7 =	sadd.s32 $0x80, s7  }
0xd1: {  	s8 =	sadd.s32 $0x8, s8;
	v8 =	vld [tilespmem:s7+$0x30];
	[tilespmem:s6+$0xFFFFFFD0] =	vst v6;
	v1 =	vadd.f32 v3, v1  }
0xd2: {  	p0 =	slt.u32 s8, $0x3F8;
	v3 =	vld [tilespmem:s7+$0xFFFFFFC0]  }
0xd3: {  	v6 =	vld [tilespmem:s9+$0xFFFFFFA0];
	[tilespmem:s6+$0xFFFFFFE0] =	vst v1;
	v1 =	vadd.f32 v5, v2  }
0xd4: {  	v2 =	vld [tilespmem:s7+$0xFFFFFFD0];
	v9 =	vadd.f32 v0, v4  }
0xd5: {  	v4 =	vld [tilespmem:s9+$0xFFFFFFB0];
	[tilespmem:s6+$0xFFFFFFF0] =	vst v1  }
0xd6: {  	v1 =	vld [tilespmem:s7+$0xFFFFFFE0];
	v5 =	vadd.f32 v8, v7;
	[tilespmem:s6+$0xFFFFFF90] =	vst v9;
	s6 =	smov.u32 s9  }
0xd7: {  	v7 =	vld [tilespmem:s9+$0xFFFFFFC0];
	v0 =	vmov v3  }
0xd8: {  	v8 =	vld [tilespmem:s7+$0xFFFFFFF0];
	[tilespmem:s9+$0x0] =	vst v5  }
0xd9: {  	v2 =	vadd.f32 v2, v6;
	v6 =	vld [tilespmem:s9+$0xFFFFFFD0]  }
0xda: {  	v9 =	vld [tilespmem:s7+$0x0]  }
.Ltmp7:
0xdb: {  	[tilespmem:s9+$0xFFFFFFA0] =	vst v2;
	v2 =	vadd.f32 v1, v4;
	v1 =	vld [tilespmem:s9+$0xFFFFFFE0];
	(pc) =	sbr.rel @p0 .LBB2_16-.Ltmp7, $4  }
0xdc: {  	v3 =	vld [tilespmem:s7+$0x10]  }
0xdd: {  	[tilespmem:s9+$0xFFFFFFB0] =	vst v2;
	v7 =	vadd.f32 v8, v7;
	v2 =	vld [tilespmem:s9+$0xFFFFFFF0]  }
0xde: {  	v5 =	vld [tilespmem:s7+$0x20]  }
0xdf: {  	s9 =	sadd.s32 $0x200, s9;
	v4 =	vld [tilespmem:s6+$0xFFFFFF90];
	[tilespmem:s6+$0xFFFFFFC0] =	vst v7;
	v6 =	vadd.f32 v9, v6  }
0xe0: {  	_ =	sdelay $0x1  }
0xe1: {  	v1 =	vadd.f32 v3, v1  }
0xe2: {  	[tilespmem:s6+$0xFFFFFFD0] =	vst v6;
	v2 =	vadd.f32 v5, v2  }
0xe3: {  	[tilespmem:s6+$0xFFFFFFE0] =	vst v1;
	v0 =	vadd.f32 v0, v4  }
0xe4: {  	[tilespmem:s6+$0xFFFFFFF0] =	vst v2  }
0xe5: {  	[tilespmem:s6+$0xFFFFFF90] =	vst v0  }
0xe6: {  	s7 =	simm.s32 $0x80;
	s13 =	rddreg [dreg:$0x7]  }
0xe7: {  	s8 =	simm.s32 $0x280;
	s6 =	simm.s32 $0x10;
	s9 =	sadd.s32 $0x0, s13  }
.LBB2_18:
0xe8: {  	[hbm4b:s9+s1] =	stream.linear.scatter [tilespmem:s7], [sflag:$0x6], $0x80, $0x38;
	[tilespmem:$0x14000] =	vst v63  }
0xe9: {  	s9 =	smov.u32 s6;
	s7 =	smov.u32 s8;
	p0 =	sne.s32 s6, $0x7F0  }
.Ltmp8:
0xea: {  	s6 =	sadd.s32 $0x10, s6;
	(pc) =	sbr.rel @p0 .LBB2_18-.Ltmp8, $2  }
0xeb: {  	_ =	sdelay $0x2  }
0xec: {  	s8 =	sadd.s32 $0x200, s8;
	s9 =	sadd.s32 s9, s13  }
0xed: {  	[hbm4b:s9+s1] =	stream.linear.scatter [tilespmem:s7], [sflag:$0x6], $0x80, $0x38;
	[tilespmem:$0x14000] =	vst v63  }
0xee: {  	s6 =	simm.s32 $0x6  }
0xef: {  	s7 =	simm.s32 $0x10;
	_ =	swait.ge [sflag:s6], $0x4000  }
0xf0: {  	s8 =	simm.s32 $0x280;
	[sflag:s6] =	ssyncset.done $0x0;
	s13 =	rddreg [dreg:$0x8]  }
0xf1: {  	[sflag:s6] =	ssyncadd.s32 $0xFFFFC000;
	s6 =	simm.s32 $0x80;
	s9 =	sadd.s32 $0x0, s13  }
.LBB2_20:
0xf2: {  	[tilespmem:s6], [sflag:$0x2] =	stream.linear.gather [hbm4b:s9+s1], $0x80, $0x38;
	[tilespmem:$0x14000] =	vst v63  }
0xf3: {  	s9 =	smov.u32 s7;
	s6 =	smov.u32 s8;
	p0 =	sne.s32 s7, $0x7F0  }
.Ltmp9:
0xf4: {  	s7 =	sadd.s32 $0x10, s7;
	(pc) =	sbr.rel @p0 .LBB2_20-.Ltmp9, $2  }
0xf5: {  	_ =	sdelay $0x2  }
0xf6: {  	s8 =	sadd.s32 $0x200, s8;
	s9 =	sadd.s32 s9, s13  }
0xf7: {  	[tilespmem:s6], [sflag:$0x2] =	stream.linear.gather [hbm4b:s9+s1], $0x80, $0x38;
	[tilespmem:$0x14000] =	vst v63  }
0xf8: {  	s19 =	simm.s32 $0x3  }
0xf9: {  	_ =	swait.ge [sflag:s19], $0x4000  }
0xfa: {  	[sflag:s19] =	ssyncset.done $0x0  }
0xfb: {  	s6 =	simm.s32 $0x170;
	[sflag:s19] =	ssyncadd.s32 $0xFFFFC000  }
0xfc: {  	s7 =	simm.s32 $0x10040;
	v1 =	vld [tilespmem:s6+$0x0]  }
0xfd: {  	v2 =	vld [tilespmem:s7+$0x30]  }
0xfe: {  	v0 =	vld [tilespmem:s7+$0xFFFFFFC0]  }
0xff: {  	v3 =	vld [tilespmem:s6+$0xFFFFFFA0]  }
0x100: {  	v4 =	vld [tilespmem:s7+$0xFFFFFFD0]  }
0x101: {  	v5 =	vld [tilespmem:s6+$0xFFFFFFB0]  }
0x102: {  	v6 =	vld [tilespmem:s7+$0xFFFFFFE0]  }
0x103: {  	v7 =	vld [tilespmem:s6+$0xFFFFFFC0]  }
0x104: {  	v8 =	vld [tilespmem:s7+$0xFFFFFFF0]  }
0x105: {  	v9 =	vld [tilespmem:s6+$0xFFFFFFD0]  }
0x106: {  	v10 =	vld [tilespmem:s7+$0x0];
	v2 =	vadd.f32 v2, v1  }
0x107: {  	v4 =	vadd.f32 v4, v3;
	v1 =	vld [tilespmem:s6+$0xFFFFFFE0]  }
0x108: {  	v5 =	vadd.f32 v6, v5;
	v3 =	vld [tilespmem:s7+$0x10];
	[tilespmem:s6+$0x0] =	vst v2  }
0x109: {  	v6 =	vadd.f32 v8, v7;
	[tilespmem:s6+$0xFFFFFFA0] =	vst v4;
	v2 =	vld [tilespmem:s6+$0xFFFFFFF0]  }
0x10a: {  	[tilespmem:s6+$0xFFFFFFB0] =	vst v5;
	v5 =	vld [tilespmem:s7+$0x20]  }
0x10b: {  	s8 =	simm.s32 $0x0;
	s9 =	simm.s32 $0x370;
	v4 =	vld [tilespmem:s6+$0xFFFFFF90];
	[tilespmem:s6+$0xFFFFFFC0] =	vst v6;
	v6 =	vadd.f32 v10, v9  }
.LBB2_22:
0x10c: {  	v7 =	vld [tilespmem:s9+$0x0];
	s7 =	sadd.s32 $0x80, s7  }
0x10d: {  	s8 =	sadd.s32 $0x8, s8;
	v8 =	vld [tilespmem:s7+$0x30];
	[tilespmem:s6+$0xFFFFFFD0] =	vst v6;
	v1 =	vadd.f32 v3, v1  }
0x10e: {  	p0 =	slt.u32 s8, $0x3F8;
	v3 =	vld [tilespmem:s7+$0xFFFFFFC0]  }
0x10f: {  	v6 =	vld [tilespmem:s9+$0xFFFFFFA0];
	[tilespmem:s6+$0xFFFFFFE0] =	vst v1;
	v1 =	vadd.f32 v5, v2  }
0x110: {  	v2 =	vld [tilespmem:s7+$0xFFFFFFD0];
	v9 =	vadd.f32 v0, v4  }
0x111: {  	v4 =	vld [tilespmem:s9+$0xFFFFFFB0];
	[tilespmem:s6+$0xFFFFFFF0] =	vst v1  }
0x112: {  	v1 =	vld [tilespmem:s7+$0xFFFFFFE0];
	v5 =	vadd.f32 v8, v7;
	[tilespmem:s6+$0xFFFFFF90] =	vst v9;
	s6 =	smov.u32 s9  }
0x113: {  	v7 =	vld [tilespmem:s9+$0xFFFFFFC0];
	v0 =	vmov v3  }
0x114: {  	v8 =	vld [tilespmem:s7+$0xFFFFFFF0];
	[tilespmem:s9+$0x0] =	vst v5  }
0x115: {  	v2 =	vadd.f32 v2, v6;
	v6 =	vld [tilespmem:s9+$0xFFFFFFD0]  }
0x116: {  	v9 =	vld [tilespmem:s7+$0x0]  }
.Ltmp10:
0x117: {  	[tilespmem:s9+$0xFFFFFFA0] =	vst v2;
	v2 =	vadd.f32 v1, v4;
	v1 =	vld [tilespmem:s9+$0xFFFFFFE0];
	(pc) =	sbr.rel @p0 .LBB2_22-.Ltmp10, $4  }
0x118: {  	v3 =	vld [tilespmem:s7+$0x10]  }
0x119: {  	[tilespmem:s9+$0xFFFFFFB0] =	vst v2;
	v7 =	vadd.f32 v8, v7;
	v2 =	vld [tilespmem:s9+$0xFFFFFFF0]  }
0x11a: {  	v5 =	vld [tilespmem:s7+$0x20]  }
0x11b: {  	s9 =	sadd.s32 $0x200, s9;
	v4 =	vld [tilespmem:s6+$0xFFFFFF90];
	[tilespmem:s6+$0xFFFFFFC0] =	vst v7;
	v6 =	vadd.f32 v9, v6  }
0x11c: {  	_ =	sdelay $0x1  }
0x11d: {  	v1 =	vadd.f32 v3, v1  }
0x11e: {  	[tilespmem:s6+$0xFFFFFFD0] =	vst v6;
	v2 =	vadd.f32 v5, v2  }
0x11f: {  	[tilespmem:s6+$0xFFFFFFE0] =	vst v1;
	v0 =	vadd.f32 v0, v4  }
0x120: {  	[tilespmem:s6+$0xFFFFFFF0] =	vst v2  }
0x121: {  	[tilespmem:s6+$0xFFFFFF90] =	vst v0  }
0x122: {  	s7 =	simm.s32 $0x100;
	s14 =	rddreg [dreg:$0x9]  }
0x123: {  	s8 =	simm.s32 $0x300;
	s6 =	simm.s32 $0x10;
	s9 =	sadd.s32 $0x0, s14  }
.LBB2_24:
0x124: {  	[hbm4b:s9+s1] =	stream.linear.scatter [tilespmem:s7], [sflag:$0x7], $0x80, $0x38;
	[tilespmem:$0x14000] =	vst v63  }
0x125: {  	s9 =	smov.u32 s6;
	s7 =	smov.u32 s8;
	p0 =	sne.s32 s6, $0x7F0  }
.Ltmp11:
0x126: {  	s6 =	sadd.s32 $0x10, s6;
	(pc) =	sbr.rel @p0 .LBB2_24-.Ltmp11, $2  }
0x127: {  	_ =	sdelay $0x2  }
0x128: {  	s8 =	sadd.s32 $0x200, s8;
	s9 =	sadd.s32 s9, s14  }
0x129: {  	[hbm4b:s9+s1] =	stream.linear.scatter [tilespmem:s7], [sflag:$0x7], $0x80, $0x38;
	[tilespmem:$0x14000] =	vst v63  }
0x12a: {  	s6 =	simm.s32 $0x7  }
0x12b: {  	s7 =	simm.s32 $0x10;
	_ =	swait.ge [sflag:s6], $0x4000  }
0x12c: {  	s8 =	simm.s32 $0x300;
	[sflag:s6] =	ssyncset.done $0x0;
	s14 =	rddreg [dreg:$0xa]  }
0x12d: {  	[sflag:s6] =	ssyncadd.s32 $0xFFFFC000;
	s6 =	simm.s32 $0x100;
	s9 =	sadd.s32 $0x0, s14  }
.LBB2_26:
0x12e: {  	[tilespmem:s6], [sflag:$0x3] =	stream.linear.gather [hbm4b:s9+s1], $0x80, $0x38;
	[tilespmem:$0x14000] =	vst v63  }
0x12f: {  	s9 =	smov.u32 s7;
	s6 =	smov.u32 s8;
	p0 =	sne.s32 s7, $0x7F0  }
.Ltmp12:
0x130: {  	s7 =	sadd.s32 $0x10, s7;
	(pc) =	sbr.rel @p0 .LBB2_26-.Ltmp12, $2  }
0x131: {  	_ =	sdelay $0x2  }
0x132: {  	s8 =	sadd.s32 $0x200, s8;
	s9 =	sadd.s32 s9, s14  }
0x133: {  	[tilespmem:s6], [sflag:$0x3] =	stream.linear.gather [hbm4b:s9+s1], $0x80, $0x38;
	[tilespmem:$0x14000] =	vst v63  }
0x134: {  	s19 =	simm.s32 $0x4  }
0x135: {  	_ =	swait.ge [sflag:s19], $0x4000  }
0x136: {  	[sflag:s19] =	ssyncset.done $0x0  }
0x137: {  	s6 =	simm.s32 $0x1F0;
	[sflag:s19] =	ssyncadd.s32 $0xFFFFC000  }
0x138: {  	s7 =	simm.s32 $0x10040;
	v1 =	vld [tilespmem:s6+$0x0]  }
0x139: {  	v2 =	vld [tilespmem:s7+$0x30]  }
0x13a: {  	v0 =	vld [tilespmem:s7+$0xFFFFFFC0]  }
0x13b: {  	v3 =	vld [tilespmem:s6+$0xFFFFFFA0]  }
0x13c: {  	v4 =	vld [tilespmem:s7+$0xFFFFFFD0]  }
0x13d: {  	v5 =	vld [tilespmem:s6+$0xFFFFFFB0]  }
0x13e: {  	v6 =	vld [tilespmem:s7+$0xFFFFFFE0]  }
0x13f: {  	v7 =	vld [tilespmem:s6+$0xFFFFFFC0]  }
0x140: {  	v8 =	vld [tilespmem:s7+$0xFFFFFFF0]  }
0x141: {  	v9 =	vld [tilespmem:s6+$0xFFFFFFD0]  }
0x142: {  	v10 =	vld [tilespmem:s7+$0x0];
	v2 =	vadd.f32 v2, v1  }
0x143: {  	v4 =	vadd.f32 v4, v3;
	v1 =	vld [tilespmem:s6+$0xFFFFFFE0]  }
0x144: {  	v5 =	vadd.f32 v6, v5;
	v3 =	vld [tilespmem:s7+$0x10];
	[tilespmem:s6+$0x0] =	vst v2  }
0x145: {  	v6 =	vadd.f32 v8, v7;
	[tilespmem:s6+$0xFFFFFFA0] =	vst v4;
	v2 =	vld [tilespmem:s6+$0xFFFFFFF0]  }
0x146: {  	[tilespmem:s6+$0xFFFFFFB0] =	vst v5;
	v5 =	vld [tilespmem:s7+$0x20]  }
0x147: {  	s8 =	simm.s32 $0x0;
	s9 =	simm.s32 $0x3F0;
	v4 =	vld [tilespmem:s6+$0xFFFFFF90];
	[tilespmem:s6+$0xFFFFFFC0] =	vst v6;
	v6 =	vadd.f32 v10, v9  }
.LBB2_28:
0x148: {  	v7 =	vld [tilespmem:s9+$0x0];
	s7 =	sadd.s32 $0x80, s7  }
0x149: {  	s8 =	sadd.s32 $0x8, s8;
	v8 =	vld [tilespmem:s7+$0x30];
	[tilespmem:s6+$0xFFFFFFD0] =	vst v6;
	v1 =	vadd.f32 v3, v1  }
0x14a: {  	p0 =	slt.u32 s8, $0x3F8;
	v3 =	vld [tilespmem:s7+$0xFFFFFFC0]  }
0x14b: {  	v6 =	vld [tilespmem:s9+$0xFFFFFFA0];
	[tilespmem:s6+$0xFFFFFFE0] =	vst v1;
	v1 =	vadd.f32 v5, v2  }
0x14c: {  	v2 =	vld [tilespmem:s7+$0xFFFFFFD0];
	v9 =	vadd.f32 v0, v4  }
0x14d: {  	v4 =	vld [tilespmem:s9+$0xFFFFFFB0];
	[tilespmem:s6+$0xFFFFFFF0] =	vst v1  }
0x14e: {  	v1 =	vld [tilespmem:s7+$0xFFFFFFE0];
	v5 =	vadd.f32 v8, v7;
	[tilespmem:s6+$0xFFFFFF90] =	vst v9;
	s6 =	smov.u32 s9  }
0x14f: {  	v7 =	vld [tilespmem:s9+$0xFFFFFFC0];
	v0 =	vmov v3  }
0x150: {  	v8 =	vld [tilespmem:s7+$0xFFFFFFF0];
	[tilespmem:s9+$0x0] =	vst v5  }
0x151: {  	v2 =	vadd.f32 v2, v6;
	v6 =	vld [tilespmem:s9+$0xFFFFFFD0]  }
0x152: {  	v9 =	vld [tilespmem:s7+$0x0]  }
.Ltmp13:
0x153: {  	[tilespmem:s9+$0xFFFFFFA0] =	vst v2;
	v2 =	vadd.f32 v1, v4;
	v1 =	vld [tilespmem:s9+$0xFFFFFFE0];
	(pc) =	sbr.rel @p0 .LBB2_28-.Ltmp13, $4  }
0x154: {  	v3 =	vld [tilespmem:s7+$0x10]  }
0x155: {  	[tilespmem:s9+$0xFFFFFFB0] =	vst v2;
	v7 =	vadd.f32 v8, v7;
	v2 =	vld [tilespmem:s9+$0xFFFFFFF0]  }
0x156: {  	v5 =	vld [tilespmem:s7+$0x20]  }
0x157: {  	s9 =	sadd.s32 $0x200, s9;
	v4 =	vld [tilespmem:s6+$0xFFFFFF90];
	[tilespmem:s6+$0xFFFFFFC0] =	vst v7;
	v6 =	vadd.f32 v9, v6  }
0x158: {  	_ =	sdelay $0x1  }
0x159: {  	v1 =	vadd.f32 v3, v1  }
0x15a: {  	[tilespmem:s6+$0xFFFFFFD0] =	vst v6;
	v2 =	vadd.f32 v5, v2  }
0x15b: {  	[tilespmem:s6+$0xFFFFFFE0] =	vst v1;
	v0 =	vadd.f32 v0, v4  }
0x15c: {  	[tilespmem:s6+$0xFFFFFFF0] =	vst v2  }
0x15d: {  	[tilespmem:s6+$0xFFFFFF90] =	vst v0  }
0x15e: {  	s7 =	simm.s32 $0x180;
	s15 =	rddreg [dreg:$0xb]  }
0x15f: {  	s8 =	simm.s32 $0x380;
	s6 =	simm.s32 $0x10;
	s9 =	sadd.s32 $0x0, s15  }
.LBB2_30:
0x160: {  	[hbm4b:s9+s1] =	stream.linear.scatter [tilespmem:s7], [sflag:$0x8], $0x80, $0x38;
	[tilespmem:$0x14000] =	vst v63  }
0x161: {  	s9 =	smov.u32 s6;
	s7 =	smov.u32 s8;
	p0 =	sne.s32 s6, $0x7F0  }
.Ltmp14:
0x162: {  	s6 =	sadd.s32 $0x10, s6;
	(pc) =	sbr.rel @p0 .LBB2_30-.Ltmp14, $2  }
0x163: {  	_ =	sdelay $0x2  }
0x164: {  	s8 =	sadd.s32 $0x200, s8;
	s9 =	sadd.s32 s9, s15  }
0x165: {  	[hbm4b:s9+s1] =	stream.linear.scatter [tilespmem:s7], [sflag:$0x8], $0x80, $0x38;
	[tilespmem:$0x14000] =	vst v63  }
0x166: {  	s6 =	simm.s32 $0x8  }
0x167: {  	s7 =	simm.s32 $0x10;
	_ =	swait.ge [sflag:s6], $0x4000  }
0x168: {  	s8 =	simm.s32 $0x380;
	[sflag:s6] =	ssyncset.done $0x0;
	s15 =	rddreg [dreg:$0xc]  }
0x169: {  	[sflag:s6] =	ssyncadd.s32 $0xFFFFC000;
	s6 =	simm.s32 $0x180;
	s9 =	sadd.s32 $0x0, s15  }
.LBB2_32:
0x16a: {  	[tilespmem:s6], [sflag:$0x4] =	stream.linear.gather [hbm4b:s9+s1], $0x80, $0x38;
	[tilespmem:$0x14000] =	vst v63  }
0x16b: {  	s9 =	smov.u32 s7;
	s6 =	smov.u32 s8;
	p0 =	sne.s32 s7, $0x7F0  }
.Ltmp15:
0x16c: {  	s7 =	sadd.s32 $0x10, s7;
	(pc) =	sbr.rel @p0 .LBB2_32-.Ltmp15, $2  }
0x16d: {  	_ =	sdelay $0x2  }
0x16e: {  	s8 =	sadd.s32 $0x200, s8;
	s9 =	sadd.s32 s9, s15  }
0x16f: {  	[tilespmem:s6], [sflag:$0x4] =	stream.linear.gather [hbm4b:s9+s1], $0x80, $0x38;
	[tilespmem:$0x14000] =	vst v63  }
0x170: {  	s16 =	rddreg [dreg:$0xd];
	s7 =	simm.s32 $0x10000;
	s17 =	simm.s32 $0x9  }
0x171: {  	[tilespmem:s7], [sflag:$0x9] =	stream.linear.gather [hbm4b:s16+s1], $0x4000, $0x38;
	[tilespmem:$0x14000] =	vst v63  }
0x172: {  	_ =	swait.ge [sflag:s17], $0x4000  }
0x173: {  	[sflag:s17] =	ssyncset.done $0x0  }
0x174: {  	s19 =	simm.s32 $0x1;
	[sflag:s17] =	ssyncadd.s32 $0xFFFFC000  }
0x175: {  	_ =	swait.ge [sflag:s19], $0x4000  }
0x176: {  	[sflag:s19] =	ssyncset.done $0x0  }
0x177: {  	s6 =	simm.s32 $0x40;
	[sflag:s19] =	ssyncadd.s32 $0xFFFFC000  }
0x178: {  	s7 =	simm.s32 $0x10040;
	v1 =	vld [tilespmem:s6+$0x30]  }
0x179: {  	v2 =	vld [tilespmem:s7+$0x30]  }
0x17a: {  	v0 =	vld [tilespmem:s7+$0xFFFFFFC0]  }
0x17b: {  	v3 =	vld [tilespmem:s6+$0xFFFFFFD0]  }
0x17c: {  	v4 =	vld [tilespmem:s7+$0xFFFFFFD0]  }
0x17d: {  	v5 =	vld [tilespmem:s6+$0xFFFFFFE0]  }
0x17e: {  	v6 =	vld [tilespmem:s7+$0xFFFFFFE0]  }
0x17f: {  	v7 =	vld [tilespmem:s6+$0xFFFFFFF0]  }
0x180: {  	v8 =	vld [tilespmem:s7+$0xFFFFFFF0]  }
0x181: {  	v9 =	vld [tilespmem:s6+$0x0]  }
0x182: {  	v10 =	vld [tilespmem:s7+$0x0];
	v2 =	vadd.f32 v2, v1  }
0x183: {  	v4 =	vadd.f32 v4, v3;
	v1 =	vld [tilespmem:s6+$0x10]  }
0x184: {  	v5 =	vadd.f32 v6, v5;
	v3 =	vld [tilespmem:s7+$0x10];
	[tilespmem:s6+$0x30] =	vst v2  }
0x185: {  	v6 =	vadd.f32 v8, v7;
	[tilespmem:s6+$0xFFFFFFD0] =	vst v4;
	v2 =	vld [tilespmem:s6+$0x20]  }
0x186: {  	[tilespmem:s6+$0xFFFFFFE0] =	vst v5;
	v5 =	vld [tilespmem:s7+$0x20]  }
0x187: {  	s8 =	simm.s32 $0x0;
	s9 =	simm.s32 $0x240;
	v4 =	vld [tilespmem:s6+$0xFFFFFFC0];
	[tilespmem:s6+$0xFFFFFFF0] =	vst v6;
	v6 =	vadd.f32 v10, v9  }
.LBB2_34:
0x188: {  	v7 =	vld [tilespmem:s9+$0x30];
	s7 =	sadd.s32 $0x80, s7  }
0x189: {  	s8 =	sadd.s32 $0x8, s8;
	v8 =	vld [tilespmem:s7+$0x30];
	[tilespmem:s6+$0x0] =	vst v6;
	v1 =	vadd.f32 v3, v1  }
0x18a: {  	p0 =	slt.u32 s8, $0x3F8;
	v3 =	vld [tilespmem:s7+$0xFFFFFFC0]  }
0x18b: {  	v6 =	vld [tilespmem:s9+$0xFFFFFFD0];
	[tilespmem:s6+$0x10] =	vst v1;
	v1 =	vadd.f32 v5, v2  }
0x18c: {  	v2 =	vld [tilespmem:s7+$0xFFFFFFD0];
	v9 =	vadd.f32 v0, v4  }
0x18d: {  	v4 =	vld [tilespmem:s9+$0xFFFFFFE0];
	[tilespmem:s6+$0x20] =	vst v1  }
0x18e: {  	v1 =	vld [tilespmem:s7+$0xFFFFFFE0];
	v5 =	vadd.f32 v8, v7;
	[tilespmem:s6+$0xFFFFFFC0] =	vst v9;
	s6 =	smov.u32 s9  }
0x18f: {  	v7 =	vld [tilespmem:s9+$0xFFFFFFF0];
	v0 =	vmov v3  }
0x190: {  	v8 =	vld [tilespmem:s7+$0xFFFFFFF0];
	[tilespmem:s9+$0x30] =	vst v5  }
0x191: {  	v2 =	vadd.f32 v2, v6;
	v6 =	vld [tilespmem:s9+$0x0]  }
0x192: {  	v9 =	vld [tilespmem:s7+$0x0]  }
.Ltmp16:
0x193: {  	[tilespmem:s9+$0xFFFFFFD0] =	vst v2;
	v2 =	vadd.f32 v1, v4;
	v1 =	vld [tilespmem:s9+$0x10];
	(pc) =	sbr.rel @p0 .LBB2_34-.Ltmp16, $4  }
0x194: {  	v3 =	vld [tilespmem:s7+$0x10]  }
0x195: {  	[tilespmem:s9+$0xFFFFFFE0] =	vst v2;
	v7 =	vadd.f32 v8, v7;
	v2 =	vld [tilespmem:s9+$0x20]  }
0x196: {  	v5 =	vld [tilespmem:s7+$0x20]  }
0x197: {  	s9 =	sadd.s32 $0x200, s9;
	v4 =	vld [tilespmem:s6+$0xFFFFFFC0];
	[tilespmem:s6+$0xFFFFFFF0] =	vst v7;
	v6 =	vadd.f32 v9, v6  }
0x198: {  	_ =	sdelay $0x1  }
0x199: {  	v1 =	vadd.f32 v3, v1  }
0x19a: {  	[tilespmem:s6+$0x0] =	vst v6;
	v2 =	vadd.f32 v5, v2  }
0x19b: {  	[tilespmem:s6+$0x10] =	vst v1;
	v0 =	vadd.f32 v0, v4  }
0x19c: {  	[tilespmem:s6+$0x20] =	vst v2  }
0x19d: {  	[tilespmem:s6+$0xFFFFFFC0] =	vst v0  }
0x19e: {  	s7 =	simm.s32 $0x0;
	s16 =	rddreg [dreg:$0xe]  }
0x19f: {  	s8 =	simm.s32 $0x200;
	s6 =	simm.s32 $0x10;
	s9 =	sadd.s32 $0x0, s16  }
.LBB2_36:
0x1a0: {  	[hbm4b:s9+s1] =	stream.linear.scatter [tilespmem:s7], [sflag:$0x5], $0x80, $0x38;
	[tilespmem:$0x14000] =	vst v63  }
0x1a1: {  	s9 =	smov.u32 s6;
	s7 =	smov.u32 s8;
	p0 =	sne.s32 s6, $0x7F0  }
.Ltmp17:
0x1a2: {  	s6 =	sadd.s32 $0x10, s6;
	(pc) =	sbr.rel @p0 .LBB2_36-.Ltmp17, $2  }
0x1a3: {  	_ =	sdelay $0x2  }
0x1a4: {  	s8 =	sadd.s32 $0x200, s8;
	s9 =	sadd.s32 s9, s16  }
0x1a5: {  	[hbm4b:s9+s1] =	stream.linear.scatter [tilespmem:s7], [sflag:$0x5], $0x80, $0x38;
	[tilespmem:$0x14000] =	vst v63  }
0x1a6: {  	s6 =	simm.s32 $0x5  }
0x1a7: {  	s7 =	simm.s32 $0x10;
	_ =	swait.ge [sflag:s6], $0x4000  }
0x1a8: {  	s8 =	simm.s32 $0x200;
	[sflag:s6] =	ssyncset.done $0x0;
	s16 =	rddreg [dreg:$0xf]  }
0x1a9: {  	[sflag:s6] =	ssyncadd.s32 $0xFFFFC000;
	s6 =	simm.s32 $0x0;
	s9 =	sadd.s32 $0x0, s16  }
.LBB2_38:
0x1aa: {  	[tilespmem:s6], [sflag:$0x1] =	stream.linear.gather [hbm4b:s9+s1], $0x80, $0x38;
	[tilespmem:$0x14000] =	vst v63  }
0x1ab: {  	s9 =	smov.u32 s7;
	s6 =	smov.u32 s8;
	p0 =	sne.s32 s7, $0x7F0  }
.Ltmp18:
0x1ac: {  	s7 =	sadd.s32 $0x10, s7;
	(pc) =	sbr.rel @p0 .LBB2_38-.Ltmp18, $2  }
0x1ad: {  	_ =	sdelay $0x2  }
0x1ae: {  	s8 =	sadd.s32 $0x200, s8;
	s9 =	sadd.s32 s9, s16  }
0x1af: {  	[tilespmem:s6], [sflag:$0x1] =	stream.linear.gather [hbm4b:s9+s1], $0x80, $0x38;
	[tilespmem:$0x14000] =	vst v63  }
0x1b0: {  	s19 =	simm.s32 $0x2  }
0x1b1: {  	_ =	swait.ge [sflag:s19], $0x4000  }
0x1b2: {  	[sflag:s19] =	ssyncset.done $0x0  }
0x1b3: {  	s6 =	simm.s32 $0xF0;
	[sflag:s19] =	ssyncadd.s32 $0xFFFFC000  }
0x1b4: {  	s7 =	simm.s32 $0x10040;
	v1 =	vld [tilespmem:s6+$0x0]  }
0x1b5: {  	v2 =	vld [tilespmem:s7+$0x30]  }
0x1b6: {  	v0 =	vld [tilespmem:s7+$0xFFFFFFC0]  }
0x1b7: {  	v3 =	vld [tilespmem:s6+$0xFFFFFFA0]  }
0x1b8: {  	v4 =	vld [tilespmem:s7+$0xFFFFFFD0]  }
0x1b9: {  	v5 =	vld [tilespmem:s6+$0xFFFFFFB0]  }
0x1ba: {  	v6 =	vld [tilespmem:s7+$0xFFFFFFE0]  }
0x1bb: {  	v7 =	vld [tilespmem:s6+$0xFFFFFFC0]  }
0x1bc: {  	v8 =	vld [tilespmem:s7+$0xFFFFFFF0]  }
0x1bd: {  	v9 =	vld [tilespmem:s6+$0xFFFFFFD0]  }
0x1be: {  	v10 =	vld [tilespmem:s7+$0x0];
	v2 =	vadd.f32 v2, v1  }
0x1bf: {  	v4 =	vadd.f32 v4, v3;
	v1 =	vld [tilespmem:s6+$0xFFFFFFE0]  }
0x1c0: {  	v5 =	vadd.f32 v6, v5;
	v3 =	vld [tilespmem:s7+$0x10];
	[tilespmem:s6+$0x0] =	vst v2  }
0x1c1: {  	v6 =	vadd.f32 v8, v7;
	[tilespmem:s6+$0xFFFFFFA0] =	vst v4;
	v2 =	vld [tilespmem:s6+$0xFFFFFFF0]  }
0x1c2: {  	[tilespmem:s6+$0xFFFFFFB0] =	vst v5;
	v5 =	vld [tilespmem:s7+$0x20]  }
0x1c3: {  	s8 =	simm.s32 $0x0;
	s9 =	simm.s32 $0x2F0;
	v4 =	vld [tilespmem:s6+$0xFFFFFF90];
	[tilespmem:s6+$0xFFFFFFC0] =	vst v6;
	v6 =	vadd.f32 v10, v9  }
.LBB2_40:
0x1c4: {  	v7 =	vld [tilespmem:s9+$0x0];
	s7 =	sadd.s32 $0x80, s7  }
0x1c5: {  	s8 =	sadd.s32 $0x8, s8;
	v8 =	vld [tilespmem:s7+$0x30];
	[tilespmem:s6+$0xFFFFFFD0] =	vst v6;
	v1 =	vadd.f32 v3, v1  }
0x1c6: {  	p0 =	slt.u32 s8, $0x3F8;
	v3 =	vld [tilespmem:s7+$0xFFFFFFC0]  }
0x1c7: {  	v6 =	vld [tilespmem:s9+$0xFFFFFFA0];
	[tilespmem:s6+$0xFFFFFFE0] =	vst v1;
	v1 =	vadd.f32 v5, v2  }
0x1c8: {  	v2 =	vld [tilespmem:s7+$0xFFFFFFD0];
	v9 =	vadd.f32 v0, v4  }
0x1c9: {  	v4 =	vld [tilespmem:s9+$0xFFFFFFB0];
	[tilespmem:s6+$0xFFFFFFF0] =	vst v1  }
0x1ca: {  	v1 =	vld [tilespmem:s7+$0xFFFFFFE0];
	v5 =	vadd.f32 v8, v7;
	[tilespmem:s6+$0xFFFFFF90] =	vst v9;
	s6 =	smov.u32 s9  }
0x1cb: {  	v7 =	vld [tilespmem:s9+$0xFFFFFFC0];
	v0 =	vmov v3  }
0x1cc: {  	v8 =	vld [tilespmem:s7+$0xFFFFFFF0];
	[tilespmem:s9+$0x0] =	vst v5  }
0x1cd: {  	v2 =	vadd.f32 v2, v6;
	v6 =	vld [tilespmem:s9+$0xFFFFFFD0]  }
0x1ce: {  	v9 =	vld [tilespmem:s7+$0x0]  }
.Ltmp19:
0x1cf: {  	[tilespmem:s9+$0xFFFFFFA0] =	vst v2;
	v2 =	vadd.f32 v1, v4;
	v1 =	vld [tilespmem:s9+$0xFFFFFFE0];
	(pc) =	sbr.rel @p0 .LBB2_40-.Ltmp19, $4  }
0x1d0: {  	v3 =	vld [tilespmem:s7+$0x10]  }
0x1d1: {  	[tilespmem:s9+$0xFFFFFFB0] =	vst v2;
	v7 =	vadd.f32 v8, v7;
	v2 =	vld [tilespmem:s9+$0xFFFFFFF0]  }
0x1d2: {  	v5 =	vld [tilespmem:s7+$0x20]  }
0x1d3: {  	s9 =	sadd.s32 $0x200, s9;
	v4 =	vld [tilespmem:s6+$0xFFFFFF90];
	[tilespmem:s6+$0xFFFFFFC0] =	vst v7;
	v6 =	vadd.f32 v9, v6  }
0x1d4: {  	_ =	sdelay $0x1  }
0x1d5: {  	v1 =	vadd.f32 v3, v1  }
0x1d6: {  	[tilespmem:s6+$0xFFFFFFD0] =	vst v6;
	v2 =	vadd.f32 v5, v2  }
0x1d7: {  	[tilespmem:s6+$0xFFFFFFE0] =	vst v1;
	v0 =	vadd.f32 v0, v4  }
0x1d8: {  	[tilespmem:s6+$0xFFFFFFF0] =	vst v2  }
0x1d9: {  	[tilespmem:s6+$0xFFFFFF90] =	vst v0  }
0x1da: {  	s7 =	simm.s32 $0x80;
	s17 =	rddreg [dreg:$0x10]  }
0x1db: {  	s8 =	simm.s32 $0x280;
	s6 =	simm.s32 $0x10;
	s9 =	sadd.s32 $0x0, s17  }
.LBB2_42:
0x1dc: {  	[hbm4b:s9+s1] =	stream.linear.scatter [tilespmem:s7], [sflag:$0x6], $0x80, $0x38;
	[tilespmem:$0x14000] =	vst v63  }
0x1dd: {  	s9 =	smov.u32 s6;
	s7 =	smov.u32 s8;
	p0 =	sne.s32 s6, $0x7F0  }
.Ltmp20:
0x1de: {  	s6 =	sadd.s32 $0x10, s6;
	(pc) =	sbr.rel @p0 .LBB2_42-.Ltmp20, $2  }
0x1df: {  	_ =	sdelay $0x2  }
0x1e0: {  	s8 =	sadd.s32 $0x200, s8;
	s9 =	sadd.s32 s9, s17  }
0x1e1: {  	[hbm4b:s9+s1] =	stream.linear.scatter [tilespmem:s7], [sflag:$0x6], $0x80, $0x38;
	[tilespmem:$0x14000] =	vst v63  }
0x1e2: {  	s6 =	simm.s32 $0x6  }
0x1e3: {  	s7 =	simm.s32 $0x10;
	_ =	swait.ge [sflag:s6], $0x4000  }
0x1e4: {  	s8 =	simm.s32 $0x280;
	[sflag:s6] =	ssyncset.done $0x0;
	s17 =	rddreg [dreg:$0x15]  }
0x1e5: {  	[sflag:s6] =	ssyncadd.s32 $0xFFFFC000;
	s6 =	simm.s32 $0x80;
	s9 =	sadd.s32 $0x0, s17  }
.LBB2_44:
0x1e6: {  	[tilespmem:s6], [sflag:$0x2] =	stream.linear.gather [hbm4b:s9+s1], $0x80, $0x38;
	[tilespmem:$0x14000] =	vst v63  }
0x1e7: {  	s9 =	smov.u32 s7;
	s6 =	smov.u32 s8;
	p0 =	sne.s32 s7, $0x7F0  }
.Ltmp21:
0x1e8: {  	s7 =	sadd.s32 $0x10, s7;
	(pc) =	sbr.rel @p0 .LBB2_44-.Ltmp21, $2  }
0x1e9: {  	_ =	sdelay $0x2  }
0x1ea: {  	s8 =	sadd.s32 $0x200, s8;
	s9 =	sadd.s32 s9, s17  }
0x1eb: {  	[tilespmem:s6], [sflag:$0x2] =	stream.linear.gather [hbm4b:s9+s1], $0x80, $0x38;
	[tilespmem:$0x14000] =	vst v63  }
0x1ec: {  	s19 =	simm.s32 $0x3  }
0x1ed: {  	_ =	swait.ge [sflag:s19], $0x4000  }
0x1ee: {  	[sflag:s19] =	ssyncset.done $0x0  }
0x1ef: {  	s6 =	simm.s32 $0x170;
	[sflag:s19] =	ssyncadd.s32 $0xFFFFC000  }
0x1f0: {  	s7 =	simm.s32 $0x10040;
	v1 =	vld [tilespmem:s6+$0x0]  }
0x1f1: {  	v2 =	vld [tilespmem:s7+$0x30]  }
0x1f2: {  	v3 =	vld [tilespmem:s6+$0xFFFFFFA0]  }
0x1f3: {  	v4 =	vld [tilespmem:s7+$0xFFFFFFD0]  }
0x1f4: {  	v5 =	vld [tilespmem:s6+$0xFFFFFFB0]  }
0x1f5: {  	v6 =	vld [tilespmem:s7+$0xFFFFFFE0]  }
0x1f6: {  	v7 =	vld [tilespmem:s6+$0xFFFFFFC0]  }
0x1f7: {  	v8 =	vld [tilespmem:s7+$0xFFFFFFF0]  }
0x1f8: {  	v0 =	vld [tilespmem:s7+$0xFFFFFFC0]  }
0x1f9: {  	v9 =	vld [tilespmem:s6+$0xFFFFFFD0];
	v2 =	vadd.f32 v2, v1  }
0x1fa: {  	v10 =	vld [tilespmem:s7+$0x0];
	v4 =	vadd.f32 v4, v3  }
0x1fb: {  	v1 =	vld [tilespmem:s6+$0xFFFFFFE0];
	v5 =	vadd.f32 v6, v5;
	[tilespmem:s6+$0x0] =	vst v2  }
0x1fc: {  	v3 =	vld [tilespmem:s7+$0x10];
	v6 =	vadd.f32 v8, v7;
	[tilespmem:s6+$0xFFFFFFA0] =	vst v4  }
0x1fd: {  	v2 =	vld [tilespmem:s6+$0xFFFFFFF0];
	[tilespmem:s6+$0xFFFFFFB0] =	vst v5  }
0x1fe: {  	v5 =	vld [tilespmem:s7+$0x20];
	[tilespmem:s6+$0xFFFFFFC0] =	vst v6  }
0x1ff: {  	s8 =	simm.s32 $0x0;
	s9 =	simm.s32 $0x370;
	v4 =	vld [tilespmem:s6+$0xFFFFFF90];
	v6 =	vadd.f32 v10, v9;
	s17 =	rddreg [dreg:$0x11]  }
.LBB2_46:
0x200: {  	v7 =	vld [tilespmem:s9+$0x0];
	s7 =	sadd.s32 $0x80, s7  }
0x201: {  	s8 =	sadd.s32 $0x8, s8;
	v8 =	vld [tilespmem:s7+$0x30];
	[tilespmem:s6+$0xFFFFFFD0] =	vst v6;
	v1 =	vadd.f32 v3, v1  }
0x202: {  	p0 =	slt.u32 s8, $0x3F8;
	v3 =	vld [tilespmem:s7+$0xFFFFFFC0]  }
0x203: {  	v6 =	vld [tilespmem:s9+$0xFFFFFFA0];
	[tilespmem:s6+$0xFFFFFFE0] =	vst v1;
	v1 =	vadd.f32 v5, v2  }
0x204: {  	v2 =	vld [tilespmem:s7+$0xFFFFFFD0];
	v9 =	vadd.f32 v0, v4  }
0x205: {  	v4 =	vld [tilespmem:s9+$0xFFFFFFB0];
	[tilespmem:s6+$0xFFFFFFF0] =	vst v1  }
0x206: {  	v1 =	vld [tilespmem:s7+$0xFFFFFFE0];
	v5 =	vadd.f32 v8, v7;
	[tilespmem:s6+$0xFFFFFF90] =	vst v9;
	s6 =	smov.u32 s9  }
0x207: {  	v7 =	vld [tilespmem:s9+$0xFFFFFFC0];
	v0 =	vmov v3  }
0x208: {  	v8 =	vld [tilespmem:s7+$0xFFFFFFF0];
	[tilespmem:s9+$0x0] =	vst v5  }
0x209: {  	v2 =	vadd.f32 v2, v6;
	v6 =	vld [tilespmem:s9+$0xFFFFFFD0]  }
0x20a: {  	v9 =	vld [tilespmem:s7+$0x0]  }
.Ltmp22:
0x20b: {  	[tilespmem:s9+$0xFFFFFFA0] =	vst v2;
	v2 =	vadd.f32 v1, v4;
	v1 =	vld [tilespmem:s9+$0xFFFFFFE0];
	(pc) =	sbr.rel @p0 .LBB2_46-.Ltmp22, $4  }
0x20c: {  	v3 =	vld [tilespmem:s7+$0x10]  }
0x20d: {  	[tilespmem:s9+$0xFFFFFFB0] =	vst v2;
	v7 =	vadd.f32 v8, v7;
	v2 =	vld [tilespmem:s9+$0xFFFFFFF0]  }
0x20e: {  	v5 =	vld [tilespmem:s7+$0x20]  }
0x20f: {  	s9 =	sadd.s32 $0x200, s9;
	v4 =	vld [tilespmem:s6+$0xFFFFFF90];
	[tilespmem:s6+$0xFFFFFFC0] =	vst v7;
	v6 =	vadd.f32 v9, v6  }
0x210: {  	_ =	sdelay $0x1  }
0x211: {  	v1 =	vadd.f32 v3, v1  }
0x212: {  	[tilespmem:s6+$0xFFFFFFD0] =	vst v6;
	v2 =	vadd.f32 v5, v2  }
0x213: {  	[tilespmem:s6+$0xFFFFFFE0] =	vst v1;
	v0 =	vadd.f32 v0, v4  }
0x214: {  	s7 =	simm.s32 $0x100;
	[tilespmem:s6+$0xFFFFFFF0] =	vst v2  }
0x215: {  	s9 =	sadd.s32 $0x0, s17;
	s8 =	simm.s32 $0x300;
	[tilespmem:s6+$0xFFFFFF90] =	vst v0;
	s6 =	simm.s32 $0x10  }
.LBB2_48:
0x216: {  	[hbm4b:s9+s1] =	stream.linear.scatter [tilespmem:s7], [sflag:$0x7], $0x80, $0x38;
	[tilespmem:$0x14000] =	vst v63  }
0x217: {  	s9 =	smov.u32 s6;
	s7 =	smov.u32 s8;
	p0 =	sne.s32 s6, $0x7F0  }
.Ltmp23:
0x218: {  	s6 =	sadd.s32 $0x10, s6;
	(pc) =	sbr.rel @p0 .LBB2_48-.Ltmp23, $2  }
0x219: {  	_ =	sdelay $0x2  }
0x21a: {  	s8 =	sadd.s32 $0x200, s8;
	s9 =	sadd.s32 s9, s17  }
0x21b: {  	[hbm4b:s9+s1] =	stream.linear.scatter [tilespmem:s7], [sflag:$0x7], $0x80, $0x38;
	[tilespmem:$0x14000] =	vst v63  }
0x21c: {  	s6 =	simm.s32 $0x7  }
0x21d: {  	_ =	swait.ge [sflag:s6], $0x4000  }
0x21e: {  	s7 =	simm.s32 $0x10;
	s9 =	sadd.s32 $0x0, s20;
	[sflag:s6] =	ssyncset.done $0x0  }
0x21f: {  	s8 =	simm.s32 $0x300;
	[sflag:s6] =	ssyncadd.s32 $0xFFFFC000;
	s6 =	simm.s32 $0x100  }
.LBB2_50:
0x220: {  	[tilespmem:s6], [sflag:$0x3] =	stream.linear.gather [hbm4b:s9+s1], $0x80, $0x38;
	[tilespmem:$0x14000] =	vst v63  }
0x221: {  	s9 =	smov.u32 s7;
	s6 =	smov.u32 s8;
	p0 =	sne.s32 s7, $0x7F0  }
.Ltmp24:
0x222: {  	s7 =	sadd.s32 $0x10, s7;
	(pc) =	sbr.rel @p0 .LBB2_50-.Ltmp24, $2  }
0x223: {  	_ =	sdelay $0x2  }
0x224: {  	s8 =	sadd.s32 $0x200, s8;
	s9 =	sadd.s32 s9, s20  }
0x225: {  	[tilespmem:s6], [sflag:$0x3] =	stream.linear.gather [hbm4b:s9+s1], $0x80, $0x38;
	[tilespmem:$0x14000] =	vst v63  }
0x226: {  	s20 =	simm.s32 $0x4  }
0x227: {  	_ =	swait.ge [sflag:s20], $0x4000  }
0x228: {  	[sflag:s20] =	ssyncset.done $0x0  }
0x229: {  	s6 =	simm.s32 $0x1F0;
	[sflag:s20] =	ssyncadd.s32 $0xFFFFC000  }
0x22a: {  	s7 =	simm.s32 $0x10040;
	v1 =	vld [tilespmem:s6+$0x0]  }
0x22b: {  	v2 =	vld [tilespmem:s7+$0x30]  }
0x22c: {  	v0 =	vld [tilespmem:s7+$0xFFFFFFC0]  }
0x22d: {  	v3 =	vld [tilespmem:s6+$0xFFFFFFA0]  }
0x22e: {  	v4 =	vld [tilespmem:s7+$0xFFFFFFD0]  }
0x22f: {  	v5 =	vld [tilespmem:s6+$0xFFFFFFB0]  }
0x230: {  	v6 =	vld [tilespmem:s7+$0xFFFFFFE0]  }
0x231: {  	v7 =	vld [tilespmem:s6+$0xFFFFFFC0]  }
0x232: {  	v8 =	vld [tilespmem:s7+$0xFFFFFFF0]  }
0x233: {  	v9 =	vld [tilespmem:s6+$0xFFFFFFD0]  }
0x234: {  	v10 =	vld [tilespmem:s7+$0x0];
	v2 =	vadd.f32 v2, v1  }
0x235: {  	v4 =	vadd.f32 v4, v3;
	v1 =	vld [tilespmem:s6+$0xFFFFFFE0]  }
0x236: {  	v5 =	vadd.f32 v6, v5;
	v3 =	vld [tilespmem:s7+$0x10];
	[tilespmem:s6+$0x0] =	vst v2  }
0x237: {  	v6 =	vadd.f32 v8, v7;
	[tilespmem:s6+$0xFFFFFFA0] =	vst v4;
	v2 =	vld [tilespmem:s6+$0xFFFFFFF0]  }
0x238: {  	[tilespmem:s6+$0xFFFFFFB0] =	vst v5;
	v5 =	vld [tilespmem:s7+$0x20]  }
0x239: {  	s8 =	simm.s32 $0x0;
	s9 =	simm.s32 $0x3F0;
	v4 =	vld [tilespmem:s6+$0xFFFFFF90];
	[tilespmem:s6+$0xFFFFFFC0] =	vst v6;
	v6 =	vadd.f32 v10, v9  }
.LBB2_52:
0x23a: {  	v7 =	vld [tilespmem:s9+$0x0];
	s7 =	sadd.s32 $0x80, s7  }
0x23b: {  	s8 =	sadd.s32 $0x8, s8;
	v8 =	vld [tilespmem:s7+$0x30];
	[tilespmem:s6+$0xFFFFFFD0] =	vst v6;
	v1 =	vadd.f32 v3, v1  }
0x23c: {  	p0 =	slt.u32 s8, $0x3F8;
	v3 =	vld [tilespmem:s7+$0xFFFFFFC0]  }
0x23d: {  	v6 =	vld [tilespmem:s9+$0xFFFFFFA0];
	[tilespmem:s6+$0xFFFFFFE0] =	vst v1;
	v1 =	vadd.f32 v5, v2  }
0x23e: {  	v2 =	vld [tilespmem:s7+$0xFFFFFFD0];
	v9 =	vadd.f32 v0, v4  }
0x23f: {  	v4 =	vld [tilespmem:s9+$0xFFFFFFB0];
	[tilespmem:s6+$0xFFFFFFF0] =	vst v1  }
0x240: {  	v1 =	vld [tilespmem:s7+$0xFFFFFFE0];
	v5 =	vadd.f32 v8, v7;
	[tilespmem:s6+$0xFFFFFF90] =	vst v9;
	s6 =	smov.u32 s9  }
0x241: {  	v7 =	vld [tilespmem:s9+$0xFFFFFFC0];
	v0 =	vmov v3  }
0x242: {  	v8 =	vld [tilespmem:s7+$0xFFFFFFF0];
	[tilespmem:s9+$0x0] =	vst v5  }
0x243: {  	v2 =	vadd.f32 v2, v6;
	v6 =	vld [tilespmem:s9+$0xFFFFFFD0]  }
0x244: {  	v9 =	vld [tilespmem:s7+$0x0]  }
.Ltmp25:
0x245: {  	[tilespmem:s9+$0xFFFFFFA0] =	vst v2;
	v2 =	vadd.f32 v1, v4;
	v1 =	vld [tilespmem:s9+$0xFFFFFFE0];
	(pc) =	sbr.rel @p0 .LBB2_52-.Ltmp25, $4  }
0x246: {  	v3 =	vld [tilespmem:s7+$0x10]  }
0x247: {  	[tilespmem:s9+$0xFFFFFFB0] =	vst v2;
	v7 =	vadd.f32 v8, v7;
	v2 =	vld [tilespmem:s9+$0xFFFFFFF0]  }
0x248: {  	v5 =	vld [tilespmem:s7+$0x20]  }
0x249: {  	s9 =	sadd.s32 $0x200, s9;
	v4 =	vld [tilespmem:s6+$0xFFFFFF90];
	[tilespmem:s6+$0xFFFFFFC0] =	vst v7;
	v6 =	vadd.f32 v9, v6  }
0x24a: {  	_ =	sdelay $0x1  }
0x24b: {  	v1 =	vadd.f32 v3, v1  }
0x24c: {  	[tilespmem:s6+$0xFFFFFFD0] =	vst v6;
	v2 =	vadd.f32 v5, v2  }
0x24d: {  	[tilespmem:s6+$0xFFFFFFE0] =	vst v1;
	v0 =	vadd.f32 v0, v4  }
0x24e: {  	[tilespmem:s6+$0xFFFFFFF0] =	vst v2  }
0x24f: {  	[tilespmem:s6+$0xFFFFFF90] =	vst v0  }
0x250: {  	s7 =	simm.s32 $0x180;
	s19 =	rddreg [dreg:$0x12]  }
0x251: {  	s8 =	simm.s32 $0x380;
	s6 =	simm.s32 $0x10;
	s9 =	sadd.s32 $0x0, s19  }
.LBB2_54:
0x252: {  	[hbm4b:s9+s1] =	stream.linear.scatter [tilespmem:s7], [sflag:$0x8], $0x80, $0x38;
	[tilespmem:$0x14000] =	vst v63  }
0x253: {  	s9 =	smov.u32 s6;
	s7 =	smov.u32 s8;
	p0 =	sne.s32 s6, $0x7F0  }
.Ltmp26:
0x254: {  	s6 =	sadd.s32 $0x10, s6;
	(pc) =	sbr.rel @p0 .LBB2_54-.Ltmp26, $2  }
0x255: {  	_ =	sdelay $0x2  }
0x256: {  	s8 =	sadd.s32 $0x200, s8;
	s9 =	sadd.s32 s9, s19  }
0x257: {  	[hbm4b:s9+s1] =	stream.linear.scatter [tilespmem:s7], [sflag:$0x8], $0x80, $0x38;
	[tilespmem:$0x14000] =	vst v63  }
0x258: {  	s6 =	simm.s32 $0x8  }
0x259: {  	_ =	swait.ge [sflag:s6], $0x4000  }
0x25a: {  	s7 =	simm.s32 $0x10;
	s9 =	sadd.s32 $0x0, s21;
	[sflag:s6] =	ssyncset.done $0x0  }
0x25b: {  	s8 =	simm.s32 $0x380;
	[sflag:s6] =	ssyncadd.s32 $0xFFFFC000;
	s6 =	simm.s32 $0x180  }
.LBB2_56:
0x25c: {  	[tilespmem:s6], [sflag:$0x4] =	stream.linear.gather [hbm4b:s9+s1], $0x80, $0x38;
	[tilespmem:$0x14000] =	vst v63  }
0x25d: {  	s9 =	smov.u32 s7;
	s6 =	smov.u32 s8;
	p0 =	sne.s32 s7, $0x7F0  }
.Ltmp27:
0x25e: {  	s7 =	sadd.s32 $0x10, s7;
	(pc) =	sbr.rel @p0 .LBB2_56-.Ltmp27, $2  }
0x25f: {  	_ =	sdelay $0x2  }
0x260: {  	s8 =	sadd.s32 $0x200, s8;
	s9 =	sadd.s32 s9, s21  }
0x261: {  	[tilespmem:s6], [sflag:$0x4] =	stream.linear.gather [hbm4b:s9+s1], $0x80, $0x38;
	[tilespmem:$0x14000] =	vst v63  }
0x262: {  	s19 =	rddreg [dreg:$0x13];
	s7 =	simm.s32 $0x10000;
	s20 =	simm.s32 $0x9  }
0x263: {  	[tilespmem:s7], [sflag:$0x9] =	stream.linear.gather [hbm4b:s19+s1], $0x4000, $0x38;
	[tilespmem:$0x14000] =	vst v63  }
0x264: {  	_ =	swait.ge [sflag:s20], $0x4000  }
0x265: {  	[sflag:s20] =	ssyncset.done $0x0  }
0x266: {  	s21 =	simm.s32 $0x1;
	[sflag:s20] =	ssyncadd.s32 $0xFFFFC000  }
0x267: {  	_ =	swait.ge [sflag:s21], $0x4000  }
0x268: {  	[sflag:s21] =	ssyncset.done $0x0  }
0x269: {  	s6 =	simm.s32 $0x40;
	[sflag:s21] =	ssyncadd.s32 $0xFFFFC000  }
0x26a: {  	s7 =	simm.s32 $0x10040;
	v1 =	vld [tilespmem:s6+$0x30]  }
0x26b: {  	v2 =	vld [tilespmem:s7+$0x30]  }
0x26c: {  	v3 =	vld [tilespmem:s6+$0xFFFFFFD0]  }
0x26d: {  	v4 =	vld [tilespmem:s7+$0xFFFFFFD0]  }
0x26e: {  	v5 =	vld [tilespmem:s6+$0xFFFFFFE0]  }
0x26f: {  	v6 =	vld [tilespmem:s7+$0xFFFFFFE0]  }
0x270: {  	v7 =	vld [tilespmem:s6+$0xFFFFFFF0]  }
0x271: {  	v8 =	vld [tilespmem:s7+$0xFFFFFFF0]  }
0x272: {  	v0 =	vld [tilespmem:s7+$0xFFFFFFC0]  }
0x273: {  	v9 =	vld [tilespmem:s6+$0x0];
	v2 =	vadd.f32 v2, v1  }
0x274: {  	v10 =	vld [tilespmem:s7+$0x0];
	v4 =	vadd.f32 v4, v3  }
0x275: {  	v1 =	vld [tilespmem:s6+$0x10];
	v5 =	vadd.f32 v6, v5;
	[tilespmem:s6+$0x30] =	vst v2  }
0x276: {  	v3 =	vld [tilespmem:s7+$0x10];
	v6 =	vadd.f32 v8, v7;
	[tilespmem:s6+$0xFFFFFFD0] =	vst v4  }
0x277: {  	v2 =	vld [tilespmem:s6+$0x20];
	[tilespmem:s6+$0xFFFFFFE0] =	vst v5  }
0x278: {  	v5 =	vld [tilespmem:s7+$0x20];
	[tilespmem:s6+$0xFFFFFFF0] =	vst v6  }
0x279: {  	s8 =	simm.s32 $0x0;
	s9 =	simm.s32 $0x240;
	v4 =	vld [tilespmem:s6+$0xFFFFFFC0];
	v6 =	vadd.f32 v10, v9;
	s19 =	rddreg [dreg:$0x14]  }
.LBB2_58:
0x27a: {  	v7 =	vld [tilespmem:s9+$0x30];
	s7 =	sadd.s32 $0x80, s7  }
0x27b: {  	s8 =	sadd.s32 $0x8, s8;
	v8 =	vld [tilespmem:s7+$0x30];
	[tilespmem:s6+$0x0] =	vst v6;
	v1 =	vadd.f32 v3, v1  }
0x27c: {  	p0 =	slt.u32 s8, $0x3F8;
	v3 =	vld [tilespmem:s7+$0xFFFFFFC0]  }
0x27d: {  	v6 =	vld [tilespmem:s9+$0xFFFFFFD0];
	[tilespmem:s6+$0x10] =	vst v1;
	v1 =	vadd.f32 v5, v2  }
0x27e: {  	v2 =	vld [tilespmem:s7+$0xFFFFFFD0];
	v9 =	vadd.f32 v0, v4  }
0x27f: {  	v4 =	vld [tilespmem:s9+$0xFFFFFFE0];
	[tilespmem:s6+$0x20] =	vst v1  }
0x280: {  	v1 =	vld [tilespmem:s7+$0xFFFFFFE0];
	v5 =	vadd.f32 v8, v7;
	[tilespmem:s6+$0xFFFFFFC0] =	vst v9;
	s6 =	smov.u32 s9  }
0x281: {  	v7 =	vld [tilespmem:s9+$0xFFFFFFF0];
	v0 =	vmov v3  }
0x282: {  	v8 =	vld [tilespmem:s7+$0xFFFFFFF0];
	[tilespmem:s9+$0x30] =	vst v5  }
0x283: {  	v2 =	vadd.f32 v2, v6;
	v6 =	vld [tilespmem:s9+$0x0]  }
0x284: {  	v9 =	vld [tilespmem:s7+$0x0]  }
.Ltmp28:
0x285: {  	[tilespmem:s9+$0xFFFFFFD0] =	vst v2;
	v2 =	vadd.f32 v1, v4;
	v1 =	vld [tilespmem:s9+$0x10];
	(pc) =	sbr.rel @p0 .LBB2_58-.Ltmp28, $4  }
0x286: {  	v3 =	vld [tilespmem:s7+$0x10]  }
0x287: {  	[tilespmem:s9+$0xFFFFFFE0] =	vst v2;
	v7 =	vadd.f32 v8, v7;
	v2 =	vld [tilespmem:s9+$0x20]  }
0x288: {  	v5 =	vld [tilespmem:s7+$0x20]  }
0x289: {  	s9 =	sadd.s32 $0x200, s9;
	v4 =	vld [tilespmem:s6+$0xFFFFFFC0];
	[tilespmem:s6+$0xFFFFFFF0] =	vst v7;
	v6 =	vadd.f32 v9, v6  }
0x28a: {  	_ =	sdelay $0x1  }
0x28b: {  	v1 =	vadd.f32 v3, v1  }
0x28c: {  	[tilespmem:s6+$0x0] =	vst v6;
	v2 =	vadd.f32 v5, v2  }
0x28d: {  	[tilespmem:s6+$0x10] =	vst v1;
	v0 =	vadd.f32 v0, v4  }
0x28e: {  	s7 =	simm.s32 $0x0;
	[tilespmem:s6+$0x20] =	vst v2  }
0x28f: {  	s9 =	sadd.s32 $0x0, s19;
	s8 =	simm.s32 $0x200;
	[tilespmem:s6+$0xFFFFFFC0] =	vst v0;
	s6 =	simm.s32 $0x10  }
.LBB2_60:
0x290: {  	[hbm4b:s9+s1] =	stream.linear.scatter [tilespmem:s7], [sflag:$0x5], $0x80, $0x38;
	[tilespmem:$0x14000] =	vst v63  }
0x291: {  	s9 =	smov.u32 s6;
	s7 =	smov.u32 s8;
	p0 =	sne.s32 s6, $0x7F0  }
.Ltmp29:
0x292: {  	s6 =	sadd.s32 $0x10, s6;
	(pc) =	sbr.rel @p0 .LBB2_60-.Ltmp29, $2  }
0x293: {  	_ =	sdelay $0x2  }
0x294: {  	s8 =	sadd.s32 $0x200, s8;
	s9 =	sadd.s32 s9, s19  }
0x295: {  	[hbm4b:s9+s1] =	stream.linear.scatter [tilespmem:s7], [sflag:$0x5], $0x80, $0x38;
	[tilespmem:$0x14000] =	vst v63  }
0x296: {  	s6 =	simm.s32 $0x5  }
0x297: {  	_ =	swait.ge [sflag:s6], $0x4000  }
0x298: {  	s7 =	simm.s32 $0x10;
	s9 =	sadd.s32 $0x0, s22;
	[sflag:s6] =	ssyncset.done $0x0  }
0x299: {  	s8 =	simm.s32 $0x200;
	[sflag:s6] =	ssyncadd.s32 $0xFFFFC000;
	s6 =	simm.s32 $0x0  }
.LBB2_62:
0x29a: {  	[tilespmem:s6], [sflag:$0x1] =	stream.linear.gather [hbm4b:s9+s1], $0x80, $0x38;
	[tilespmem:$0x14000] =	vst v63  }
0x29b: {  	s9 =	smov.u32 s7;
	s6 =	smov.u32 s8;
	p0 =	sne.s32 s7, $0x7F0  }
.Ltmp30:
0x29c: {  	s7 =	sadd.s32 $0x10, s7;
	(pc) =	sbr.rel @p0 .LBB2_62-.Ltmp30, $2  }
0x29d: {  	_ =	sdelay $0x2  }
0x29e: {  	s8 =	sadd.s32 $0x200, s8;
	s9 =	sadd.s32 s9, s22  }
0x29f: {  	[tilespmem:s6], [sflag:$0x1] =	stream.linear.gather [hbm4b:s9+s1], $0x80, $0x38;
	[tilespmem:$0x14000] =	vst v63  }
0x2a0: {  	s22 =	simm.s32 $0x2  }
0x2a1: {  	_ =	swait.ge [sflag:s22], $0x4000  }
0x2a2: {  	[sflag:s22] =	ssyncset.done $0x0  }
0x2a3: {  	s6 =	simm.s32 $0xF0;
	[sflag:s22] =	ssyncadd.s32 $0xFFFFC000  }
0x2a4: {  	s7 =	simm.s32 $0x10040;
	v1 =	vld [tilespmem:s6+$0x0]  }
0x2a5: {  	v2 =	vld [tilespmem:s7+$0x30]  }
0x2a6: {  	v0 =	vld [tilespmem:s7+$0xFFFFFFC0]  }
0x2a7: {  	v3 =	vld [tilespmem:s6+$0xFFFFFFA0]  }
0x2a8: {  	v4 =	vld [tilespmem:s7+$0xFFFFFFD0]  }
0x2a9: {  	v5 =	vld [tilespmem:s6+$0xFFFFFFB0]  }
0x2aa: {  	v6 =	vld [tilespmem:s7+$0xFFFFFFE0]  }
0x2ab: {  	v7 =	vld [tilespmem:s6+$0xFFFFFFC0]  }
0x2ac: {  	v8 =	vld [tilespmem:s7+$0xFFFFFFF0]  }
0x2ad: {  	v9 =	vld [tilespmem:s6+$0xFFFFFFD0]  }
0x2ae: {  	v10 =	vld [tilespmem:s7+$0x0];
	v2 =	vadd.f32 v2, v1  }
0x2af: {  	v4 =	vadd.f32 v4, v3;
	v1 =	vld [tilespmem:s6+$0xFFFFFFE0]  }
0x2b0: {  	v5 =	vadd.f32 v6, v5;
	v3 =	vld [tilespmem:s7+$0x10];
	[tilespmem:s6+$0x0] =	vst v2  }
0x2b1: {  	v6 =	vadd.f32 v8, v7;
	[tilespmem:s6+$0xFFFFFFA0] =	vst v4;
	v2 =	vld [tilespmem:s6+$0xFFFFFFF0]  }
0x2b2: {  	[tilespmem:s6+$0xFFFFFFB0] =	vst v5;
	v5 =	vld [tilespmem:s7+$0x20]  }
0x2b3: {  	s8 =	simm.s32 $0x0;
	s9 =	simm.s32 $0x2F0;
	v4 =	vld [tilespmem:s6+$0xFFFFFF90];
	[tilespmem:s6+$0xFFFFFFC0] =	vst v6;
	v6 =	vadd.f32 v10, v9  }
.LBB2_64:
0x2b4: {  	v7 =	vld [tilespmem:s9+$0x0];
	s7 =	sadd.s32 $0x80, s7  }
0x2b5: {  	s8 =	sadd.s32 $0x8, s8;
	v8 =	vld [tilespmem:s7+$0x30];
	[tilespmem:s6+$0xFFFFFFD0] =	vst v6;
	v1 =	vadd.f32 v3, v1  }
0x2b6: {  	p0 =	slt.u32 s8, $0x3F8;
	v3 =	vld [tilespmem:s7+$0xFFFFFFC0]  }
0x2b7: {  	v6 =	vld [tilespmem:s9+$0xFFFFFFA0];
	[tilespmem:s6+$0xFFFFFFE0] =	vst v1;
	v1 =	vadd.f32 v5, v2  }
0x2b8: {  	v2 =	vld [tilespmem:s7+$0xFFFFFFD0];
	v9 =	vadd.f32 v0, v4  }
0x2b9: {  	v4 =	vld [tilespmem:s9+$0xFFFFFFB0];
	[tilespmem:s6+$0xFFFFFFF0] =	vst v1  }
0x2ba: {  	v1 =	vld [tilespmem:s7+$0xFFFFFFE0];
	v5 =	vadd.f32 v8, v7;
	[tilespmem:s6+$0xFFFFFF90] =	vst v9;
	s6 =	smov.u32 s9  }
0x2bb: {  	v7 =	vld [tilespmem:s9+$0xFFFFFFC0];
	v0 =	vmov v3  }
0x2bc: {  	v8 =	vld [tilespmem:s7+$0xFFFFFFF0];
	[tilespmem:s9+$0x0] =	vst v5  }
0x2bd: {  	v2 =	vadd.f32 v2, v6;
	v6 =	vld [tilespmem:s9+$0xFFFFFFD0]  }
0x2be: {  	v9 =	vld [tilespmem:s7+$0x0]  }
.Ltmp31:
0x2bf: {  	[tilespmem:s9+$0xFFFFFFA0] =	vst v2;
	v2 =	vadd.f32 v1, v4;
	v1 =	vld [tilespmem:s9+$0xFFFFFFE0];
	(pc) =	sbr.rel @p0 .LBB2_64-.Ltmp31, $4  }
0x2c0: {  	v3 =	vld [tilespmem:s7+$0x10]  }
0x2c1: {  	[tilespmem:s9+$0xFFFFFFB0] =	vst v2;
	v7 =	vadd.f32 v8, v7;
	v2 =	vld [tilespmem:s9+$0xFFFFFFF0]  }
0x2c2: {  	v5 =	vld [tilespmem:s7+$0x20]  }
0x2c3: {  	s9 =	sadd.s32 $0x200, s9;
	v4 =	vld [tilespmem:s6+$0xFFFFFF90];
	[tilespmem:s6+$0xFFFFFFC0] =	vst v7;
	v6 =	vadd.f32 v9, v6  }
0x2c4: {  	_ =	sdelay $0x1  }
0x2c5: {  	v1 =	vadd.f32 v3, v1  }
0x2c6: {  	[tilespmem:s6+$0xFFFFFFD0] =	vst v6;
	v2 =	vadd.f32 v5, v2  }
0x2c7: {  	[tilespmem:s6+$0xFFFFFFE0] =	vst v1;
	v0 =	vadd.f32 v0, v4  }
0x2c8: {  	[tilespmem:s6+$0xFFFFFFF0] =	vst v2  }
0x2c9: {  	[tilespmem:s6+$0xFFFFFF90] =	vst v0  }
0x2ca: {  	s7 =	simm.s32 $0x80;
	s20 =	rddreg [dreg:$0x16]  }
0x2cb: {  	s8 =	simm.s32 $0x280;
	s6 =	simm.s32 $0x10;
	s9 =	sadd.s32 $0x0, s20  }
.LBB2_66:
0x2cc: {  	[hbm4b:s9+s1] =	stream.linear.scatter [tilespmem:s7], [sflag:$0x6], $0x80, $0x38;
	[tilespmem:$0x14000] =	vst v63  }
0x2cd: {  	s9 =	smov.u32 s6;
	s7 =	smov.u32 s8;
	p0 =	sne.s32 s6, $0x7F0  }
.Ltmp32:
0x2ce: {  	s6 =	sadd.s32 $0x10, s6;
	(pc) =	sbr.rel @p0 .LBB2_66-.Ltmp32, $2  }
0x2cf: {  	_ =	sdelay $0x2  }
0x2d0: {  	s8 =	sadd.s32 $0x200, s8;
	s9 =	sadd.s32 s9, s20  }
0x2d1: {  	[hbm4b:s9+s1] =	stream.linear.scatter [tilespmem:s7], [sflag:$0x6], $0x80, $0x38;
	[tilespmem:$0x14000] =	vst v63  }
0x2d2: {  	s6 =	simm.s32 $0x6  }
0x2d3: {  	_ =	swait.ge [sflag:s6], $0x4000  }
0x2d4: {  	s7 =	simm.s32 $0x10;
	s9 =	sadd.s32 $0x0, s23;
	[sflag:s6] =	ssyncset.done $0x0  }
0x2d5: {  	s8 =	simm.s32 $0x280;
	[sflag:s6] =	ssyncadd.s32 $0xFFFFC000;
	s6 =	simm.s32 $0x80  }
.LBB2_68:
0x2d6: {  	[tilespmem:s6], [sflag:$0x2] =	stream.linear.gather [hbm4b:s9+s1], $0x80, $0x38;
	[tilespmem:$0x14000] =	vst v63  }
0x2d7: {  	s9 =	smov.u32 s7;
	s6 =	smov.u32 s8;
	p0 =	sne.s32 s7, $0x7F0  }
.Ltmp33:
0x2d8: {  	s7 =	sadd.s32 $0x10, s7;
	(pc) =	sbr.rel @p0 .LBB2_68-.Ltmp33, $2  }
0x2d9: {  	_ =	sdelay $0x2  }
0x2da: {  	s8 =	sadd.s32 $0x200, s8;
	s9 =	sadd.s32 s9, s23  }
0x2db: {  	[tilespmem:s6], [sflag:$0x2] =	stream.linear.gather [hbm4b:s9+s1], $0x80, $0x38;
	[tilespmem:$0x14000] =	vst v63  }
0x2dc: {  	s23 =	simm.s32 $0x3  }
0x2dd: {  	_ =	swait.ge [sflag:s23], $0x4000  }
0x2de: {  	[sflag:s23] =	ssyncset.done $0x0  }
0x2df: {  	s6 =	simm.s32 $0x170;
	[sflag:s23] =	ssyncadd.s32 $0xFFFFC000  }
0x2e0: {  	s7 =	simm.s32 $0x10040;
	v1 =	vld [tilespmem:s6+$0x0]  }
0x2e1: {  	v2 =	vld [tilespmem:s7+$0x30]  }
0x2e2: {  	v3 =	vld [tilespmem:s6+$0xFFFFFFA0]  }
0x2e3: {  	v4 =	vld [tilespmem:s7+$0xFFFFFFD0]  }
0x2e4: {  	v5 =	vld [tilespmem:s6+$0xFFFFFFB0]  }
0x2e5: {  	v6 =	vld [tilespmem:s7+$0xFFFFFFE0]  }
0x2e6: {  	v7 =	vld [tilespmem:s6+$0xFFFFFFC0]  }
0x2e7: {  	v8 =	vld [tilespmem:s7+$0xFFFFFFF0]  }
0x2e8: {  	v0 =	vld [tilespmem:s7+$0xFFFFFFC0]  }
0x2e9: {  	v9 =	vld [tilespmem:s6+$0xFFFFFFD0];
	v2 =	vadd.f32 v2, v1  }
0x2ea: {  	v10 =	vld [tilespmem:s7+$0x0];
	v4 =	vadd.f32 v4, v3  }
0x2eb: {  	v1 =	vld [tilespmem:s6+$0xFFFFFFE0];
	v5 =	vadd.f32 v6, v5;
	[tilespmem:s6+$0x0] =	vst v2  }
0x2ec: {  	v3 =	vld [tilespmem:s7+$0x10];
	v6 =	vadd.f32 v8, v7;
	[tilespmem:s6+$0xFFFFFFA0] =	vst v4  }
0x2ed: {  	v2 =	vld [tilespmem:s6+$0xFFFFFFF0];
	[tilespmem:s6+$0xFFFFFFB0] =	vst v5  }
0x2ee: {  	v5 =	vld [tilespmem:s7+$0x20];
	[tilespmem:s6+$0xFFFFFFC0] =	vst v6  }
0x2ef: {  	s8 =	simm.s32 $0x0;
	s9 =	simm.s32 $0x370;
	v4 =	vld [tilespmem:s6+$0xFFFFFF90];
	v6 =	vadd.f32 v10, v9;
	s20 =	rddreg [dreg:$0x17]  }
.LBB2_70:
0x2f0: {  	v7 =	vld [tilespmem:s9+$0x0];
	s7 =	sadd.s32 $0x80, s7  }
0x2f1: {  	s8 =	sadd.s32 $0x8, s8;
	v8 =	vld [tilespmem:s7+$0x30];
	[tilespmem:s6+$0xFFFFFFD0] =	vst v6;
	v1 =	vadd.f32 v3, v1  }
0x2f2: {  	p0 =	slt.u32 s8, $0x3F8;
	v3 =	vld [tilespmem:s7+$0xFFFFFFC0]  }
0x2f3: {  	v6 =	vld [tilespmem:s9+$0xFFFFFFA0];
	[tilespmem:s6+$0xFFFFFFE0] =	vst v1;
	v1 =	vadd.f32 v5, v2  }
0x2f4: {  	v2 =	vld [tilespmem:s7+$0xFFFFFFD0];
	v9 =	vadd.f32 v0, v4  }
0x2f5: {  	v4 =	vld [tilespmem:s9+$0xFFFFFFB0];
	[tilespmem:s6+$0xFFFFFFF0] =	vst v1  }
0x2f6: {  	v1 =	vld [tilespmem:s7+$0xFFFFFFE0];
	v5 =	vadd.f32 v8, v7;
	[tilespmem:s6+$0xFFFFFF90] =	vst v9;
	s6 =	smov.u32 s9  }
0x2f7: {  	v7 =	vld [tilespmem:s9+$0xFFFFFFC0];
	v0 =	vmov v3  }
0x2f8: {  	v8 =	vld [tilespmem:s7+$0xFFFFFFF0];
	[tilespmem:s9+$0x0] =	vst v5  }
0x2f9: {  	v2 =	vadd.f32 v2, v6;
	v6 =	vld [tilespmem:s9+$0xFFFFFFD0]  }
0x2fa: {  	v9 =	vld [tilespmem:s7+$0x0]  }
.Ltmp34:
0x2fb: {  	[tilespmem:s9+$0xFFFFFFA0] =	vst v2;
	v2 =	vadd.f32 v1, v4;
	v1 =	vld [tilespmem:s9+$0xFFFFFFE0];
	(pc) =	sbr.rel @p0 .LBB2_70-.Ltmp34, $4  }
0x2fc: {  	v3 =	vld [tilespmem:s7+$0x10]  }
0x2fd: {  	[tilespmem:s9+$0xFFFFFFB0] =	vst v2;
	v7 =	vadd.f32 v8, v7;
	v2 =	vld [tilespmem:s9+$0xFFFFFFF0]  }
0x2fe: {  	v5 =	vld [tilespmem:s7+$0x20]  }
0x2ff: {  	s9 =	sadd.s32 $0x200, s9;
	v4 =	vld [tilespmem:s6+$0xFFFFFF90];
	[tilespmem:s6+$0xFFFFFFC0] =	vst v7;
	v6 =	vadd.f32 v9, v6  }
0x300: {  	_ =	sdelay $0x1  }
0x301: {  	v1 =	vadd.f32 v3, v1  }
0x302: {  	[tilespmem:s6+$0xFFFFFFD0] =	vst v6;
	v2 =	vadd.f32 v5, v2  }
0x303: {  	[tilespmem:s6+$0xFFFFFFE0] =	vst v1;
	v0 =	vadd.f32 v0, v4  }
0x304: {  	[tilespmem:s6+$0xFFFFFFF0] =	vst v2  }
0x305: {  	[tilespmem:s6+$0xFFFFFF90] =	vst v0  }
0x306: {  	s7 =	simm.s32 $0x100;
	s21 =	rddreg [dreg:$0x18]  }
0x307: {  	s8 =	simm.s32 $0x300;
	s6 =	simm.s32 $0x10;
	s9 =	sadd.s32 $0x0, s21  }
.LBB2_72:
0x308: {  	[hbm4b:s9+s1] =	stream.linear.scatter [tilespmem:s7], [sflag:$0x7], $0x80, $0x38;
	[tilespmem:$0x14000] =	vst v63  }
0x309: {  	s9 =	smov.u32 s6;
	s7 =	smov.u32 s8;
	p0 =	sne.s32 s6, $0x7F0  }
.Ltmp35:
0x30a: {  	s6 =	sadd.s32 $0x10, s6;
	(pc) =	sbr.rel @p0 .LBB2_72-.Ltmp35, $2  }
0x30b: {  	_ =	sdelay $0x2  }
0x30c: {  	s8 =	sadd.s32 $0x200, s8;
	s9 =	sadd.s32 s9, s21  }
0x30d: {  	[hbm4b:s9+s1] =	stream.linear.scatter [tilespmem:s7], [sflag:$0x7], $0x80, $0x38;
	[tilespmem:$0x14000] =	vst v63  }
0x30e: {  	s6 =	simm.s32 $0x7  }
0x30f: {  	_ =	swait.ge [sflag:s6], $0x4000  }
0x310: {  	s7 =	simm.s32 $0x10;
	s9 =	sadd.s32 $0x0, s24;
	[sflag:s6] =	ssyncset.done $0x0  }
0x311: {  	s8 =	simm.s32 $0x300;
	[sflag:s6] =	ssyncadd.s32 $0xFFFFC000;
	s6 =	simm.s32 $0x100  }
.LBB2_74:
0x312: {  	[tilespmem:s6], [sflag:$0x3] =	stream.linear.gather [hbm4b:s9+s1], $0x80, $0x38;
	[tilespmem:$0x14000] =	vst v63  }
0x313: {  	s9 =	smov.u32 s7;
	s6 =	smov.u32 s8;
	p0 =	sne.s32 s7, $0x7F0  }
.Ltmp36:
0x314: {  	s7 =	sadd.s32 $0x10, s7;
	(pc) =	sbr.rel @p0 .LBB2_74-.Ltmp36, $2  }
0x315: {  	_ =	sdelay $0x2  }
0x316: {  	s8 =	sadd.s32 $0x200, s8;
	s9 =	sadd.s32 s9, s24  }
0x317: {  	[tilespmem:s6], [sflag:$0x3] =	stream.linear.gather [hbm4b:s9+s1], $0x80, $0x38;
	[tilespmem:$0x14000] =	vst v63  }
0x318: {  	s24 =	simm.s32 $0x4  }
0x319: {  	_ =	swait.ge [sflag:s24], $0x4000  }
0x31a: {  	[sflag:s24] =	ssyncset.done $0x0  }
0x31b: {  	s6 =	simm.s32 $0x1F0;
	[sflag:s24] =	ssyncadd.s32 $0xFFFFC000  }
0x31c: {  	s7 =	simm.s32 $0x10040;
	v1 =	vld [tilespmem:s6+$0x0]  }
0x31d: {  	v2 =	vld [tilespmem:s7+$0x30]  }
0x31e: {  	v3 =	vld [tilespmem:s6+$0xFFFFFFA0]  }
0x31f: {  	v4 =	vld [tilespmem:s7+$0xFFFFFFD0]  }
0x320: {  	v5 =	vld [tilespmem:s6+$0xFFFFFFB0]  }
0x321: {  	v6 =	vld [tilespmem:s7+$0xFFFFFFE0]  }
0x322: {  	v7 =	vld [tilespmem:s6+$0xFFFFFFC0]  }
0x323: {  	v8 =	vld [tilespmem:s7+$0xFFFFFFF0]  }
0x324: {  	v0 =	vld [tilespmem:s7+$0xFFFFFFC0]  }
0x325: {  	v9 =	vld [tilespmem:s6+$0xFFFFFFD0];
	v2 =	vadd.f32 v2, v1  }
0x326: {  	v10 =	vld [tilespmem:s7+$0x0];
	v4 =	vadd.f32 v4, v3  }
0x327: {  	v1 =	vld [tilespmem:s6+$0xFFFFFFE0];
	v5 =	vadd.f32 v6, v5;
	[tilespmem:s6+$0x0] =	vst v2  }
0x328: {  	v3 =	vld [tilespmem:s7+$0x10];
	v6 =	vadd.f32 v8, v7;
	[tilespmem:s6+$0xFFFFFFA0] =	vst v4  }
0x329: {  	v2 =	vld [tilespmem:s6+$0xFFFFFFF0];
	[tilespmem:s6+$0xFFFFFFB0] =	vst v5  }
0x32a: {  	v5 =	vld [tilespmem:s7+$0x20];
	[tilespmem:s6+$0xFFFFFFC0] =	vst v6  }
0x32b: {  	s8 =	simm.s32 $0x0;
	s9 =	simm.s32 $0x3F0;
	v4 =	vld [tilespmem:s6+$0xFFFFFF90];
	v6 =	vadd.f32 v10, v9;
	s21 =	rddreg [dreg:$0x19]  }
.LBB2_76:
0x32c: {  	v7 =	vld [tilespmem:s9+$0x0];
	s7 =	sadd.s32 $0x80, s7  }
0x32d: {  	s8 =	sadd.s32 $0x8, s8;
	v8 =	vld [tilespmem:s7+$0x30];
	[tilespmem:s6+$0xFFFFFFD0] =	vst v6;
	v1 =	vadd.f32 v3, v1  }
0x32e: {  	p0 =	slt.u32 s8, $0x3F8;
	v3 =	vld [tilespmem:s7+$0xFFFFFFC0]  }
0x32f: {  	v6 =	vld [tilespmem:s9+$0xFFFFFFA0];
	[tilespmem:s6+$0xFFFFFFE0] =	vst v1;
	v1 =	vadd.f32 v5, v2  }
0x330: {  	v2 =	vld [tilespmem:s7+$0xFFFFFFD0];
	v9 =	vadd.f32 v0, v4  }
0x331: {  	v4 =	vld [tilespmem:s9+$0xFFFFFFB0];
	[tilespmem:s6+$0xFFFFFFF0] =	vst v1  }
0x332: {  	v1 =	vld [tilespmem:s7+$0xFFFFFFE0];
	v5 =	vadd.f32 v8, v7;
	[tilespmem:s6+$0xFFFFFF90] =	vst v9;
	s6 =	smov.u32 s9  }
0x333: {  	v7 =	vld [tilespmem:s9+$0xFFFFFFC0];
	v0 =	vmov v3  }
0x334: {  	v8 =	vld [tilespmem:s7+$0xFFFFFFF0];
	[tilespmem:s9+$0x0] =	vst v5  }
0x335: {  	v2 =	vadd.f32 v2, v6;
	v6 =	vld [tilespmem:s9+$0xFFFFFFD0]  }
0x336: {  	v9 =	vld [tilespmem:s7+$0x0]  }
.Ltmp37:
0x337: {  	[tilespmem:s9+$0xFFFFFFA0] =	vst v2;
	v2 =	vadd.f32 v1, v4;
	v1 =	vld [tilespmem:s9+$0xFFFFFFE0];
	(pc) =	sbr.rel @p0 .LBB2_76-.Ltmp37, $4  }
0x338: {  	v3 =	vld [tilespmem:s7+$0x10]  }
0x339: {  	[tilespmem:s9+$0xFFFFFFB0] =	vst v2;
	v7 =	vadd.f32 v8, v7;
	v2 =	vld [tilespmem:s9+$0xFFFFFFF0]  }
0x33a: {  	v5 =	vld [tilespmem:s7+$0x20]  }
0x33b: {  	s9 =	sadd.s32 $0x200, s9;
	v4 =	vld [tilespmem:s6+$0xFFFFFF90];
	[tilespmem:s6+$0xFFFFFFC0] =	vst v7;
	v6 =	vadd.f32 v9, v6  }
0x33c: {  	_ =	sdelay $0x1  }
0x33d: {  	v1 =	vadd.f32 v3, v1  }
0x33e: {  	[tilespmem:s6+$0xFFFFFFD0] =	vst v6;
	v2 =	vadd.f32 v5, v2  }
0x33f: {  	[tilespmem:s6+$0xFFFFFFE0] =	vst v1;
	v0 =	vadd.f32 v0, v4  }
0x340: {  	[tilespmem:s6+$0xFFFFFFF0] =	vst v2  }
0x341: {  	[tilespmem:s6+$0xFFFFFF90] =	vst v0  }
0x342: {  	s7 =	simm.s32 $0x180;
	s22 =	rddreg [dreg:$0x1a]  }
0x343: {  	s8 =	simm.s32 $0x380;
	s6 =	simm.s32 $0x10;
	s9 =	sadd.s32 $0x0, s22  }
.LBB2_78:
0x344: {  	[hbm4b:s9+s1] =	stream.linear.scatter [tilespmem:s7], [sflag:$0x8], $0x80, $0x38;
	[tilespmem:$0x14000] =	vst v63  }
0x345: {  	s9 =	smov.u32 s6;
	s7 =	smov.u32 s8;
	p0 =	sne.s32 s6, $0x7F0  }
.Ltmp38:
0x346: {  	s6 =	sadd.s32 $0x10, s6;
	(pc) =	sbr.rel @p0 .LBB2_78-.Ltmp38, $2  }
0x347: {  	_ =	sdelay $0x2  }
0x348: {  	s8 =	sadd.s32 $0x200, s8;
	s9 =	sadd.s32 s9, s22  }
0x349: {  	[hbm4b:s9+s1] =	stream.linear.scatter [tilespmem:s7], [sflag:$0x8], $0x80, $0x38;
	[tilespmem:$0x14000] =	vst v63  }
0x34a: {  	s6 =	simm.s32 $0x8  }
0x34b: {  	_ =	swait.ge [sflag:s6], $0x4000  }
0x34c: {  	s7 =	simm.s32 $0x10;
	s9 =	sadd.s32 $0x0, s25;
	[sflag:s6] =	ssyncset.done $0x0  }
0x34d: {  	s8 =	simm.s32 $0x380;
	[sflag:s6] =	ssyncadd.s32 $0xFFFFC000;
	s6 =	simm.s32 $0x180  }
.LBB2_80:
0x34e: {  	[tilespmem:s6], [sflag:$0x4] =	stream.linear.gather [hbm4b:s9+s1], $0x80, $0x38;
	[tilespmem:$0x14000] =	vst v63  }
0x34f: {  	s9 =	smov.u32 s7;
	s6 =	smov.u32 s8;
	p0 =	sne.s32 s7, $0x7F0  }
.Ltmp39:
0x350: {  	s7 =	sadd.s32 $0x10, s7;
	(pc) =	sbr.rel @p0 .LBB2_80-.Ltmp39, $2  }
0x351: {  	_ =	sdelay $0x2  }
0x352: {  	s8 =	sadd.s32 $0x200, s8;
	s9 =	sadd.s32 s9, s25  }
0x353: {  	[tilespmem:s6], [sflag:$0x4] =	stream.linear.gather [hbm4b:s9+s1], $0x80, $0x38;
	[tilespmem:$0x14000] =	vst v63  }
0x354: {  	s23 =	rddreg [dreg:$0x1c];
	s7 =	simm.s32 $0x10000;
	s24 =	simm.s32 $0x9  }
0x355: {  	[tilespmem:s7], [sflag:$0x9] =	stream.linear.gather [hbm4b:s23+s1], $0x4000, $0x38;
	[tilespmem:$0x14000] =	vst v63  }
0x356: {  	_ =	swait.ge [sflag:s24], $0x4000  }
0x357: {  	[sflag:s24] =	ssyncset.done $0x0  }
0x358: {  	s25 =	simm.s32 $0x1;
	[sflag:s24] =	ssyncadd.s32 $0xFFFFC000  }
0x359: {  	_ =	swait.ge [sflag:s25], $0x4000  }
0x35a: {  	[sflag:s25] =	ssyncset.done $0x0  }
0x35b: {  	s6 =	simm.s32 $0x40;
	[sflag:s25] =	ssyncadd.s32 $0xFFFFC000  }
0x35c: {  	s7 =	simm.s32 $0x10040;
	v1 =	vld [tilespmem:s6+$0x30]  }
0x35d: {  	v2 =	vld [tilespmem:s7+$0x30]  }
0x35e: {  	v3 =	vld [tilespmem:s6+$0xFFFFFFD0]  }
0x35f: {  	v4 =	vld [tilespmem:s7+$0xFFFFFFD0]  }
0x360: {  	v5 =	vld [tilespmem:s6+$0xFFFFFFE0]  }
0x361: {  	v6 =	vld [tilespmem:s7+$0xFFFFFFE0]  }
0x362: {  	v7 =	vld [tilespmem:s6+$0xFFFFFFF0]  }
0x363: {  	v8 =	vld [tilespmem:s7+$0xFFFFFFF0]  }
0x364: {  	v0 =	vld [tilespmem:s7+$0xFFFFFFC0]  }
0x365: {  	v9 =	vld [tilespmem:s6+$0x0];
	v2 =	vadd.f32 v2, v1  }
0x366: {  	v10 =	vld [tilespmem:s7+$0x0];
	v4 =	vadd.f32 v4, v3  }
0x367: {  	v1 =	vld [tilespmem:s6+$0x10];
	v5 =	vadd.f32 v6, v5;
	[tilespmem:s6+$0x30] =	vst v2  }
0x368: {  	v3 =	vld [tilespmem:s7+$0x10];
	v6 =	vadd.f32 v8, v7;
	[tilespmem:s6+$0xFFFFFFD0] =	vst v4  }
0x369: {  	v2 =	vld [tilespmem:s6+$0x20];
	[tilespmem:s6+$0xFFFFFFE0] =	vst v5  }
0x36a: {  	v5 =	vld [tilespmem:s7+$0x20];
	[tilespmem:s6+$0xFFFFFFF0] =	vst v6  }
0x36b: {  	s8 =	simm.s32 $0x0;
	s9 =	simm.s32 $0x240;
	v4 =	vld [tilespmem:s6+$0xFFFFFFC0];
	v6 =	vadd.f32 v10, v9;
	s22 =	rddreg [dreg:$0x1b]  }
.LBB2_82:
0x36c: {  	v7 =	vld [tilespmem:s9+$0x30];
	s7 =	sadd.s32 $0x80, s7  }
0x36d: {  	s8 =	sadd.s32 $0x8, s8;
	v8 =	vld [tilespmem:s7+$0x30];
	[tilespmem:s6+$0x0] =	vst v6;
	v1 =	vadd.f32 v3, v1  }
0x36e: {  	p0 =	slt.u32 s8, $0x3F8;
	v3 =	vld [tilespmem:s7+$0xFFFFFFC0]  }
0x36f: {  	v6 =	vld [tilespmem:s9+$0xFFFFFFD0];
	[tilespmem:s6+$0x10] =	vst v1;
	v1 =	vadd.f32 v5, v2  }
0x370: {  	v2 =	vld [tilespmem:s7+$0xFFFFFFD0];
	v9 =	vadd.f32 v0, v4  }
0x371: {  	v4 =	vld [tilespmem:s9+$0xFFFFFFE0];
	[tilespmem:s6+$0x20] =	vst v1  }
0x372: {  	v1 =	vld [tilespmem:s7+$0xFFFFFFE0];
	v5 =	vadd.f32 v8, v7;
	[tilespmem:s6+$0xFFFFFFC0] =	vst v9;
	s6 =	smov.u32 s9  }
0x373: {  	v7 =	vld [tilespmem:s9+$0xFFFFFFF0];
	v0 =	vmov v3  }
0x374: {  	v8 =	vld [tilespmem:s7+$0xFFFFFFF0];
	[tilespmem:s9+$0x30] =	vst v5  }
0x375: {  	v2 =	vadd.f32 v2, v6;
	v6 =	vld [tilespmem:s9+$0x0]  }
0x376: {  	v9 =	vld [tilespmem:s7+$0x0]  }
.Ltmp40:
0x377: {  	[tilespmem:s9+$0xFFFFFFD0] =	vst v2;
	v2 =	vadd.f32 v1, v4;
	v1 =	vld [tilespmem:s9+$0x10];
	(pc) =	sbr.rel @p0 .LBB2_82-.Ltmp40, $4  }
0x378: {  	v3 =	vld [tilespmem:s7+$0x10]  }
0x379: {  	[tilespmem:s9+$0xFFFFFFE0] =	vst v2;
	v7 =	vadd.f32 v8, v7;
	v2 =	vld [tilespmem:s9+$0x20]  }
0x37a: {  	v5 =	vld [tilespmem:s7+$0x20]  }
0x37b: {  	s9 =	sadd.s32 $0x200, s9;
	v4 =	vld [tilespmem:s6+$0xFFFFFFC0];
	[tilespmem:s6+$0xFFFFFFF0] =	vst v7;
	v6 =	vadd.f32 v9, v6  }
0x37c: {  	_ =	sdelay $0x1  }
0x37d: {  	v1 =	vadd.f32 v3, v1  }
0x37e: {  	[tilespmem:s6+$0x0] =	vst v6;
	v2 =	vadd.f32 v5, v2  }
0x37f: {  	[tilespmem:s6+$0x10] =	vst v1;
	v0 =	vadd.f32 v0, v4  }
0x380: {  	[tilespmem:s6+$0x20] =	vst v2  }
0x381: {  	[tilespmem:s6+$0xFFFFFFC0] =	vst v0  }
0x382: {  	s7 =	simm.s32 $0x0;
	s23 =	rddreg [dreg:$0x1d]  }
0x383: {  	s8 =	simm.s32 $0x200;
	s6 =	simm.s32 $0x10;
	s9 =	sadd.s32 $0x0, s23  }
.LBB2_84:
0x384: {  	[hbm4b:s9+s1] =	stream.linear.scatter [tilespmem:s7], [sflag:$0x5], $0x80, $0x38;
	[tilespmem:$0x14000] =	vst v63  }
0x385: {  	s9 =	smov.u32 s6;
	s7 =	smov.u32 s8;
	p0 =	sne.s32 s6, $0x7F0  }
.Ltmp41:
0x386: {  	s6 =	sadd.s32 $0x10, s6;
	(pc) =	sbr.rel @p0 .LBB2_84-.Ltmp41, $2  }
0x387: {  	_ =	sdelay $0x2  }
0x388: {  	s8 =	sadd.s32 $0x200, s8;
	s9 =	sadd.s32 s9, s23  }
0x389: {  	[hbm4b:s9+s1] =	stream.linear.scatter [tilespmem:s7], [sflag:$0x5], $0x80, $0x38;
	[tilespmem:$0x14000] =	vst v63  }
0x38a: {  	s6 =	simm.s32 $0x5  }
0x38b: {  	_ =	swait.ge [sflag:s6], $0x4000  }
0x38c: {  	s7 =	simm.s32 $0x10;
	s9 =	sadd.s32 $0x0, s26;
	[sflag:s6] =	ssyncset.done $0x0  }
0x38d: {  	s8 =	simm.s32 $0x200;
	[sflag:s6] =	ssyncadd.s32 $0xFFFFC000;
	s6 =	simm.s32 $0x0  }
.LBB2_86:
0x38e: {  	[tilespmem:s6], [sflag:$0x1] =	stream.linear.gather [hbm4b:s9+s1], $0x80, $0x38;
	[tilespmem:$0x14000] =	vst v63  }
0x38f: {  	s9 =	smov.u32 s7;
	s6 =	smov.u32 s8;
	p0 =	sne.s32 s7, $0x7F0  }
.Ltmp42:
0x390: {  	s7 =	sadd.s32 $0x10, s7;
	(pc) =	sbr.rel @p0 .LBB2_86-.Ltmp42, $2  }
0x391: {  	_ =	sdelay $0x2  }
0x392: {  	s8 =	sadd.s32 $0x200, s8;
	s9 =	sadd.s32 s9, s26  }
0x393: {  	[tilespmem:s6], [sflag:$0x1] =	stream.linear.gather [hbm4b:s9+s1], $0x80, $0x38;
	[tilespmem:$0x14000] =	vst v63  }
0x394: {  	s26 =	simm.s32 $0x2  }
0x395: {  	_ =	swait.ge [sflag:s26], $0x4000  }
0x396: {  	[sflag:s26] =	ssyncset.done $0x0  }
0x397: {  	s6 =	simm.s32 $0xF0;
	[sflag:s26] =	ssyncadd.s32 $0xFFFFC000  }
0x398: {  	s7 =	simm.s32 $0x10040;
	v1 =	vld [tilespmem:s6+$0x0]  }
0x399: {  	v2 =	vld [tilespmem:s7+$0x30]  }
0x39a: {  	v3 =	vld [tilespmem:s6+$0xFFFFFFA0]  }
0x39b: {  	v4 =	vld [tilespmem:s7+$0xFFFFFFD0]  }
0x39c: {  	v5 =	vld [tilespmem:s6+$0xFFFFFFB0]  }
0x39d: {  	v6 =	vld [tilespmem:s7+$0xFFFFFFE0]  }
0x39e: {  	v7 =	vld [tilespmem:s6+$0xFFFFFFC0]  }
0x39f: {  	v8 =	vld [tilespmem:s7+$0xFFFFFFF0]  }
0x3a0: {  	v0 =	vld [tilespmem:s7+$0xFFFFFFC0]  }
0x3a1: {  	v9 =	vld [tilespmem:s6+$0xFFFFFFD0];
	v2 =	vadd.f32 v2, v1  }
0x3a2: {  	v10 =	vld [tilespmem:s7+$0x0];
	v4 =	vadd.f32 v4, v3  }
0x3a3: {  	v1 =	vld [tilespmem:s6+$0xFFFFFFE0];
	v5 =	vadd.f32 v6, v5;
	[tilespmem:s6+$0x0] =	vst v2  }
0x3a4: {  	v3 =	vld [tilespmem:s7+$0x10];
	v6 =	vadd.f32 v8, v7;
	[tilespmem:s6+$0xFFFFFFA0] =	vst v4  }
0x3a5: {  	v2 =	vld [tilespmem:s6+$0xFFFFFFF0];
	[tilespmem:s6+$0xFFFFFFB0] =	vst v5  }
0x3a6: {  	v5 =	vld [tilespmem:s7+$0x20];
	[tilespmem:s6+$0xFFFFFFC0] =	vst v6  }
0x3a7: {  	s8 =	simm.s32 $0x0;
	s9 =	simm.s32 $0x2F0;
	v4 =	vld [tilespmem:s6+$0xFFFFFF90];
	v6 =	vadd.f32 v10, v9;
	s23 =	rddreg [dreg:$0x1e]  }
.LBB2_88:
0x3a8: {  	v7 =	vld [tilespmem:s9+$0x0];
	s7 =	sadd.s32 $0x80, s7  }
0x3a9: {  	s8 =	sadd.s32 $0x8, s8;
	v8 =	vld [tilespmem:s7+$0x30];
	[tilespmem:s6+$0xFFFFFFD0] =	vst v6;
	v1 =	vadd.f32 v3, v1  }
0x3aa: {  	p0 =	slt.u32 s8, $0x3F8;
	v3 =	vld [tilespmem:s7+$0xFFFFFFC0]  }
0x3ab: {  	v6 =	vld [tilespmem:s9+$0xFFFFFFA0];
	[tilespmem:s6+$0xFFFFFFE0] =	vst v1;
	v1 =	vadd.f32 v5, v2  }
0x3ac: {  	v2 =	vld [tilespmem:s7+$0xFFFFFFD0];
	v9 =	vadd.f32 v0, v4  }
0x3ad: {  	v4 =	vld [tilespmem:s9+$0xFFFFFFB0];
	[tilespmem:s6+$0xFFFFFFF0] =	vst v1  }
0x3ae: {  	v1 =	vld [tilespmem:s7+$0xFFFFFFE0];
	v5 =	vadd.f32 v8, v7;
	[tilespmem:s6+$0xFFFFFF90] =	vst v9;
	s6 =	smov.u32 s9  }
0x3af: {  	v7 =	vld [tilespmem:s9+$0xFFFFFFC0];
	v0 =	vmov v3  }
0x3b0: {  	v8 =	vld [tilespmem:s7+$0xFFFFFFF0];
	[tilespmem:s9+$0x0] =	vst v5  }
0x3b1: {  	v2 =	vadd.f32 v2, v6;
	v6 =	vld [tilespmem:s9+$0xFFFFFFD0]  }
0x3b2: {  	v9 =	vld [tilespmem:s7+$0x0]  }
.Ltmp43:
0x3b3: {  	[tilespmem:s9+$0xFFFFFFA0] =	vst v2;
	v2 =	vadd.f32 v1, v4;
	v1 =	vld [tilespmem:s9+$0xFFFFFFE0];
	(pc) =	sbr.rel @p0 .LBB2_88-.Ltmp43, $4  }
0x3b4: {  	v3 =	vld [tilespmem:s7+$0x10]  }
0x3b5: {  	[tilespmem:s9+$0xFFFFFFB0] =	vst v2;
	v7 =	vadd.f32 v8, v7;
	v2 =	vld [tilespmem:s9+$0xFFFFFFF0]  }
0x3b6: {  	v5 =	vld [tilespmem:s7+$0x20]  }
0x3b7: {  	s9 =	sadd.s32 $0x200, s9;
	v4 =	vld [tilespmem:s6+$0xFFFFFF90];
	[tilespmem:s6+$0xFFFFFFC0] =	vst v7;
	v6 =	vadd.f32 v9, v6  }
0x3b8: {  	_ =	sdelay $0x1  }
0x3b9: {  	v1 =	vadd.f32 v3, v1  }
0x3ba: {  	[tilespmem:s6+$0xFFFFFFD0] =	vst v6;
	v2 =	vadd.f32 v5, v2  }
0x3bb: {  	[tilespmem:s6+$0xFFFFFFE0] =	vst v1;
	v0 =	vadd.f32 v0, v4  }
0x3bc: {  	[tilespmem:s6+$0xFFFFFFF0] =	vst v2  }
0x3bd: {  	[tilespmem:s6+$0xFFFFFF90] =	vst v0  }
0x3be: {  	s7 =	simm.s32 $0x80;
	s24 =	rddreg [dreg:$0x1f]  }
0x3bf: {  	s8 =	simm.s32 $0x280;
	s6 =	simm.s32 $0x10;
	s9 =	sadd.s32 $0x0, s24  }
.LBB2_90:
0x3c0: {  	[hbm4b:s9+s1] =	stream.linear.scatter [tilespmem:s7], [sflag:$0x6], $0x80, $0x38;
	[tilespmem:$0x14000] =	vst v63  }
0x3c1: {  	s9 =	smov.u32 s6;
	s7 =	smov.u32 s8;
	p0 =	sne.s32 s6, $0x7F0  }
.Ltmp44:
0x3c2: {  	s6 =	sadd.s32 $0x10, s6;
	(pc) =	sbr.rel @p0 .LBB2_90-.Ltmp44, $2  }
0x3c3: {  	_ =	sdelay $0x2  }
0x3c4: {  	s8 =	sadd.s32 $0x200, s8;
	s9 =	sadd.s32 s9, s24  }
0x3c5: {  	[hbm4b:s9+s1] =	stream.linear.scatter [tilespmem:s7], [sflag:$0x6], $0x80, $0x38;
	[tilespmem:$0x14000] =	vst v63  }
0x3c6: {  	s6 =	simm.s32 $0x6  }
0x3c7: {  	_ =	swait.ge [sflag:s6], $0x4000  }
0x3c8: {  	s7 =	simm.s32 $0x10;
	s9 =	sadd.s32 $0x0, s29;
	[sflag:s6] =	ssyncset.done $0x0  }
0x3c9: {  	s8 =	simm.s32 $0x280;
	[sflag:s6] =	ssyncadd.s32 $0xFFFFC000;
	s6 =	simm.s32 $0x80  }
.LBB2_92:
0x3ca: {  	[tilespmem:s6], [sflag:$0x2] =	stream.linear.gather [hbm4b:s9+s1], $0x80, $0x38;
	[tilespmem:$0x14000] =	vst v63  }
0x3cb: {  	s9 =	smov.u32 s7;
	s6 =	smov.u32 s8;
	p0 =	sne.s32 s7, $0x7F0  }
.Ltmp45:
0x3cc: {  	s7 =	sadd.s32 $0x10, s7;
	(pc) =	sbr.rel @p0 .LBB2_92-.Ltmp45, $2  }
0x3cd: {  	_ =	sdelay $0x2  }
0x3ce: {  	s8 =	sadd.s32 $0x200, s8;
	s9 =	sadd.s32 s9, s29  }
0x3cf: {  	[tilespmem:s6], [sflag:$0x2] =	stream.linear.gather [hbm4b:s9+s1], $0x80, $0x38;
	[tilespmem:$0x14000] =	vst v63  }
0x3d0: {  	s29 =	simm.s32 $0x3  }
0x3d1: {  	_ =	swait.ge [sflag:s29], $0x4000  }
0x3d2: {  	[sflag:s29] =	ssyncset.done $0x0  }
0x3d3: {  	s6 =	simm.s32 $0x170;
	[sflag:s29] =	ssyncadd.s32 $0xFFFFC000  }
0x3d4: {  	s7 =	simm.s32 $0x10040;
	v1 =	vld [tilespmem:s6+$0x0]  }
0x3d5: {  	v2 =	vld [tilespmem:s7+$0x30]  }
0x3d6: {  	v3 =	vld [tilespmem:s6+$0xFFFFFFA0]  }
0x3d7: {  	v4 =	vld [tilespmem:s7+$0xFFFFFFD0]  }
0x3d8: {  	v5 =	vld [tilespmem:s6+$0xFFFFFFB0]  }
0x3d9: {  	v6 =	vld [tilespmem:s7+$0xFFFFFFE0]  }
0x3da: {  	v7 =	vld [tilespmem:s6+$0xFFFFFFC0]  }
0x3db: {  	v8 =	vld [tilespmem:s7+$0xFFFFFFF0]  }
0x3dc: {  	v0 =	vld [tilespmem:s7+$0xFFFFFFC0]  }
0x3dd: {  	v9 =	vld [tilespmem:s6+$0xFFFFFFD0];
	v2 =	vadd.f32 v2, v1  }
0x3de: {  	v10 =	vld [tilespmem:s7+$0x0];
	v4 =	vadd.f32 v4, v3  }
0x3df: {  	v1 =	vld [tilespmem:s6+$0xFFFFFFE0];
	v5 =	vadd.f32 v6, v5;
	[tilespmem:s6+$0x0] =	vst v2  }
0x3e0: {  	v3 =	vld [tilespmem:s7+$0x10];
	v6 =	vadd.f32 v8, v7;
	[tilespmem:s6+$0xFFFFFFA0] =	vst v4  }
0x3e1: {  	v2 =	vld [tilespmem:s6+$0xFFFFFFF0];
	[tilespmem:s6+$0xFFFFFFB0] =	vst v5  }
0x3e2: {  	v5 =	vld [tilespmem:s7+$0x20];
	[tilespmem:s6+$0xFFFFFFC0] =	vst v6  }
0x3e3: {  	s8 =	simm.s32 $0x0;
	s9 =	simm.s32 $0x370;
	v4 =	vld [tilespmem:s6+$0xFFFFFF90];
	v6 =	vadd.f32 v10, v9;
	s24 =	sld [smem:$0x7F1]  }
.LBB2_94:
0x3e4: {  	v7 =	vld [tilespmem:s9+$0x0];
	s7 =	sadd.s32 $0x80, s7  }
0x3e5: {  	s8 =	sadd.s32 $0x8, s8;
	v8 =	vld [tilespmem:s7+$0x30];
	[tilespmem:s6+$0xFFFFFFD0] =	vst v6;
	v1 =	vadd.f32 v3, v1  }
0x3e6: {  	p0 =	slt.u32 s8, $0x3F8;
	v3 =	vld [tilespmem:s7+$0xFFFFFFC0]  }
0x3e7: {  	v6 =	vld [tilespmem:s9+$0xFFFFFFA0];
	[tilespmem:s6+$0xFFFFFFE0] =	vst v1;
	v1 =	vadd.f32 v5, v2  }
0x3e8: {  	v2 =	vld [tilespmem:s7+$0xFFFFFFD0];
	v9 =	vadd.f32 v0, v4  }
0x3e9: {  	v4 =	vld [tilespmem:s9+$0xFFFFFFB0];
	[tilespmem:s6+$0xFFFFFFF0] =	vst v1  }
0x3ea: {  	v1 =	vld [tilespmem:s7+$0xFFFFFFE0];
	v5 =	vadd.f32 v8, v7;
	[tilespmem:s6+$0xFFFFFF90] =	vst v9;
	s6 =	smov.u32 s9  }
0x3eb: {  	v7 =	vld [tilespmem:s9+$0xFFFFFFC0];
	v0 =	vmov v3  }
0x3ec: {  	v8 =	vld [tilespmem:s7+$0xFFFFFFF0];
	[tilespmem:s9+$0x0] =	vst v5  }
0x3ed: {  	v2 =	vadd.f32 v2, v6;
	v6 =	vld [tilespmem:s9+$0xFFFFFFD0]  }
0x3ee: {  	v9 =	vld [tilespmem:s7+$0x0]  }
.Ltmp46:
0x3ef: {  	[tilespmem:s9+$0xFFFFFFA0] =	vst v2;
	v2 =	vadd.f32 v1, v4;
	v1 =	vld [tilespmem:s9+$0xFFFFFFE0];
	(pc) =	sbr.rel @p0 .LBB2_94-.Ltmp46, $4  }
0x3f0: {  	v3 =	vld [tilespmem:s7+$0x10]  }
0x3f1: {  	[tilespmem:s9+$0xFFFFFFB0] =	vst v2;
	v7 =	vadd.f32 v8, v7;
	v2 =	vld [tilespmem:s9+$0xFFFFFFF0]  }
0x3f2: {  	v5 =	vld [tilespmem:s7+$0x20]  }
0x3f3: {  	s9 =	sadd.s32 $0x200, s9;
	v4 =	vld [tilespmem:s6+$0xFFFFFF90];
	[tilespmem:s6+$0xFFFFFFC0] =	vst v7;
	v6 =	vadd.f32 v9, v6  }
0x3f4: {  	_ =	sdelay $0x1  }
0x3f5: {  	v1 =	vadd.f32 v3, v1  }
0x3f6: {  	[tilespmem:s6+$0xFFFFFFD0] =	vst v6;
	v2 =	vadd.f32 v5, v2  }
0x3f7: {  	[tilespmem:s6+$0xFFFFFFE0] =	vst v1;
	v0 =	vadd.f32 v0, v4  }
0x3f8: {  	[tilespmem:s6+$0xFFFFFFF0] =	vst v2  }
0x3f9: {  	[tilespmem:s6+$0xFFFFFF90] =	vst v0  }
0x3fa: {  	s25 =	sld [smem:$0x7D1];
	_ =	sdelay $0x1  }
0x3fb: {  	s7 =	simm.s32 $0x100  }
0x3fc: {  	s8 =	simm.s32 $0x300;
	s6 =	simm.s32 $0x10;
	s9 =	sadd.s32 $0x0, s25  }
.LBB2_96:
0x3fd: {  	[hbm4b:s9+s1] =	stream.linear.scatter [tilespmem:s7], [sflag:$0x7], $0x80, $0x38;
	[tilespmem:$0x14000] =	vst v63  }
0x3fe: {  	s9 =	smov.u32 s6;
	s7 =	smov.u32 s8;
	p0 =	sne.s32 s6, $0x7F0  }
.Ltmp47:
0x3ff: {  	s6 =	sadd.s32 $0x10, s6;
	(pc) =	sbr.rel @p0 .LBB2_96-.Ltmp47, $2  }
0x400: {  	_ =	sdelay $0x2  }
0x401: {  	s8 =	sadd.s32 $0x200, s8;
	s9 =	sadd.s32 s9, s25  }
0x402: {  	[hbm4b:s9+s1] =	stream.linear.scatter [tilespmem:s7], [sflag:$0x7], $0x80, $0x38;
	[tilespmem:$0x14000] =	vst v63  }
0x403: {  	s6 =	simm.s32 $0x7  }
0x404: {  	_ =	swait.ge [sflag:s6], $0x4000  }
0x405: {  	s7 =	simm.s32 $0x10;
	s9 =	sadd.s32 $0x0, s30;
	[sflag:s6] =	ssyncset.done $0x0  }
0x406: {  	s8 =	simm.s32 $0x300;
	[sflag:s6] =	ssyncadd.s32 $0xFFFFC000;
	s6 =	simm.s32 $0x100  }
.LBB2_98:
0x407: {  	[tilespmem:s6], [sflag:$0x3] =	stream.linear.gather [hbm4b:s9+s1], $0x80, $0x38;
	[tilespmem:$0x14000] =	vst v63  }
0x408: {  	s9 =	smov.u32 s7;
	s6 =	smov.u32 s8;
	p0 =	sne.s32 s7, $0x7F0  }
.Ltmp48:
0x409: {  	s7 =	sadd.s32 $0x10, s7;
	(pc) =	sbr.rel @p0 .LBB2_98-.Ltmp48, $2  }
0x40a: {  	_ =	sdelay $0x2  }
0x40b: {  	s8 =	sadd.s32 $0x200, s8;
	s9 =	sadd.s32 s9, s30  }
0x40c: {  	[tilespmem:s6], [sflag:$0x3] =	stream.linear.gather [hbm4b:s9+s1], $0x80, $0x38;
	[tilespmem:$0x14000] =	vst v63  }
0x40d: {  	s30 =	simm.s32 $0x4  }
0x40e: {  	_ =	swait.ge [sflag:s30], $0x4000  }
0x40f: {  	[sflag:s30] =	ssyncset.done $0x0  }
0x410: {  	s6 =	simm.s32 $0x1F0;
	[sflag:s30] =	ssyncadd.s32 $0xFFFFC000  }
0x411: {  	s7 =	simm.s32 $0x10040;
	v1 =	vld [tilespmem:s6+$0x0]  }
0x412: {  	v2 =	vld [tilespmem:s7+$0x30]  }
0x413: {  	v3 =	vld [tilespmem:s6+$0xFFFFFFA0]  }
0x414: {  	v4 =	vld [tilespmem:s7+$0xFFFFFFD0]  }
0x415: {  	v5 =	vld [tilespmem:s6+$0xFFFFFFB0]  }
0x416: {  	v6 =	vld [tilespmem:s7+$0xFFFFFFE0]  }
0x417: {  	v7 =	vld [tilespmem:s6+$0xFFFFFFC0]  }
0x418: {  	v8 =	vld [tilespmem:s7+$0xFFFFFFF0]  }
0x419: {  	v0 =	vld [tilespmem:s7+$0xFFFFFFC0]  }
0x41a: {  	v9 =	vld [tilespmem:s6+$0xFFFFFFD0];
	v2 =	vadd.f32 v2, v1  }
0x41b: {  	v10 =	vld [tilespmem:s7+$0x0];
	v4 =	vadd.f32 v4, v3  }
0x41c: {  	v1 =	vld [tilespmem:s6+$0xFFFFFFE0];
	v5 =	vadd.f32 v6, v5;
	[tilespmem:s6+$0x0] =	vst v2  }
0x41d: {  	v3 =	vld [tilespmem:s7+$0x10];
	v6 =	vadd.f32 v8, v7;
	[tilespmem:s6+$0xFFFFFFA0] =	vst v4  }
0x41e: {  	v2 =	vld [tilespmem:s6+$0xFFFFFFF0];
	[tilespmem:s6+$0xFFFFFFB0] =	vst v5  }
0x41f: {  	v5 =	vld [tilespmem:s7+$0x20];
	[tilespmem:s6+$0xFFFFFFC0] =	vst v6  }
0x420: {  	s8 =	simm.s32 $0x0;
	s9 =	simm.s32 $0x3F0;
	v4 =	vld [tilespmem:s6+$0xFFFFFF90];
	v6 =	vadd.f32 v10, v9;
	s25 =	sld [smem:$0x7F2]  }
.LBB2_100:
0x421: {  	v7 =	vld [tilespmem:s9+$0x0];
	s7 =	sadd.s32 $0x80, s7  }
0x422: {  	s8 =	sadd.s32 $0x8, s8;
	v8 =	vld [tilespmem:s7+$0x30];
	[tilespmem:s6+$0xFFFFFFD0] =	vst v6;
	v1 =	vadd.f32 v3, v1  }
0x423: {  	p0 =	slt.u32 s8, $0x3F8;
	v3 =	vld [tilespmem:s7+$0xFFFFFFC0]  }
0x424: {  	v6 =	vld [tilespmem:s9+$0xFFFFFFA0];
	[tilespmem:s6+$0xFFFFFFE0] =	vst v1;
	v1 =	vadd.f32 v5, v2  }
0x425: {  	v2 =	vld [tilespmem:s7+$0xFFFFFFD0];
	v9 =	vadd.f32 v0, v4  }
0x426: {  	v4 =	vld [tilespmem:s9+$0xFFFFFFB0];
	[tilespmem:s6+$0xFFFFFFF0] =	vst v1  }
0x427: {  	v1 =	vld [tilespmem:s7+$0xFFFFFFE0];
	v5 =	vadd.f32 v8, v7;
	[tilespmem:s6+$0xFFFFFF90] =	vst v9;
	s6 =	smov.u32 s9  }
0x428: {  	v7 =	vld [tilespmem:s9+$0xFFFFFFC0];
	v0 =	vmov v3  }
0x429: {  	v8 =	vld [tilespmem:s7+$0xFFFFFFF0];
	[tilespmem:s9+$0x0] =	vst v5  }
0x42a: {  	v2 =	vadd.f32 v2, v6;
	v6 =	vld [tilespmem:s9+$0xFFFFFFD0]  }
0x42b: {  	v9 =	vld [tilespmem:s7+$0x0]  }
.Ltmp49:
0x42c: {  	[tilespmem:s9+$0xFFFFFFA0] =	vst v2;
	v2 =	vadd.f32 v1, v4;
	v1 =	vld [tilespmem:s9+$0xFFFFFFE0];
	(pc) =	sbr.rel @p0 .LBB2_100-.Ltmp49, $4  }
0x42d: {  	v3 =	vld [tilespmem:s7+$0x10]  }
0x42e: {  	[tilespmem:s9+$0xFFFFFFB0] =	vst v2;
	v7 =	vadd.f32 v8, v7;
	v2 =	vld [tilespmem:s9+$0xFFFFFFF0]  }
0x42f: {  	v5 =	vld [tilespmem:s7+$0x20]  }
0x430: {  	s9 =	sadd.s32 $0x200, s9;
	v4 =	vld [tilespmem:s6+$0xFFFFFF90];
	[tilespmem:s6+$0xFFFFFFC0] =	vst v7;
	v6 =	vadd.f32 v9, v6  }
0x431: {  	_ =	sdelay $0x1  }
0x432: {  	v1 =	vadd.f32 v3, v1  }
0x433: {  	[tilespmem:s6+$0xFFFFFFD0] =	vst v6;
	v2 =	vadd.f32 v5, v2  }
0x434: {  	[tilespmem:s6+$0xFFFFFFE0] =	vst v1;
	v0 =	vadd.f32 v0, v4  }
0x435: {  	[tilespmem:s6+$0xFFFFFFF0] =	vst v2  }
0x436: {  	[tilespmem:s6+$0xFFFFFF90] =	vst v0  }
0x437: {  	s26 =	sld [smem:$0x7D2];
	_ =	sdelay $0x1  }
0x438: {  	s7 =	simm.s32 $0x180  }
0x439: {  	s8 =	simm.s32 $0x380;
	s6 =	simm.s32 $0x10;
	s9 =	sadd.s32 $0x0, s26  }
.LBB2_102:
0x43a: {  	[hbm4b:s9+s1] =	stream.linear.scatter [tilespmem:s7], [sflag:$0x8], $0x80, $0x38;
	[tilespmem:$0x14000] =	vst v63  }
0x43b: {  	s9 =	smov.u32 s6;
	s7 =	smov.u32 s8;
	p0 =	sne.s32 s6, $0x7F0  }
.Ltmp50:
0x43c: {  	s6 =	sadd.s32 $0x10, s6;
	(pc) =	sbr.rel @p0 .LBB2_102-.Ltmp50, $2  }
0x43d: {  	_ =	sdelay $0x2  }
0x43e: {  	s8 =	sadd.s32 $0x200, s8;
	s9 =	sadd.s32 s9, s26  }
0x43f: {  	[hbm4b:s9+s1] =	stream.linear.scatter [tilespmem:s7], [sflag:$0x8], $0x80, $0x38;
	[tilespmem:$0x14000] =	vst v63  }
0x440: {  	s6 =	simm.s32 $0x8  }
0x441: {  	_ =	swait.ge [sflag:s6], $0x4000  }
0x442: {  	s7 =	simm.s32 $0x10;
	s9 =	sadd.s32 $0x0, s31;
	[sflag:s6] =	ssyncset.done $0x0  }
0x443: {  	s8 =	simm.s32 $0x380;
	[sflag:s6] =	ssyncadd.s32 $0xFFFFC000;
	s6 =	simm.s32 $0x180  }
.LBB2_104:
0x444: {  	[tilespmem:s6], [sflag:$0x4] =	stream.linear.gather [hbm4b:s9+s1], $0x80, $0x38;
	[tilespmem:$0x14000] =	vst v63  }
0x445: {  	s9 =	smov.u32 s7;
	s6 =	smov.u32 s8;
	p0 =	sne.s32 s7, $0x7F0  }
.Ltmp51:
0x446: {  	s7 =	sadd.s32 $0x10, s7;
	(pc) =	sbr.rel @p0 .LBB2_104-.Ltmp51, $2  }
0x447: {  	_ =	sdelay $0x2  }
0x448: {  	s8 =	sadd.s32 $0x200, s8;
	s9 =	sadd.s32 s9, s31  }
0x449: {  	s29 =	sld [smem:$0x7D3]  }
0x44a: {  	[tilespmem:s6], [sflag:$0x4] =	stream.linear.gather [hbm4b:s9+s1], $0x80, $0x38;
	[tilespmem:$0x14000] =	vst v63  }
0x44b: {  	s7 =	simm.s32 $0x10000;
	s30 =	simm.s32 $0x9  }
0x44c: {  	[tilespmem:s7], [sflag:$0x9] =	stream.linear.gather [hbm4b:s29+s1], $0x4000, $0x38;
	[tilespmem:$0x14000] =	vst v63  }
0x44d: {  	_ =	swait.ge [sflag:s30], $0x4000  }
0x44e: {  	[sflag:s30] =	ssyncset.done $0x0  }
0x44f: {  	s31 =	simm.s32 $0x1;
	[sflag:s30] =	ssyncadd.s32 $0xFFFFC000  }
0x450: {  	_ =	swait.ge [sflag:s31], $0x4000  }
0x451: {  	[sflag:s31] =	ssyncset.done $0x0  }
0x452: {  	s6 =	simm.s32 $0x40;
	[sflag:s31] =	ssyncadd.s32 $0xFFFFC000  }
0x453: {  	s7 =	simm.s32 $0x10040;
	v1 =	vld [tilespmem:s6+$0x30]  }
0x454: {  	v2 =	vld [tilespmem:s7+$0x30]  }
0x455: {  	v3 =	vld [tilespmem:s6+$0xFFFFFFD0]  }
0x456: {  	v4 =	vld [tilespmem:s7+$0xFFFFFFD0]  }
0x457: {  	v5 =	vld [tilespmem:s6+$0xFFFFFFE0]  }
0x458: {  	v6 =	vld [tilespmem:s7+$0xFFFFFFE0]  }
0x459: {  	v7 =	vld [tilespmem:s6+$0xFFFFFFF0]  }
0x45a: {  	v8 =	vld [tilespmem:s7+$0xFFFFFFF0]  }
0x45b: {  	v0 =	vld [tilespmem:s7+$0xFFFFFFC0]  }
0x45c: {  	v9 =	vld [tilespmem:s6+$0x0];
	v2 =	vadd.f32 v2, v1  }
0x45d: {  	v10 =	vld [tilespmem:s7+$0x0];
	v4 =	vadd.f32 v4, v3  }
0x45e: {  	v1 =	vld [tilespmem:s6+$0x10];
	v5 =	vadd.f32 v6, v5;
	[tilespmem:s6+$0x30] =	vst v2  }
0x45f: {  	v3 =	vld [tilespmem:s7+$0x10];
	v6 =	vadd.f32 v8, v7;
	[tilespmem:s6+$0xFFFFFFD0] =	vst v4  }
0x460: {  	v2 =	vld [tilespmem:s6+$0x20];
	[tilespmem:s6+$0xFFFFFFE0] =	vst v5  }
0x461: {  	v5 =	vld [tilespmem:s7+$0x20];
	[tilespmem:s6+$0xFFFFFFF0] =	vst v6  }
0x462: {  	s8 =	simm.s32 $0x0;
	s9 =	simm.s32 $0x240;
	v4 =	vld [tilespmem:s6+$0xFFFFFFC0];
	v6 =	vadd.f32 v10, v9;
	s26 =	sld [smem:$0x7F3]  }
.LBB2_106:
0x463: {  	v7 =	vld [tilespmem:s9+$0x30];
	s7 =	sadd.s32 $0x80, s7  }
0x464: {  	s8 =	sadd.s32 $0x8, s8;
	v8 =	vld [tilespmem:s7+$0x30];
	[tilespmem:s6+$0x0] =	vst v6;
	v1 =	vadd.f32 v3, v1  }
0x465: {  	p0 =	slt.u32 s8, $0x3F8;
	v3 =	vld [tilespmem:s7+$0xFFFFFFC0]  }
0x466: {  	v6 =	vld [tilespmem:s9+$0xFFFFFFD0];
	[tilespmem:s6+$0x10] =	vst v1;
	v1 =	vadd.f32 v5, v2  }
0x467: {  	v2 =	vld [tilespmem:s7+$0xFFFFFFD0];
	v9 =	vadd.f32 v0, v4  }
0x468: {  	v4 =	vld [tilespmem:s9+$0xFFFFFFE0];
	[tilespmem:s6+$0x20] =	vst v1  }
0x469: {  	v1 =	vld [tilespmem:s7+$0xFFFFFFE0];
	v5 =	vadd.f32 v8, v7;
	[tilespmem:s6+$0xFFFFFFC0] =	vst v9;
	s6 =	smov.u32 s9  }
0x46a: {  	v7 =	vld [tilespmem:s9+$0xFFFFFFF0];
	v0 =	vmov v3  }
0x46b: {  	v8 =	vld [tilespmem:s7+$0xFFFFFFF0];
	[tilespmem:s9+$0x30] =	vst v5  }
0x46c: {  	v2 =	vadd.f32 v2, v6;
	v6 =	vld [tilespmem:s9+$0x0]  }
0x46d: {  	v9 =	vld [tilespmem:s7+$0x0]  }
.Ltmp52:
0x46e: {  	[tilespmem:s9+$0xFFFFFFD0] =	vst v2;
	v2 =	vadd.f32 v1, v4;
	v1 =	vld [tilespmem:s9+$0x10];
	(pc) =	sbr.rel @p0 .LBB2_106-.Ltmp52, $4  }
0x46f: {  	v3 =	vld [tilespmem:s7+$0x10]  }
0x470: {  	[tilespmem:s9+$0xFFFFFFE0] =	vst v2;
	v7 =	vadd.f32 v8, v7;
	v2 =	vld [tilespmem:s9+$0x20]  }
0x471: {  	v5 =	vld [tilespmem:s7+$0x20]  }
0x472: {  	s9 =	sadd.s32 $0x200, s9;
	v4 =	vld [tilespmem:s6+$0xFFFFFFC0];
	[tilespmem:s6+$0xFFFFFFF0] =	vst v7;
	v6 =	vadd.f32 v9, v6  }
0x473: {  	_ =	sdelay $0x1  }
0x474: {  	v1 =	vadd.f32 v3, v1  }
0x475: {  	[tilespmem:s6+$0x0] =	vst v6;
	v2 =	vadd.f32 v5, v2  }
0x476: {  	[tilespmem:s6+$0x10] =	vst v1;
	v0 =	vadd.f32 v0, v4  }
0x477: {  	[tilespmem:s6+$0x20] =	vst v2  }
0x478: {  	[tilespmem:s6+$0xFFFFFFC0] =	vst v0  }
0x479: {  	s29 =	sld [smem:$0x7D4];
	_ =	sdelay $0x1  }
0x47a: {  	s7 =	simm.s32 $0x0  }
0x47b: {  	s8 =	simm.s32 $0x200;
	s6 =	simm.s32 $0x10;
	s9 =	sadd.s32 $0x0, s29  }
.LBB2_108:
0x47c: {  	[hbm4b:s9+s1] =	stream.linear.scatter [tilespmem:s7], [sflag:$0x5], $0x80, $0x38;
	[tilespmem:$0x14000] =	vst v63  }
0x47d: {  	s9 =	smov.u32 s6;
	s7 =	smov.u32 s8;
	p0 =	sne.s32 s6, $0x7F0  }
.Ltmp53:
0x47e: {  	s6 =	sadd.s32 $0x10, s6;
	(pc) =	sbr.rel @p0 .LBB2_108-.Ltmp53, $2  }
0x47f: {  	_ =	sdelay $0x2  }
0x480: {  	s8 =	sadd.s32 $0x200, s8;
	s9 =	sadd.s32 s9, s29  }
0x481: {  	[hbm4b:s9+s1] =	stream.linear.scatter [tilespmem:s7], [sflag:$0x5], $0x80, $0x38;
	[tilespmem:$0x14000] =	vst v63  }
0x482: {  	s6 =	simm.s32 $0x5  }
0x483: {  	_ =	swait.ge [sflag:s6], $0x4000  }
0x484: {  	s7 =	simm.s32 $0x10;
	s9 =	sadd.s32 $0x0, s0;
	[sflag:s6] =	ssyncset.done $0x0  }
0x485: {  	s8 =	simm.s32 $0x200;
	[sflag:s6] =	ssyncadd.s32 $0xFFFFC000;
	s6 =	simm.s32 $0x0  }
.LBB2_110:
0x486: {  	[tilespmem:s6], [sflag:$0x1] =	stream.linear.gather [hbm4b:s9+s1], $0x80, $0x38;
	[tilespmem:$0x14000] =	vst v63  }
0x487: {  	s9 =	smov.u32 s7;
	s6 =	smov.u32 s8;
	p0 =	sne.s32 s7, $0x7F0  }
.Ltmp54:
0x488: {  	s7 =	sadd.s32 $0x10, s7;
	(pc) =	sbr.rel @p0 .LBB2_110-.Ltmp54, $2  }
0x489: {  	_ =	sdelay $0x2  }
0x48a: {  	s8 =	sadd.s32 $0x200, s8;
	s9 =	sadd.s32 s9, s0  }
0x48b: {  	[tilespmem:s6], [sflag:$0x1] =	stream.linear.gather [hbm4b:s9+s1], $0x80, $0x38;
	[tilespmem:$0x14000] =	vst v63  }
0x48c: {  	s0 =	simm.s32 $0x2  }
0x48d: {  	_ =	swait.ge [sflag:s0], $0x4000  }
0x48e: {  	[sflag:s0] =	ssyncset.done $0x0  }
0x48f: {  	s6 =	simm.s32 $0xF0;
	[sflag:s0] =	ssyncadd.s32 $0xFFFFC000  }
0x490: {  	s7 =	simm.s32 $0x10040;
	v1 =	vld [tilespmem:s6+$0x0]  }
0x491: {  	v2 =	vld [tilespmem:s7+$0x30]  }
0x492: {  	v3 =	vld [tilespmem:s6+$0xFFFFFFA0]  }
0x493: {  	v4 =	vld [tilespmem:s7+$0xFFFFFFD0]  }
0x494: {  	v5 =	vld [tilespmem:s6+$0xFFFFFFB0]  }
0x495: {  	v6 =	vld [tilespmem:s7+$0xFFFFFFE0]  }
0x496: {  	v7 =	vld [tilespmem:s6+$0xFFFFFFC0]  }
0x497: {  	v8 =	vld [tilespmem:s7+$0xFFFFFFF0]  }
0x498: {  	v0 =	vld [tilespmem:s7+$0xFFFFFFC0]  }
0x499: {  	v9 =	vld [tilespmem:s6+$0xFFFFFFD0];
	v2 =	vadd.f32 v2, v1  }
0x49a: {  	v10 =	vld [tilespmem:s7+$0x0];
	v4 =	vadd.f32 v4, v3  }
0x49b: {  	v1 =	vld [tilespmem:s6+$0xFFFFFFE0];
	v5 =	vadd.f32 v6, v5;
	[tilespmem:s6+$0x0] =	vst v2  }
0x49c: {  	v3 =	vld [tilespmem:s7+$0x10];
	v6 =	vadd.f32 v8, v7;
	[tilespmem:s6+$0xFFFFFFA0] =	vst v4  }
0x49d: {  	v2 =	vld [tilespmem:s6+$0xFFFFFFF0];
	[tilespmem:s6+$0xFFFFFFB0] =	vst v5  }
0x49e: {  	v5 =	vld [tilespmem:s7+$0x20];
	[tilespmem:s6+$0xFFFFFFC0] =	vst v6  }
0x49f: {  	s8 =	simm.s32 $0x0;
	s9 =	simm.s32 $0x2F0;
	v4 =	vld [tilespmem:s6+$0xFFFFFF90];
	v6 =	vadd.f32 v10, v9;
	s29 =	sld [smem:$0x7F4]  }
.LBB2_112:
0x4a0: {  	v7 =	vld [tilespmem:s9+$0x0];
	s7 =	sadd.s32 $0x80, s7  }
0x4a1: {  	s8 =	sadd.s32 $0x8, s8;
	v8 =	vld [tilespmem:s7+$0x30];
	[tilespmem:s6+$0xFFFFFFD0] =	vst v6;
	v1 =	vadd.f32 v3, v1  }
0x4a2: {  	p0 =	slt.u32 s8, $0x3F8;
	v3 =	vld [tilespmem:s7+$0xFFFFFFC0]  }
0x4a3: {  	v6 =	vld [tilespmem:s9+$0xFFFFFFA0];
	[tilespmem:s6+$0xFFFFFFE0] =	vst v1;
	v1 =	vadd.f32 v5, v2  }
0x4a4: {  	v2 =	vld [tilespmem:s7+$0xFFFFFFD0];
	v9 =	vadd.f32 v0, v4  }
0x4a5: {  	v4 =	vld [tilespmem:s9+$0xFFFFFFB0];
	[tilespmem:s6+$0xFFFFFFF0] =	vst v1  }
0x4a6: {  	v1 =	vld [tilespmem:s7+$0xFFFFFFE0];
	v5 =	vadd.f32 v8, v7;
	[tilespmem:s6+$0xFFFFFF90] =	vst v9;
	s6 =	smov.u32 s9  }
0x4a7: {  	v7 =	vld [tilespmem:s9+$0xFFFFFFC0];
	v0 =	vmov v3  }
0x4a8: {  	v8 =	vld [tilespmem:s7+$0xFFFFFFF0];
	[tilespmem:s9+$0x0] =	vst v5  }
0x4a9: {  	v2 =	vadd.f32 v2, v6;
	v6 =	vld [tilespmem:s9+$0xFFFFFFD0]  }
0x4aa: {  	v9 =	vld [tilespmem:s7+$0x0]  }
.Ltmp55:
0x4ab: {  	[tilespmem:s9+$0xFFFFFFA0] =	vst v2;
	v2 =	vadd.f32 v1, v4;
	v1 =	vld [tilespmem:s9+$0xFFFFFFE0];
	(pc) =	sbr.rel @p0 .LBB2_112-.Ltmp55, $4  }
0x4ac: {  	v3 =	vld [tilespmem:s7+$0x10]  }
0x4ad: {  	[tilespmem:s9+$0xFFFFFFB0] =	vst v2;
	v7 =	vadd.f32 v8, v7;
	v2 =	vld [tilespmem:s9+$0xFFFFFFF0]  }
0x4ae: {  	v5 =	vld [tilespmem:s7+$0x20]  }
0x4af: {  	s9 =	sadd.s32 $0x200, s9;
	v4 =	vld [tilespmem:s6+$0xFFFFFF90];
	[tilespmem:s6+$0xFFFFFFC0] =	vst v7;
	v6 =	vadd.f32 v9, v6  }
0x4b0: {  	_ =	sdelay $0x1  }
0x4b1: {  	v1 =	vadd.f32 v3, v1  }
0x4b2: {  	[tilespmem:s6+$0xFFFFFFD0] =	vst v6;
	v2 =	vadd.f32 v5, v2  }
0x4b3: {  	[tilespmem:s6+$0xFFFFFFE0] =	vst v1;
	v0 =	vadd.f32 v0, v4  }
0x4b4: {  	[tilespmem:s6+$0xFFFFFFF0] =	vst v2  }
0x4b5: {  	[tilespmem:s6+$0xFFFFFF90] =	vst v0  }
0x4b6: {  	s30 =	sld [smem:$0x7D5];
	_ =	sdelay $0x1  }
0x4b7: {  	s7 =	simm.s32 $0x80;
	s8 =	simm.s32 $0x280  }
0x4b8: {  	s6 =	simm.s32 $0x10;
	s0 =	sld [smem:$0x7DA];
	s9 =	sadd.s32 $0x0, s30  }
.LBB2_114:
0x4b9: {  	[hbm4b:s9+s1] =	stream.linear.scatter [tilespmem:s7], [sflag:$0x6], $0x80, $0x38;
	[tilespmem:$0x14000] =	vst v63  }
0x4ba: {  	s9 =	smov.u32 s6;
	s7 =	smov.u32 s8;
	p0 =	sne.s32 s6, $0x7F0  }
.Ltmp56:
0x4bb: {  	s6 =	sadd.s32 $0x10, s6;
	(pc) =	sbr.rel @p0 .LBB2_114-.Ltmp56, $2  }
0x4bc: {  	_ =	sdelay $0x2  }
0x4bd: {  	s8 =	sadd.s32 $0x200, s8;
	s9 =	sadd.s32 s9, s30  }
0x4be: {  	[hbm4b:s9+s1] =	stream.linear.scatter [tilespmem:s7], [sflag:$0x6], $0x80, $0x38;
	[tilespmem:$0x14000] =	vst v63  }
0x4bf: {  	s6 =	simm.s32 $0x6  }
0x4c0: {  	_ =	swait.ge [sflag:s6], $0x4000  }
0x4c1: {  	s7 =	simm.s32 $0x10;
	s9 =	sadd.s32 $0x0, s0;
	[sflag:s6] =	ssyncset.done $0x0  }
0x4c2: {  	s8 =	simm.s32 $0x280;
	[sflag:s6] =	ssyncadd.s32 $0xFFFFC000;
	s6 =	simm.s32 $0x80  }
.LBB2_116:
0x4c3: {  	[tilespmem:s6], [sflag:$0x2] =	stream.linear.gather [hbm4b:s9+s1], $0x80, $0x38;
	[tilespmem:$0x14000] =	vst v63  }
0x4c4: {  	s9 =	smov.u32 s7;
	s6 =	smov.u32 s8;
	p0 =	sne.s32 s7, $0x7F0  }
.Ltmp57:
0x4c5: {  	s7 =	sadd.s32 $0x10, s7;
	(pc) =	sbr.rel @p0 .LBB2_116-.Ltmp57, $2  }
0x4c6: {  	_ =	sdelay $0x2  }
0x4c7: {  	s8 =	sadd.s32 $0x200, s8;
	s9 =	sadd.s32 s9, s0  }
0x4c8: {  	[tilespmem:s6], [sflag:$0x2] =	stream.linear.gather [hbm4b:s9+s1], $0x80, $0x38;
	[tilespmem:$0x14000] =	vst v63  }
0x4c9: {  	s0 =	simm.s32 $0x3  }
0x4ca: {  	_ =	swait.ge [sflag:s0], $0x4000  }
0x4cb: {  	[sflag:s0] =	ssyncset.done $0x0  }
0x4cc: {  	s6 =	simm.s32 $0x170;
	[sflag:s0] =	ssyncadd.s32 $0xFFFFC000  }
0x4cd: {  	s7 =	simm.s32 $0x10040;
	v1 =	vld [tilespmem:s6+$0x0]  }
0x4ce: {  	v2 =	vld [tilespmem:s7+$0x30]  }
0x4cf: {  	v3 =	vld [tilespmem:s6+$0xFFFFFFA0]  }
0x4d0: {  	v4 =	vld [tilespmem:s7+$0xFFFFFFD0]  }
0x4d1: {  	v5 =	vld [tilespmem:s6+$0xFFFFFFB0]  }
0x4d2: {  	v6 =	vld [tilespmem:s7+$0xFFFFFFE0]  }
0x4d3: {  	v7 =	vld [tilespmem:s6+$0xFFFFFFC0]  }
0x4d4: {  	v8 =	vld [tilespmem:s7+$0xFFFFFFF0]  }
0x4d5: {  	v0 =	vld [tilespmem:s7+$0xFFFFFFC0]  }
0x4d6: {  	v9 =	vld [tilespmem:s6+$0xFFFFFFD0];
	v2 =	vadd.f32 v2, v1  }
0x4d7: {  	v10 =	vld [tilespmem:s7+$0x0];
	v4 =	vadd.f32 v4, v3  }
0x4d8: {  	v1 =	vld [tilespmem:s6+$0xFFFFFFE0];
	v5 =	vadd.f32 v6, v5;
	[tilespmem:s6+$0x0] =	vst v2  }
0x4d9: {  	v3 =	vld [tilespmem:s7+$0x10];
	v6 =	vadd.f32 v8, v7;
	[tilespmem:s6+$0xFFFFFFA0] =	vst v4  }
0x4da: {  	v2 =	vld [tilespmem:s6+$0xFFFFFFF0];
	[tilespmem:s6+$0xFFFFFFB0] =	vst v5  }
0x4db: {  	v5 =	vld [tilespmem:s7+$0x20];
	[tilespmem:s6+$0xFFFFFFC0] =	vst v6  }
0x4dc: {  	s8 =	simm.s32 $0x0;
	s9 =	simm.s32 $0x370;
	v4 =	vld [tilespmem:s6+$0xFFFFFF90];
	v6 =	vadd.f32 v10, v9;
	s30 =	sld [smem:$0x7F5]  }
.LBB2_118:
0x4dd: {  	v7 =	vld [tilespmem:s9+$0x0];
	s7 =	sadd.s32 $0x80, s7  }
0x4de: {  	s8 =	sadd.s32 $0x8, s8;
	v8 =	vld [tilespmem:s7+$0x30];
	[tilespmem:s6+$0xFFFFFFD0] =	vst v6;
	v1 =	vadd.f32 v3, v1  }
0x4df: {  	p0 =	slt.u32 s8, $0x3F8;
	v3 =	vld [tilespmem:s7+$0xFFFFFFC0]  }
0x4e0: {  	v6 =	vld [tilespmem:s9+$0xFFFFFFA0];
	[tilespmem:s6+$0xFFFFFFE0] =	vst v1;
	v1 =	vadd.f32 v5, v2  }
0x4e1: {  	v2 =	vld [tilespmem:s7+$0xFFFFFFD0];
	v9 =	vadd.f32 v0, v4  }
0x4e2: {  	v4 =	vld [tilespmem:s9+$0xFFFFFFB0];
	[tilespmem:s6+$0xFFFFFFF0] =	vst v1  }
0x4e3: {  	v1 =	vld [tilespmem:s7+$0xFFFFFFE0];
	v5 =	vadd.f32 v8, v7;
	[tilespmem:s6+$0xFFFFFF90] =	vst v9;
	s6 =	smov.u32 s9  }
0x4e4: {  	v7 =	vld [tilespmem:s9+$0xFFFFFFC0];
	v0 =	vmov v3  }
0x4e5: {  	v8 =	vld [tilespmem:s7+$0xFFFFFFF0];
	[tilespmem:s9+$0x0] =	vst v5  }
0x4e6: {  	v2 =	vadd.f32 v2, v6;
	v6 =	vld [tilespmem:s9+$0xFFFFFFD0]  }
0x4e7: {  	v9 =	vld [tilespmem:s7+$0x0]  }
.Ltmp58:
0x4e8: {  	[tilespmem:s9+$0xFFFFFFA0] =	vst v2;
	v2 =	vadd.f32 v1, v4;
	v1 =	vld [tilespmem:s9+$0xFFFFFFE0];
	(pc) =	sbr.rel @p0 .LBB2_118-.Ltmp58, $4  }
0x4e9: {  	v3 =	vld [tilespmem:s7+$0x10]  }
0x4ea: {  	[tilespmem:s9+$0xFFFFFFB0] =	vst v2;
	v7 =	vadd.f32 v8, v7;
	v2 =	vld [tilespmem:s9+$0xFFFFFFF0]  }
0x4eb: {  	v5 =	vld [tilespmem:s7+$0x20]  }
0x4ec: {  	s9 =	sadd.s32 $0x200, s9;
	v4 =	vld [tilespmem:s6+$0xFFFFFF90];
	[tilespmem:s6+$0xFFFFFFC0] =	vst v7;
	v6 =	vadd.f32 v9, v6  }
0x4ed: {  	_ =	sdelay $0x1  }
0x4ee: {  	v1 =	vadd.f32 v3, v1  }
0x4ef: {  	[tilespmem:s6+$0xFFFFFFD0] =	vst v6;
	v2 =	vadd.f32 v5, v2  }
0x4f0: {  	[tilespmem:s6+$0xFFFFFFE0] =	vst v1;
	v0 =	vadd.f32 v0, v4  }
0x4f1: {  	[tilespmem:s6+$0xFFFFFFF0] =	vst v2  }
0x4f2: {  	[tilespmem:s6+$0xFFFFFF90] =	vst v0  }
0x4f3: {  	s31 =	sld [smem:$0x7D6];
	_ =	sdelay $0x1  }
0x4f4: {  	s7 =	simm.s32 $0x100  }
0x4f5: {  	s8 =	simm.s32 $0x300;
	s6 =	simm.s32 $0x10;
	s9 =	sadd.s32 $0x0, s31  }
.LBB2_120:
0x4f6: {  	[hbm4b:s9+s1] =	stream.linear.scatter [tilespmem:s7], [sflag:$0x7], $0x80, $0x38;
	[tilespmem:$0x14000] =	vst v63  }
0x4f7: {  	s9 =	smov.u32 s6;
	s7 =	smov.u32 s8;
	p0 =	sne.s32 s6, $0x7F0  }
.Ltmp59:
0x4f8: {  	s6 =	sadd.s32 $0x10, s6;
	(pc) =	sbr.rel @p0 .LBB2_120-.Ltmp59, $2  }
0x4f9: {  	_ =	sdelay $0x2  }
0x4fa: {  	s8 =	sadd.s32 $0x200, s8;
	s9 =	sadd.s32 s9, s31  }
0x4fb: {  	[hbm4b:s9+s1] =	stream.linear.scatter [tilespmem:s7], [sflag:$0x7], $0x80, $0x38;
	[tilespmem:$0x14000] =	vst v63  }
0x4fc: {  	s0 =	simm.s32 $0x7  }
0x4fd: {  	_ =	swait.ge [sflag:s0], $0x4000  }
0x4fe: {  	s6 =	simm.s32 $0x100;
	s7 =	simm.s32 $0x10;
	[sflag:s0] =	ssyncset.done $0x0  }
0x4ff: {  	s9 =	sadd.s32 $0x0, s12;
	s8 =	simm.s32 $0x300;
	[sflag:s0] =	ssyncadd.s32 $0xFFFFC000  }
.LBB2_122:
0x500: {  	[tilespmem:s6], [sflag:$0x3] =	stream.linear.gather [hbm4b:s9+s1], $0x80, $0x38;
	[tilespmem:$0x14000] =	vst v63  }
0x501: {  	s9 =	smov.u32 s7;
	s6 =	smov.u32 s8;
	p0 =	sne.s32 s7, $0x7F0  }
.Ltmp60:
0x502: {  	s7 =	sadd.s32 $0x10, s7;
	(pc) =	sbr.rel @p0 .LBB2_122-.Ltmp60, $2  }
0x503: {  	_ =	sdelay $0x2  }
0x504: {  	s8 =	sadd.s32 $0x200, s8;
	s9 =	sadd.s32 s9, s12  }
0x505: {  	[tilespmem:s6], [sflag:$0x3] =	stream.linear.gather [hbm4b:s9+s1], $0x80, $0x38;
	[tilespmem:$0x14000] =	vst v63  }
0x506: {  	s0 =	simm.s32 $0x4  }
0x507: {  	_ =	swait.ge [sflag:s0], $0x4000  }
0x508: {  	[sflag:s0] =	ssyncset.done $0x0  }
0x509: {  	s6 =	simm.s32 $0x1F0;
	[sflag:s0] =	ssyncadd.s32 $0xFFFFC000  }
0x50a: {  	s7 =	simm.s32 $0x10040;
	v1 =	vld [tilespmem:s6+$0x0]  }
0x50b: {  	v2 =	vld [tilespmem:s7+$0x30]  }
0x50c: {  	v3 =	vld [tilespmem:s6+$0xFFFFFFA0]  }
0x50d: {  	v4 =	vld [tilespmem:s7+$0xFFFFFFD0]  }
0x50e: {  	v5 =	vld [tilespmem:s6+$0xFFFFFFB0]  }
0x50f: {  	v6 =	vld [tilespmem:s7+$0xFFFFFFE0]  }
0x510: {  	v7 =	vld [tilespmem:s6+$0xFFFFFFC0]  }
0x511: {  	v8 =	vld [tilespmem:s7+$0xFFFFFFF0]  }
0x512: {  	v0 =	vld [tilespmem:s7+$0xFFFFFFC0]  }
0x513: {  	v9 =	vld [tilespmem:s6+$0xFFFFFFD0];
	v2 =	vadd.f32 v2, v1  }
0x514: {  	v10 =	vld [tilespmem:s7+$0x0];
	v4 =	vadd.f32 v4, v3  }
0x515: {  	v1 =	vld [tilespmem:s6+$0xFFFFFFE0];
	v5 =	vadd.f32 v6, v5;
	[tilespmem:s6+$0x0] =	vst v2  }
0x516: {  	v3 =	vld [tilespmem:s7+$0x10];
	v6 =	vadd.f32 v8, v7;
	[tilespmem:s6+$0xFFFFFFA0] =	vst v4  }
0x517: {  	v2 =	vld [tilespmem:s6+$0xFFFFFFF0];
	[tilespmem:s6+$0xFFFFFFB0] =	vst v5  }
0x518: {  	v5 =	vld [tilespmem:s7+$0x20];
	[tilespmem:s6+$0xFFFFFFC0] =	vst v6  }
0x519: {  	s8 =	simm.s32 $0x0;
	s9 =	simm.s32 $0x3F0;
	v4 =	vld [tilespmem:s6+$0xFFFFFF90];
	v6 =	vadd.f32 v10, v9;
	s31 =	sld [smem:$0x7F6]  }
.LBB2_124:
0x51a: {  	v7 =	vld [tilespmem:s9+$0x0];
	s7 =	sadd.s32 $0x80, s7  }
0x51b: {  	s8 =	sadd.s32 $0x8, s8;
	v8 =	vld [tilespmem:s7+$0x30];
	[tilespmem:s6+$0xFFFFFFD0] =	vst v6;
	v1 =	vadd.f32 v3, v1  }
0x51c: {  	p0 =	slt.u32 s8, $0x3F8;
	v3 =	vld [tilespmem:s7+$0xFFFFFFC0]  }
0x51d: {  	v6 =	vld [tilespmem:s9+$0xFFFFFFA0];
	[tilespmem:s6+$0xFFFFFFE0] =	vst v1;
	v1 =	vadd.f32 v5, v2  }
0x51e: {  	v2 =	vld [tilespmem:s7+$0xFFFFFFD0];
	v9 =	vadd.f32 v0, v4  }
0x51f: {  	v4 =	vld [tilespmem:s9+$0xFFFFFFB0];
	[tilespmem:s6+$0xFFFFFFF0] =	vst v1  }
0x520: {  	v1 =	vld [tilespmem:s7+$0xFFFFFFE0];
	v5 =	vadd.f32 v8, v7;
	[tilespmem:s6+$0xFFFFFF90] =	vst v9;
	s6 =	smov.u32 s9  }
0x521: {  	v7 =	vld [tilespmem:s9+$0xFFFFFFC0];
	v0 =	vmov v3  }
0x522: {  	v8 =	vld [tilespmem:s7+$0xFFFFFFF0];
	[tilespmem:s9+$0x0] =	vst v5  }
0x523: {  	v2 =	vadd.f32 v2, v6;
	v6 =	vld [tilespmem:s9+$0xFFFFFFD0]  }
0x524: {  	v9 =	vld [tilespmem:s7+$0x0]  }
.Ltmp61:
0x525: {  	[tilespmem:s9+$0xFFFFFFA0] =	vst v2;
	v2 =	vadd.f32 v1, v4;
	v1 =	vld [tilespmem:s9+$0xFFFFFFE0];
	(pc) =	sbr.rel @p0 .LBB2_124-.Ltmp61, $4  }
0x526: {  	v3 =	vld [tilespmem:s7+$0x10]  }
0x527: {  	[tilespmem:s9+$0xFFFFFFB0] =	vst v2;
	v7 =	vadd.f32 v8, v7;
	v2 =	vld [tilespmem:s9+$0xFFFFFFF0]  }
0x528: {  	v5 =	vld [tilespmem:s7+$0x20]  }
0x529: {  	s9 =	sadd.s32 $0x200, s9;
	v4 =	vld [tilespmem:s6+$0xFFFFFF90];
	[tilespmem:s6+$0xFFFFFFC0] =	vst v7;
	v6 =	vadd.f32 v9, v6  }
0x52a: {  	_ =	sdelay $0x1  }
0x52b: {  	v1 =	vadd.f32 v3, v1  }
0x52c: {  	[tilespmem:s6+$0xFFFFFFD0] =	vst v6;
	v2 =	vadd.f32 v5, v2  }
0x52d: {  	[tilespmem:s6+$0xFFFFFFE0] =	vst v1;
	v0 =	vadd.f32 v0, v4  }
0x52e: {  	[tilespmem:s6+$0xFFFFFFF0] =	vst v2  }
0x52f: {  	[tilespmem:s6+$0xFFFFFF90] =	vst v0  }
0x530: {  	s0 =	sld [smem:$0x7D7];
	_ =	sdelay $0x1  }
0x531: {  	s7 =	simm.s32 $0x180  }
0x532: {  	s8 =	simm.s32 $0x380;
	s6 =	simm.s32 $0x10;
	s9 =	sadd.s32 $0x0, s0  }
.LBB2_126:
0x533: {  	[hbm4b:s9+s1] =	stream.linear.scatter [tilespmem:s7], [sflag:$0x8], $0x80, $0x38;
	[tilespmem:$0x14000] =	vst v63  }
0x534: {  	s9 =	smov.u32 s6;
	s7 =	smov.u32 s8;
	p0 =	sne.s32 s6, $0x7F0  }
.Ltmp62:
0x535: {  	s6 =	sadd.s32 $0x10, s6;
	(pc) =	sbr.rel @p0 .LBB2_126-.Ltmp62, $2  }
0x536: {  	_ =	sdelay $0x2  }
0x537: {  	s8 =	sadd.s32 $0x200, s8;
	s9 =	sadd.s32 s9, s0  }
0x538: {  	[hbm4b:s9+s1] =	stream.linear.scatter [tilespmem:s7], [sflag:$0x8], $0x80, $0x38;
	[tilespmem:$0x14000] =	vst v63  }
0x539: {  	s0 =	simm.s32 $0x8  }
0x53a: {  	_ =	swait.ge [sflag:s0], $0x4000  }
0x53b: {  	s6 =	simm.s32 $0x180;
	s7 =	simm.s32 $0x10;
	[sflag:s0] =	ssyncset.done $0x0  }
0x53c: {  	s9 =	sadd.s32 $0x0, s18;
	s8 =	simm.s32 $0x380;
	[sflag:s0] =	ssyncadd.s32 $0xFFFFC000  }
.LBB2_128:
0x53d: {  	[tilespmem:s6], [sflag:$0x4] =	stream.linear.gather [hbm4b:s9+s1], $0x80, $0x38;
	[tilespmem:$0x14000] =	vst v63  }
0x53e: {  	s9 =	smov.u32 s7;
	s6 =	smov.u32 s8;
	p0 =	sne.s32 s7, $0x7F0  }
.Ltmp63:
0x53f: {  	s7 =	sadd.s32 $0x10, s7;
	(pc) =	sbr.rel @p0 .LBB2_128-.Ltmp63, $2  }
0x540: {  	_ =	sdelay $0x2  }
0x541: {  	s8 =	sadd.s32 $0x200, s8;
	s9 =	sadd.s32 s9, s18  }
0x542: {  	s0 =	sld [smem:$0x7D9]  }
0x543: {  	[tilespmem:s6], [sflag:$0x4] =	stream.linear.gather [hbm4b:s9+s1], $0x80, $0x38;
	[tilespmem:$0x14000] =	vst v63  }
0x544: {  	s17 =	simm.s32 $0x10000;
	s18 =	simm.s32 $0x9  }
0x545: {  	[tilespmem:s17], [sflag:$0x9] =	stream.linear.gather [hbm4b:s0+s1], $0x4000, $0x38;
	[tilespmem:$0x14000] =	vst v63  }
0x546: {  	_ =	swait.ge [sflag:s18], $0x4000  }
0x547: {  	[sflag:s18] =	ssyncset.done $0x0  }
0x548: {  	s19 =	simm.s32 $0x1;
	[sflag:s18] =	ssyncadd.s32 $0xFFFFC000  }
0x549: {  	_ =	swait.ge [sflag:s19], $0x4000  }
0x54a: {  	[sflag:s19] =	ssyncset.done $0x0  }
0x54b: {  	s6 =	simm.s32 $0x40;
	[sflag:s19] =	ssyncadd.s32 $0xFFFFC000  }
0x54c: {  	s7 =	simm.s32 $0x10040;
	v1 =	vld [tilespmem:s6+$0x30]  }
0x54d: {  	v2 =	vld [tilespmem:s7+$0x30]  }
0x54e: {  	v0 =	vld [tilespmem:s7+$0xFFFFFFC0]  }
0x54f: {  	v3 =	vld [tilespmem:s6+$0xFFFFFFD0]  }
0x550: {  	v4 =	vld [tilespmem:s7+$0xFFFFFFD0]  }
0x551: {  	v5 =	vld [tilespmem:s6+$0xFFFFFFE0]  }
0x552: {  	v6 =	vld [tilespmem:s7+$0xFFFFFFE0]  }
0x553: {  	v7 =	vld [tilespmem:s6+$0xFFFFFFF0]  }
0x554: {  	v8 =	vld [tilespmem:s7+$0xFFFFFFF0]  }
0x555: {  	v9 =	vld [tilespmem:s6+$0x0]  }
0x556: {  	v10 =	vld [tilespmem:s7+$0x0];
	v2 =	vadd.f32 v2, v1  }
0x557: {  	v4 =	vadd.f32 v4, v3;
	v1 =	vld [tilespmem:s6+$0x10]  }
0x558: {  	v5 =	vadd.f32 v6, v5;
	v3 =	vld [tilespmem:s7+$0x10];
	[tilespmem:s6+$0x30] =	vst v2  }
0x559: {  	v6 =	vadd.f32 v8, v7;
	[tilespmem:s6+$0xFFFFFFD0] =	vst v4;
	v2 =	vld [tilespmem:s6+$0x20]  }
0x55a: {  	[tilespmem:s6+$0xFFFFFFE0] =	vst v5;
	v5 =	vld [tilespmem:s7+$0x20]  }
0x55b: {  	s8 =	simm.s32 $0x0;
	s9 =	simm.s32 $0x240;
	v4 =	vld [tilespmem:s6+$0xFFFFFFC0];
	[tilespmem:s6+$0xFFFFFFF0] =	vst v6;
	v6 =	vadd.f32 v10, v9  }
.LBB2_130:
0x55c: {  	v7 =	vld [tilespmem:s9+$0x30];
	s7 =	sadd.s32 $0x80, s7  }
0x55d: {  	s8 =	sadd.s32 $0x8, s8;
	v8 =	vld [tilespmem:s7+$0x30];
	[tilespmem:s6+$0x0] =	vst v6;
	v1 =	vadd.f32 v3, v1  }
0x55e: {  	p0 =	slt.u32 s8, $0x3F8;
	v3 =	vld [tilespmem:s7+$0xFFFFFFC0]  }
0x55f: {  	v6 =	vld [tilespmem:s9+$0xFFFFFFD0];
	[tilespmem:s6+$0x10] =	vst v1;
	v1 =	vadd.f32 v5, v2  }
0x560: {  	v2 =	vld [tilespmem:s7+$0xFFFFFFD0];
	v9 =	vadd.f32 v0, v4  }
0x561: {  	v4 =	vld [tilespmem:s9+$0xFFFFFFE0];
	[tilespmem:s6+$0x20] =	vst v1  }
0x562: {  	v1 =	vld [tilespmem:s7+$0xFFFFFFE0];
	v5 =	vadd.f32 v8, v7;
	[tilespmem:s6+$0xFFFFFFC0] =	vst v9;
	s6 =	smov.u32 s9  }
0x563: {  	v7 =	vld [tilespmem:s9+$0xFFFFFFF0];
	v0 =	vmov v3  }
0x564: {  	v8 =	vld [tilespmem:s7+$0xFFFFFFF0];
	[tilespmem:s9+$0x30] =	vst v5  }
0x565: {  	v2 =	vadd.f32 v2, v6;
	v6 =	vld [tilespmem:s9+$0x0]  }
0x566: {  	v9 =	vld [tilespmem:s7+$0x0]  }
.Ltmp64:
0x567: {  	[tilespmem:s9+$0xFFFFFFD0] =	vst v2;
	v2 =	vadd.f32 v1, v4;
	v1 =	vld [tilespmem:s9+$0x10];
	(pc) =	sbr.rel @p0 .LBB2_130-.Ltmp64, $4  }
0x568: {  	v3 =	vld [tilespmem:s7+$0x10]  }
0x569: {  	[tilespmem:s9+$0xFFFFFFE0] =	vst v2;
	v7 =	vadd.f32 v8, v7;
	v2 =	vld [tilespmem:s9+$0x20]  }
0x56a: {  	v5 =	vld [tilespmem:s7+$0x20]  }
0x56b: {  	s9 =	sadd.s32 $0x200, s9;
	v4 =	vld [tilespmem:s6+$0xFFFFFFC0];
	[tilespmem:s6+$0xFFFFFFF0] =	vst v7;
	v6 =	vadd.f32 v9, v6  }
0x56c: {  	_ =	sdelay $0x1  }
0x56d: {  	v1 =	vadd.f32 v3, v1  }
0x56e: {  	[tilespmem:s6+$0x0] =	vst v6;
	v2 =	vadd.f32 v5, v2  }
0x56f: {  	[tilespmem:s6+$0x10] =	vst v1;
	v0 =	vadd.f32 v0, v4  }
0x570: {  	[tilespmem:s6+$0x20] =	vst v2  }
0x571: {  	[tilespmem:s6+$0xFFFFFFC0] =	vst v0  }
0x572: {  	s0 =	sld [smem:$0x7F7];
	_ =	sdelay $0x1  }
0x573: {  	s7 =	simm.s32 $0x0  }
0x574: {  	s8 =	simm.s32 $0x200;
	s6 =	simm.s32 $0x10;
	s9 =	sadd.s32 $0x0, s0  }
.LBB2_132:
0x575: {  	[hbm4b:s9+s1] =	stream.linear.scatter [tilespmem:s7], [sflag:$0x5], $0x80, $0x38;
	[tilespmem:$0x14000] =	vst v63  }
0x576: {  	s9 =	smov.u32 s6;
	s7 =	smov.u32 s8;
	p0 =	sne.s32 s6, $0x7F0  }
.Ltmp65:
0x577: {  	s6 =	sadd.s32 $0x10, s6;
	(pc) =	sbr.rel @p0 .LBB2_132-.Ltmp65, $2  }
0x578: {  	_ =	sdelay $0x2  }
0x579: {  	s8 =	sadd.s32 $0x200, s8;
	s9 =	sadd.s32 s9, s0  }
0x57a: {  	[hbm4b:s9+s1] =	stream.linear.scatter [tilespmem:s7], [sflag:$0x5], $0x80, $0x38;
	[tilespmem:$0x14000] =	vst v63  }
0x57b: {  	s6 =	simm.s32 $0x5  }
0x57c: {  	_ =	swait.ge [sflag:s6], $0x4000  }
0x57d: {  	s7 =	simm.s32 $0x10;
	s9 =	sadd.s32 $0x0, s28;
	[sflag:s6] =	ssyncset.done $0x0  }
0x57e: {  	s8 =	simm.s32 $0x200;
	[sflag:s6] =	ssyncadd.s32 $0xFFFFC000;
	s6 =	simm.s32 $0x0  }
.LBB2_134:
0x57f: {  	[tilespmem:s6], [sflag:$0x1] =	stream.linear.gather [hbm4b:s9+s1], $0x80, $0x38;
	[tilespmem:$0x14000] =	vst v63  }
0x580: {  	s9 =	smov.u32 s7;
	s6 =	smov.u32 s8;
	p0 =	sne.s32 s7, $0x7F0  }
.Ltmp66:
0x581: {  	s7 =	sadd.s32 $0x10, s7;
	(pc) =	sbr.rel @p0 .LBB2_134-.Ltmp66, $2  }
0x582: {  	_ =	sdelay $0x2  }
0x583: {  	s8 =	sadd.s32 $0x200, s8;
	s9 =	sadd.s32 s9, s28  }
0x584: {  	[tilespmem:s6], [sflag:$0x1] =	stream.linear.gather [hbm4b:s9+s1], $0x80, $0x38;
	[tilespmem:$0x14000] =	vst v63  }
0x585: {  	s28 =	simm.s32 $0x2  }
0x586: {  	_ =	swait.ge [sflag:s28], $0x4000  }
0x587: {  	[sflag:s28] =	ssyncset.done $0x0  }
0x588: {  	s6 =	simm.s32 $0xF0;
	[sflag:s28] =	ssyncadd.s32 $0xFFFFC000  }
0x589: {  	s7 =	simm.s32 $0x10040;
	v1 =	vld [tilespmem:s6+$0x0]  }
0x58a: {  	v2 =	vld [tilespmem:s7+$0x30]  }
0x58b: {  	v0 =	vld [tilespmem:s7+$0xFFFFFFC0]  }
0x58c: {  	v3 =	vld [tilespmem:s6+$0xFFFFFFA0]  }
0x58d: {  	v4 =	vld [tilespmem:s7+$0xFFFFFFD0]  }
0x58e: {  	v5 =	vld [tilespmem:s6+$0xFFFFFFB0]  }
0x58f: {  	v6 =	vld [tilespmem:s7+$0xFFFFFFE0]  }
0x590: {  	v7 =	vld [tilespmem:s6+$0xFFFFFFC0]  }
0x591: {  	v8 =	vld [tilespmem:s7+$0xFFFFFFF0]  }
0x592: {  	v9 =	vld [tilespmem:s6+$0xFFFFFFD0]  }
0x593: {  	v10 =	vld [tilespmem:s7+$0x0];
	v2 =	vadd.f32 v2, v1  }
0x594: {  	v4 =	vadd.f32 v4, v3;
	v1 =	vld [tilespmem:s6+$0xFFFFFFE0]  }
0x595: {  	v5 =	vadd.f32 v6, v5;
	v3 =	vld [tilespmem:s7+$0x10];
	[tilespmem:s6+$0x0] =	vst v2  }
0x596: {  	v6 =	vadd.f32 v8, v7;
	[tilespmem:s6+$0xFFFFFFA0] =	vst v4;
	v2 =	vld [tilespmem:s6+$0xFFFFFFF0]  }
0x597: {  	[tilespmem:s6+$0xFFFFFFB0] =	vst v5;
	v5 =	vld [tilespmem:s7+$0x20]  }
0x598: {  	s8 =	simm.s32 $0x0;
	s9 =	simm.s32 $0x2F0;
	v4 =	vld [tilespmem:s6+$0xFFFFFF90];
	[tilespmem:s6+$0xFFFFFFC0] =	vst v6;
	v6 =	vadd.f32 v10, v9  }
.LBB2_136:
0x599: {  	v7 =	vld [tilespmem:s9+$0x0];
	s7 =	sadd.s32 $0x80, s7  }
0x59a: {  	s8 =	sadd.s32 $0x8, s8;
	v8 =	vld [tilespmem:s7+$0x30];
	[tilespmem:s6+$0xFFFFFFD0] =	vst v6;
	v1 =	vadd.f32 v3, v1  }
0x59b: {  	p0 =	slt.u32 s8, $0x3F8;
	v3 =	vld [tilespmem:s7+$0xFFFFFFC0]  }
0x59c: {  	v6 =	vld [tilespmem:s9+$0xFFFFFFA0];
	[tilespmem:s6+$0xFFFFFFE0] =	vst v1;
	v1 =	vadd.f32 v5, v2  }
0x59d: {  	v2 =	vld [tilespmem:s7+$0xFFFFFFD0];
	v9 =	vadd.f32 v0, v4  }
0x59e: {  	v4 =	vld [tilespmem:s9+$0xFFFFFFB0];
	[tilespmem:s6+$0xFFFFFFF0] =	vst v1  }
0x59f: {  	v1 =	vld [tilespmem:s7+$0xFFFFFFE0];
	v5 =	vadd.f32 v8, v7;
	[tilespmem:s6+$0xFFFFFF90] =	vst v9;
	s6 =	smov.u32 s9  }
0x5a0: {  	v7 =	vld [tilespmem:s9+$0xFFFFFFC0];
	v0 =	vmov v3  }
0x5a1: {  	v8 =	vld [tilespmem:s7+$0xFFFFFFF0];
	[tilespmem:s9+$0x0] =	vst v5  }
0x5a2: {  	v2 =	vadd.f32 v2, v6;
	v6 =	vld [tilespmem:s9+$0xFFFFFFD0]  }
0x5a3: {  	v9 =	vld [tilespmem:s7+$0x0]  }
.Ltmp67:
0x5a4: {  	[tilespmem:s9+$0xFFFFFFA0] =	vst v2;
	v2 =	vadd.f32 v1, v4;
	v1 =	vld [tilespmem:s9+$0xFFFFFFE0];
	(pc) =	sbr.rel @p0 .LBB2_136-.Ltmp67, $4  }
0x5a5: {  	v3 =	vld [tilespmem:s7+$0x10]  }
0x5a6: {  	[tilespmem:s9+$0xFFFFFFB0] =	vst v2;
	v7 =	vadd.f32 v8, v7;
	v2 =	vld [tilespmem:s9+$0xFFFFFFF0]  }
0x5a7: {  	v5 =	vld [tilespmem:s7+$0x20]  }
0x5a8: {  	s9 =	sadd.s32 $0x200, s9;
	v4 =	vld [tilespmem:s6+$0xFFFFFF90];
	[tilespmem:s6+$0xFFFFFFC0] =	vst v7;
	v6 =	vadd.f32 v9, v6  }
0x5a9: {  	_ =	sdelay $0x1  }
0x5aa: {  	v1 =	vadd.f32 v3, v1  }
0x5ab: {  	[tilespmem:s6+$0xFFFFFFD0] =	vst v6;
	v2 =	vadd.f32 v5, v2  }
0x5ac: {  	[tilespmem:s6+$0xFFFFFFE0] =	vst v1;
	v0 =	vadd.f32 v0, v4  }
0x5ad: {  	[tilespmem:s6+$0xFFFFFFF0] =	vst v2  }
0x5ae: {  	[tilespmem:s6+$0xFFFFFF90] =	vst v0  }
0x5af: {  	s12 =	sld [smem:$0x7DB];
	_ =	sdelay $0x1  }
0x5b0: {  	s7 =	simm.s32 $0x80  }
0x5b1: {  	s8 =	simm.s32 $0x280;
	s6 =	simm.s32 $0x10;
	s9 =	sadd.s32 $0x0, s12  }
.LBB2_138:
0x5b2: {  	[hbm4b:s9+s1] =	stream.linear.scatter [tilespmem:s7], [sflag:$0x6], $0x80, $0x38;
	[tilespmem:$0x14000] =	vst v63  }
0x5b3: {  	s9 =	smov.u32 s6;
	s7 =	smov.u32 s8;
	p0 =	sne.s32 s6, $0x7F0  }
.Ltmp68:
0x5b4: {  	s6 =	sadd.s32 $0x10, s6;
	(pc) =	sbr.rel @p0 .LBB2_138-.Ltmp68, $2  }
0x5b5: {  	_ =	sdelay $0x2  }
0x5b6: {  	s8 =	sadd.s32 $0x200, s8;
	s9 =	sadd.s32 s9, s12  }
0x5b7: {  	[hbm4b:s9+s1] =	stream.linear.scatter [tilespmem:s7], [sflag:$0x6], $0x80, $0x38;
	[tilespmem:$0x14000] =	vst v63  }
0x5b8: {  	s6 =	simm.s32 $0x6  }
0x5b9: {  	_ =	swait.ge [sflag:s6], $0x4000  }
0x5ba: {  	s7 =	simm.s32 $0x10;
	s9 =	sadd.s32 $0x0, s2;
	[sflag:s6] =	ssyncset.done $0x0  }
0x5bb: {  	s8 =	simm.s32 $0x280;
	[sflag:s6] =	ssyncadd.s32 $0xFFFFC000;
	s6 =	simm.s32 $0x80  }
.LBB2_140:
0x5bc: {  	[tilespmem:s6], [sflag:$0x2] =	stream.linear.gather [hbm4b:s9+s1], $0x80, $0x38;
	[tilespmem:$0x14000] =	vst v63  }
0x5bd: {  	s9 =	smov.u32 s7;
	s6 =	smov.u32 s8;
	p0 =	sne.s32 s7, $0x7F0  }
.Ltmp69:
0x5be: {  	s7 =	sadd.s32 $0x10, s7;
	(pc) =	sbr.rel @p0 .LBB2_140-.Ltmp69, $2  }
0x5bf: {  	_ =	sdelay $0x2  }
0x5c0: {  	s8 =	sadd.s32 $0x200, s8;
	s9 =	sadd.s32 s9, s2  }
0x5c1: {  	[tilespmem:s6], [sflag:$0x2] =	stream.linear.gather [hbm4b:s9+s1], $0x80, $0x38;
	[tilespmem:$0x14000] =	vst v63  }
0x5c2: {  	s2 =	simm.s32 $0x3  }
0x5c3: {  	_ =	swait.ge [sflag:s2], $0x4000  }
0x5c4: {  	[sflag:s2] =	ssyncset.done $0x0  }
0x5c5: {  	s6 =	simm.s32 $0x170;
	[sflag:s2] =	ssyncadd.s32 $0xFFFFC000  }
0x5c6: {  	s7 =	simm.s32 $0x10040;
	v1 =	vld [tilespmem:s6+$0x0]  }
0x5c7: {  	v2 =	vld [tilespmem:s7+$0x30]  }
0x5c8: {  	v3 =	vld [tilespmem:s6+$0xFFFFFFA0]  }
0x5c9: {  	v4 =	vld [tilespmem:s7+$0xFFFFFFD0]  }
0x5ca: {  	v5 =	vld [tilespmem:s6+$0xFFFFFFB0]  }
0x5cb: {  	v6 =	vld [tilespmem:s7+$0xFFFFFFE0]  }
0x5cc: {  	v7 =	vld [tilespmem:s6+$0xFFFFFFC0]  }
0x5cd: {  	v8 =	vld [tilespmem:s7+$0xFFFFFFF0]  }
0x5ce: {  	v0 =	vld [tilespmem:s7+$0xFFFFFFC0]  }
0x5cf: {  	v9 =	vld [tilespmem:s6+$0xFFFFFFD0];
	v2 =	vadd.f32 v2, v1  }
0x5d0: {  	v10 =	vld [tilespmem:s7+$0x0];
	v4 =	vadd.f32 v4, v3  }
0x5d1: {  	v1 =	vld [tilespmem:s6+$0xFFFFFFE0];
	v5 =	vadd.f32 v6, v5;
	[tilespmem:s6+$0x0] =	vst v2  }
0x5d2: {  	v3 =	vld [tilespmem:s7+$0x10];
	v6 =	vadd.f32 v8, v7;
	[tilespmem:s6+$0xFFFFFFA0] =	vst v4  }
0x5d3: {  	v2 =	vld [tilespmem:s6+$0xFFFFFFF0];
	[tilespmem:s6+$0xFFFFFFB0] =	vst v5  }
0x5d4: {  	v5 =	vld [tilespmem:s7+$0x20];
	[tilespmem:s6+$0xFFFFFFC0] =	vst v6  }
0x5d5: {  	s8 =	simm.s32 $0x0;
	s9 =	simm.s32 $0x370;
	v4 =	vld [tilespmem:s6+$0xFFFFFF90];
	v6 =	vadd.f32 v10, v9;
	s12 =	sld [smem:$0x7F8]  }
.LBB2_142:
0x5d6: {  	v7 =	vld [tilespmem:s9+$0x0];
	s7 =	sadd.s32 $0x80, s7  }
0x5d7: {  	s8 =	sadd.s32 $0x8, s8;
	v8 =	vld [tilespmem:s7+$0x30];
	[tilespmem:s6+$0xFFFFFFD0] =	vst v6;
	v1 =	vadd.f32 v3, v1  }
0x5d8: {  	p0 =	slt.u32 s8, $0x3F8;
	v3 =	vld [tilespmem:s7+$0xFFFFFFC0]  }
0x5d9: {  	v6 =	vld [tilespmem:s9+$0xFFFFFFA0];
	[tilespmem:s6+$0xFFFFFFE0] =	vst v1;
	v1 =	vadd.f32 v5, v2  }
0x5da: {  	v2 =	vld [tilespmem:s7+$0xFFFFFFD0];
	v9 =	vadd.f32 v0, v4  }
0x5db: {  	v4 =	vld [tilespmem:s9+$0xFFFFFFB0];
	[tilespmem:s6+$0xFFFFFFF0] =	vst v1  }
0x5dc: {  	v1 =	vld [tilespmem:s7+$0xFFFFFFE0];
	v5 =	vadd.f32 v8, v7;
	[tilespmem:s6+$0xFFFFFF90] =	vst v9;
	s6 =	smov.u32 s9  }
0x5dd: {  	v7 =	vld [tilespmem:s9+$0xFFFFFFC0];
	v0 =	vmov v3  }
0x5de: {  	v8 =	vld [tilespmem:s7+$0xFFFFFFF0];
	[tilespmem:s9+$0x0] =	vst v5  }
0x5df: {  	v2 =	vadd.f32 v2, v6;
	v6 =	vld [tilespmem:s9+$0xFFFFFFD0]  }
0x5e0: {  	v9 =	vld [tilespmem:s7+$0x0]  }
.Ltmp70:
0x5e1: {  	[tilespmem:s9+$0xFFFFFFA0] =	vst v2;
	v2 =	vadd.f32 v1, v4;
	v1 =	vld [tilespmem:s9+$0xFFFFFFE0];
	(pc) =	sbr.rel @p0 .LBB2_142-.Ltmp70, $4  }
0x5e2: {  	v3 =	vld [tilespmem:s7+$0x10]  }
0x5e3: {  	[tilespmem:s9+$0xFFFFFFB0] =	vst v2;
	v7 =	vadd.f32 v8, v7;
	v2 =	vld [tilespmem:s9+$0xFFFFFFF0]  }
0x5e4: {  	v5 =	vld [tilespmem:s7+$0x20]  }
0x5e5: {  	s9 =	sadd.s32 $0x200, s9;
	v4 =	vld [tilespmem:s6+$0xFFFFFF90];
	[tilespmem:s6+$0xFFFFFFC0] =	vst v7;
	v6 =	vadd.f32 v9, v6  }
0x5e6: {  	_ =	sdelay $0x1  }
0x5e7: {  	v1 =	vadd.f32 v3, v1  }
0x5e8: {  	[tilespmem:s6+$0xFFFFFFD0] =	vst v6;
	v2 =	vadd.f32 v5, v2  }
0x5e9: {  	[tilespmem:s6+$0xFFFFFFE0] =	vst v1;
	v0 =	vadd.f32 v0, v4  }
0x5ea: {  	[tilespmem:s6+$0xFFFFFFF0] =	vst v2  }
0x5eb: {  	[tilespmem:s6+$0xFFFFFF90] =	vst v0  }
0x5ec: {  	s18 =	sld [smem:$0x7DC];
	_ =	sdelay $0x1  }
0x5ed: {  	s7 =	simm.s32 $0x100;
	s8 =	simm.s32 $0x300  }
0x5ee: {  	s6 =	simm.s32 $0x10;
	s2 =	sld [smem:$0x7E1];
	s9 =	sadd.s32 $0x0, s18  }
.LBB2_144:
0x5ef: {  	[hbm4b:s9+s1] =	stream.linear.scatter [tilespmem:s7], [sflag:$0x7], $0x80, $0x38;
	[tilespmem:$0x14000] =	vst v63  }
0x5f0: {  	s9 =	smov.u32 s6;
	s7 =	smov.u32 s8;
	p0 =	sne.s32 s6, $0x7F0  }
.Ltmp71:
0x5f1: {  	s6 =	sadd.s32 $0x10, s6;
	(pc) =	sbr.rel @p0 .LBB2_144-.Ltmp71, $2  }
0x5f2: {  	_ =	sdelay $0x2  }
0x5f3: {  	s8 =	sadd.s32 $0x200, s8;
	s9 =	sadd.s32 s9, s18  }
0x5f4: {  	[hbm4b:s9+s1] =	stream.linear.scatter [tilespmem:s7], [sflag:$0x7], $0x80, $0x38;
	[tilespmem:$0x14000] =	vst v63  }
0x5f5: {  	s6 =	simm.s32 $0x7  }
0x5f6: {  	_ =	swait.ge [sflag:s6], $0x4000  }
0x5f7: {  	s7 =	simm.s32 $0x10;
	s9 =	sadd.s32 $0x0, s2;
	[sflag:s6] =	ssyncset.done $0x0  }
0x5f8: {  	s8 =	simm.s32 $0x300;
	[sflag:s6] =	ssyncadd.s32 $0xFFFFC000;
	s6 =	simm.s32 $0x100  }
.LBB2_146:
0x5f9: {  	[tilespmem:s6], [sflag:$0x3] =	stream.linear.gather [hbm4b:s9+s1], $0x80, $0x38;
	[tilespmem:$0x14000] =	vst v63  }
0x5fa: {  	s9 =	smov.u32 s7;
	s6 =	smov.u32 s8;
	p0 =	sne.s32 s7, $0x7F0  }
.Ltmp72:
0x5fb: {  	s7 =	sadd.s32 $0x10, s7;
	(pc) =	sbr.rel @p0 .LBB2_146-.Ltmp72, $2  }
0x5fc: {  	_ =	sdelay $0x2  }
0x5fd: {  	s8 =	sadd.s32 $0x200, s8;
	s9 =	sadd.s32 s9, s2  }
0x5fe: {  	[tilespmem:s6], [sflag:$0x3] =	stream.linear.gather [hbm4b:s9+s1], $0x80, $0x38;
	[tilespmem:$0x14000] =	vst v63  }
0x5ff: {  	s2 =	simm.s32 $0x4  }
0x600: {  	_ =	swait.ge [sflag:s2], $0x4000  }
0x601: {  	[sflag:s2] =	ssyncset.done $0x0  }
0x602: {  	s6 =	simm.s32 $0x1F0;
	[sflag:s2] =	ssyncadd.s32 $0xFFFFC000  }
0x603: {  	s7 =	simm.s32 $0x10040;
	v1 =	vld [tilespmem:s6+$0x0]  }
0x604: {  	v2 =	vld [tilespmem:s7+$0x30]  }
0x605: {  	v3 =	vld [tilespmem:s6+$0xFFFFFFA0]  }
0x606: {  	v4 =	vld [tilespmem:s7+$0xFFFFFFD0]  }
0x607: {  	v5 =	vld [tilespmem:s6+$0xFFFFFFB0]  }
0x608: {  	v6 =	vld [tilespmem:s7+$0xFFFFFFE0]  }
0x609: {  	v7 =	vld [tilespmem:s6+$0xFFFFFFC0]  }
0x60a: {  	v8 =	vld [tilespmem:s7+$0xFFFFFFF0]  }
0x60b: {  	v0 =	vld [tilespmem:s7+$0xFFFFFFC0]  }
0x60c: {  	v9 =	vld [tilespmem:s6+$0xFFFFFFD0];
	v2 =	vadd.f32 v2, v1  }
0x60d: {  	v10 =	vld [tilespmem:s7+$0x0];
	v4 =	vadd.f32 v4, v3  }
0x60e: {  	v1 =	vld [tilespmem:s6+$0xFFFFFFE0];
	v5 =	vadd.f32 v6, v5;
	[tilespmem:s6+$0x0] =	vst v2  }
0x60f: {  	v3 =	vld [tilespmem:s7+$0x10];
	v6 =	vadd.f32 v8, v7;
	[tilespmem:s6+$0xFFFFFFA0] =	vst v4  }
0x610: {  	v2 =	vld [tilespmem:s6+$0xFFFFFFF0];
	[tilespmem:s6+$0xFFFFFFB0] =	vst v5  }
0x611: {  	v5 =	vld [tilespmem:s7+$0x20];
	[tilespmem:s6+$0xFFFFFFC0] =	vst v6  }
0x612: {  	s8 =	simm.s32 $0x0;
	s9 =	simm.s32 $0x3F0;
	v4 =	vld [tilespmem:s6+$0xFFFFFF90];
	v6 =	vadd.f32 v10, v9;
	s18 =	sld [smem:$0x7F9]  }
.LBB2_148:
0x613: {  	v7 =	vld [tilespmem:s9+$0x0];
	s7 =	sadd.s32 $0x80, s7  }
0x614: {  	s8 =	sadd.s32 $0x8, s8;
	v8 =	vld [tilespmem:s7+$0x30];
	[tilespmem:s6+$0xFFFFFFD0] =	vst v6;
	v1 =	vadd.f32 v3, v1  }
0x615: {  	p0 =	slt.u32 s8, $0x3F8;
	v3 =	vld [tilespmem:s7+$0xFFFFFFC0]  }
0x616: {  	v6 =	vld [tilespmem:s9+$0xFFFFFFA0];
	[tilespmem:s6+$0xFFFFFFE0] =	vst v1;
	v1 =	vadd.f32 v5, v2  }
0x617: {  	v2 =	vld [tilespmem:s7+$0xFFFFFFD0];
	v9 =	vadd.f32 v0, v4  }
0x618: {  	v4 =	vld [tilespmem:s9+$0xFFFFFFB0];
	[tilespmem:s6+$0xFFFFFFF0] =	vst v1  }
0x619: {  	v1 =	vld [tilespmem:s7+$0xFFFFFFE0];
	v5 =	vadd.f32 v8, v7;
	[tilespmem:s6+$0xFFFFFF90] =	vst v9;
	s6 =	smov.u32 s9  }
0x61a: {  	v7 =	vld [tilespmem:s9+$0xFFFFFFC0];
	v0 =	vmov v3  }
0x61b: {  	v8 =	vld [tilespmem:s7+$0xFFFFFFF0];
	[tilespmem:s9+$0x0] =	vst v5  }
0x61c: {  	v2 =	vadd.f32 v2, v6;
	v6 =	vld [tilespmem:s9+$0xFFFFFFD0]  }
0x61d: {  	v9 =	vld [tilespmem:s7+$0x0]  }
.Ltmp73:
0x61e: {  	[tilespmem:s9+$0xFFFFFFA0] =	vst v2;
	v2 =	vadd.f32 v1, v4;
	v1 =	vld [tilespmem:s9+$0xFFFFFFE0];
	(pc) =	sbr.rel @p0 .LBB2_148-.Ltmp73, $4  }
0x61f: {  	v3 =	vld [tilespmem:s7+$0x10]  }
0x620: {  	[tilespmem:s9+$0xFFFFFFB0] =	vst v2;
	v7 =	vadd.f32 v8, v7;
	v2 =	vld [tilespmem:s9+$0xFFFFFFF0]  }
0x621: {  	v5 =	vld [tilespmem:s7+$0x20]  }
0x622: {  	s9 =	sadd.s32 $0x200, s9;
	v4 =	vld [tilespmem:s6+$0xFFFFFF90];
	[tilespmem:s6+$0xFFFFFFC0] =	vst v7;
	v6 =	vadd.f32 v9, v6  }
0x623: {  	_ =	sdelay $0x1  }
0x624: {  	v1 =	vadd.f32 v3, v1  }
0x625: {  	[tilespmem:s6+$0xFFFFFFD0] =	vst v6;
	v2 =	vadd.f32 v5, v2  }
0x626: {  	[tilespmem:s6+$0xFFFFFFE0] =	vst v1;
	v0 =	vadd.f32 v0, v4  }
0x627: {  	[tilespmem:s6+$0xFFFFFFF0] =	vst v2  }
0x628: {  	[tilespmem:s6+$0xFFFFFF90] =	vst v0  }
0x629: {  	s28 =	sld [smem:$0x7DD];
	_ =	sdelay $0x1  }
0x62a: {  	s7 =	simm.s32 $0x180;
	s8 =	simm.s32 $0x380  }
0x62b: {  	s6 =	simm.s32 $0x10;
	s2 =	sld [smem:$0x7E3];
	s9 =	sadd.s32 $0x0, s28  }
.LBB2_150:
0x62c: {  	[hbm4b:s9+s1] =	stream.linear.scatter [tilespmem:s7], [sflag:$0x8], $0x80, $0x38;
	[tilespmem:$0x14000] =	vst v63  }
0x62d: {  	s9 =	smov.u32 s6;
	s7 =	smov.u32 s8;
	p0 =	sne.s32 s6, $0x7F0  }
.Ltmp74:
0x62e: {  	s6 =	sadd.s32 $0x10, s6;
	(pc) =	sbr.rel @p0 .LBB2_150-.Ltmp74, $2  }
0x62f: {  	_ =	sdelay $0x2  }
0x630: {  	s8 =	sadd.s32 $0x200, s8;
	s9 =	sadd.s32 s9, s28  }
0x631: {  	[hbm4b:s9+s1] =	stream.linear.scatter [tilespmem:s7], [sflag:$0x8], $0x80, $0x38;
	[tilespmem:$0x14000] =	vst v63  }
0x632: {  	s6 =	simm.s32 $0x8  }
0x633: {  	_ =	swait.ge [sflag:s6], $0x4000  }
0x634: {  	s7 =	simm.s32 $0x10;
	s9 =	sadd.s32 $0x0, s2;
	[sflag:s6] =	ssyncset.done $0x0  }
0x635: {  	s8 =	simm.s32 $0x380;
	[sflag:s6] =	ssyncadd.s32 $0xFFFFC000;
	s6 =	simm.s32 $0x180  }
.LBB2_152:
0x636: {  	[tilespmem:s6], [sflag:$0x4] =	stream.linear.gather [hbm4b:s9+s1], $0x80, $0x38;
	[tilespmem:$0x14000] =	vst v63  }
0x637: {  	s9 =	smov.u32 s7;
	s6 =	smov.u32 s8;
	p0 =	sne.s32 s7, $0x7F0  }
.Ltmp75:
0x638: {  	s7 =	sadd.s32 $0x10, s7;
	(pc) =	sbr.rel @p0 .LBB2_152-.Ltmp75, $2  }
0x639: {  	_ =	sdelay $0x2  }
0x63a: {  	s8 =	sadd.s32 $0x200, s8;
	s9 =	sadd.s32 s9, s2  }
0x63b: {  	s16 =	sld [smem:$0x7DE]  }
0x63c: {  	[tilespmem:s6], [sflag:$0x4] =	stream.linear.gather [hbm4b:s9+s1], $0x80, $0x38;
	[tilespmem:$0x14000] =	vst v63  }
0x63d: {  	s2 =	simm.s32 $0x10000;
	s17 =	simm.s32 $0x9  }
0x63e: {  	[tilespmem:s2], [sflag:$0x9] =	stream.linear.gather [hbm4b:s16+s1], $0x4000, $0x38;
	[tilespmem:$0x14000] =	vst v63  }
0x63f: {  	_ =	swait.ge [sflag:s17], $0x4000  }
0x640: {  	[sflag:s17] =	ssyncset.done $0x0  }
0x641: {  	s19 =	simm.s32 $0x1;
	[sflag:s17] =	ssyncadd.s32 $0xFFFFC000  }
0x642: {  	_ =	swait.ge [sflag:s19], $0x4000  }
0x643: {  	[sflag:s19] =	ssyncset.done $0x0  }
0x644: {  	s6 =	simm.s32 $0x40;
	[sflag:s19] =	ssyncadd.s32 $0xFFFFC000  }
0x645: {  	s7 =	simm.s32 $0x10040;
	v1 =	vld [tilespmem:s6+$0x30]  }
0x646: {  	v2 =	vld [tilespmem:s7+$0x30]  }
0x647: {  	v3 =	vld [tilespmem:s6+$0xFFFFFFD0]  }
0x648: {  	v4 =	vld [tilespmem:s7+$0xFFFFFFD0]  }
0x649: {  	v5 =	vld [tilespmem:s6+$0xFFFFFFE0]  }
0x64a: {  	v6 =	vld [tilespmem:s7+$0xFFFFFFE0]  }
0x64b: {  	v7 =	vld [tilespmem:s6+$0xFFFFFFF0]  }
0x64c: {  	v8 =	vld [tilespmem:s7+$0xFFFFFFF0]  }
0x64d: {  	v0 =	vld [tilespmem:s7+$0xFFFFFFC0]  }
0x64e: {  	v9 =	vld [tilespmem:s6+$0x0];
	v2 =	vadd.f32 v2, v1  }
0x64f: {  	v10 =	vld [tilespmem:s7+$0x0];
	v4 =	vadd.f32 v4, v3  }
0x650: {  	v1 =	vld [tilespmem:s6+$0x10];
	v5 =	vadd.f32 v6, v5;
	[tilespmem:s6+$0x30] =	vst v2  }
0x651: {  	v3 =	vld [tilespmem:s7+$0x10];
	v6 =	vadd.f32 v8, v7;
	[tilespmem:s6+$0xFFFFFFD0] =	vst v4  }
0x652: {  	v2 =	vld [tilespmem:s6+$0x20];
	[tilespmem:s6+$0xFFFFFFE0] =	vst v5  }
0x653: {  	v5 =	vld [tilespmem:s7+$0x20];
	[tilespmem:s6+$0xFFFFFFF0] =	vst v6  }
0x654: {  	s8 =	simm.s32 $0x0;
	s9 =	simm.s32 $0x240;
	v4 =	vld [tilespmem:s6+$0xFFFFFFC0];
	v6 =	vadd.f32 v10, v9;
	s28 =	sld [smem:$0x7FA]  }
.LBB2_154:
0x655: {  	v7 =	vld [tilespmem:s9+$0x30];
	s7 =	sadd.s32 $0x80, s7  }
0x656: {  	s8 =	sadd.s32 $0x8, s8;
	v8 =	vld [tilespmem:s7+$0x30];
	[tilespmem:s6+$0x0] =	vst v6;
	v1 =	vadd.f32 v3, v1  }
0x657: {  	p0 =	slt.u32 s8, $0x3F8;
	v3 =	vld [tilespmem:s7+$0xFFFFFFC0]  }
0x658: {  	v6 =	vld [tilespmem:s9+$0xFFFFFFD0];
	[tilespmem:s6+$0x10] =	vst v1;
	v1 =	vadd.f32 v5, v2  }
0x659: {  	v2 =	vld [tilespmem:s7+$0xFFFFFFD0];
	v9 =	vadd.f32 v0, v4  }
0x65a: {  	v4 =	vld [tilespmem:s9+$0xFFFFFFE0];
	[tilespmem:s6+$0x20] =	vst v1  }
0x65b: {  	v1 =	vld [tilespmem:s7+$0xFFFFFFE0];
	v5 =	vadd.f32 v8, v7;
	[tilespmem:s6+$0xFFFFFFC0] =	vst v9;
	s6 =	smov.u32 s9  }
0x65c: {  	v7 =	vld [tilespmem:s9+$0xFFFFFFF0];
	v0 =	vmov v3  }
0x65d: {  	v8 =	vld [tilespmem:s7+$0xFFFFFFF0];
	[tilespmem:s9+$0x30] =	vst v5  }
0x65e: {  	v2 =	vadd.f32 v2, v6;
	v6 =	vld [tilespmem:s9+$0x0]  }
0x65f: {  	v9 =	vld [tilespmem:s7+$0x0]  }
.Ltmp76:
0x660: {  	[tilespmem:s9+$0xFFFFFFD0] =	vst v2;
	v2 =	vadd.f32 v1, v4;
	v1 =	vld [tilespmem:s9+$0x10];
	(pc) =	sbr.rel @p0 .LBB2_154-.Ltmp76, $4  }
0x661: {  	v3 =	vld [tilespmem:s7+$0x10]  }
0x662: {  	[tilespmem:s9+$0xFFFFFFE0] =	vst v2;
	v7 =	vadd.f32 v8, v7;
	v2 =	vld [tilespmem:s9+$0x20]  }
0x663: {  	v5 =	vld [tilespmem:s7+$0x20]  }
0x664: {  	s9 =	sadd.s32 $0x200, s9;
	v4 =	vld [tilespmem:s6+$0xFFFFFFC0];
	[tilespmem:s6+$0xFFFFFFF0] =	vst v7;
	v6 =	vadd.f32 v9, v6  }
0x665: {  	_ =	sdelay $0x1  }
0x666: {  	v1 =	vadd.f32 v3, v1  }
0x667: {  	[tilespmem:s6+$0x0] =	vst v6;
	v2 =	vadd.f32 v5, v2  }
0x668: {  	[tilespmem:s6+$0x10] =	vst v1;
	v0 =	vadd.f32 v0, v4  }
0x669: {  	[tilespmem:s6+$0x20] =	vst v2  }
0x66a: {  	[tilespmem:s6+$0xFFFFFFC0] =	vst v0  }
0x66b: {  	s2 =	sld [smem:$0x7DF];
	_ =	sdelay $0x1  }
0x66c: {  	s7 =	simm.s32 $0x0  }
0x66d: {  	s8 =	simm.s32 $0x200;
	s6 =	simm.s32 $0x10;
	s9 =	sadd.s32 $0x0, s2  }
.LBB2_156:
0x66e: {  	[hbm4b:s9+s1] =	stream.linear.scatter [tilespmem:s7], [sflag:$0x5], $0x80, $0x38;
	[tilespmem:$0x14000] =	vst v63  }
0x66f: {  	s9 =	smov.u32 s6;
	s7 =	smov.u32 s8;
	p0 =	sne.s32 s6, $0x7F0  }
.Ltmp77:
0x670: {  	s6 =	sadd.s32 $0x10, s6;
	(pc) =	sbr.rel @p0 .LBB2_156-.Ltmp77, $2  }
0x671: {  	_ =	sdelay $0x2  }
0x672: {  	s8 =	sadd.s32 $0x200, s8;
	s9 =	sadd.s32 s9, s2  }
0x673: {  	[hbm4b:s9+s1] =	stream.linear.scatter [tilespmem:s7], [sflag:$0x5], $0x80, $0x38;
	[tilespmem:$0x14000] =	vst v63  }
0x674: {  	s2 =	simm.s32 $0x5  }
0x675: {  	_ =	swait.ge [sflag:s2], $0x4000  }
0x676: {  	[sflag:s2] =	ssyncset.done $0x0  }
0x677: {  	[sflag:s2] =	ssyncadd.s32 $0xFFFFC000;
	s2 =	sld [smem:$0x7E8];
	_ =	sdelay $0x1  }
0x678: {  	s6 =	simm.s32 $0x0  }
0x679: {  	s7 =	simm.s32 $0x10;
	s8 =	simm.s32 $0x200;
	s9 =	sadd.s32 $0x0, s2  }
.LBB2_158:
0x67a: {  	[tilespmem:s6], [sflag:$0x1] =	stream.linear.gather [hbm4b:s9+s1], $0x80, $0x38;
	[tilespmem:$0x14000] =	vst v63  }
0x67b: {  	s9 =	smov.u32 s7;
	s6 =	smov.u32 s8;
	p0 =	sne.s32 s7, $0x7F0  }
.Ltmp78:
0x67c: {  	s7 =	sadd.s32 $0x10, s7;
	(pc) =	sbr.rel @p0 .LBB2_158-.Ltmp78, $2  }
0x67d: {  	_ =	sdelay $0x2  }
0x67e: {  	s8 =	sadd.s32 $0x200, s8;
	s9 =	sadd.s32 s9, s2  }
0x67f: {  	[tilespmem:s6], [sflag:$0x1] =	stream.linear.gather [hbm4b:s9+s1], $0x80, $0x38;
	[tilespmem:$0x14000] =	vst v63  }
0x680: {  	s2 =	simm.s32 $0x2  }
0x681: {  	_ =	swait.ge [sflag:s2], $0x4000  }
0x682: {  	[sflag:s2] =	ssyncset.done $0x0  }
0x683: {  	s6 =	simm.s32 $0xF0;
	[sflag:s2] =	ssyncadd.s32 $0xFFFFC000  }
0x684: {  	s7 =	simm.s32 $0x10040;
	v1 =	vld [tilespmem:s6+$0x0]  }
0x685: {  	v2 =	vld [tilespmem:s7+$0x30]  }
0x686: {  	v3 =	vld [tilespmem:s6+$0xFFFFFFA0]  }
0x687: {  	v4 =	vld [tilespmem:s7+$0xFFFFFFD0]  }
0x688: {  	v5 =	vld [tilespmem:s6+$0xFFFFFFB0]  }
0x689: {  	v6 =	vld [tilespmem:s7+$0xFFFFFFE0]  }
0x68a: {  	v7 =	vld [tilespmem:s6+$0xFFFFFFC0]  }
0x68b: {  	v8 =	vld [tilespmem:s7+$0xFFFFFFF0]  }
0x68c: {  	v0 =	vld [tilespmem:s7+$0xFFFFFFC0]  }
0x68d: {  	v9 =	vld [tilespmem:s6+$0xFFFFFFD0];
	v2 =	vadd.f32 v2, v1  }
0x68e: {  	v10 =	vld [tilespmem:s7+$0x0];
	v4 =	vadd.f32 v4, v3  }
0x68f: {  	v1 =	vld [tilespmem:s6+$0xFFFFFFE0];
	v5 =	vadd.f32 v6, v5;
	[tilespmem:s6+$0x0] =	vst v2  }
0x690: {  	v3 =	vld [tilespmem:s7+$0x10];
	v6 =	vadd.f32 v8, v7;
	[tilespmem:s6+$0xFFFFFFA0] =	vst v4  }
0x691: {  	v2 =	vld [tilespmem:s6+$0xFFFFFFF0];
	[tilespmem:s6+$0xFFFFFFB0] =	vst v5  }
0x692: {  	v5 =	vld [tilespmem:s7+$0x20];
	[tilespmem:s6+$0xFFFFFFC0] =	vst v6  }
0x693: {  	s8 =	simm.s32 $0x0;
	s9 =	simm.s32 $0x2F0;
	v4 =	vld [tilespmem:s6+$0xFFFFFF90];
	v6 =	vadd.f32 v10, v9;
	s2 =	sld [smem:$0x7FB]  }
.LBB2_160:
0x694: {  	v7 =	vld [tilespmem:s9+$0x0];
	s7 =	sadd.s32 $0x80, s7  }
0x695: {  	s8 =	sadd.s32 $0x8, s8;
	v8 =	vld [tilespmem:s7+$0x30];
	[tilespmem:s6+$0xFFFFFFD0] =	vst v6;
	v1 =	vadd.f32 v3, v1  }
0x696: {  	p0 =	slt.u32 s8, $0x3F8;
	v3 =	vld [tilespmem:s7+$0xFFFFFFC0]  }
0x697: {  	v6 =	vld [tilespmem:s9+$0xFFFFFFA0];
	[tilespmem:s6+$0xFFFFFFE0] =	vst v1;
	v1 =	vadd.f32 v5, v2  }
0x698: {  	v2 =	vld [tilespmem:s7+$0xFFFFFFD0];
	v9 =	vadd.f32 v0, v4  }
0x699: {  	v4 =	vld [tilespmem:s9+$0xFFFFFFB0];
	[tilespmem:s6+$0xFFFFFFF0] =	vst v1  }
0x69a: {  	v1 =	vld [tilespmem:s7+$0xFFFFFFE0];
	v5 =	vadd.f32 v8, v7;
	[tilespmem:s6+$0xFFFFFF90] =	vst v9;
	s6 =	smov.u32 s9  }
0x69b: {  	v7 =	vld [tilespmem:s9+$0xFFFFFFC0];
	v0 =	vmov v3  }
0x69c: {  	v8 =	vld [tilespmem:s7+$0xFFFFFFF0];
	[tilespmem:s9+$0x0] =	vst v5  }
0x69d: {  	v2 =	vadd.f32 v2, v6;
	v6 =	vld [tilespmem:s9+$0xFFFFFFD0]  }
0x69e: {  	v9 =	vld [tilespmem:s7+$0x0]  }
.Ltmp79:
0x69f: {  	[tilespmem:s9+$0xFFFFFFA0] =	vst v2;
	v2 =	vadd.f32 v1, v4;
	v1 =	vld [tilespmem:s9+$0xFFFFFFE0];
	(pc) =	sbr.rel @p0 .LBB2_160-.Ltmp79, $4  }
0x6a0: {  	v3 =	vld [tilespmem:s7+$0x10]  }
0x6a1: {  	[tilespmem:s9+$0xFFFFFFB0] =	vst v2;
	v7 =	vadd.f32 v8, v7;
	v2 =	vld [tilespmem:s9+$0xFFFFFFF0]  }
0x6a2: {  	v5 =	vld [tilespmem:s7+$0x20]  }
0x6a3: {  	s9 =	sadd.s32 $0x200, s9;
	v4 =	vld [tilespmem:s6+$0xFFFFFF90];
	[tilespmem:s6+$0xFFFFFFC0] =	vst v7;
	v6 =	vadd.f32 v9, v6  }
0x6a4: {  	_ =	sdelay $0x1  }
0x6a5: {  	v1 =	vadd.f32 v3, v1  }
0x6a6: {  	[tilespmem:s6+$0xFFFFFFD0] =	vst v6;
	v2 =	vadd.f32 v5, v2  }
0x6a7: {  	[tilespmem:s6+$0xFFFFFFE0] =	vst v1;
	v0 =	vadd.f32 v0, v4  }
0x6a8: {  	s7 =	simm.s32 $0x80;
	[tilespmem:s6+$0xFFFFFFF0] =	vst v2  }
0x6a9: {  	s9 =	sadd.s32 $0x0, s2;
	s8 =	simm.s32 $0x280;
	[tilespmem:s6+$0xFFFFFF90] =	vst v0;
	s6 =	simm.s32 $0x10  }
.LBB2_162:
0x6aa: {  	[hbm4b:s9+s1] =	stream.linear.scatter [tilespmem:s7], [sflag:$0x6], $0x80, $0x38;
	[tilespmem:$0x14000] =	vst v63  }
0x6ab: {  	s9 =	smov.u32 s6;
	s7 =	smov.u32 s8;
	p0 =	sne.s32 s6, $0x7F0  }
.Ltmp80:
0x6ac: {  	s6 =	sadd.s32 $0x10, s6;
	(pc) =	sbr.rel @p0 .LBB2_162-.Ltmp80, $2  }
0x6ad: {  	_ =	sdelay $0x2  }
0x6ae: {  	s8 =	sadd.s32 $0x200, s8;
	s9 =	sadd.s32 s9, s2  }
0x6af: {  	[hbm4b:s9+s1] =	stream.linear.scatter [tilespmem:s7], [sflag:$0x6], $0x80, $0x38;
	[tilespmem:$0x14000] =	vst v63  }
0x6b0: {  	s6 =	simm.s32 $0x6  }
0x6b1: {  	_ =	swait.ge [sflag:s6], $0x4000  }
0x6b2: {  	s7 =	simm.s32 $0x10;
	s9 =	sadd.s32 $0x0, s4;
	[sflag:s6] =	ssyncset.done $0x0  }
0x6b3: {  	s8 =	simm.s32 $0x280;
	[sflag:s6] =	ssyncadd.s32 $0xFFFFC000;
	s6 =	simm.s32 $0x80  }
.LBB2_164:
0x6b4: {  	[tilespmem:s6], [sflag:$0x2] =	stream.linear.gather [hbm4b:s9+s1], $0x80, $0x38;
	[tilespmem:$0x14000] =	vst v63  }
0x6b5: {  	s9 =	smov.u32 s7;
	s6 =	smov.u32 s8;
	p0 =	sne.s32 s7, $0x7F0  }
.Ltmp81:
0x6b6: {  	s7 =	sadd.s32 $0x10, s7;
	(pc) =	sbr.rel @p0 .LBB2_164-.Ltmp81, $2  }
0x6b7: {  	_ =	sdelay $0x2  }
0x6b8: {  	s8 =	sadd.s32 $0x200, s8;
	s9 =	sadd.s32 s9, s4  }
0x6b9: {  	[tilespmem:s6], [sflag:$0x2] =	stream.linear.gather [hbm4b:s9+s1], $0x80, $0x38;
	[tilespmem:$0x14000] =	vst v63  }
0x6ba: {  	s3 =	simm.s32 $0x3  }
0x6bb: {  	_ =	swait.ge [sflag:s3], $0x4000  }
0x6bc: {  	[sflag:s3] =	ssyncset.done $0x0  }
0x6bd: {  	s6 =	simm.s32 $0x170;
	[sflag:s3] =	ssyncadd.s32 $0xFFFFC000  }
0x6be: {  	s7 =	simm.s32 $0x10040;
	v1 =	vld [tilespmem:s6+$0x0]  }
0x6bf: {  	v2 =	vld [tilespmem:s7+$0x30]  }
0x6c0: {  	v0 =	vld [tilespmem:s7+$0xFFFFFFC0]  }
0x6c1: {  	v3 =	vld [tilespmem:s6+$0xFFFFFFA0]  }
0x6c2: {  	v4 =	vld [tilespmem:s7+$0xFFFFFFD0]  }
0x6c3: {  	v5 =	vld [tilespmem:s6+$0xFFFFFFB0]  }
0x6c4: {  	v6 =	vld [tilespmem:s7+$0xFFFFFFE0]  }
0x6c5: {  	v7 =	vld [tilespmem:s6+$0xFFFFFFC0]  }
0x6c6: {  	v8 =	vld [tilespmem:s7+$0xFFFFFFF0]  }
0x6c7: {  	v9 =	vld [tilespmem:s6+$0xFFFFFFD0]  }
0x6c8: {  	v10 =	vld [tilespmem:s7+$0x0];
	v2 =	vadd.f32 v2, v1  }
0x6c9: {  	v4 =	vadd.f32 v4, v3;
	v1 =	vld [tilespmem:s6+$0xFFFFFFE0]  }
0x6ca: {  	v5 =	vadd.f32 v6, v5;
	v3 =	vld [tilespmem:s7+$0x10];
	[tilespmem:s6+$0x0] =	vst v2  }
0x6cb: {  	v6 =	vadd.f32 v8, v7;
	[tilespmem:s6+$0xFFFFFFA0] =	vst v4;
	v2 =	vld [tilespmem:s6+$0xFFFFFFF0]  }
0x6cc: {  	[tilespmem:s6+$0xFFFFFFB0] =	vst v5;
	v5 =	vld [tilespmem:s7+$0x20]  }
0x6cd: {  	s8 =	simm.s32 $0x0;
	s9 =	simm.s32 $0x370;
	v4 =	vld [tilespmem:s6+$0xFFFFFF90];
	[tilespmem:s6+$0xFFFFFFC0] =	vst v6;
	v6 =	vadd.f32 v10, v9  }
.LBB2_166:
0x6ce: {  	v7 =	vld [tilespmem:s9+$0x0];
	s7 =	sadd.s32 $0x80, s7  }
0x6cf: {  	s8 =	sadd.s32 $0x8, s8;
	v8 =	vld [tilespmem:s7+$0x30];
	[tilespmem:s6+$0xFFFFFFD0] =	vst v6;
	v1 =	vadd.f32 v3, v1  }
0x6d0: {  	p0 =	slt.u32 s8, $0x3F8;
	v3 =	vld [tilespmem:s7+$0xFFFFFFC0]  }
0x6d1: {  	v6 =	vld [tilespmem:s9+$0xFFFFFFA0];
	[tilespmem:s6+$0xFFFFFFE0] =	vst v1;
	v1 =	vadd.f32 v5, v2  }
0x6d2: {  	v2 =	vld [tilespmem:s7+$0xFFFFFFD0];
	v9 =	vadd.f32 v0, v4  }
0x6d3: {  	v4 =	vld [tilespmem:s9+$0xFFFFFFB0];
	[tilespmem:s6+$0xFFFFFFF0] =	vst v1  }
0x6d4: {  	v1 =	vld [tilespmem:s7+$0xFFFFFFE0];
	v5 =	vadd.f32 v8, v7;
	[tilespmem:s6+$0xFFFFFF90] =	vst v9;
	s6 =	smov.u32 s9  }
0x6d5: {  	v7 =	vld [tilespmem:s9+$0xFFFFFFC0];
	v0 =	vmov v3  }
0x6d6: {  	v8 =	vld [tilespmem:s7+$0xFFFFFFF0];
	[tilespmem:s9+$0x0] =	vst v5  }
0x6d7: {  	v2 =	vadd.f32 v2, v6;
	v6 =	vld [tilespmem:s9+$0xFFFFFFD0]  }
0x6d8: {  	v9 =	vld [tilespmem:s7+$0x0]  }
.Ltmp82:
0x6d9: {  	[tilespmem:s9+$0xFFFFFFA0] =	vst v2;
	v2 =	vadd.f32 v1, v4;
	v1 =	vld [tilespmem:s9+$0xFFFFFFE0];
	(pc) =	sbr.rel @p0 .LBB2_166-.Ltmp82, $4  }
0x6da: {  	v3 =	vld [tilespmem:s7+$0x10]  }
0x6db: {  	[tilespmem:s9+$0xFFFFFFB0] =	vst v2;
	v7 =	vadd.f32 v8, v7;
	v2 =	vld [tilespmem:s9+$0xFFFFFFF0]  }
0x6dc: {  	v5 =	vld [tilespmem:s7+$0x20]  }
0x6dd: {  	s9 =	sadd.s32 $0x200, s9;
	v4 =	vld [tilespmem:s6+$0xFFFFFF90];
	[tilespmem:s6+$0xFFFFFFC0] =	vst v7;
	v6 =	vadd.f32 v9, v6  }
0x6de: {  	_ =	sdelay $0x1  }
0x6df: {  	v1 =	vadd.f32 v3, v1  }
0x6e0: {  	[tilespmem:s6+$0xFFFFFFD0] =	vst v6;
	v2 =	vadd.f32 v5, v2  }
0x6e1: {  	[tilespmem:s6+$0xFFFFFFE0] =	vst v1;
	v0 =	vadd.f32 v0, v4  }
0x6e2: {  	[tilespmem:s6+$0xFFFFFFF0] =	vst v2  }
0x6e3: {  	[tilespmem:s6+$0xFFFFFF90] =	vst v0  }
0x6e4: {  	s3 =	sld [smem:$0x7E2];
	_ =	sdelay $0x1  }
0x6e5: {  	s7 =	simm.s32 $0x100  }
0x6e6: {  	s8 =	simm.s32 $0x300;
	s6 =	simm.s32 $0x10;
	s9 =	sadd.s32 $0x0, s3  }
.LBB2_168:
0x6e7: {  	[hbm4b:s9+s1] =	stream.linear.scatter [tilespmem:s7], [sflag:$0x7], $0x80, $0x38;
	[tilespmem:$0x14000] =	vst v63  }
0x6e8: {  	s9 =	smov.u32 s6;
	s7 =	smov.u32 s8;
	p0 =	sne.s32 s6, $0x7F0  }
.Ltmp83:
0x6e9: {  	s6 =	sadd.s32 $0x10, s6;
	(pc) =	sbr.rel @p0 .LBB2_168-.Ltmp83, $2  }
0x6ea: {  	_ =	sdelay $0x2  }
0x6eb: {  	s8 =	sadd.s32 $0x200, s8;
	s9 =	sadd.s32 s9, s3  }
0x6ec: {  	[hbm4b:s9+s1] =	stream.linear.scatter [tilespmem:s7], [sflag:$0x7], $0x80, $0x38;
	[tilespmem:$0x14000] =	vst v63  }
0x6ed: {  	s3 =	simm.s32 $0x7  }
0x6ee: {  	_ =	swait.ge [sflag:s3], $0x4000  }
0x6ef: {  	[sflag:s3] =	ssyncset.done $0x0  }
0x6f0: {  	[sflag:s3] =	ssyncadd.s32 $0xFFFFC000;
	s3 =	sld [smem:$0x7EA];
	_ =	sdelay $0x1  }
0x6f1: {  	s6 =	simm.s32 $0x100  }
0x6f2: {  	s7 =	simm.s32 $0x10;
	s8 =	simm.s32 $0x300;
	s9 =	sadd.s32 $0x0, s3  }
.LBB2_170:
0x6f3: {  	[tilespmem:s6], [sflag:$0x3] =	stream.linear.gather [hbm4b:s9+s1], $0x80, $0x38;
	[tilespmem:$0x14000] =	vst v63  }
0x6f4: {  	s9 =	smov.u32 s7;
	s6 =	smov.u32 s8;
	p0 =	sne.s32 s7, $0x7F0  }
.Ltmp84:
0x6f5: {  	s7 =	sadd.s32 $0x10, s7;
	(pc) =	sbr.rel @p0 .LBB2_170-.Ltmp84, $2  }
0x6f6: {  	_ =	sdelay $0x2  }
0x6f7: {  	s8 =	sadd.s32 $0x200, s8;
	s9 =	sadd.s32 s9, s3  }
0x6f8: {  	[tilespmem:s6], [sflag:$0x3] =	stream.linear.gather [hbm4b:s9+s1], $0x80, $0x38;
	[tilespmem:$0x14000] =	vst v63  }
0x6f9: {  	s3 =	simm.s32 $0x4  }
0x6fa: {  	_ =	swait.ge [sflag:s3], $0x4000  }
0x6fb: {  	[sflag:s3] =	ssyncset.done $0x0  }
0x6fc: {  	s6 =	simm.s32 $0x1F0;
	[sflag:s3] =	ssyncadd.s32 $0xFFFFC000  }
0x6fd: {  	s7 =	simm.s32 $0x10040;
	v1 =	vld [tilespmem:s6+$0x0]  }
0x6fe: {  	v2 =	vld [tilespmem:s7+$0x30]  }
0x6ff: {  	v3 =	vld [tilespmem:s6+$0xFFFFFFA0]  }
0x700: {  	v4 =	vld [tilespmem:s7+$0xFFFFFFD0]  }
0x701: {  	v5 =	vld [tilespmem:s6+$0xFFFFFFB0]  }
0x702: {  	v6 =	vld [tilespmem:s7+$0xFFFFFFE0]  }
0x703: {  	v7 =	vld [tilespmem:s6+$0xFFFFFFC0]  }
0x704: {  	v8 =	vld [tilespmem:s7+$0xFFFFFFF0]  }
0x705: {  	v0 =	vld [tilespmem:s7+$0xFFFFFFC0]  }
0x706: {  	v9 =	vld [tilespmem:s6+$0xFFFFFFD0];
	v2 =	vadd.f32 v2, v1  }
0x707: {  	v10 =	vld [tilespmem:s7+$0x0];
	v4 =	vadd.f32 v4, v3  }
0x708: {  	v1 =	vld [tilespmem:s6+$0xFFFFFFE0];
	v5 =	vadd.f32 v6, v5;
	[tilespmem:s6+$0x0] =	vst v2  }
0x709: {  	v3 =	vld [tilespmem:s7+$0x10];
	v6 =	vadd.f32 v8, v7;
	[tilespmem:s6+$0xFFFFFFA0] =	vst v4  }
0x70a: {  	v2 =	vld [tilespmem:s6+$0xFFFFFFF0];
	[tilespmem:s6+$0xFFFFFFB0] =	vst v5  }
0x70b: {  	v5 =	vld [tilespmem:s7+$0x20];
	[tilespmem:s6+$0xFFFFFFC0] =	vst v6  }
0x70c: {  	s8 =	simm.s32 $0x0;
	s9 =	simm.s32 $0x3F0;
	v4 =	vld [tilespmem:s6+$0xFFFFFF90];
	v6 =	vadd.f32 v10, v9;
	s3 =	sld [smem:$0x7E4]  }
.LBB2_172:
0x70d: {  	v7 =	vld [tilespmem:s9+$0x0];
	s7 =	sadd.s32 $0x80, s7  }
0x70e: {  	s8 =	sadd.s32 $0x8, s8;
	v8 =	vld [tilespmem:s7+$0x30];
	[tilespmem:s6+$0xFFFFFFD0] =	vst v6;
	v1 =	vadd.f32 v3, v1  }
0x70f: {  	p0 =	slt.u32 s8, $0x3F8;
	v3 =	vld [tilespmem:s7+$0xFFFFFFC0]  }
0x710: {  	v6 =	vld [tilespmem:s9+$0xFFFFFFA0];
	[tilespmem:s6+$0xFFFFFFE0] =	vst v1;
	v1 =	vadd.f32 v5, v2  }
0x711: {  	v2 =	vld [tilespmem:s7+$0xFFFFFFD0];
	v9 =	vadd.f32 v0, v4  }
0x712: {  	v4 =	vld [tilespmem:s9+$0xFFFFFFB0];
	[tilespmem:s6+$0xFFFFFFF0] =	vst v1  }
0x713: {  	v1 =	vld [tilespmem:s7+$0xFFFFFFE0];
	v5 =	vadd.f32 v8, v7;
	[tilespmem:s6+$0xFFFFFF90] =	vst v9;
	s6 =	smov.u32 s9  }
0x714: {  	v7 =	vld [tilespmem:s9+$0xFFFFFFC0];
	v0 =	vmov v3  }
0x715: {  	v8 =	vld [tilespmem:s7+$0xFFFFFFF0];
	[tilespmem:s9+$0x0] =	vst v5  }
0x716: {  	v2 =	vadd.f32 v2, v6;
	v6 =	vld [tilespmem:s9+$0xFFFFFFD0]  }
0x717: {  	v9 =	vld [tilespmem:s7+$0x0]  }
.Ltmp85:
0x718: {  	[tilespmem:s9+$0xFFFFFFA0] =	vst v2;
	v2 =	vadd.f32 v1, v4;
	v1 =	vld [tilespmem:s9+$0xFFFFFFE0];
	(pc) =	sbr.rel @p0 .LBB2_172-.Ltmp85, $4  }
0x719: {  	v3 =	vld [tilespmem:s7+$0x10]  }
0x71a: {  	[tilespmem:s9+$0xFFFFFFB0] =	vst v2;
	v7 =	vadd.f32 v8, v7;
	v2 =	vld [tilespmem:s9+$0xFFFFFFF0]  }
0x71b: {  	v5 =	vld [tilespmem:s7+$0x20]  }
0x71c: {  	s9 =	sadd.s32 $0x200, s9;
	v4 =	vld [tilespmem:s6+$0xFFFFFF90];
	[tilespmem:s6+$0xFFFFFFC0] =	vst v7;
	v6 =	vadd.f32 v9, v6  }
0x71d: {  	_ =	sdelay $0x1  }
0x71e: {  	v1 =	vadd.f32 v3, v1  }
0x71f: {  	[tilespmem:s6+$0xFFFFFFD0] =	vst v6;
	v2 =	vadd.f32 v5, v2  }
0x720: {  	[tilespmem:s6+$0xFFFFFFE0] =	vst v1;
	v0 =	vadd.f32 v0, v4  }
0x721: {  	s7 =	simm.s32 $0x180;
	[tilespmem:s6+$0xFFFFFFF0] =	vst v2  }
0x722: {  	s9 =	sadd.s32 $0x0, s3;
	s8 =	simm.s32 $0x380;
	[tilespmem:s6+$0xFFFFFF90] =	vst v0;
	s6 =	simm.s32 $0x10  }
.LBB2_174:
0x723: {  	[hbm4b:s9+s1] =	stream.linear.scatter [tilespmem:s7], [sflag:$0x8], $0x80, $0x38;
	[tilespmem:$0x14000] =	vst v63  }
0x724: {  	s9 =	smov.u32 s6;
	s7 =	smov.u32 s8;
	p0 =	sne.s32 s6, $0x7F0  }
.Ltmp86:
0x725: {  	s6 =	sadd.s32 $0x10, s6;
	(pc) =	sbr.rel @p0 .LBB2_174-.Ltmp86, $2  }
0x726: {  	_ =	sdelay $0x2  }
0x727: {  	s8 =	sadd.s32 $0x200, s8;
	s9 =	sadd.s32 s9, s3  }
0x728: {  	[hbm4b:s9+s1] =	stream.linear.scatter [tilespmem:s7], [sflag:$0x8], $0x80, $0x38;
	[tilespmem:$0x14000] =	vst v63  }
0x729: {  	s5 =	simm.s32 $0x8  }
0x72a: {  	_ =	swait.ge [sflag:s5], $0x4000  }
0x72b: {  	[sflag:s5] =	ssyncset.done $0x0  }
0x72c: {  	[sflag:s5] =	ssyncadd.s32 $0xFFFFC000;
	s5 =	sld [smem:$0x7EB];
	_ =	sdelay $0x1  }
0x72d: {  	s6 =	simm.s32 $0x180  }
0x72e: {  	s7 =	simm.s32 $0x10;
	s8 =	simm.s32 $0x380;
	s9 =	sadd.s32 $0x0, s5  }
.LBB2_176:
0x72f: {  	[tilespmem:s6], [sflag:$0x4] =	stream.linear.gather [hbm4b:s9+s1], $0x80, $0x38;
	[tilespmem:$0x14000] =	vst v63  }
0x730: {  	s9 =	smov.u32 s7;
	s6 =	smov.u32 s8;
	p0 =	sne.s32 s7, $0x7F0  }
.Ltmp87:
0x731: {  	s7 =	sadd.s32 $0x10, s7;
	(pc) =	sbr.rel @p0 .LBB2_176-.Ltmp87, $2  }
0x732: {  	_ =	sdelay $0x2  }
0x733: {  	s8 =	sadd.s32 $0x200, s8;
	s9 =	sadd.s32 s9, s5  }
0x734: {  	s5 =	sld [smem:$0x7EC]  }
0x735: {  	[tilespmem:s6], [sflag:$0x4] =	stream.linear.gather [hbm4b:s9+s1], $0x80, $0x38;
	[tilespmem:$0x14000] =	vst v63  }
0x736: {  	s16 =	simm.s32 $0x10000;
	s17 =	simm.s32 $0x9  }
0x737: {  	[tilespmem:s16], [sflag:$0x9] =	stream.linear.gather [hbm4b:s5+s1], $0x4000, $0x38;
	[tilespmem:$0x14000] =	vst v63  }
0x738: {  	_ =	swait.ge [sflag:s17], $0x4000  }
0x739: {  	[sflag:s17] =	ssyncset.done $0x0  }
0x73a: {  	s19 =	simm.s32 $0x1;
	[sflag:s17] =	ssyncadd.s32 $0xFFFFC000  }
0x73b: {  	_ =	swait.ge [sflag:s19], $0x4000  }
0x73c: {  	[sflag:s19] =	ssyncset.done $0x0  }
0x73d: {  	s6 =	simm.s32 $0x40;
	[sflag:s19] =	ssyncadd.s32 $0xFFFFC000  }
0x73e: {  	s7 =	simm.s32 $0x10040;
	v1 =	vld [tilespmem:s6+$0x30]  }
0x73f: {  	v2 =	vld [tilespmem:s7+$0x30]  }
0x740: {  	v0 =	vld [tilespmem:s7+$0xFFFFFFC0]  }
0x741: {  	v3 =	vld [tilespmem:s6+$0xFFFFFFD0]  }
0x742: {  	v4 =	vld [tilespmem:s7+$0xFFFFFFD0]  }
0x743: {  	v5 =	vld [tilespmem:s6+$0xFFFFFFE0]  }
0x744: {  	v6 =	vld [tilespmem:s7+$0xFFFFFFE0]  }
0x745: {  	v7 =	vld [tilespmem:s6+$0xFFFFFFF0]  }
0x746: {  	v8 =	vld [tilespmem:s7+$0xFFFFFFF0]  }
0x747: {  	v9 =	vld [tilespmem:s6+$0x0]  }
0x748: {  	v10 =	vld [tilespmem:s7+$0x0];
	v2 =	vadd.f32 v2, v1  }
0x749: {  	v4 =	vadd.f32 v4, v3;
	v1 =	vld [tilespmem:s6+$0x10]  }
0x74a: {  	v5 =	vadd.f32 v6, v5;
	v3 =	vld [tilespmem:s7+$0x10];
	[tilespmem:s6+$0x30] =	vst v2  }
0x74b: {  	v6 =	vadd.f32 v8, v7;
	[tilespmem:s6+$0xFFFFFFD0] =	vst v4;
	v2 =	vld [tilespmem:s6+$0x20]  }
0x74c: {  	[tilespmem:s6+$0xFFFFFFE0] =	vst v5;
	v5 =	vld [tilespmem:s7+$0x20]  }
0x74d: {  	s8 =	simm.s32 $0x0;
	s9 =	simm.s32 $0x240;
	v4 =	vld [tilespmem:s6+$0xFFFFFFC0];
	[tilespmem:s6+$0xFFFFFFF0] =	vst v6;
	v6 =	vadd.f32 v10, v9  }
.LBB2_178:
0x74e: {  	v7 =	vld [tilespmem:s9+$0x30];
	s7 =	sadd.s32 $0x80, s7  }
0x74f: {  	s8 =	sadd.s32 $0x8, s8;
	v8 =	vld [tilespmem:s7+$0x30];
	[tilespmem:s6+$0x0] =	vst v6;
	v1 =	vadd.f32 v3, v1  }
0x750: {  	p0 =	slt.u32 s8, $0x3F8;
	v3 =	vld [tilespmem:s7+$0xFFFFFFC0]  }
0x751: {  	v6 =	vld [tilespmem:s9+$0xFFFFFFD0];
	[tilespmem:s6+$0x10] =	vst v1;
	v1 =	vadd.f32 v5, v2  }
0x752: {  	v2 =	vld [tilespmem:s7+$0xFFFFFFD0];
	v9 =	vadd.f32 v0, v4  }
0x753: {  	v4 =	vld [tilespmem:s9+$0xFFFFFFE0];
	[tilespmem:s6+$0x20] =	vst v1  }
0x754: {  	v1 =	vld [tilespmem:s7+$0xFFFFFFE0];
	v5 =	vadd.f32 v8, v7;
	[tilespmem:s6+$0xFFFFFFC0] =	vst v9;
	s6 =	smov.u32 s9  }
0x755: {  	v7 =	vld [tilespmem:s9+$0xFFFFFFF0];
	v0 =	vmov v3  }
0x756: {  	v8 =	vld [tilespmem:s7+$0xFFFFFFF0];
	[tilespmem:s9+$0x30] =	vst v5  }
0x757: {  	v2 =	vadd.f32 v2, v6;
	v6 =	vld [tilespmem:s9+$0x0]  }
0x758: {  	v9 =	vld [tilespmem:s7+$0x0]  }
.Ltmp88:
0x759: {  	[tilespmem:s9+$0xFFFFFFD0] =	vst v2;
	v2 =	vadd.f32 v1, v4;
	v1 =	vld [tilespmem:s9+$0x10];
	(pc) =	sbr.rel @p0 .LBB2_178-.Ltmp88, $4  }
0x75a: {  	v3 =	vld [tilespmem:s7+$0x10]  }
0x75b: {  	[tilespmem:s9+$0xFFFFFFE0] =	vst v2;
	v7 =	vadd.f32 v8, v7;
	v2 =	vld [tilespmem:s9+$0x20]  }
0x75c: {  	v5 =	vld [tilespmem:s7+$0x20]  }
0x75d: {  	s9 =	sadd.s32 $0x200, s9;
	v4 =	vld [tilespmem:s6+$0xFFFFFFC0];
	[tilespmem:s6+$0xFFFFFFF0] =	vst v7;
	v6 =	vadd.f32 v9, v6  }
0x75e: {  	_ =	sdelay $0x1  }
0x75f: {  	v1 =	vadd.f32 v3, v1  }
0x760: {  	[tilespmem:s6+$0x0] =	vst v6;
	v2 =	vadd.f32 v5, v2  }
0x761: {  	[tilespmem:s6+$0x10] =	vst v1;
	v0 =	vadd.f32 v0, v4  }
0x762: {  	[tilespmem:s6+$0x20] =	vst v2  }
0x763: {  	[tilespmem:s6+$0xFFFFFFC0] =	vst v0  }
0x764: {  	s5 =	sld [smem:$0x7FC];
	_ =	sdelay $0x1  }
0x765: {  	s7 =	simm.s32 $0x0  }
0x766: {  	s8 =	simm.s32 $0x200;
	s6 =	simm.s32 $0x10;
	s9 =	sadd.s32 $0x0, s5  }
.LBB2_180:
0x767: {  	[hbm4b:s9+s1] =	stream.linear.scatter [tilespmem:s7], [sflag:$0x5], $0x80, $0x38;
	[tilespmem:$0x14000] =	vst v63  }
0x768: {  	s9 =	smov.u32 s6;
	s7 =	smov.u32 s8;
	p0 =	sne.s32 s6, $0x7F0  }
.Ltmp89:
0x769: {  	s6 =	sadd.s32 $0x10, s6;
	(pc) =	sbr.rel @p0 .LBB2_180-.Ltmp89, $2  }
0x76a: {  	_ =	sdelay $0x2  }
0x76b: {  	s8 =	sadd.s32 $0x200, s8;
	s9 =	sadd.s32 s9, s5  }
0x76c: {  	[hbm4b:s9+s1] =	stream.linear.scatter [tilespmem:s7], [sflag:$0x5], $0x80, $0x38;
	[tilespmem:$0x14000] =	vst v63  }
0x76d: {  	s6 =	simm.s32 $0x2  }
0x76e: {  	_ =	swait.ge [sflag:s6], $0x4000  }
0x76f: {  	[sflag:s6] =	ssyncset.done $0x0  }
0x770: {  	[sflag:s6] =	ssyncadd.s32 $0xFFFFC000;
	s6 =	simm.s32 $0xF0  }
0x771: {  	s7 =	simm.s32 $0x10040;
	v1 =	vld [tilespmem:s6+$0x0]  }
0x772: {  	v2 =	vld [tilespmem:s7+$0x30]  }
0x773: {  	v0 =	vld [tilespmem:s7+$0xFFFFFFC0]  }
0x774: {  	v3 =	vld [tilespmem:s6+$0xFFFFFFA0]  }
0x775: {  	v4 =	vld [tilespmem:s7+$0xFFFFFFD0]  }
0x776: {  	v5 =	vld [tilespmem:s6+$0xFFFFFFB0]  }
0x777: {  	v6 =	vld [tilespmem:s7+$0xFFFFFFE0]  }
0x778: {  	v7 =	vld [tilespmem:s6+$0xFFFFFFC0]  }
0x779: {  	v8 =	vld [tilespmem:s7+$0xFFFFFFF0]  }
0x77a: {  	v9 =	vld [tilespmem:s6+$0xFFFFFFD0]  }
0x77b: {  	v10 =	vld [tilespmem:s7+$0x0];
	v2 =	vadd.f32 v2, v1  }
0x77c: {  	v4 =	vadd.f32 v4, v3;
	v1 =	vld [tilespmem:s6+$0xFFFFFFE0]  }
0x77d: {  	v5 =	vadd.f32 v6, v5;
	v3 =	vld [tilespmem:s7+$0x10];
	[tilespmem:s6+$0x0] =	vst v2  }
0x77e: {  	v6 =	vadd.f32 v8, v7;
	[tilespmem:s6+$0xFFFFFFA0] =	vst v4;
	v2 =	vld [tilespmem:s6+$0xFFFFFFF0]  }
0x77f: {  	[tilespmem:s6+$0xFFFFFFB0] =	vst v5;
	v5 =	vld [tilespmem:s7+$0x20]  }
0x780: {  	s8 =	simm.s32 $0x0;
	s9 =	simm.s32 $0x2F0;
	v4 =	vld [tilespmem:s6+$0xFFFFFF90];
	[tilespmem:s6+$0xFFFFFFC0] =	vst v6;
	v6 =	vadd.f32 v10, v9  }
.LBB2_182:
0x781: {  	v7 =	vld [tilespmem:s9+$0x0];
	s7 =	sadd.s32 $0x80, s7  }
0x782: {  	s8 =	sadd.s32 $0x8, s8;
	v8 =	vld [tilespmem:s7+$0x30];
	[tilespmem:s6+$0xFFFFFFD0] =	vst v6;
	v1 =	vadd.f32 v3, v1  }
0x783: {  	p0 =	slt.u32 s8, $0x3F8;
	v3 =	vld [tilespmem:s7+$0xFFFFFFC0]  }
0x784: {  	v6 =	vld [tilespmem:s9+$0xFFFFFFA0];
	[tilespmem:s6+$0xFFFFFFE0] =	vst v1;
	v1 =	vadd.f32 v5, v2  }
0x785: {  	v2 =	vld [tilespmem:s7+$0xFFFFFFD0];
	v9 =	vadd.f32 v0, v4  }
0x786: {  	v4 =	vld [tilespmem:s9+$0xFFFFFFB0];
	[tilespmem:s6+$0xFFFFFFF0] =	vst v1  }
0x787: {  	v1 =	vld [tilespmem:s7+$0xFFFFFFE0];
	v5 =	vadd.f32 v8, v7;
	[tilespmem:s6+$0xFFFFFF90] =	vst v9;
	s6 =	smov.u32 s9  }
0x788: {  	v7 =	vld [tilespmem:s9+$0xFFFFFFC0];
	v0 =	vmov v3  }
0x789: {  	v8 =	vld [tilespmem:s7+$0xFFFFFFF0];
	[tilespmem:s9+$0x0] =	vst v5  }
0x78a: {  	v2 =	vadd.f32 v2, v6;
	v6 =	vld [tilespmem:s9+$0xFFFFFFD0]  }
0x78b: {  	v9 =	vld [tilespmem:s7+$0x0]  }
.Ltmp90:
0x78c: {  	[tilespmem:s9+$0xFFFFFFA0] =	vst v2;
	v2 =	vadd.f32 v1, v4;
	v1 =	vld [tilespmem:s9+$0xFFFFFFE0];
	(pc) =	sbr.rel @p0 .LBB2_182-.Ltmp90, $4  }
0x78d: {  	v3 =	vld [tilespmem:s7+$0x10]  }
0x78e: {  	[tilespmem:s9+$0xFFFFFFB0] =	vst v2;
	v7 =	vadd.f32 v8, v7;
	v2 =	vld [tilespmem:s9+$0xFFFFFFF0]  }
0x78f: {  	v5 =	vld [tilespmem:s7+$0x20]  }
0x790: {  	s9 =	sadd.s32 $0x200, s9;
	v4 =	vld [tilespmem:s6+$0xFFFFFF90];
	[tilespmem:s6+$0xFFFFFFC0] =	vst v7;
	v6 =	vadd.f32 v9, v6  }
0x791: {  	_ =	sdelay $0x1  }
0x792: {  	v1 =	vadd.f32 v3, v1  }
0x793: {  	[tilespmem:s6+$0xFFFFFFD0] =	vst v6;
	v2 =	vadd.f32 v5, v2  }
0x794: {  	[tilespmem:s6+$0xFFFFFFE0] =	vst v1;
	v0 =	vadd.f32 v0, v4  }
0x795: {  	[tilespmem:s6+$0xFFFFFFF0] =	vst v2  }
0x796: {  	[tilespmem:s6+$0xFFFFFF90] =	vst v0  }
0x797: {  	s10 =	sld [smem:$0x7ED];
	_ =	sdelay $0x1  }
0x798: {  	s7 =	simm.s32 $0x80  }
0x799: {  	s8 =	simm.s32 $0x280;
	s6 =	simm.s32 $0x10;
	s9 =	sadd.s32 $0x0, s10  }
.LBB2_184:
0x79a: {  	[hbm4b:s9+s1] =	stream.linear.scatter [tilespmem:s7], [sflag:$0x6], $0x80, $0x38;
	[tilespmem:$0x14000] =	vst v63  }
0x79b: {  	s9 =	smov.u32 s6;
	s7 =	smov.u32 s8;
	p0 =	sne.s32 s6, $0x7F0  }
.Ltmp91:
0x79c: {  	s6 =	sadd.s32 $0x10, s6;
	(pc) =	sbr.rel @p0 .LBB2_184-.Ltmp91, $2  }
0x79d: {  	_ =	sdelay $0x2  }
0x79e: {  	s8 =	sadd.s32 $0x200, s8;
	s9 =	sadd.s32 s9, s10  }
0x79f: {  	[hbm4b:s9+s1] =	stream.linear.scatter [tilespmem:s7], [sflag:$0x6], $0x80, $0x38;
	[tilespmem:$0x14000] =	vst v63  }
0x7a0: {  	s6 =	simm.s32 $0x3  }
0x7a1: {  	_ =	swait.ge [sflag:s6], $0x4000  }
0x7a2: {  	[sflag:s6] =	ssyncset.done $0x0  }
0x7a3: {  	[sflag:s6] =	ssyncadd.s32 $0xFFFFC000;
	s6 =	simm.s32 $0x170  }
0x7a4: {  	s7 =	simm.s32 $0x10040;
	v1 =	vld [tilespmem:s6+$0x0]  }
0x7a5: {  	v2 =	vld [tilespmem:s7+$0x30]  }
0x7a6: {  	v0 =	vld [tilespmem:s7+$0xFFFFFFC0]  }
0x7a7: {  	v3 =	vld [tilespmem:s6+$0xFFFFFFA0]  }
0x7a8: {  	v4 =	vld [tilespmem:s7+$0xFFFFFFD0]  }
0x7a9: {  	v5 =	vld [tilespmem:s6+$0xFFFFFFB0]  }
0x7aa: {  	v6 =	vld [tilespmem:s7+$0xFFFFFFE0]  }
0x7ab: {  	v7 =	vld [tilespmem:s6+$0xFFFFFFC0]  }
0x7ac: {  	v8 =	vld [tilespmem:s7+$0xFFFFFFF0]  }
0x7ad: {  	v9 =	vld [tilespmem:s6+$0xFFFFFFD0]  }
0x7ae: {  	v10 =	vld [tilespmem:s7+$0x0];
	v2 =	vadd.f32 v2, v1  }
0x7af: {  	v4 =	vadd.f32 v4, v3;
	v1 =	vld [tilespmem:s6+$0xFFFFFFE0]  }
0x7b0: {  	v5 =	vadd.f32 v6, v5;
	v3 =	vld [tilespmem:s7+$0x10];
	[tilespmem:s6+$0x0] =	vst v2  }
0x7b1: {  	v6 =	vadd.f32 v8, v7;
	[tilespmem:s6+$0xFFFFFFA0] =	vst v4;
	v2 =	vld [tilespmem:s6+$0xFFFFFFF0]  }
0x7b2: {  	[tilespmem:s6+$0xFFFFFFB0] =	vst v5;
	v5 =	vld [tilespmem:s7+$0x20]  }
0x7b3: {  	s8 =	simm.s32 $0x0;
	s9 =	simm.s32 $0x370;
	v4 =	vld [tilespmem:s6+$0xFFFFFF90];
	[tilespmem:s6+$0xFFFFFFC0] =	vst v6;
	v6 =	vadd.f32 v10, v9  }
.LBB2_186:
0x7b4: {  	v7 =	vld [tilespmem:s9+$0x0];
	s7 =	sadd.s32 $0x80, s7  }
0x7b5: {  	s8 =	sadd.s32 $0x8, s8;
	v8 =	vld [tilespmem:s7+$0x30];
	[tilespmem:s6+$0xFFFFFFD0] =	vst v6;
	v1 =	vadd.f32 v3, v1  }
0x7b6: {  	p0 =	slt.u32 s8, $0x3F8;
	v3 =	vld [tilespmem:s7+$0xFFFFFFC0]  }
0x7b7: {  	v6 =	vld [tilespmem:s9+$0xFFFFFFA0];
	[tilespmem:s6+$0xFFFFFFE0] =	vst v1;
	v1 =	vadd.f32 v5, v2  }
0x7b8: {  	v2 =	vld [tilespmem:s7+$0xFFFFFFD0];
	v9 =	vadd.f32 v0, v4  }
0x7b9: {  	v4 =	vld [tilespmem:s9+$0xFFFFFFB0];
	[tilespmem:s6+$0xFFFFFFF0] =	vst v1  }
0x7ba: {  	v1 =	vld [tilespmem:s7+$0xFFFFFFE0];
	v5 =	vadd.f32 v8, v7;
	[tilespmem:s6+$0xFFFFFF90] =	vst v9;
	s6 =	smov.u32 s9  }
0x7bb: {  	v7 =	vld [tilespmem:s9+$0xFFFFFFC0];
	v0 =	vmov v3  }
0x7bc: {  	v8 =	vld [tilespmem:s7+$0xFFFFFFF0];
	[tilespmem:s9+$0x0] =	vst v5  }
0x7bd: {  	v2 =	vadd.f32 v2, v6;
	v6 =	vld [tilespmem:s9+$0xFFFFFFD0]  }
0x7be: {  	v9 =	vld [tilespmem:s7+$0x0]  }
.Ltmp92:
0x7bf: {  	[tilespmem:s9+$0xFFFFFFA0] =	vst v2;
	v2 =	vadd.f32 v1, v4;
	v1 =	vld [tilespmem:s9+$0xFFFFFFE0];
	(pc) =	sbr.rel @p0 .LBB2_186-.Ltmp92, $4  }
0x7c0: {  	v3 =	vld [tilespmem:s7+$0x10]  }
0x7c1: {  	[tilespmem:s9+$0xFFFFFFB0] =	vst v2;
	v7 =	vadd.f32 v8, v7;
	v2 =	vld [tilespmem:s9+$0xFFFFFFF0]  }
0x7c2: {  	v5 =	vld [tilespmem:s7+$0x20]  }
0x7c3: {  	s9 =	sadd.s32 $0x200, s9;
	v4 =	vld [tilespmem:s6+$0xFFFFFF90];
	[tilespmem:s6+$0xFFFFFFC0] =	vst v7;
	v6 =	vadd.f32 v9, v6  }
0x7c4: {  	_ =	sdelay $0x1  }
0x7c5: {  	v1 =	vadd.f32 v3, v1  }
0x7c6: {  	[tilespmem:s6+$0xFFFFFFD0] =	vst v6;
	v2 =	vadd.f32 v5, v2  }
0x7c7: {  	[tilespmem:s6+$0xFFFFFFE0] =	vst v1;
	v0 =	vadd.f32 v0, v4  }
0x7c8: {  	[tilespmem:s6+$0xFFFFFFF0] =	vst v2  }
0x7c9: {  	[tilespmem:s6+$0xFFFFFF90] =	vst v0  }
0x7ca: {  	s10 =	sld [smem:$0x7EE];
	_ =	sdelay $0x1  }
0x7cb: {  	s7 =	simm.s32 $0x100  }
0x7cc: {  	s8 =	simm.s32 $0x300;
	s6 =	simm.s32 $0x10;
	s9 =	sadd.s32 $0x0, s10  }
.LBB2_188:
0x7cd: {  	[hbm4b:s9+s1] =	stream.linear.scatter [tilespmem:s7], [sflag:$0x7], $0x80, $0x38;
	[tilespmem:$0x14000] =	vst v63  }
0x7ce: {  	s9 =	smov.u32 s6;
	s7 =	smov.u32 s8;
	p0 =	sne.s32 s6, $0x7F0  }
.Ltmp93:
0x7cf: {  	s6 =	sadd.s32 $0x10, s6;
	(pc) =	sbr.rel @p0 .LBB2_188-.Ltmp93, $2  }
0x7d0: {  	_ =	sdelay $0x2  }
0x7d1: {  	s8 =	sadd.s32 $0x200, s8;
	s9 =	sadd.s32 s9, s10  }
0x7d2: {  	[hbm4b:s9+s1] =	stream.linear.scatter [tilespmem:s7], [sflag:$0x7], $0x80, $0x38;
	[tilespmem:$0x14000] =	vst v63  }
0x7d3: {  	s6 =	simm.s32 $0x4  }
0x7d4: {  	_ =	swait.ge [sflag:s6], $0x4000  }
0x7d5: {  	[sflag:s6] =	ssyncset.done $0x0  }
0x7d6: {  	[sflag:s6] =	ssyncadd.s32 $0xFFFFC000;
	s6 =	simm.s32 $0x1F0  }
0x7d7: {  	s7 =	simm.s32 $0x10040;
	v1 =	vld [tilespmem:s6+$0x0]  }
0x7d8: {  	v2 =	vld [tilespmem:s7+$0x30]  }
0x7d9: {  	v0 =	vld [tilespmem:s7+$0xFFFFFFC0]  }
0x7da: {  	v3 =	vld [tilespmem:s6+$0xFFFFFFA0]  }
0x7db: {  	v4 =	vld [tilespmem:s7+$0xFFFFFFD0]  }
0x7dc: {  	v5 =	vld [tilespmem:s6+$0xFFFFFFB0]  }
0x7dd: {  	v6 =	vld [tilespmem:s7+$0xFFFFFFE0]  }
0x7de: {  	v7 =	vld [tilespmem:s6+$0xFFFFFFC0]  }
0x7df: {  	v8 =	vld [tilespmem:s7+$0xFFFFFFF0]  }
0x7e0: {  	v9 =	vld [tilespmem:s6+$0xFFFFFFD0]  }
0x7e1: {  	v10 =	vld [tilespmem:s7+$0x0];
	v2 =	vadd.f32 v2, v1  }
0x7e2: {  	v4 =	vadd.f32 v4, v3;
	v1 =	vld [tilespmem:s6+$0xFFFFFFE0]  }
0x7e3: {  	v5 =	vadd.f32 v6, v5;
	v3 =	vld [tilespmem:s7+$0x10];
	[tilespmem:s6+$0x0] =	vst v2  }
0x7e4: {  	v6 =	vadd.f32 v8, v7;
	[tilespmem:s6+$0xFFFFFFA0] =	vst v4;
	v2 =	vld [tilespmem:s6+$0xFFFFFFF0]  }
0x7e5: {  	[tilespmem:s6+$0xFFFFFFB0] =	vst v5;
	v5 =	vld [tilespmem:s7+$0x20]  }
0x7e6: {  	s8 =	simm.s32 $0x0;
	s9 =	simm.s32 $0x3F0;
	v4 =	vld [tilespmem:s6+$0xFFFFFF90];
	[tilespmem:s6+$0xFFFFFFC0] =	vst v6;
	v6 =	vadd.f32 v10, v9  }
.LBB2_190:
0x7e7: {  	v7 =	vld [tilespmem:s9+$0x0];
	s7 =	sadd.s32 $0x80, s7  }
0x7e8: {  	s8 =	sadd.s32 $0x8, s8;
	v8 =	vld [tilespmem:s7+$0x30];
	[tilespmem:s6+$0xFFFFFFD0] =	vst v6;
	v1 =	vadd.f32 v3, v1  }
0x7e9: {  	p0 =	slt.u32 s8, $0x3F8;
	v3 =	vld [tilespmem:s7+$0xFFFFFFC0]  }
0x7ea: {  	v6 =	vld [tilespmem:s9+$0xFFFFFFA0];
	[tilespmem:s6+$0xFFFFFFE0] =	vst v1;
	v1 =	vadd.f32 v5, v2  }
0x7eb: {  	v2 =	vld [tilespmem:s7+$0xFFFFFFD0];
	v9 =	vadd.f32 v0, v4  }
0x7ec: {  	v4 =	vld [tilespmem:s9+$0xFFFFFFB0];
	[tilespmem:s6+$0xFFFFFFF0] =	vst v1  }
0x7ed: {  	v1 =	vld [tilespmem:s7+$0xFFFFFFE0];
	v5 =	vadd.f32 v8, v7;
	[tilespmem:s6+$0xFFFFFF90] =	vst v9;
	s6 =	smov.u32 s9  }
0x7ee: {  	v7 =	vld [tilespmem:s9+$0xFFFFFFC0];
	v0 =	vmov v3  }
0x7ef: {  	v8 =	vld [tilespmem:s7+$0xFFFFFFF0];
	[tilespmem:s9+$0x0] =	vst v5  }
0x7f0: {  	v2 =	vadd.f32 v2, v6;
	v6 =	vld [tilespmem:s9+$0xFFFFFFD0]  }
0x7f1: {  	v9 =	vld [tilespmem:s7+$0x0]  }
.Ltmp94:
0x7f2: {  	[tilespmem:s9+$0xFFFFFFA0] =	vst v2;
	v2 =	vadd.f32 v1, v4;
	v1 =	vld [tilespmem:s9+$0xFFFFFFE0];
	(pc) =	sbr.rel @p0 .LBB2_190-.Ltmp94, $4  }
0x7f3: {  	v3 =	vld [tilespmem:s7+$0x10]  }
0x7f4: {  	[tilespmem:s9+$0xFFFFFFB0] =	vst v2;
	v7 =	vadd.f32 v8, v7;
	v2 =	vld [tilespmem:s9+$0xFFFFFFF0]  }
0x7f5: {  	v5 =	vld [tilespmem:s7+$0x20]  }
0x7f6: {  	s9 =	sadd.s32 $0x200, s9;
	v4 =	vld [tilespmem:s6+$0xFFFFFF90];
	[tilespmem:s6+$0xFFFFFFC0] =	vst v7;
	v6 =	vadd.f32 v9, v6  }
0x7f7: {  	_ =	sdelay $0x1  }
0x7f8: {  	v1 =	vadd.f32 v3, v1  }
0x7f9: {  	[tilespmem:s6+$0xFFFFFFD0] =	vst v6;
	v2 =	vadd.f32 v5, v2  }
0x7fa: {  	[tilespmem:s6+$0xFFFFFFE0] =	vst v1;
	v0 =	vadd.f32 v0, v4  }
0x7fb: {  	[tilespmem:s6+$0xFFFFFFF0] =	vst v2  }
0x7fc: {  	[tilespmem:s6+$0xFFFFFF90] =	vst v0  }
0x7fd: {  	s10 =	sld [smem:$0x7FD];
	_ =	sdelay $0x1  }
0x7fe: {  	s7 =	simm.s32 $0x180  }
0x7ff: {  	s8 =	simm.s32 $0x380;
	s6 =	simm.s32 $0x10;
	s9 =	sadd.s32 $0x0, s10  }
.LBB2_192:
0x800: {  	[hbm4b:s9+s1] =	stream.linear.scatter [tilespmem:s7], [sflag:$0x8], $0x80, $0x38;
	[tilespmem:$0x14000] =	vst v63  }
0x801: {  	s9 =	smov.u32 s6;
	s7 =	smov.u32 s8;
	p0 =	sne.s32 s6, $0x7F0  }
.Ltmp95:
0x802: {  	s6 =	sadd.s32 $0x10, s6;
	(pc) =	sbr.rel @p0 .LBB2_192-.Ltmp95, $2  }
0x803: {  	_ =	sdelay $0x2  }
0x804: {  	s8 =	sadd.s32 $0x200, s8;
	s9 =	sadd.s32 s9, s10  }
0x805: {  	[hbm4b:s9+s1] =	stream.linear.scatter [tilespmem:s7], [sflag:$0x8], $0x80, $0x38;
	[tilespmem:$0x14000] =	vst v63  }
0x806: {  	s6 =	simm.s32 $0x5  }
0x807: {  	_ =	swait.ge [sflag:s6], $0x4000  }
0x808: {  	[sflag:s6] =	ssyncset.done $0x0  }
0x809: {  	s15 =	simm.s32 $0x6;
	[sflag:s6] =	ssyncadd.s32 $0xFFFFC000  }
0x80a: {  	_ =	swait.ge [sflag:s15], $0x4000  }
0x80b: {  	[sflag:s15] =	ssyncset.done $0x0  }
0x80c: {  	s16 =	simm.s32 $0x7;
	[sflag:s15] =	ssyncadd.s32 $0xFFFFC000  }
0x80d: {  	_ =	swait.ge [sflag:s16], $0x4000  }
0x80e: {  	[sflag:s16] =	ssyncset.done $0x0  }
0x80f: {  	s17 =	simm.s32 $0x8;
	[sflag:s16] =	ssyncadd.s32 $0xFFFFC000  }
0x810: {  	_ =	swait.ge [sflag:s17], $0x4000  }
0x811: {  	s8 =	sld [smem:$0x7D0]  }
0x812: {  	s19 =	sld [smem:$0x7F0];
	_ =	sdelay $0x1  }
0x813: {  	s8 =	sadd.s32 $0x1, s8  }
0x814: {  	p0 =	sne.s32 s8, s19  }
.Ltmp96:
0x815: {  	_ = 	snop;
	(pc) =	sbr.rel @p0 .LBB2_1-.Ltmp96, $3  }
0x816: {  	_ =	sdelay $0x1  }
0x817: {  	[sflag:s17] =	ssyncset.done $0x0  }
0x818: {  	[sflag:s17] =	ssyncadd.s32 $0xFFFFC000  }
0x819: {  	_ =	sfence.sel $0x180000  }
0x81a: {  	[bflag:$0x0] =	sbarrier.arrive $0xFFFF  }
0x81b: {  	_ =	strace $0x9000004A  }
0x81c: {  	s0 =	stileid.u32;
	[bflag:$0x2] =	sbarrier.arrive $0xFFFF  }
0x81d: {  	p0 =	sne.s32 s0, $0x0;
	s0 =	rddreg [dreg:$0x2]  }
0x81e: {  	s0 =	sadd.s32 @!p0 $0x100000, s0  }
0x81f: {  	[sflag:s0] =	ssyncadd.tile.s32 @!p0 $0x1;
	_ =	shalt  }
.Lfunc_end2:
_tile_overlayer_lowered:
.L_overlay_start_2:
0x820: {  	(tag) =	ssettag $0x2  }
0x821: {  	s0 =	rddreg [dreg:$0x0];
	s2 =	stileid.u32  }
0x822: {  	s1 =	rddreg [dreg:$0x1];
	p0 =	sne.s32 s2, $0x0  }
0x823: {  	s3 =	rddreg [dreg:$0x2];
	[bflag:$0x3] =	sbarrier.arrive $0xFFFF;
	s2 =	simm.s32 @!p0 $0x1C09  }
0x824: {  	[timem:s3], [sflag:s2] =	dma.local @!p0 [hbm:s0], s1  }
0x825: {  	s0 =	simm.s32 @!p0 $0x9  }
0x826: {  	_ =	swait.ge @!p0 [sflag:s0], s1  }
0x827: {  	s1 =	ssub.s32 @!p0 $0x0, s1;
	[sflag:s0] =	ssyncset.done @!p0 $0x0  }
0x828: {  	[sflag:s0] =	ssyncadd.s32 @!p0 s1  }
0x829: {  	[bflag:$0x3] =	sbarrier.arrive $0xFFFF  }
0x82a: {  	_ =	shalt  }

// kernel: sparse-core-data-format-call.cloned.1.call-start
scs
called_computation_lowered:
.L_overlay_start_0:
0x0: {  	s2 =	sld [smem:$0x3FD9]  }
0x1: {  	s3 =	sld [smem:$0x3FFE];
	_ =	sdelay $0x1  }
0x2: {  	s1 =	srdreg.scid  }
0x3: {  	s0 =	sand.u32 $0x1, s1  }
0x4: {  	s19 =	sshll.u32 s0, $0xA;
	s2 =	sadd.s32 s3, s2  }
0x5: {  	s2 =	sadd.s32 s2, s19  }
0x6: {  	[smem:$0x3FC6] =	sst s2  }
0x7: {  	_ = 	snop  }
0x8: {  	s2 =	sld [smem:$0x3FC9]  }
0x9: {  	s20 =	sld [smem:$0x3FD0];
	(tm) =	ssettm $0x1  }
0xa: {  	s4 =	sld [smem:$0x3FFB];
	_ =	sdelay $0x3  }
0xb: {  	_ =	strace s4  }
0xc: {  	s4 =	sld [smem:$0x3FFC];
	_ =	sdelay $0x3  }
0xd: {  	_ =	strace s4  }
0xe: {  	s4 =	sld [smem:$0x3FFD];
	_ =	sdelay $0x3  }
0xf: {  	_ =	strace s4  }
0x10: {  	_ =	strace $0x8FFFFFFF  }
0x11: {  	s21 =	sld [smem:$0x3FDB];
	_ =	sdelay $0x1  }
0x12: {  	s5 =	simm.s32 $_scs_section_size  }
0x13: {  	s6 =	simm.s32 $_size__tile_overlayer_lowered;
	s7 =	simm.s32 $_tile_overlayer_lowered  }
0x14: {  	s24 =	simm.s32 $0x1BFF;
	s23 =	sshll.u32 s7, $0x1;
	s4 =	sadd.s32 s5, s21  }
0x15: {  	s8 =	simm.s32 $0x0;
	s22 =	sshll.u32 s6, $0x1;
	s6 =	sadd.s32 s23, s4  }
0x16: {  	[timem:s8], [sflag:s24] =	dma.local [hbm:s6], s22  }
0x17: {  	_ =	swait.ge [sflag:s24], s22  }
0x18: {  	s5 =	ssub.s32 $0x0, s22;
	[sflag:s24] =	ssyncset.done $0x0  }
0x19: {  	[sflag:s24] =	ssyncadd.s32 s5;
	_ =	sdelay $0x1  }
0x1a: {  	s25 =	simm.s32 $0x1B8B  }
0x1b: {  	_ =	swait.ge [sflag:s25], $0x1  }
0x1c: {  	[sflag:s25] =	ssyncset.done $0x0  }
0x1d: {  	s26 =	simm.s32 $0x1B8E;
	[sflag:s25] =	ssyncadd.s32 $0xFFFFFFFF  }
0x1e: {  	s27 =	simm.s32 $execute0_lowered;
	[smem:$0x3FD2] =	sst s26  }
0x1f: {  	s5 =	sshll.u32 s27, $0x1;
	_ =	strace $0x80000046;
	[dreg:$0x1] =	wrdreg $0xFFFFFFFF  }
0x20: {  	s28 =	simm.s32 $_size_execute0_lowered;
	s4 =	sadd.s32 s4, s5;
	[dreg:$0x0] =	wrdreg $0x0  }
0x21: {  	s5 =	sshll.u32 s28, $0x1;
	[dreg:$0x2] =	wrdreg s4  }
0x22: {  	[dreg:$0x3] =	wrdreg s5  }
0x23: {  	[dreg:$0x4] =	wrdreg $0xC0  }
0x24: {  	_ =	task [dreg:s8], $0x5FFFF  }
0x25: {  	[dreg:$0x1] =	wrdreg $0xFFFFFFFF  }
0x26: {  	[dreg:$0x0] =	wrdreg $0x60  }
0x27: {  	[dreg:$0x2] =	wrdreg s2  }
0x28: {  	[dreg:$0x3] =	wrdreg s20  }
0x29: {  	[dreg:$0x4] =	wrdreg $0x9  }
0x2a: {  	_ =	task.clear_ibuf [dreg:s8], $0x5FFFF;
	_ =	strace $0x90000046  }
0x2b: {  	s29 =	simm.s32 $0x9;
	_ =	strace $0x80000048  }
0x2c: {  	_ =	swait.ge [sflag:s29], $0x1  }
0x2d: {  	[sflag:s29] =	ssyncadd.s32 $0xFFFFFFFF  }
0x2e: {  	_ =	strace $0x90000048  }
0x2f: {  	_ =	sfence  }
0x30: {  	s30 =	sld [smem:$0x0];
	_ =	sdelay $0x2  }
0x31: {  	s31 =	sshll.u32 s1, $0xD;
	s1 =	sshrl.u32 s1, $0x2  }
0x32: {  	s3 =	sand.u32 $0x4000, s31;
	s1 =	sadd.s32 s1, s30  }
0x33: {  	s0 =	sor.u32 s3, s0;
	s1 =	sshll.u32 s1, $0x11  }
0x34: {  	s0 =	sor.u32 s1, s0  }
0x35: {  	s0 =	sadd.s32 $0x8F2B, s0  }
0x36: {  	[sflag:s0] =	ssyncadd.remote.s32 $0x1  }
0x37: {  	_ =	sfence.sel $0xFFFF  }
0x38: {  	[dreg:$0x0] =	wrdreg $0xFFFFFFFF;
	(pc) =	sbr.abs _section_cstart, $3  }
0x39: {  	[dreg:$0x1] =	wrdreg $0xFFFFFFFF  }
0x3a: {  	_ =	task.clear_ibuf [dreg:s8], $0x2FFFF;
	_ =	strace $0x9FFFFFFF  }
0x3b: {  	(tm) =	ssettm $0x7FFFFFFF  }
tec
execute0_lowered:
.L_overlay_start_1:
0x0: {  	(tag) =	ssettag $0x1  }
0x1: {  	s0 =	srdreg.scid  }
0x2: {  	s1 =	sshll.u32 s0, $0x4  }
0x3: {  	s2 =	rddreg [dreg:$0x0];
	s0 =	stileid.u32;
	s1 =	sand.u32 $0x10, s1  }
0x4: {  	s4 =	rddreg [dreg:$0x1];
	s1 =	sor.u32 s0, s1  }
0x5: {  	s7 =	simm.s32 $0x1;
	s8 =	simm.s32 $0x2;
	s3 =	sshll.u32 s1, $0x1  }
0x6: {  	s9 =	simm.s32 $0x0;
	s12 =	simm.s32 $0x0;
	s6 =	ssub.s32 $0x800, s3  }
.Ltmp0:
0x7: {  	s11 =	simm.s32 $0x0;
	s5 =	sand.u32 $0x3E, s6;
	(pc) =	sbr.rel .LBB1_1-.Ltmp0, $4  }
0x8: {  	s1 =	rddreg [dreg:$0x2];
	_ =	strace $0x80000047;
	p0 =	sne.s32 s5, $0x0  }
0x9: {  	s6 =	sshrl.u32 s6, $0x6;
	s5 =	simm.s32 $0x1;
	s7 =	simm.s32 @!p0 $0x0  }
0xa: {  	s10 =	smov.u32 s3;
	[sflag:s5] =	ssyncpa.u1 $0x0;
	s6 =	sadd.s32 s7, s6  }
0xb: {  	[sflag:s8] =	ssyncpa.u1 $0x0;
	s8 =	simm.s32 $0x0;
	s7 =	sadd.s32 $0x1, s6  }
.LBB1_9:
0xc: {  	s14 =	sadd.s32 $0x40, s10  }
0xd: {  	p1 =	sgt.s32 s14, $0x7FF  }
0xe: {  	s14 =	smov.u32 @p1 s3;
	p1 =	sne.s32 s11, s7  }
.Ltmp1:
0xf: {  	p0 =	slt.u32 s11, $0x2;
	(pc) =	sbr.rel @!p1 .LBB1_10-.Ltmp1, $4  }
0x10: {  	s13 =	simm.s32 @!p0 $0x2  }
0x11: {  	s15 =	sadd.s32 $0x1, s11;
	_ =	swait.ge @!p0 [sflag:s13], $0x4000  }
0x12: {  	s12 =	smov.u32 s10;
	s9 =	sadd.s32 $0x4000, s9;
	[sflag:s13] =	ssyncset.done @!p0 $0x0  }
0x13: {  	s11 =	smov.u32 s15;
	s10 =	smov.u32 s14;
	[sflag:s13] =	ssyncadd.s32 @!p0 $0xFFFFC000  }
.LBB1_1:
0x14: {  	p0 =	sge.u32 s11, s6  }
0x15: {  	s13 =	sxor.u32 @!p0 $0xFFFFFFFF, s11  }
0x16: {  	s31 =	sadd.s32 $0xFFFFFFFF, s11;
	s14 =	sshll.u32 @!p0 s10, $0xA;
	s13 =	sshll.u32 @!p0 s13, $0xE  }
0x17: {  	s15 =	simm.s32 @!p0 $0x0;
	s14 =	sadd.s32 @!p0 s2, s14;
	s13 =	sand.u32 @!p0 $0x4000, s13  }
0x18: {  	[tilespmem:s13], [sflag:$0x1] =	stream.linear.gather @!p0 [hbm4b:s14+s15], $0x4000, $0x38;
	[tilespmem:$0x10000] =	vst v63  }
0x19: {  	p0 =	sge.u32 s31, s6  }
.Ltmp2:
0x1a: {  	_ = 	snop;
	(pc) =	sbr.rel @p0 .LBB1_9-.Ltmp2, $1  }
0x1b: {  	_ =	sdelay $0x3  }
0x1c: {  	s13 =	sshll.u32 s9, $0x2  }
0x1d: {  	_ =	swait.ge [sflag:s5], $0x4000;
	s14 =	sshll.u32 s11, $0xE;
	s16 =	simm.s32 $0x0  }
0x1e: {  	p1 =	por $0x1, $0x1;
	s13 =	sand.u32 $0x10000, s13;
	[sflag:s5] =	ssyncset.done $0x0  }
0x1f: {  	s14 =	sand.u32 $0x4000, s14;
	s15 =	sshrl.u32 s13, $0x2;
	[sflag:s5] =	ssyncadd.s32 $0xFFFFC000  }
0x20: {  	s13 =	sor.u32 $0x8000, s14;
	s14 =	sadd.s32 $0x8040, s15;
	s15 =	sadd.s32 $0x40, s15  }
.LBB1_3:
0x21: {  	s16 =	sshll.u32 s16, $0x2  }
0x22: {  	p0 =	por p1, p1;
	s17 =	sshra.s32 s16, $0x2  }
0x23: {  	s18 =	simm.s32 $0x0;
	s16 =	sadd.s32 s17, s14;
	s17 =	sadd.s32 s17, s15  }
.LBB1_4:
0x24: {  	v0 =	vmov s17;
	_ =	sdelay $0x3  }
0x25: {  	s20 =	simm.s32 $0x0  }
0x26: {  	v6 =	vld.idx.msk [tilespmem:v0+s20+$0x30 ss:$0x1], $0xffff  }
0x27: {  	v7 =	vld.idx.msk [tilespmem:v0+s20+$0xFFFFFFC0 ss:$0x1], $0xffff  }
0x28: {  	v5 =	vld.idx.msk [tilespmem:v0+s20+$0xFFFFFFD0 ss:$0x1], $0xffff  }
0x29: {  	v4 =	vld.idx.msk [tilespmem:v0+s20+$0xFFFFFFE0 ss:$0x1], $0xffff  }
0x2a: {  	v3 =	vld.idx.msk [tilespmem:v0+s20+$0xFFFFFFF0 ss:$0x1], $0xffff  }
0x2b: {  	v1 =	vld.idx.msk [tilespmem:v0+s20+$0x0 ss:$0x1], $0xffff  }
0x2c: {  	v2 =	vld.idx.msk [tilespmem:v0+s20+$0x10 ss:$0x1], $0xffff;
	[tilespmem:s16+$0x30] =	vst v6  }
0x2d: {  	s19 =	simm.s32 $0x80;
	s21 =	simm.s32 $0x400;
	[tilespmem:s16+$0xFFFFFFC0] =	vst v7;
	v6 =	vld.idx.msk [tilespmem:v0+s20+$0x20 ss:$0x1], $0xffff;
	s20 =	smov.u32 s16  }
.LBB1_5:
0x2e: {  	p1 =	sne.s32 s21, $0xE00;
	v7 =	vld.idx.msk [tilespmem:v0+s19+$0x30 ss:$0x1], $0xffff;
	[tilespmem:s20+$0xFFFFFFD0] =	vst v5  }
0x2f: {  	v8 =	vld.idx.msk [tilespmem:v0+s19+$0xFFFFFFC0 ss:$0x1], $0xffff;
	[tilespmem:s20+$0xFFFFFFE0] =	vst v4  }
0x30: {  	v5 =	vld.idx.msk [tilespmem:v0+s19+$0xFFFFFFD0 ss:$0x1], $0xffff;
	[tilespmem:s20+$0xFFFFFFF0] =	vst v3  }
.Ltmp3:
0x31: {  	v4 =	vld.idx.msk [tilespmem:v0+s19+$0xFFFFFFE0 ss:$0x1], $0xffff;
	[tilespmem:s20+$0x0] =	vst v1;
	(pc) =	sbr.rel @p1 .LBB1_5-.Ltmp3, $4  }
0x32: {  	v3 =	vld.idx.msk [tilespmem:v0+s19+$0xFFFFFFF0 ss:$0x1], $0xffff;
	[tilespmem:s20+$0x10] =	vst v2  }
0x33: {  	v1 =	vld.idx.msk [tilespmem:v0+s19+$0x0 ss:$0x1], $0xffff;
	[tilespmem:s20+$0x20] =	vst v6;
	s20 =	sadd.s32 $0x400, s20  }
0x34: {  	v2 =	vld.idx.msk [tilespmem:v0+s19+$0x10 ss:$0x1], $0xffff;
	[tilespmem:s20+$0x30] =	vst v7  }
0x35: {  	[tilespmem:s20+$0xFFFFFFC0] =	vst v8;
	v6 =	vld.idx.msk [tilespmem:v0+s19+$0x20 ss:$0x1], $0xffff;
	s19 =	sshra.s32 s21, $0x2;
	s21 =	sadd.s32 $0x200, s21  }
0x36: {  	_ =	sdelay $0x2  }
0x37: {  	[tilespmem:s20+$0xFFFFFFD0] =	vst v5  }
0x38: {  	v56 =	vld.idx.msk [tilespmem:v0+s19+$0x30 ss:$0x1], $0xffff;
	[tilespmem:s20+$0xFFFFFFE0] =	vst v4  }
0x39: {  	v57 =	vld.idx.msk [tilespmem:v0+s19+$0xFFFFFFC0 ss:$0x1], $0xffff;
	[tilespmem:s20+$0xFFFFFFF0] =	vst v3  }
0x3a: {  	v58 =	vld.idx.msk [tilespmem:v0+s19+$0xFFFFFFD0 ss:$0x1], $0xffff;
	[tilespmem:s20+$0x0] =	vst v1  }
0x3b: {  	v59 =	vld.idx.msk [tilespmem:v0+s19+$0xFFFFFFE0 ss:$0x1], $0xffff;
	[tilespmem:s20+$0x10] =	vst v2  }
0x3c: {  	v60 =	vld.idx.msk [tilespmem:v0+s19+$0xFFFFFFF0 ss:$0x1], $0xffff;
	s31 =	sadd.s32 $0x400, s20;
	[tilespmem:s20+$0x20] =	vst v6  }
0x3d: {  	v61 =	vld.idx.msk [tilespmem:v0+s19+$0x0 ss:$0x1], $0xffff;
	[tilespmem:s31+$0x30] =	vst v56  }
0x3e: {  	v62 =	vld.idx.msk [tilespmem:v0+s19+$0x10 ss:$0x1], $0xffff;
	s18 =	sadd.s32 $0x1, s18;
	[tilespmem:s31+$0xFFFFFFC0] =	vst v57  }
0x3f: {  	v63 =	vld.idx.msk [tilespmem:v0+s19+$0x20 ss:$0x1], $0xffff;
	p1 =	sne.s32 s18, $0x8;
	[tilespmem:s31+$0xFFFFFFD0] =	vst v58  }
.Ltmp4:
0x40: {  	[tilespmem:s31+$0xFFFFFFE0] =	vst v59;
	(pc) =	sbr.rel @p1 .LBB1_4-.Ltmp4, $4  }
0x41: {  	[tilespmem:s31+$0xFFFFFFF0] =	vst v60  }
0x42: {  	[tilespmem:s31+$0x0] =	vst v61  }
0x43: {  	[tilespmem:s31+$0x10] =	vst v62  }
0x44: {  	s16 =	sadd.s32 $0x80, s16;
	s17 =	sadd.s32 $0x400, s17;
	[tilespmem:s31+$0x20] =	vst v63  }
.Ltmp5:
0x45: {  	(pc) =	sbr.rel @p0 .LBB1_3-.Ltmp5, $2  }
0x46: {  	_ =	sdelay $0x2  }
0x47: {  	s16 =	simm.s32 $0x2000;
	p1 =	por $0x0, $0x0  }
.Ltmp6:
0x48: {  	(pc) =	sbr.rel .LBB1_9-.Ltmp6, $4  }
0x49: {  	_ = 	snop  }
0x4a: {  	s12 =	sshll.u32 s12, $0xA  }
0x4b: {  	s12 =	sadd.s32 s4, s12  }
0x4c: {  	[hbm4b:s12+s8] =	stream.linear.scatter [tilespmem:s13], [sflag:$0x2], $0x4000, $0x38;
	[tilespmem:$0x10000] =	vst v63  }
.LBB1_10:
0x4d: {  	_ =	sfence.sel $0x180000  }
0x4e: {  	s2 =	simm.s32 $0x1;
	[bflag:$0x0] =	sbarrier.arrive $0xFFFF  }
0x4f: {  	s31 =	simm.s32 $0x2;
	[sflag:s2] =	ssyncpa.u1 $0x1  }
0x50: {  	[sflag:s31] =	ssyncpa.u1 $0x1  }
0x51: {  	p0 =	sne.s32 s0, $0x0;
	_ =	strace $0x90000047  }
0x52: {  	s0 =	sadd.s32 @!p0 $0x100000, s1;
	[bflag:$0x2] =	sbarrier.arrive $0xFFFF  }
0x53: {  	[sflag:s0] =	ssyncadd.tile.s32 @!p0 $0x1;
	_ =	shalt  }
.Lfunc_end1:
_tile_overlayer_lowered:
.L_overlay_start_2:
0x54: {  	(tag) =	ssettag $0x2  }
0x55: {  	s0 =	rddreg [dreg:$0x0];
	s2 =	stileid.u32  }
0x56: {  	s1 =	rddreg [dreg:$0x1];
	p0 =	sne.s32 s2, $0x0  }
0x57: {  	s3 =	rddreg [dreg:$0x2];
	[bflag:$0x3] =	sbarrier.arrive $0xFFFF;
	s2 =	simm.s32 @!p0 $0x1C01  }
0x58: {  	[timem:s3], [sflag:s2] =	dma.local @!p0 [hbm:s0], s1  }
0x59: {  	s0 =	simm.s32 @!p0 $0x1  }
0x5a: {  	_ =	swait.ge @!p0 [sflag:s0], s1  }
0x5b: {  	s1 =	ssub.s32 @!p0 $0x0, s1;
	[sflag:s0] =	ssyncset.done @!p0 $0x0  }
0x5c: {  	[sflag:s0] =	ssyncadd.s32 @!p0 s1  }
0x5d: {  	[bflag:$0x3] =	sbarrier.arrive $0xFFFF  }
0x5e: {  	_ =	shalt  }

</sc_bundles>
